<compile_context>
chip_gen: v7x
topology: tpu7x:2x2x1
jax: 0.10.2.dev20260603
libtpu: 0.0.44.dev20260713+nightly
codegen_flags: <defaults>
</compile_context>

<pallas_src>
import functools

import jax
import jax.numpy as jnp
from jax import lax
from jax.experimental import pallas as pl
import jax.experimental.pallas.tpu as pltpu
from jax.experimental.pallas import tpu_sc as plsc

N_EMBED = 1024
E = 8
EP = 128
TOP_K = 2
B_ = 4
S_ = 8192
S_SC = 2048
S_TC = S_ - S_SC
BS = 2048
NS_TC = S_TC // BS

NW = 32
WPB = NW // B_
R_W = S_SC // WPB
CH = 4
NPAIR = R_W // (2 * CH)



def _tc_stream_kernel(x_ref, wn_ref, bn_ref, acc_out_ref, acc_ref):
    b = pl.program_id(0)
    s = pl.program_id(1)

    @pl.when((b == 0) & (s == 0))
    def _init():
        acc_ref[...] = jnp.zeros_like(acc_ref)

    x = x_ref[0]
    yt = lax.dot_general(wn_ref[...], x,
                         (((1,), (1,)), ((), ())),
                         preferred_element_type=jnp.float32)
    yt = yt + bn_ref[...]
    sp = jnp.maximum(yt, 0.0) + jnp.log1p(jnp.exp(-jnp.abs(yt)))
    part = jnp.sum(sp, axis=1, keepdims=True)
    lane = lax.broadcasted_iota(jnp.int32, (E, EP), 1)
    acc_ref[...] += jnp.where(lane == b, part, 0.0)

    @pl.when((b == B_ - 1) & (s == NS_TC - 1))
    def _flush():
        acc_out_ref[...] = acc_ref[...]


def _tc_partial(mh_output, W_noise, b_noise):
    return pl.pallas_call(
        _tc_stream_kernel,
        grid=(B_, NS_TC),
        in_specs=[
            pl.BlockSpec((1, BS, N_EMBED), lambda b, s: (b, s, 0)),
            pl.BlockSpec((E, N_EMBED), lambda b, s: (0, 0)),
            pl.BlockSpec((E, 1), lambda b, s: (0, 0)),
        ],
        out_specs=pl.BlockSpec((E, EP), lambda b, s: (0, 0)),
        out_shape=jax.ShapeDtypeStruct((E, EP), jnp.float32),
        scratch_shapes=[pltpu.VMEM((E, EP), jnp.float32)],
    )(mh_output, W_noise, b_noise[:, None])



_GDN = lax.GatherDimensionNumbers(
    offset_dims=(), collapsed_slice_dims=(0,), start_index_map=(0,))


def _perm(v, idx):
    return lax.gather(v, idx[:, None], _GDN, (1,),
                      mode=lax.GatherScatterMode.PROMISE_IN_BOUNDS)


def _sc_body(x_hbm, wn_hbm, y_hbm, xa, xb, wv, yv, sema, semb):
    wid = lax.axis_index("c") * 16 + lax.axis_index("s")
    b = wid // WPB
    k = wid % WPB
    row0 = S_TC + k * R_W

    pltpu.sync_copy(wn_hbm, wv)
    lanes = lax.iota(jnp.int32, 16)
    sh8 = (lanes + 8) % 16
    sh4 = (lanes + 4) % 16
    sh2 = (lanes + 2) % 16
    sh1 = (lanes + 1) % 16

    def start(buf, sem, chunk):
        pltpu.make_async_copy(
            x_hbm.at[b, pl.ds(row0 + chunk * CH, CH), :], buf, sem).start()

    def wait(buf, sem, chunk):
        pltpu.make_async_copy(
            x_hbm.at[b, pl.ds(row0 + chunk * CH, CH), :], buf, sem).wait()

    def compute(buf, chunk):
        UNROLL = 4

        def cbody(ci, accs):
            accs = list(accs)
            for u in range(UNROLL):
                c = ci * UNROLL + u
                ws = [wv[e, pl.ds(c * 16, 16)] for e in range(E)]
                for r in range(CH):
                    xv = buf[r, pl.ds(c * 16, 16)]
                    for e in range(E):
                        accs[r * E + e] = accs[r * E + e] + xv * ws[e]
            return tuple(accs)

        init = tuple(jnp.zeros((16,), jnp.float32) for _ in range(CH * E))
        accs = lax.fori_loop(0, N_EMBED // (16 * UNROLL), cbody, init)
        out0 = jnp.zeros((16,), jnp.float32)
        out1 = jnp.zeros((16,), jnp.float32)
        for r in range(CH):
            for e in range(E):
                j = r * E + e
                a = accs[j]
                a = a + _perm(a, sh8)
                a = a + _perm(a, sh4)
                a = a + _perm(a, sh2)
                a = a + _perm(a, sh1)
                if j < 16:
                    out0 = jnp.where(lanes == j, a, out0)
                else:
                    out1 = jnp.where(lanes == (j - 16), a, out1)
        yv[pl.ds(chunk * (CH * E), 16)] = out0
        yv[pl.ds(chunk * (CH * E) + 16, 16)] = out1

    start(xa, sema, 0)
    start(xb, semb, 1)

    def pair(i, carry):
        wait(xa, sema, 2 * i)
        compute(xa, 2 * i)

        @pl.when(i < NPAIR - 1)
        def _():
            start(xa, sema, 2 * i + 2)

        wait(xb, semb, 2 * i + 1)
        compute(xb, 2 * i + 1)

        @pl.when(i < NPAIR - 1)
        def _():
            start(xb, semb, 2 * i + 3)

        return carry

    lax.fori_loop(0, NPAIR, pair, 0)
    pltpu.sync_copy(yv, y_hbm.at[b, pl.ds(k * R_W * E, R_W * E)])


def _sc_partial(mh_output, W_noise):
    mesh = plsc.VectorSubcoreMesh(core_axis_name="c", subcore_axis_name="s")
    kern = functools.partial(
        pl.kernel,
        mesh=mesh,
        out_type=jax.ShapeDtypeStruct((B_, WPB * R_W * E), jnp.float32),
        scratch_types=[
            pltpu.VMEM((CH, N_EMBED), jnp.float32),
            pltpu.VMEM((CH, N_EMBED), jnp.float32),
            pltpu.VMEM((E, N_EMBED), jnp.float32),
            pltpu.VMEM((R_W * E,), jnp.float32),
            pltpu.SemaphoreType.DMA,
            pltpu.SemaphoreType.DMA,
        ],
    )(_sc_body)
    return kern(mh_output, W_noise)



_YROW = S_SC * E // EP


def _combine_kernel(ysc_ref, acc_ref, avg_ref, wr_ref, br_ref, bn_ref,
                    ns_ref, router_ref, idx_ref):
    acc = acc_ref[...]
    bn_tile = jnp.concatenate([bn_ref[...]] * (EP // E), axis=1)
    sc_rows = []
    for b in range(B_):
        z = ysc_ref[b] + bn_tile
        sp = jnp.maximum(z, 0.0) + jnp.log1p(jnp.exp(-jnp.abs(z)))
        colsum = jnp.sum(sp, axis=0, keepdims=True)
        tot = colsum[:, 0:E]
        for g in range(1, EP // E):
            tot = tot + colsum[:, g * E:(g + 1) * E]
        sc_rows.append(tot)
    msc = jnp.concatenate(sc_rows, axis=0)

    mean = (jnp.transpose(acc)[:B_, :E] + msc) * (1.0 / S_)
    logits = lax.dot_general(avg_ref[...], wr_ref[...],
                             (((1,), (1,)), ((), ())),
                             preferred_element_type=jnp.float32)
    noisy = logits + br_ref[...] + ns_ref[...] * mean
    col = lax.broadcasted_iota(jnp.int32, (B_, E), 1)
    neg = jnp.float32(-1e30)
    m1 = jnp.max(noisy, axis=1, keepdims=True)
    i1 = jnp.min(jnp.where(noisy == m1, col, E), axis=1, keepdims=True)
    rest = jnp.where(col == i1, neg, noisy)
    m2 = jnp.max(rest, axis=1, keepdims=True)
    i2 = jnp.min(jnp.where(rest == m2, col, E), axis=1, keepdims=True)
    d = jnp.exp(m2 - m1)
    p1 = 1.0 / (1.0 + d)
    p2 = d / (1.0 + d)
    router_ref[...] = jnp.where(col == i1, p1,
                                jnp.where(col == i2, p2, 0.0))
    idx_ref[:, 0:1] = i1
    idx_ref[:, 1:2] = i2


def _combine(y_sc, acc_tc, mh_output_avg, W_route, b_route, b_noise,
             noise_sample):
    y3 = y_sc.reshape(B_, _YROW, EP)
    return pl.pallas_call(
        _combine_kernel,
        in_specs=[
            pl.BlockSpec((B_, _YROW, EP), lambda: (0, 0, 0)),
            pl.BlockSpec((E, EP), lambda: (0, 0)),
            pl.BlockSpec((B_, N_EMBED), lambda: (0, 0)),
            pl.BlockSpec((E, N_EMBED), lambda: (0, 0)),
            pl.BlockSpec((1, E), lambda: (0, 0)),
            pl.BlockSpec((1, E), lambda: (0, 0)),
            pl.BlockSpec((B_, E), lambda: (0, 0)),
        ],
        out_specs=[
            pl.BlockSpec((B_, E), lambda: (0, 0)),
            pl.BlockSpec((B_, TOP_K), lambda: (0, 0)),
        ],
        out_shape=[
            jax.ShapeDtypeStruct((B_, E), jnp.float32),
            jax.ShapeDtypeStruct((B_, TOP_K), jnp.int32),
        ],
    )(y3, acc_tc, mh_output_avg, W_route, b_route[None, :],
      b_noise[None, :], noise_sample)


def kernel(mh_output, mh_output_avg, W_route, b_route, W_noise, b_noise):
    noise_sample = jax.random.normal(jax.random.key(42), (B_, E),
                                     dtype=jnp.float32)
    y_sc = _sc_partial(mh_output, W_noise)
    acc_tc = _tc_partial(mh_output, W_noise, b_noise)
    return _combine(y_sc, acc_tc, mh_output_avg, W_route, b_route, b_noise,
                    noise_sample)

# --- scband reference (transcript-rebuilt; emitter-appended) ---
"""Pipeline reference for scband-noisy-topk-router-cv-9517647528389 (READ-ONLY COPY).

The authoritative reference and input builder live on the scoring server;
editing this copy changes nothing except your own understanding.
"""

import jax, jax.numpy as jnp
import numpy as np

N_EMBED = 1024
NUM_EXPERTS = 8
TOP_K = 2
B = 4
S = 8192


def setup_inputs(seed: int = 0) -> dict:
    key = jax.random.key(seed)
    k1, k2, k3, k4, k5, k6 = jax.random.split(key, 6)
    mh_output = jax.random.normal(k1, (B, S, N_EMBED), dtype=jnp.float32)
    mh_output_avg = jax.random.normal(k2, (B, N_EMBED), dtype=jnp.float32)
    lim = 1.0 / np.sqrt(N_EMBED)
    W_route = jax.random.uniform(k3, (NUM_EXPERTS, N_EMBED), minval=-lim, maxval=lim, dtype=jnp.float32)
    b_route = jax.random.uniform(k4, (NUM_EXPERTS,), minval=-lim, maxval=lim, dtype=jnp.float32)
    W_noise = jax.random.uniform(k5, (NUM_EXPERTS, N_EMBED), minval=-lim, maxval=lim, dtype=jnp.float32)
    b_noise = jax.random.uniform(k6, (NUM_EXPERTS,), minval=-lim, maxval=lim, dtype=jnp.float32)
    return {
        "mh_output": mh_output,
        "mh_output_avg": mh_output_avg,
        "W_route": W_route,
        "b_route": b_route,
        "W_noise": W_noise,
        "b_noise": b_noise,
    }


def reference(mh_output, mh_output_avg, W_route, b_route, W_noise, b_noise):
    # logits = topkroute_linear(mh_output_avg): [B, E]
    logits = mh_output_avg @ W_route.T + b_route
    # noise_logits = noise_linear(mh_output): [B, S, E]
    noise_logits = mh_output @ W_noise.T + b_noise
    # torch.randn_like(logits): fixed gaussian sample, constant w.r.t. inputs
    noise_sample = jax.random.normal(jax.random.key(42), logits.shape, dtype=logits.dtype)
    # softplus(noise_logits).mean(dim=1): [B, E]
    noise = noise_sample * jax.nn.softplus(noise_logits).mean(axis=1)
    noisy_logits = logits + noise
    top_k_logits, indices = jax.lax.top_k(noisy_logits, TOP_K)
    sparse_logits = jnp.full_like(noisy_logits, -jnp.inf)
    rows = jnp.arange(noisy_logits.shape[0])[:, None]
    sparse_logits = sparse_logits.at[rows, indices].set(top_k_logits)
    router_output = jax.nn.softmax(sparse_logits, axis=-1)
    return (router_output, indices)

if __name__ == "__main__":
    import jax
    _d = setup_inputs()
    print(jax.jit(kernel)(*tuple(_d.values())))

</pallas_src>

<mosaic_0001>
#map = affine_map<(d0, d1) -> (0, 0, 0)>
#map1 = affine_map<(d0, d1) -> (0, 0)>
module attributes {stable_mosaic.version = 14 : i64} {
  func.func @_sc_body(%arg0: i32, %arg1: i32, %arg2: memref<4x8192x1024xf32, #tpu.memory_space<hbm>>, %arg3: memref<8x1024xf32, #tpu.memory_space<hbm>>, %arg4: memref<4x16384xf32, #tpu.memory_space<hbm>>, %arg5: memref<4x1024xf32, #tpu.memory_space<vmem>>, %arg6: memref<4x1024xf32, #tpu.memory_space<vmem>>, %arg7: memref<8x1024xf32, #tpu.memory_space<vmem>>, %arg8: memref<2048xf32, #tpu.memory_space<vmem>>, %arg9: memref<!tpu.dma_semaphore, #tpu.memory_space<semaphore_mem>>, %arg10: memref<!tpu.dma_semaphore, #tpu.memory_space<semaphore_mem>>) attributes {dimension_semantics = [#tpu.dimension_semantics<core_parallel>, #tpu.dimension_semantics<subcore_parallel>], iteration_bounds = array<i64: 2, 16>, scalar_prefetch = 0 : i64, scratch_operands = 6 : i64, tpu.core_type = #tpu.core_type<sc_vector_subcore>, window_params = [{transform_indices = #map}, {transform_indices = #map1}, {transform_indices = #map1}]} {
    %mul3A = arith.constant 16 : i32
    %mul3A_0 = arith.muli %arg0, %mul3A : i32
    %add3A = arith.addi %mul3A_0, %arg1 : i32
    %jit3A = arith.constant 8 : i32
    %div3A = arith.divsi %add3A, %jit3A : i32
    %sign3A = arith.constant 0 : i32
    %sign3A_1 = arith.cmpi sgt, %add3A, %sign3A : i32
    %sign3A_2 = arith.extui %sign3A_1 : i1 to i32
    %sign3A_3 = arith.constant 0 : i32
    %sign3A_4 = arith.cmpi slt, %add3A, %sign3A_3 : i32
    %sign3A_5 = arith.extui %sign3A_4 : i1 to i32
    %sign3A_6 = arith.subi %sign3A_2, %sign3A_5 : i32
    %sign3A_7 = arith.constant 0 : i32
    %sign3A_8 = arith.cmpi sgt, %jit3A, %sign3A_7 : i32
    %sign3A_9 = arith.extui %sign3A_8 : i1 to i32
    %sign3A_10 = arith.constant 0 : i32
    %sign3A_11 = arith.cmpi slt, %jit3A, %sign3A_10 : i32
    %sign3A_12 = arith.extui %sign3A_11 : i1 to i32
    %sign3A_13 = arith.subi %sign3A_9, %sign3A_12 : i32
    %ne3A = arith.cmpi ne, %sign3A_6, %sign3A_13 : i32
    %rem3A = arith.remsi %add3A, %jit3A : i32
    %ne3A_14 = arith.constant 0 : i32
    %ne3A_15 = arith.cmpi ne, %rem3A, %ne3A_14 : i32
    %and3A = arith.andi %ne3A, %ne3A_15 : i1
    %sub3A = arith.constant 1 : i32
    %sub3A_16 = arith.subi %div3A, %sub3A : i32
    %select_n3A = arith.select %and3A, %sub3A_16, %div3A : i32
    %jit3A_17 = arith.constant 8 : i32
    %eq3A = arith.constant 0 : i32
    %eq3A_18 = arith.cmpi eq, %jit3A_17, %eq3A : i32
    %jit3A_19 = arith.constant 1 : i32
    %select_n3A_20 = arith.select %eq3A_18, %jit3A_19, %jit3A_17 : i32
    %rem3A_21 = arith.remsi %add3A, %select_n3A_20 : i32
    %ne3A_22 = arith.constant 0 : i32
    %ne3A_23 = arith.cmpi ne, %rem3A_21, %ne3A_22 : i32
    %lt3A = arith.constant 0 : i32
    %lt3A_24 = arith.cmpi slt, %rem3A_21, %lt3A : i32
    %lt3A_25 = arith.constant 0 : i32
    %lt3A_26 = arith.cmpi slt, %select_n3A_20, %lt3A_25 : i32
    %ne3A_27 = arith.xori %lt3A_24, %lt3A_26 : i1
    %and3A_28 = arith.andi %ne3A_27, %ne3A_23 : i1
    %add3A_29 = arith.addi %rem3A_21, %select_n3A_20 : i32
    %select_n3A_30 = arith.select %and3A_28, %add3A_29, %rem3A_21 : i32
    %mul3A_31 = arith.constant 256 : i32
    %mul3A_32 = arith.muli %select_n3A_30, %mul3A_31 : i32
    %add3A_33 = arith.constant 6144 : i32
    %add3A_34 = arith.addi %add3A_33, %mul3A_32 : i32
    "tpu.region"() ({
      %run_scoped3A = tpu.sem_alloc : memref<!tpu.dma_semaphore, #tpu.memory_space<semaphore_mem>>
      tpu.enqueue_dma source(%arg3 : memref<8x1024xf32, #tpu.memory_space<hbm>>) target(%arg7 : memref<8x1024xf32, #tpu.memory_space<vmem>>) target_semaphore(%run_scoped3A : memref<!tpu.dma_semaphore, #tpu.memory_space<semaphore_mem>>)
      tpu.wait_dma2 semaphore(%run_scoped3A : memref<!tpu.dma_semaphore, #tpu.memory_space<semaphore_mem>>) src(%arg3 : memref<8x1024xf32, #tpu.memory_space<hbm>>) dst(%arg7 : memref<8x1024xf32, #tpu.memory_space<vmem>>)
      tpu.yield
    }) : () -> ()
    %iota3A = tpu.iota {dimensions = array<i32: 0>} : vector<16xi32>
    %add3A_35 = arith.constant 8 : i32
    %add3A_36 = vector.broadcast %add3A_35 : i32 to vector<16xi32>
    %add3A_37 = arith.addi %iota3A, %add3A_36 : vector<16xi32>
    %jit3A_38 = arith.constant 16 : i32
    %eq3A_39 = arith.constant 0 : i32
    %eq3A_40 = arith.cmpi eq, %jit3A_38, %eq3A_39 : i32
    %jit3A_41 = arith.constant 1 : i32
    %select_n3A_42 = arith.select %eq3A_40, %jit3A_41, %jit3A_38 : i32
    %rem3A_43 = vector.broadcast %select_n3A_42 : i32 to vector<16xi32>
    %rem3A_44 = arith.remsi %add3A_37, %rem3A_43 : vector<16xi32>
    %ne3A_45 = arith.constant 0 : i32
    %ne3A_46 = vector.broadcast %ne3A_45 : i32 to vector<16xi32>
    %ne3A_47 = arith.cmpi ne, %rem3A_44, %ne3A_46 : vector<16xi32>
    %lt3A_48 = arith.constant 0 : i32
    %lt3A_49 = vector.broadcast %lt3A_48 : i32 to vector<16xi32>
    %lt3A_50 = arith.cmpi slt, %rem3A_44, %lt3A_49 : vector<16xi32>
    %lt3A_51 = arith.constant 0 : i32
    %lt3A_52 = arith.cmpi slt, %select_n3A_42, %lt3A_51 : i32
    %ne3A_53 = vector.broadcast %lt3A_52 : i1 to vector<16xi1>
    %ne3A_54 = vector.broadcast %ne3A_53 : vector<16xi1> to vector<16xi1>
    %ne3A_55 = arith.xori %lt3A_50, %ne3A_54 : vector<16xi1>
    %and3A_56 = arith.andi %ne3A_55, %ne3A_47 : vector<16xi1>
    %add3A_57 = vector.broadcast %select_n3A_42 : i32 to vector<16xi32>
    %add3A_58 = arith.addi %rem3A_44, %add3A_57 : vector<16xi32>
    %select_n3A_59 = arith.select %and3A_56, %add3A_58, %rem3A_44 : vector<16xi1>, vector<16xi32>
    %add3A_60 = arith.constant 4 : i32
    %add3A_61 = vector.broadcast %add3A_60 : i32 to vector<16xi32>
    %add3A_62 = arith.addi %iota3A, %add3A_61 : vector<16xi32>
    %jit3A_63 = arith.constant 16 : i32
    %eq3A_64 = arith.constant 0 : i32
    %eq3A_65 = arith.cmpi eq, %jit3A_63, %eq3A_64 : i32
    %jit3A_66 = arith.constant 1 : i32
    %select_n3A_67 = arith.select %eq3A_65, %jit3A_66, %jit3A_63 : i32
    %rem3A_68 = vector.broadcast %select_n3A_67 : i32 to vector<16xi32>
    %rem3A_69 = arith.remsi %add3A_62, %rem3A_68 : vector<16xi32>
    %ne3A_70 = arith.constant 0 : i32
    %ne3A_71 = vector.broadcast %ne3A_70 : i32 to vector<16xi32>
    %ne3A_72 = arith.cmpi ne, %rem3A_69, %ne3A_71 : vector<16xi32>
    %lt3A_73 = arith.constant 0 : i32
    %lt3A_74 = vector.broadcast %lt3A_73 : i32 to vector<16xi32>
    %lt3A_75 = arith.cmpi slt, %rem3A_69, %lt3A_74 : vector<16xi32>
    %lt3A_76 = arith.constant 0 : i32
    %lt3A_77 = arith.cmpi slt, %select_n3A_67, %lt3A_76 : i32
    %ne3A_78 = vector.broadcast %lt3A_77 : i1 to vector<16xi1>
    %ne3A_79 = vector.broadcast %ne3A_78 : vector<16xi1> to vector<16xi1>
    %ne3A_80 = arith.xori %lt3A_75, %ne3A_79 : vector<16xi1>
    %and3A_81 = arith.andi %ne3A_80, %ne3A_72 : vector<16xi1>
    %add3A_82 = vector.broadcast %select_n3A_67 : i32 to vector<16xi32>
    %add3A_83 = arith.addi %rem3A_69, %add3A_82 : vector<16xi32>
    %select_n3A_84 = arith.select %and3A_81, %add3A_83, %rem3A_69 : vector<16xi1>, vector<16xi32>
    %add3A_85 = arith.constant 2 : i32
    %add3A_86 = vector.broadcast %add3A_85 : i32 to vector<16xi32>
    %add3A_87 = arith.addi %iota3A, %add3A_86 : vector<16xi32>
    %jit3A_88 = arith.constant 16 : i32
    %eq3A_89 = arith.constant 0 : i32
    %eq3A_90 = arith.cmpi eq, %jit3A_88, %eq3A_89 : i32
    %jit3A_91 = arith.constant 1 : i32
    %select_n3A_92 = arith.select %eq3A_90, %jit3A_91, %jit3A_88 : i32
    %rem3A_93 = vector.broadcast %select_n3A_92 : i32 to vector<16xi32>
    %rem3A_94 = arith.remsi %add3A_87, %rem3A_93 : vector<16xi32>
    %ne3A_95 = arith.constant 0 : i32
    %ne3A_96 = vector.broadcast %ne3A_95 : i32 to vector<16xi32>
    %ne3A_97 = arith.cmpi ne, %rem3A_94, %ne3A_96 : vector<16xi32>
    %lt3A_98 = arith.constant 0 : i32
    %lt3A_99 = vector.broadcast %lt3A_98 : i32 to vector<16xi32>
    %lt3A_100 = arith.cmpi slt, %rem3A_94, %lt3A_99 : vector<16xi32>
    %lt3A_101 = arith.constant 0 : i32
    %lt3A_102 = arith.cmpi slt, %select_n3A_92, %lt3A_101 : i32
    %ne3A_103 = vector.broadcast %lt3A_102 : i1 to vector<16xi1>
    %ne3A_104 = vector.broadcast %ne3A_103 : vector<16xi1> to vector<16xi1>
    %ne3A_105 = arith.xori %lt3A_100, %ne3A_104 : vector<16xi1>
    %and3A_106 = arith.andi %ne3A_105, %ne3A_97 : vector<16xi1>
    %add3A_107 = vector.broadcast %select_n3A_92 : i32 to vector<16xi32>
    %add3A_108 = arith.addi %rem3A_94, %add3A_107 : vector<16xi32>
    %select_n3A_109 = arith.select %and3A_106, %add3A_108, %rem3A_94 : vector<16xi1>, vector<16xi32>
    %add3A_110 = arith.constant 1 : i32
    %add3A_111 = vector.broadcast %add3A_110 : i32 to vector<16xi32>
    %add3A_112 = arith.addi %iota3A, %add3A_111 : vector<16xi32>
    %jit3A_113 = arith.constant 16 : i32
    %eq3A_114 = arith.constant 0 : i32
    %eq3A_115 = arith.cmpi eq, %jit3A_113, %eq3A_114 : i32
    %jit3A_116 = arith.constant 1 : i32
    %select_n3A_117 = arith.select %eq3A_115, %jit3A_116, %jit3A_113 : i32
    %rem3A_118 = vector.broadcast %select_n3A_117 : i32 to vector<16xi32>
    %rem3A_119 = arith.remsi %add3A_112, %rem3A_118 : vector<16xi32>
    %ne3A_120 = arith.constant 0 : i32
    %ne3A_121 = vector.broadcast %ne3A_120 : i32 to vector<16xi32>
    %ne3A_122 = arith.cmpi ne, %rem3A_119, %ne3A_121 : vector<16xi32>
    %lt3A_123 = arith.constant 0 : i32
    %lt3A_124 = vector.broadcast %lt3A_123 : i32 to vector<16xi32>
    %lt3A_125 = arith.cmpi slt, %rem3A_119, %lt3A_124 : vector<16xi32>
    %lt3A_126 = arith.constant 0 : i32
    %lt3A_127 = arith.cmpi slt, %select_n3A_117, %lt3A_126 : i32
    %ne3A_128 = vector.broadcast %lt3A_127 : i1 to vector<16xi1>
    %ne3A_129 = vector.broadcast %ne3A_128 : vector<16xi1> to vector<16xi1>
    %ne3A_130 = arith.xori %lt3A_125, %ne3A_129 : vector<16xi1>
    %and3A_131 = arith.andi %ne3A_130, %ne3A_122 : vector<16xi1>
    %add3A_132 = vector.broadcast %select_n3A_117 : i32 to vector<16xi32>
    %add3A_133 = arith.addi %rem3A_119, %add3A_132 : vector<16xi32>
    %select_n3A_134 = arith.select %and3A_131, %add3A_133, %rem3A_119 : vector<16xi1>, vector<16xi32>
    %add3A_135 = arith.constant 0 : i32
    %add3A_136 = arith.addi %add3A_34, %add3A_135 : i32
    %dma_start3A = arith.constant 0 : i32
    %dma_start3A_137 = tpu.memref_slice %arg2[%select_n3A, %add3A_136, %dma_start3A] : memref<4x8192x1024xf32, #tpu.memory_space<hbm>> -> memref<1x4x1024xf32, #tpu.memory_space<hbm>>
    %dma_start3A_138 = tpu.memref_squeeze %dma_start3A_137 : memref<1x4x1024xf32, #tpu.memory_space<hbm>> -> memref<4x1024xf32, #tpu.memory_space<hbm>>
    %dma_start3A_139 = arith.constant 0 : i32
    %dma_start3A_140 = tpu.memref_slice %arg2[%select_n3A, %add3A_136, %dma_start3A_139] : memref<4x8192x1024xf32, #tpu.memory_space<hbm>> -> memref<1x4x1024xf32, #tpu.memory_space<hbm>>
    %dma_start3A_141 = tpu.memref_squeeze %dma_start3A_140 : memref<1x4x1024xf32, #tpu.memory_space<hbm>> -> memref<4x1024xf32, #tpu.memory_space<hbm>>
    tpu.enqueue_dma source(%dma_start3A_141 : memref<4x1024xf32, #tpu.memory_space<hbm>>) target(%arg5 : memref<4x1024xf32, #tpu.memory_space<vmem>>) target_semaphore(%arg9 : memref<!tpu.dma_semaphore, #tpu.memory_space<semaphore_mem>>)
    %add3A_142 = arith.constant 4 : i32
    %add3A_143 = arith.addi %add3A_34, %add3A_142 : i32
    %dma_start3A_144 = arith.constant 0 : i32
    %dma_start3A_145 = tpu.memref_slice %arg2[%select_n3A, %add3A_143, %dma_start3A_144] : memref<4x8192x1024xf32, #tpu.memory_space<hbm>> -> memref<1x4x1024xf32, #tpu.memory_space<hbm>>
    %dma_start3A_146 = tpu.memref_squeeze %dma_start3A_145 : memref<1x4x1024xf32, #tpu.memory_space<hbm>> -> memref<4x1024xf32, #tpu.memory_space<hbm>>
    %dma_start3A_147 = arith.constant 0 : i32
    %dma_start3A_148 = tpu.memref_slice %arg2[%select_n3A, %add3A_143, %dma_start3A_147] : memref<4x8192x1024xf32, #tpu.memory_space<hbm>> -> memref<1x4x1024xf32, #tpu.memory_space<hbm>>
    %dma_start3A_149 = tpu.memref_squeeze %dma_start3A_148 : memref<1x4x1024xf32, #tpu.memory_space<hbm>> -> memref<4x1024xf32, #tpu.memory_space<hbm>>
    tpu.enqueue_dma source(%dma_start3A_149 : memref<4x1024xf32, #tpu.memory_space<hbm>>) target(%arg6 : memref<4x1024xf32, #tpu.memory_space<vmem>>) target_semaphore(%arg10 : memref<!tpu.dma_semaphore, #tpu.memory_space<semaphore_mem>>)
    %scan3A = arith.constant 0 : i32
    %scan3A_150 = arith.constant 0 : i32
    %scan3A_151 = arith.constant 32 : i32
    %scan3A_152 = arith.addi %scan3A_150, %scan3A_151 : i32
    %scan3A_153 = arith.constant 1 : i32
    scf.for %scan3A_159 = %scan3A_150 to %scan3A_152 step %scan3A_153  : i32 {
      %mul3A_160 = arith.constant 2 : i32
      %mul3A_161 = arith.muli %mul3A_160, %scan3A_159 : i32
      %mul3A_162 = arith.constant 4 : i32
      %mul3A_163 = arith.muli %mul3A_161, %mul3A_162 : i32
      %add3A_164 = arith.addi %add3A_34, %mul3A_163 : i32
      %dma_wait3A = arith.constant 0 : i32
      %dma_wait3A_165 = tpu.memref_slice %arg2[%select_n3A, %add3A_164, %dma_wait3A] : memref<4x8192x1024xf32, #tpu.memory_space<hbm>> -> memref<1x4x1024xf32, #tpu.memory_space<hbm>>
      %dma_wait3A_166 = tpu.memref_squeeze %dma_wait3A_165 : memref<1x4x1024xf32, #tpu.memory_space<hbm>> -> memref<4x1024xf32, #tpu.memory_space<hbm>>
      %dma_wait3A_167 = arith.constant 0 : i32
      %dma_wait3A_168 = tpu.memref_slice %arg2[%select_n3A, %add3A_164, %dma_wait3A_167] : memref<4x8192x1024xf32, #tpu.memory_space<hbm>> -> memref<1x4x1024xf32, #tpu.memory_space<hbm>>
      %dma_wait3A_169 = tpu.memref_squeeze %dma_wait3A_168 : memref<1x4x1024xf32, #tpu.memory_space<hbm>> -> memref<4x1024xf32, #tpu.memory_space<hbm>>
      tpu.wait_dma2 semaphore(%arg9 : memref<!tpu.dma_semaphore, #tpu.memory_space<semaphore_mem>>) src(%dma_wait3A_169 : memref<4x1024xf32, #tpu.memory_space<hbm>>) dst(%arg5 : memref<4x1024xf32, #tpu.memory_space<vmem>>)
      %mul3A_170 = arith.constant 2 : i32
      %mul3A_171 = arith.muli %mul3A_170, %scan3A_159 : i32
      %broadcast_in_dim3A = arith.constant 0.000000e+00 : f32
      %broadcast_in_dim3A_172 = vector.broadcast %broadcast_in_dim3A : f32 to vector<16xf32>
      %broadcast_in_dim3A_173 = arith.constant 0.000000e+00 : f32
      %broadcast_in_dim3A_174 = vector.broadcast %broadcast_in_dim3A_173 : f32 to vector<16xf32>
      %broadcast_in_dim3A_175 = arith.constant 0.000000e+00 : f32
      %broadcast_in_dim3A_176 = vector.broadcast %broadcast_in_dim3A_175 : f32 to vector<16xf32>
      %broadcast_in_dim3A_177 = arith.constant 0.000000e+00 : f32
      %broadcast_in_dim3A_178 = vector.broadcast %broadcast_in_dim3A_177 : f32 to vector<16xf32>
      %broadcast_in_dim3A_179 = arith.constant 0.000000e+00 : f32
      %broadcast_in_dim3A_180 = vector.broadcast %broadcast_in_dim3A_179 : f32 to vector<16xf32>
      %broadcast_in_dim3A_181 = arith.constant 0.000000e+00 : f32
      %broadcast_in_dim3A_182 = vector.broadcast %broadcast_in_dim3A_181 : f32 to vector<16xf32>
      %broadcast_in_dim3A_183 = arith.constant 0.000000e+00 : f32
      %broadcast_in_dim3A_184 = vector.broadcast %broadcast_in_dim3A_183 : f32 to vector<16xf32>
      %broadcast_in_dim3A_185 = arith.constant 0.000000e+00 : f32
      %broadcast_in_dim3A_186 = vector.broadcast %broadcast_in_dim3A_185 : f32 to vector<16xf32>
      %broadcast_in_dim3A_187 = arith.constant 0.000000e+00 : f32
      %broadcast_in_dim3A_188 = vector.broadcast %broadcast_in_dim3A_187 : f32 to vector<16xf32>
      %broadcast_in_dim3A_189 = arith.constant 0.000000e+00 : f32
      %broadcast_in_dim3A_190 = vector.broadcast %broadcast_in_dim3A_189 : f32 to vector<16xf32>
      %broadcast_in_dim3A_191 = arith.constant 0.000000e+00 : f32
      %broadcast_in_dim3A_192 = vector.broadcast %broadcast_in_dim3A_191 : f32 to vector<16xf32>
      %broadcast_in_dim3A_193 = arith.constant 0.000000e+00 : f32
      %broadcast_in_dim3A_194 = vector.broadcast %broadcast_in_dim3A_193 : f32 to vector<16xf32>
      %broadcast_in_dim3A_195 = arith.constant 0.000000e+00 : f32
      %broadcast_in_dim3A_196 = vector.broadcast %broadcast_in_dim3A_195 : f32 to vector<16xf32>
      %broadcast_in_dim3A_197 = arith.constant 0.000000e+00 : f32
      %broadcast_in_dim3A_198 = vector.broadcast %broadcast_in_dim3A_197 : f32 to vector<16xf32>
      %broadcast_in_dim3A_199 = arith.constant 0.000000e+00 : f32
      %broadcast_in_dim3A_200 = vector.broadcast %broadcast_in_dim3A_199 : f32 to vector<16xf32>
      %broadcast_in_dim3A_201 = arith.constant 0.000000e+00 : f32
      %broadcast_in_dim3A_202 = vector.broadcast %broadcast_in_dim3A_201 : f32 to vector<16xf32>
      %broadcast_in_dim3A_203 = arith.constant 0.000000e+00 : f32
      %broadcast_in_dim3A_204 = vector.broadcast %broadcast_in_dim3A_203 : f32 to vector<16xf32>
      %broadcast_in_dim3A_205 = arith.constant 0.000000e+00 : f32
      %broadcast_in_dim3A_206 = vector.broadcast %broadcast_in_dim3A_205 : f32 to vector<16xf32>
      %broadcast_in_dim3A_207 = arith.constant 0.000000e+00 : f32
      %broadcast_in_dim3A_208 = vector.broadcast %broadcast_in_dim3A_207 : f32 to vector<16xf32>
      %broadcast_in_dim3A_209 = arith.constant 0.000000e+00 : f32
      %broadcast_in_dim3A_210 = vector.broadcast %broadcast_in_dim3A_209 : f32 to vector<16xf32>
      %broadcast_in_dim3A_211 = arith.constant 0.000000e+00 : f32
      %broadcast_in_dim3A_212 = vector.broadcast %broadcast_in_dim3A_211 : f32 to vector<16xf32>
      %broadcast_in_dim3A_213 = arith.constant 0.000000e+00 : f32
      %broadcast_in_dim3A_214 = vector.broadcast %broadcast_in_dim3A_213 : f32 to vector<16xf32>
      %broadcast_in_dim3A_215 = arith.constant 0.000000e+00 : f32
      %broadcast_in_dim3A_216 = vector.broadcast %broadcast_in_dim3A_215 : f32 to vector<16xf32>
      %broadcast_in_dim3A_217 = arith.constant 0.000000e+00 : f32
      %broadcast_in_dim3A_218 = vector.broadcast %broadcast_in_dim3A_217 : f32 to vector<16xf32>
      %broadcast_in_dim3A_219 = arith.constant 0.000000e+00 : f32
      %broadcast_in_dim3A_220 = vector.broadcast %broadcast_in_dim3A_219 : f32 to vector<16xf32>
      %broadcast_in_dim3A_221 = arith.constant 0.000000e+00 : f32
      %broadcast_in_dim3A_222 = vector.broadcast %broadcast_in_dim3A_221 : f32 to vector<16xf32>
      %broadcast_in_dim3A_223 = arith.constant 0.000000e+00 : f32
      %broadcast_in_dim3A_224 = vector.broadcast %broadcast_in_dim3A_223 : f32 to vector<16xf32>
      %broadcast_in_dim3A_225 = arith.constant 0.000000e+00 : f32
      %broadcast_in_dim3A_226 = vector.broadcast %broadcast_in_dim3A_225 : f32 to vector<16xf32>
      %broadcast_in_dim3A_227 = arith.constant 0.000000e+00 : f32
      %broadcast_in_dim3A_228 = vector.broadcast %broadcast_in_dim3A_227 : f32 to vector<16xf32>
      %broadcast_in_dim3A_229 = arith.constant 0.000000e+00 : f32
      %broadcast_in_dim3A_230 = vector.broadcast %broadcast_in_dim3A_229 : f32 to vector<16xf32>
      %broadcast_in_dim3A_231 = arith.constant 0.000000e+00 : f32
      %broadcast_in_dim3A_232 = vector.broadcast %broadcast_in_dim3A_231 : f32 to vector<16xf32>
      %broadcast_in_dim3A_233 = arith.constant 0.000000e+00 : f32
      %broadcast_in_dim3A_234 = vector.broadcast %broadcast_in_dim3A_233 : f32 to vector<16xf32>
      %scan3A_235 = arith.constant 0 : i32
      %scan3A_236 = arith.constant 16 : i32
      %scan3A_237 = arith.addi %scan3A_235, %scan3A_236 : i32
      %scan3A_238 = arith.constant 1 : i32
      %scan3A_239:32 = scf.for %scan3A_1650 = %scan3A_235 to %scan3A_237 step %scan3A_238 iter_args(%scan3A_1651 = %broadcast_in_dim3A_172, %scan3A_1652 = %broadcast_in_dim3A_174, %scan3A_1653 = %broadcast_in_dim3A_176, %scan3A_1654 = %broadcast_in_dim3A_178, %scan3A_1655 = %broadcast_in_dim3A_180, %scan3A_1656 = %broadcast_in_dim3A_182, %scan3A_1657 = %broadcast_in_dim3A_184, %scan3A_1658 = %broadcast_in_dim3A_186, %scan3A_1659 = %broadcast_in_dim3A_188, %scan3A_1660 = %broadcast_in_dim3A_190, %scan3A_1661 = %broadcast_in_dim3A_192, %scan3A_1662 = %broadcast_in_dim3A_194, %scan3A_1663 = %broadcast_in_dim3A_196, %scan3A_1664 = %broadcast_in_dim3A_198, %scan3A_1665 = %broadcast_in_dim3A_200, %scan3A_1666 = %broadcast_in_dim3A_202, %scan3A_1667 = %broadcast_in_dim3A_204, %scan3A_1668 = %broadcast_in_dim3A_206, %scan3A_1669 = %broadcast_in_dim3A_208, %scan3A_1670 = %broadcast_in_dim3A_210, %scan3A_1671 = %broadcast_in_dim3A_212, %scan3A_1672 = %broadcast_in_dim3A_214, %scan3A_1673 = %broadcast_in_dim3A_216, %scan3A_1674 = %broadcast_in_dim3A_218, %scan3A_1675 = %broadcast_in_dim3A_220, %scan3A_1676 = %broadcast_in_dim3A_222, %scan3A_1677 = %broadcast_in_dim3A_224, %scan3A_1678 = %broadcast_in_dim3A_226, %scan3A_1679 = %broadcast_in_dim3A_228, %scan3A_1680 = %broadcast_in_dim3A_230, %scan3A_1681 = %broadcast_in_dim3A_232, %scan3A_1682 = %broadcast_in_dim3A_234) -> (vector<16xf32>, vector<16xf32>, vector<16xf32>, vector<16xf32>, vector<16xf32>, vector<16xf32>, vector<16xf32>, vector<16xf32>, vector<16xf32>, vector<16xf32>, vector<16xf32>, vector<16xf32>, vector<16xf32>, vector<16xf32>, vector<16xf32>, vector<16xf32>, vector<16xf32>, vector<16xf32>, vector<16xf32>, vector<16xf32>, vector<16xf32>, vector<16xf32>, vector<16xf32>, vector<16xf32>, vector<16xf32>, vector<16xf32>, vector<16xf32>, vector<16xf32>, vector<16xf32>, vector<16xf32>, vector<16xf32>, vector<16xf32>)  : i32 {
        %mul3A_1683 = arith.constant 4 : i32
        %mul3A_1684 = arith.muli %scan3A_1650, %mul3A_1683 : i32
        %add3A_1685 = arith.constant 0 : i32
        %add3A_1686 = arith.addi %mul3A_1684, %add3A_1685 : i32
        %mul3A_1687 = arith.constant 16 : i32
        %mul3A_1688 = arith.muli %add3A_1686, %mul3A_1687 : i32
        %get3A = arith.constant 0 : i32
        %get3A_1689 = arith.index_cast %get3A : i32 to index
        %get3A_1690 = arith.index_cast %mul3A_1688 : i32 to index
        %get3A_1691 = tpu.vector_load %arg7[%get3A_1689, %get3A_1690] {strides = array<i32>} : memref<8x1024xf32, #tpu.memory_space<vmem>>, vector<1x16xf32>,
        %get3A_1692 = vector.shape_cast %get3A_1691 : vector<1x16xf32> to vector<16xf32>
        %mul3A_1693 = arith.constant 16 : i32
        %mul3A_1694 = arith.muli %add3A_1686, %mul3A_1693 : i32
        %get3A_1695 = arith.constant 1 : i32
        %get3A_1696 = arith.index_cast %get3A_1695 : i32 to index
        %get3A_1697 = arith.index_cast %mul3A_1694 : i32 to index
        %get3A_1698 = tpu.vector_load %arg7[%get3A_1696, %get3A_1697] {strides = array<i32>} : memref<8x1024xf32, #tpu.memory_space<vmem>>, vector<1x16xf32>,
        %get3A_1699 = vector.shape_cast %get3A_1698 : vector<1x16xf32> to vector<16xf32>
        %mul3A_1700 = arith.constant 16 : i32
        %mul3A_1701 = arith.muli %add3A_1686, %mul3A_1700 : i32
        %get3A_1702 = arith.constant 2 : i32
        %get3A_1703 = arith.index_cast %get3A_1702 : i32 to index
        %get3A_1704 = arith.index_cast %mul3A_1701 : i32 to index
        %get3A_1705 = tpu.vector_load %arg7[%get3A_1703, %get3A_1704] {strides = array<i32>} : memref<8x1024xf32, #tpu.memory_space<vmem>>, vector<1x16xf32>,
        %get3A_1706 = vector.shape_cast %get3A_1705 : vector<1x16xf32> to vector<16xf32>
        %mul3A_1707 = arith.constant 16 : i32
        %mul3A_1708 = arith.muli %add3A_1686, %mul3A_1707 : i32
        %get3A_1709 = arith.constant 3 : i32
        %get3A_1710 = arith.index_cast %get3A_1709 : i32 to index
        %get3A_1711 = arith.index_cast %mul3A_1708 : i32 to index
        %get3A_1712 = tpu.vector_load %arg7[%get3A_1710, %get3A_1711] {strides = array<i32>} : memref<8x1024xf32, #tpu.memory_space<vmem>>, vector<1x16xf32>,
        %get3A_1713 = vector.shape_cast %get3A_1712 : vector<1x16xf32> to vector<16xf32>
        %mul3A_1714 = arith.constant 16 : i32
        %mul3A_1715 = arith.muli %add3A_1686, %mul3A_1714 : i32
        %get3A_1716 = arith.constant 4 : i32
        %get3A_1717 = arith.index_cast %get3A_1716 : i32 to index
        %get3A_1718 = arith.index_cast %mul3A_1715 : i32 to index
        %get3A_1719 = tpu.vector_load %arg7[%get3A_1717, %get3A_1718] {strides = array<i32>} : memref<8x1024xf32, #tpu.memory_space<vmem>>, vector<1x16xf32>,
        %get3A_1720 = vector.shape_cast %get3A_1719 : vector<1x16xf32> to vector<16xf32>
        %mul3A_1721 = arith.constant 16 : i32
        %mul3A_1722 = arith.muli %add3A_1686, %mul3A_1721 : i32
        %get3A_1723 = arith.constant 5 : i32
        %get3A_1724 = arith.index_cast %get3A_1723 : i32 to index
        %get3A_1725 = arith.index_cast %mul3A_1722 : i32 to index
        %get3A_1726 = tpu.vector_load %arg7[%get3A_1724, %get3A_1725] {strides = array<i32>} : memref<8x1024xf32, #tpu.memory_space<vmem>>, vector<1x16xf32>,
        %get3A_1727 = vector.shape_cast %get3A_1726 : vector<1x16xf32> to vector<16xf32>
        %mul3A_1728 = arith.constant 16 : i32
        %mul3A_1729 = arith.muli %add3A_1686, %mul3A_1728 : i32
        %get3A_1730 = arith.constant 6 : i32
        %get3A_1731 = arith.index_cast %get3A_1730 : i32 to index
        %get3A_1732 = arith.index_cast %mul3A_1729 : i32 to index
        %get3A_1733 = tpu.vector_load %arg7[%get3A_1731, %get3A_1732] {strides = array<i32>} : memref<8x1024xf32, #tpu.memory_space<vmem>>, vector<1x16xf32>,
        %get3A_1734 = vector.shape_cast %get3A_1733 : vector<1x16xf32> to vector<16xf32>
        %mul3A_1735 = arith.constant 16 : i32
        %mul3A_1736 = arith.muli %add3A_1686, %mul3A_1735 : i32
        %get3A_1737 = arith.constant 7 : i32
        %get3A_1738 = arith.index_cast %get3A_1737 : i32 to index
        %get3A_1739 = arith.index_cast %mul3A_1736 : i32 to index
        %get3A_1740 = tpu.vector_load %arg7[%get3A_1738, %get3A_1739] {strides = array<i32>} : memref<8x1024xf32, #tpu.memory_space<vmem>>, vector<1x16xf32>,
        %get3A_1741 = vector.shape_cast %get3A_1740 : vector<1x16xf32> to vector<16xf32>
        %mul3A_1742 = arith.constant 16 : i32
        %mul3A_1743 = arith.muli %add3A_1686, %mul3A_1742 : i32
        %get3A_1744 = arith.constant 0 : i32
        %get3A_1745 = arith.index_cast %get3A_1744 : i32 to index
        %get3A_1746 = arith.index_cast %mul3A_1743 : i32 to index
        %get3A_1747 = tpu.vector_load %arg5[%get3A_1745, %get3A_1746] {strides = array<i32>} : memref<4x1024xf32, #tpu.memory_space<vmem>>, vector<1x16xf32>,
        %get3A_1748 = vector.shape_cast %get3A_1747 : vector<1x16xf32> to vector<16xf32>
        %mul3A_1749 = arith.mulf %get3A_1748, %get3A_1692 : vector<16xf32>
        %add3A_1750 = arith.addf %scan3A_1651, %mul3A_1749 : vector<16xf32>
        %mul3A_1751 = arith.mulf %get3A_1748, %get3A_1699 : vector<16xf32>
        %add3A_1752 = arith.addf %scan3A_1652, %mul3A_1751 : vector<16xf32>
        %mul3A_1753 = arith.mulf %get3A_1748, %get3A_1706 : vector<16xf32>
        %add3A_1754 = arith.addf %scan3A_1653, %mul3A_1753 : vector<16xf32>
        %mul3A_1755 = arith.mulf %get3A_1748, %get3A_1713 : vector<16xf32>
        %add3A_1756 = arith.addf %scan3A_1654, %mul3A_1755 : vector<16xf32>
        %mul3A_1757 = arith.mulf %get3A_1748, %get3A_1720 : vector<16xf32>
        %add3A_1758 = arith.addf %scan3A_1655, %mul3A_1757 : vector<16xf32>
        %mul3A_1759 = arith.mulf %get3A_1748, %get3A_1727 : vector<16xf32>
        %add3A_1760 = arith.addf %scan3A_1656, %mul3A_1759 : vector<16xf32>
        %mul3A_1761 = arith.mulf %get3A_1748, %get3A_1734 : vector<16xf32>
        %add3A_1762 = arith.addf %scan3A_1657, %mul3A_1761 : vector<16xf32>
        %mul3A_1763 = arith.mulf %get3A_1748, %get3A_1741 : vector<16xf32>
        %add3A_1764 = arith.addf %scan3A_1658, %mul3A_1763 : vector<16xf32>
        %mul3A_1765 = arith.constant 16 : i32
        %mul3A_1766 = arith.muli %add3A_1686, %mul3A_1765 : i32
        %get3A_1767 = arith.constant 1 : i32
        %get3A_1768 = arith.index_cast %get3A_1767 : i32 to index
        %get3A_1769 = arith.index_cast %mul3A_1766 : i32 to index
        %get3A_1770 = tpu.vector_load %arg5[%get3A_1768, %get3A_1769] {strides = array<i32>} : memref<4x1024xf32, #tpu.memory_space<vmem>>, vector<1x16xf32>,
        %get3A_1771 = vector.shape_cast %get3A_1770 : vector<1x16xf32> to vector<16xf32>
        %mul3A_1772 = arith.mulf %get3A_1771, %get3A_1692 : vector<16xf32>
        %add3A_1773 = arith.addf %scan3A_1659, %mul3A_1772 : vector<16xf32>
        %mul3A_1774 = arith.mulf %get3A_1771, %get3A_1699 : vector<16xf32>
        %add3A_1775 = arith.addf %scan3A_1660, %mul3A_1774 : vector<16xf32>
        %mul3A_1776 = arith.mulf %get3A_1771, %get3A_1706 : vector<16xf32>
        %add3A_1777 = arith.addf %scan3A_1661, %mul3A_1776 : vector<16xf32>
        %mul3A_1778 = arith.mulf %get3A_1771, %get3A_1713 : vector<16xf32>
        %add3A_1779 = arith.addf %scan3A_1662, %mul3A_1778 : vector<16xf32>
        %mul3A_1780 = arith.mulf %get3A_1771, %get3A_1720 : vector<16xf32>
        %add3A_1781 = arith.addf %scan3A_1663, %mul3A_1780 : vector<16xf32>
        %mul3A_1782 = arith.mulf %get3A_1771, %get3A_1727 : vector<16xf32>
        %add3A_1783 = arith.addf %scan3A_1664, %mul3A_1782 : vector<16xf32>
        %mul3A_1784 = arith.mulf %get3A_1771, %get3A_1734 : vector<16xf32>
        %add3A_1785 = arith.addf %scan3A_1665, %mul3A_1784 : vector<16xf32>
        %mul3A_1786 = arith.mulf %get3A_1771, %get3A_1741 : vector<16xf32>
        %add3A_1787 = arith.addf %scan3A_1666, %mul3A_1786 : vector<16xf32>
        %mul3A_1788 = arith.constant 16 : i32
        %mul3A_1789 = arith.muli %add3A_1686, %mul3A_1788 : i32
        %get3A_1790 = arith.constant 2 : i32
        %get3A_1791 = arith.index_cast %get3A_1790 : i32 to index
        %get3A_1792 = arith.index_cast %mul3A_1789 : i32 to index
        %get3A_1793 = tpu.vector_load %arg5[%get3A_1791, %get3A_1792] {strides = array<i32>} : memref<4x1024xf32, #tpu.memory_space<vmem>>, vector<1x16xf32>,
        %get3A_1794 = vector.shape_cast %get3A_1793 : vector<1x16xf32> to vector<16xf32>
        %mul3A_1795 = arith.mulf %get3A_1794, %get3A_1692 : vector<16xf32>
        %add3A_1796 = arith.addf %scan3A_1667, %mul3A_1795 : vector<16xf32>
        %mul3A_1797 = arith.mulf %get3A_1794, %get3A_1699 : vector<16xf32>
        %add3A_1798 = arith.addf %scan3A_1668, %mul3A_1797 : vector<16xf32>
        %mul3A_1799 = arith.mulf %get3A_1794, %get3A_1706 : vector<16xf32>
        %add3A_1800 = arith.addf %scan3A_1669, %mul3A_1799 : vector<16xf32>
        %mul3A_1801 = arith.mulf %get3A_1794, %get3A_1713 : vector<16xf32>
        %add3A_1802 = arith.addf %scan3A_1670, %mul3A_1801 : vector<16xf32>
        %mul3A_1803 = arith.mulf %get3A_1794, %get3A_1720 : vector<16xf32>
        %add3A_1804 = arith.addf %scan3A_1671, %mul3A_1803 : vector<16xf32>
        %mul3A_1805 = arith.mulf %get3A_1794, %get3A_1727 : vector<16xf32>
        %add3A_1806 = arith.addf %scan3A_1672, %mul3A_1805 : vector<16xf32>
        %mul3A_1807 = arith.mulf %get3A_1794, %get3A_1734 : vector<16xf32>
        %add3A_1808 = arith.addf %scan3A_1673, %mul3A_1807 : vector<16xf32>
        %mul3A_1809 = arith.mulf %get3A_1794, %get3A_1741 : vector<16xf32>
        %add3A_1810 = arith.addf %scan3A_1674, %mul3A_1809 : vector<16xf32>
        %mul3A_1811 = arith.constant 16 : i32
        %mul3A_1812 = arith.muli %add3A_1686, %mul3A_1811 : i32
        %get3A_1813 = arith.constant 3 : i32
        %get3A_1814 = arith.index_cast %get3A_1813 : i32 to index
        %get3A_1815 = arith.index_cast %mul3A_1812 : i32 to index
        %get3A_1816 = tpu.vector_load %arg5[%get3A_1814, %get3A_1815] {strides = array<i32>} : memref<4x1024xf32, #tpu.memory_space<vmem>>, vector<1x16xf32>,
        %get3A_1817 = vector.shape_cast %get3A_1816 : vector<1x16xf32> to vector<16xf32>
        %mul3A_1818 = arith.mulf %get3A_1817, %get3A_1692 : vector<16xf32>
        %add3A_1819 = arith.addf %scan3A_1675, %mul3A_1818 : vector<16xf32>
        %mul3A_1820 = arith.mulf %get3A_1817, %get3A_1699 : vector<16xf32>
        %add3A_1821 = arith.addf %scan3A_1676, %mul3A_1820 : vector<16xf32>
        %mul3A_1822 = arith.mulf %get3A_1817, %get3A_1706 : vector<16xf32>
        %add3A_1823 = arith.addf %scan3A_1677, %mul3A_1822 : vector<16xf32>
        %mul3A_1824 = arith.mulf %get3A_1817, %get3A_1713 : vector<16xf32>
        %add3A_1825 = arith.addf %scan3A_1678, %mul3A_1824 : vector<16xf32>
        %mul3A_1826 = arith.mulf %get3A_1817, %get3A_1720 : vector<16xf32>
        %add3A_1827 = arith.addf %scan3A_1679, %mul3A_1826 : vector<16xf32>
        %mul3A_1828 = arith.mulf %get3A_1817, %get3A_1727 : vector<16xf32>
        %add3A_1829 = arith.addf %scan3A_1680, %mul3A_1828 : vector<16xf32>
        %mul3A_1830 = arith.mulf %get3A_1817, %get3A_1734 : vector<16xf32>
        %add3A_1831 = arith.addf %scan3A_1681, %mul3A_1830 : vector<16xf32>
        %mul3A_1832 = arith.mulf %get3A_1817, %get3A_1741 : vector<16xf32>
        %add3A_1833 = arith.addf %scan3A_1682, %mul3A_1832 : vector<16xf32>
        %mul3A_1834 = arith.constant 4 : i32
        %mul3A_1835 = arith.muli %scan3A_1650, %mul3A_1834 : i32
        %add3A_1836 = arith.constant 1 : i32
        %add3A_1837 = arith.addi %mul3A_1835, %add3A_1836 : i32
        %mul3A_1838 = arith.constant 16 : i32
        %mul3A_1839 = arith.muli %add3A_1837, %mul3A_1838 : i32
        %get3A_1840 = arith.constant 0 : i32
        %get3A_1841 = arith.index_cast %get3A_1840 : i32 to index
        %get3A_1842 = arith.index_cast %mul3A_1839 : i32 to index
        %get3A_1843 = tpu.vector_load %arg7[%get3A_1841, %get3A_1842] {strides = array<i32>} : memref<8x1024xf32, #tpu.memory_space<vmem>>, vector<1x16xf32>,
        %get3A_1844 = vector.shape_cast %get3A_1843 : vector<1x16xf32> to vector<16xf32>
        %mul3A_1845 = arith.constant 16 : i32
        %mul3A_1846 = arith.muli %add3A_1837, %mul3A_1845 : i32
        %get3A_1847 = arith.constant 1 : i32
        %get3A_1848 = arith.index_cast %get3A_1847 : i32 to index
        %get3A_1849 = arith.index_cast %mul3A_1846 : i32 to index
        %get3A_1850 = tpu.vector_load %arg7[%get3A_1848, %get3A_1849] {strides = array<i32>} : memref<8x1024xf32, #tpu.memory_space<vmem>>, vector<1x16xf32>,
        %get3A_1851 = vector.shape_cast %get3A_1850 : vector<1x16xf32> to vector<16xf32>
        %mul3A_1852 = arith.constant 16 : i32
        %mul3A_1853 = arith.muli %add3A_1837, %mul3A_1852 : i32
        %get3A_1854 = arith.constant 2 : i32
        %get3A_1855 = arith.index_cast %get3A_1854 : i32 to index
        %get3A_1856 = arith.index_cast %mul3A_1853 : i32 to index
        %get3A_1857 = tpu.vector_load %arg7[%get3A_1855, %get3A_1856] {strides = array<i32>} : memref<8x1024xf32, #tpu.memory_space<vmem>>, vector<1x16xf32>,
        %get3A_1858 = vector.shape_cast %get3A_1857 : vector<1x16xf32> to vector<16xf32>
        %mul3A_1859 = arith.constant 16 : i32
        %mul3A_1860 = arith.muli %add3A_1837, %mul3A_1859 : i32
        %get3A_1861 = arith.constant 3 : i32
        %get3A_1862 = arith.index_cast %get3A_1861 : i32 to index
        %get3A_1863 = arith.index_cast %mul3A_1860 : i32 to index
        %get3A_1864 = tpu.vector_load %arg7[%get3A_1862, %get3A_1863] {strides = array<i32>} : memref<8x1024xf32, #tpu.memory_space<vmem>>, vector<1x16xf32>,
        %get3A_1865 = vector.shape_cast %get3A_1864 : vector<1x16xf32> to vector<16xf32>
        %mul3A_1866 = arith.constant 16 : i32
        %mul3A_1867 = arith.muli %add3A_1837, %mul3A_1866 : i32
        %get3A_1868 = arith.constant 4 : i32
        %get3A_1869 = arith.index_cast %get3A_1868 : i32 to index
        %get3A_1870 = arith.index_cast %mul3A_1867 : i32 to index
        %get3A_1871 = tpu.vector_load %arg7[%get3A_1869, %get3A_1870] {strides = array<i32>} : memref<8x1024xf32, #tpu.memory_space<vmem>>, vector<1x16xf32>,
        %get3A_1872 = vector.shape_cast %get3A_1871 : vector<1x16xf32> to vector<16xf32>
        %mul3A_1873 = arith.constant 16 : i32
        %mul3A_1874 = arith.muli %add3A_1837, %mul3A_1873 : i32
        %get3A_1875 = arith.constant 5 : i32
        %get3A_1876 = arith.index_cast %get3A_1875 : i32 to index
        %get3A_1877 = arith.index_cast %mul3A_1874 : i32 to index
        %get3A_1878 = tpu.vector_load %arg7[%get3A_1876, %get3A_1877] {strides = array<i32>} : memref<8x1024xf32, #tpu.memory_space<vmem>>, vector<1x16xf32>,
        %get3A_1879 = vector.shape_cast %get3A_1878 : vector<1x16xf32> to vector<16xf32>
        %mul3A_1880 = arith.constant 16 : i32
        %mul3A_1881 = arith.muli %add3A_1837, %mul3A_1880 : i32
        %get3A_1882 = arith.constant 6 : i32
        %get3A_1883 = arith.index_cast %get3A_1882 : i32 to index
        %get3A_1884 = arith.index_cast %mul3A_1881 : i32 to index
        %get3A_1885 = tpu.vector_load %arg7[%get3A_1883, %get3A_1884] {strides = array<i32>} : memref<8x1024xf32, #tpu.memory_space<vmem>>, vector<1x16xf32>,
        %get3A_1886 = vector.shape_cast %get3A_1885 : vector<1x16xf32> to vector<16xf32>
        %mul3A_1887 = arith.constant 16 : i32
        %mul3A_1888 = arith.muli %add3A_1837, %mul3A_1887 : i32
        %get3A_1889 = arith.constant 7 : i32
        %get3A_1890 = arith.index_cast %get3A_1889 : i32 to index
        %get3A_1891 = arith.index_cast %mul3A_1888 : i32 to index
        %get3A_1892 = tpu.vector_load %arg7[%get3A_1890, %get3A_1891] {strides = array<i32>} : memref<8x1024xf32, #tpu.memory_space<vmem>>, vector<1x16xf32>,
        %get3A_1893 = vector.shape_cast %get3A_1892 : vector<1x16xf32> to vector<16xf32>
        %mul3A_1894 = arith.constant 16 : i32
        %mul3A_1895 = arith.muli %add3A_1837, %mul3A_1894 : i32
        %get3A_1896 = arith.constant 0 : i32
        %get3A_1897 = arith.index_cast %get3A_1896 : i32 to index
        %get3A_1898 = arith.index_cast %mul3A_1895 : i32 to index
        %get3A_1899 = tpu.vector_load %arg5[%get3A_1897, %get3A_1898] {strides = array<i32>} : memref<4x1024xf32, #tpu.memory_space<vmem>>, vector<1x16xf32>,
        %get3A_1900 = vector.shape_cast %get3A_1899 : vector<1x16xf32> to vector<16xf32>
        %mul3A_1901 = arith.mulf %get3A_1900, %get3A_1844 : vector<16xf32>
        %add3A_1902 = arith.addf %add3A_1750, %mul3A_1901 : vector<16xf32>
        %mul3A_1903 = arith.mulf %get3A_1900, %get3A_1851 : vector<16xf32>
        %add3A_1904 = arith.addf %add3A_1752, %mul3A_1903 : vector<16xf32>
        %mul3A_1905 = arith.mulf %get3A_1900, %get3A_1858 : vector<16xf32>
        %add3A_1906 = arith.addf %add3A_1754, %mul3A_1905 : vector<16xf32>
        %mul3A_1907 = arith.mulf %get3A_1900, %get3A_1865 : vector<16xf32>
        %add3A_1908 = arith.addf %add3A_1756, %mul3A_1907 : vector<16xf32>
        %mul3A_1909 = arith.mulf %get3A_1900, %get3A_1872 : vector<16xf32>
        %add3A_1910 = arith.addf %add3A_1758, %mul3A_1909 : vector<16xf32>
        %mul3A_1911 = arith.mulf %get3A_1900, %get3A_1879 : vector<16xf32>
        %add3A_1912 = arith.addf %add3A_1760, %mul3A_1911 : vector<16xf32>
        %mul3A_1913 = arith.mulf %get3A_1900, %get3A_1886 : vector<16xf32>
        %add3A_1914 = arith.addf %add3A_1762, %mul3A_1913 : vector<16xf32>
        %mul3A_1915 = arith.mulf %get3A_1900, %get3A_1893 : vector<16xf32>
        %add3A_1916 = arith.addf %add3A_1764, %mul3A_1915 : vector<16xf32>
        %mul3A_1917 = arith.constant 16 : i32
        %mul3A_1918 = arith.muli %add3A_1837, %mul3A_1917 : i32
        %get3A_1919 = arith.constant 1 : i32
        %get3A_1920 = arith.index_cast %get3A_1919 : i32 to index
        %get3A_1921 = arith.index_cast %mul3A_1918 : i32 to index
        %get3A_1922 = tpu.vector_load %arg5[%get3A_1920, %get3A_1921] {strides = array<i32>} : memref<4x1024xf32, #tpu.memory_space<vmem>>, vector<1x16xf32>,
        %get3A_1923 = vector.shape_cast %get3A_1922 : vector<1x16xf32> to vector<16xf32>
        %mul3A_1924 = arith.mulf %get3A_1923, %get3A_1844 : vector<16xf32>
        %add3A_1925 = arith.addf %add3A_1773, %mul3A_1924 : vector<16xf32>
        %mul3A_1926 = arith.mulf %get3A_1923, %get3A_1851 : vector<16xf32>
        %add3A_1927 = arith.addf %add3A_1775, %mul3A_1926 : vector<16xf32>
        %mul3A_1928 = arith.mulf %get3A_1923, %get3A_1858 : vector<16xf32>
        %add3A_1929 = arith.addf %add3A_1777, %mul3A_1928 : vector<16xf32>
        %mul3A_1930 = arith.mulf %get3A_1923, %get3A_1865 : vector<16xf32>
        %add3A_1931 = arith.addf %add3A_1779, %mul3A_1930 : vector<16xf32>
        %mul3A_1932 = arith.mulf %get3A_1923, %get3A_1872 : vector<16xf32>
        %add3A_1933 = arith.addf %add3A_1781, %mul3A_1932 : vector<16xf32>
        %mul3A_1934 = arith.mulf %get3A_1923, %get3A_1879 : vector<16xf32>
        %add3A_1935 = arith.addf %add3A_1783, %mul3A_1934 : vector<16xf32>
        %mul3A_1936 = arith.mulf %get3A_1923, %get3A_1886 : vector<16xf32>
        %add3A_1937 = arith.addf %add3A_1785, %mul3A_1936 : vector<16xf32>
        %mul3A_1938 = arith.mulf %get3A_1923, %get3A_1893 : vector<16xf32>
        %add3A_1939 = arith.addf %add3A_1787, %mul3A_1938 : vector<16xf32>
        %mul3A_1940 = arith.constant 16 : i32
        %mul3A_1941 = arith.muli %add3A_1837, %mul3A_1940 : i32
        %get3A_1942 = arith.constant 2 : i32
        %get3A_1943 = arith.index_cast %get3A_1942 : i32 to index
        %get3A_1944 = arith.index_cast %mul3A_1941 : i32 to index
        %get3A_1945 = tpu.vector_load %arg5[%get3A_1943, %get3A_1944] {strides = array<i32>} : memref<4x1024xf32, #tpu.memory_space<vmem>>, vector<1x16xf32>,
        %get3A_1946 = vector.shape_cast %get3A_1945 : vector<1x16xf32> to vector<16xf32>
        %mul3A_1947 = arith.mulf %get3A_1946, %get3A_1844 : vector<16xf32>
        %add3A_1948 = arith.addf %add3A_1796, %mul3A_1947 : vector<16xf32>
        %mul3A_1949 = arith.mulf %get3A_1946, %get3A_1851 : vector<16xf32>
        %add3A_1950 = arith.addf %add3A_1798, %mul3A_1949 : vector<16xf32>
        %mul3A_1951 = arith.mulf %get3A_1946, %get3A_1858 : vector<16xf32>
        %add3A_1952 = arith.addf %add3A_1800, %mul3A_1951 : vector<16xf32>
        %mul3A_1953 = arith.mulf %get3A_1946, %get3A_1865 : vector<16xf32>
        %add3A_1954 = arith.addf %add3A_1802, %mul3A_1953 : vector<16xf32>
        %mul3A_1955 = arith.mulf %get3A_1946, %get3A_1872 : vector<16xf32>
        %add3A_1956 = arith.addf %add3A_1804, %mul3A_1955 : vector<16xf32>
        %mul3A_1957 = arith.mulf %get3A_1946, %get3A_1879 : vector<16xf32>
        %add3A_1958 = arith.addf %add3A_1806, %mul3A_1957 : vector<16xf32>
        %mul3A_1959 = arith.mulf %get3A_1946, %get3A_1886 : vector<16xf32>
        %add3A_1960 = arith.addf %add3A_1808, %mul3A_1959 : vector<16xf32>
        %mul3A_1961 = arith.mulf %get3A_1946, %get3A_1893 : vector<16xf32>
        %add3A_1962 = arith.addf %add3A_1810, %mul3A_1961 : vector<16xf32>
        %mul3A_1963 = arith.constant 16 : i32
        %mul3A_1964 = arith.muli %add3A_1837, %mul3A_1963 : i32
        %get3A_1965 = arith.constant 3 : i32
        %get3A_1966 = arith.index_cast %get3A_1965 : i32 to index
        %get3A_1967 = arith.index_cast %mul3A_1964 : i32 to index
        %get3A_1968 = tpu.vector_load %arg5[%get3A_1966, %get3A_1967] {strides = array<i32>} : memref<4x1024xf32, #tpu.memory_space<vmem>>, vector<1x16xf32>,
        %get3A_1969 = vector.shape_cast %get3A_1968 : vector<1x16xf32> to vector<16xf32>
        %mul3A_1970 = arith.mulf %get3A_1969, %get3A_1844 : vector<16xf32>
        %add3A_1971 = arith.addf %add3A_1819, %mul3A_1970 : vector<16xf32>
        %mul3A_1972 = arith.mulf %get3A_1969, %get3A_1851 : vector<16xf32>
        %add3A_1973 = arith.addf %add3A_1821, %mul3A_1972 : vector<16xf32>
        %mul3A_1974 = arith.mulf %get3A_1969, %get3A_1858 : vector<16xf32>
        %add3A_1975 = arith.addf %add3A_1823, %mul3A_1974 : vector<16xf32>
        %mul3A_1976 = arith.mulf %get3A_1969, %get3A_1865 : vector<16xf32>
        %add3A_1977 = arith.addf %add3A_1825, %mul3A_1976 : vector<16xf32>
        %mul3A_1978 = arith.mulf %get3A_1969, %get3A_1872 : vector<16xf32>
        %add3A_1979 = arith.addf %add3A_1827, %mul3A_1978 : vector<16xf32>
        %mul3A_1980 = arith.mulf %get3A_1969, %get3A_1879 : vector<16xf32>
        %add3A_1981 = arith.addf %add3A_1829, %mul3A_1980 : vector<16xf32>
        %mul3A_1982 = arith.mulf %get3A_1969, %get3A_1886 : vector<16xf32>
        %add3A_1983 = arith.addf %add3A_1831, %mul3A_1982 : vector<16xf32>
        %mul3A_1984 = arith.mulf %get3A_1969, %get3A_1893 : vector<16xf32>
        %add3A_1985 = arith.addf %add3A_1833, %mul3A_1984 : vector<16xf32>
        %mul3A_1986 = arith.constant 4 : i32
        %mul3A_1987 = arith.muli %scan3A_1650, %mul3A_1986 : i32
        %add3A_1988 = arith.constant 2 : i32
        %add3A_1989 = arith.addi %mul3A_1987, %add3A_1988 : i32
        %mul3A_1990 = arith.constant 16 : i32
        %mul3A_1991 = arith.muli %add3A_1989, %mul3A_1990 : i32
        %get3A_1992 = arith.constant 0 : i32
        %get3A_1993 = arith.index_cast %get3A_1992 : i32 to index
        %get3A_1994 = arith.index_cast %mul3A_1991 : i32 to index
        %get3A_1995 = tpu.vector_load %arg7[%get3A_1993, %get3A_1994] {strides = array<i32>} : memref<8x1024xf32, #tpu.memory_space<vmem>>, vector<1x16xf32>,
        %get3A_1996 = vector.shape_cast %get3A_1995 : vector<1x16xf32> to vector<16xf32>
        %mul3A_1997 = arith.constant 16 : i32
        %mul3A_1998 = arith.muli %add3A_1989, %mul3A_1997 : i32
        %get3A_1999 = arith.constant 1 : i32
        %get3A_2000 = arith.index_cast %get3A_1999 : i32 to index
        %get3A_2001 = arith.index_cast %mul3A_1998 : i32 to index
        %get3A_2002 = tpu.vector_load %arg7[%get3A_2000, %get3A_2001] {strides = array<i32>} : memref<8x1024xf32, #tpu.memory_space<vmem>>, vector<1x16xf32>,
        %get3A_2003 = vector.shape_cast %get3A_2002 : vector<1x16xf32> to vector<16xf32>
        %mul3A_2004 = arith.constant 16 : i32
        %mul3A_2005 = arith.muli %add3A_1989, %mul3A_2004 : i32
        %get3A_2006 = arith.constant 2 : i32
        %get3A_2007 = arith.index_cast %get3A_2006 : i32 to index
        %get3A_2008 = arith.index_cast %mul3A_2005 : i32 to index
        %get3A_2009 = tpu.vector_load %arg7[%get3A_2007, %get3A_2008] {strides = array<i32>} : memref<8x1024xf32, #tpu.memory_space<vmem>>, vector<1x16xf32>,
        %get3A_2010 = vector.shape_cast %get3A_2009 : vector<1x16xf32> to vector<16xf32>
        %mul3A_2011 = arith.constant 16 : i32
        %mul3A_2012 = arith.muli %add3A_1989, %mul3A_2011 : i32
        %get3A_2013 = arith.constant 3 : i32
        %get3A_2014 = arith.index_cast %get3A_2013 : i32 to index
        %get3A_2015 = arith.index_cast %mul3A_2012 : i32 to index
        %get3A_2016 = tpu.vector_load %arg7[%get3A_2014, %get3A_2015] {strides = array<i32>} : memref<8x1024xf32, #tpu.memory_space<vmem>>, vector<1x16xf32>,
        %get3A_2017 = vector.shape_cast %get3A_2016 : vector<1x16xf32> to vector<16xf32>
        %mul3A_2018 = arith.constant 16 : i32
        %mul3A_2019 = arith.muli %add3A_1989, %mul3A_2018 : i32
        %get3A_2020 = arith.constant 4 : i32
        %get3A_2021 = arith.index_cast %get3A_2020 : i32 to index
        %get3A_2022 = arith.index_cast %mul3A_2019 : i32 to index
        %get3A_2023 = tpu.vector_load %arg7[%get3A_2021, %get3A_2022] {strides = array<i32>} : memref<8x1024xf32, #tpu.memory_space<vmem>>, vector<1x16xf32>,
        %get3A_2024 = vector.shape_cast %get3A_2023 : vector<1x16xf32> to vector<16xf32>
        %mul3A_2025 = arith.constant 16 : i32
        %mul3A_2026 = arith.muli %add3A_1989, %mul3A_2025 : i32
        %get3A_2027 = arith.constant 5 : i32
        %get3A_2028 = arith.index_cast %get3A_2027 : i32 to index
        %get3A_2029 = arith.index_cast %mul3A_2026 : i32 to index
        %get3A_2030 = tpu.vector_load %arg7[%get3A_2028, %get3A_2029] {strides = array<i32>} : memref<8x1024xf32, #tpu.memory_space<vmem>>, vector<1x16xf32>,
        %get3A_2031 = vector.shape_cast %get3A_2030 : vector<1x16xf32> to vector<16xf32>
        %mul3A_2032 = arith.constant 16 : i32
        %mul3A_2033 = arith.muli %add3A_1989, %mul3A_2032 : i32
        %get3A_2034 = arith.constant 6 : i32
        %get3A_2035 = arith.index_cast %get3A_2034 : i32 to index
        %get3A_2036 = arith.index_cast %mul3A_2033 : i32 to index
        %get3A_2037 = tpu.vector_load %arg7[%get3A_2035, %get3A_2036] {strides = array<i32>} : memref<8x1024xf32, #tpu.memory_space<vmem>>, vector<1x16xf32>,
        %get3A_2038 = vector.shape_cast %get3A_2037 : vector<1x16xf32> to vector<16xf32>
        %mul3A_2039 = arith.constant 16 : i32
        %mul3A_2040 = arith.muli %add3A_1989, %mul3A_2039 : i32
        %get3A_2041 = arith.constant 7 : i32
        %get3A_2042 = arith.index_cast %get3A_2041 : i32 to index
        %get3A_2043 = arith.index_cast %mul3A_2040 : i32 to index
        %get3A_2044 = tpu.vector_load %arg7[%get3A_2042, %get3A_2043] {strides = array<i32>} : memref<8x1024xf32, #tpu.memory_space<vmem>>, vector<1x16xf32>,
        %get3A_2045 = vector.shape_cast %get3A_2044 : vector<1x16xf32> to vector<16xf32>
        %mul3A_2046 = arith.constant 16 : i32
        %mul3A_2047 = arith.muli %add3A_1989, %mul3A_2046 : i32
        %get3A_2048 = arith.constant 0 : i32
        %get3A_2049 = arith.index_cast %get3A_2048 : i32 to index
        %get3A_2050 = arith.index_cast %mul3A_2047 : i32 to index
        %get3A_2051 = tpu.vector_load %arg5[%get3A_2049, %get3A_2050] {strides = array<i32>} : memref<4x1024xf32, #tpu.memory_space<vmem>>, vector<1x16xf32>,
        %get3A_2052 = vector.shape_cast %get3A_2051 : vector<1x16xf32> to vector<16xf32>
        %mul3A_2053 = arith.mulf %get3A_2052, %get3A_1996 : vector<16xf32>
        %add3A_2054 = arith.addf %add3A_1902, %mul3A_2053 : vector<16xf32>
        %mul3A_2055 = arith.mulf %get3A_2052, %get3A_2003 : vector<16xf32>
        %add3A_2056 = arith.addf %add3A_1904, %mul3A_2055 : vector<16xf32>
        %mul3A_2057 = arith.mulf %get3A_2052, %get3A_2010 : vector<16xf32>
        %add3A_2058 = arith.addf %add3A_1906, %mul3A_2057 : vector<16xf32>
        %mul3A_2059 = arith.mulf %get3A_2052, %get3A_2017 : vector<16xf32>
        %add3A_2060 = arith.addf %add3A_1908, %mul3A_2059 : vector<16xf32>
        %mul3A_2061 = arith.mulf %get3A_2052, %get3A_2024 : vector<16xf32>
        %add3A_2062 = arith.addf %add3A_1910, %mul3A_2061 : vector<16xf32>
        %mul3A_2063 = arith.mulf %get3A_2052, %get3A_2031 : vector<16xf32>
        %add3A_2064 = arith.addf %add3A_1912, %mul3A_2063 : vector<16xf32>
        %mul3A_2065 = arith.mulf %get3A_2052, %get3A_2038 : vector<16xf32>
        %add3A_2066 = arith.addf %add3A_1914, %mul3A_2065 : vector<16xf32>
        %mul3A_2067 = arith.mulf %get3A_2052, %get3A_2045 : vector<16xf32>
        %add3A_2068 = arith.addf %add3A_1916, %mul3A_2067 : vector<16xf32>
        %mul3A_2069 = arith.constant 16 : i32
        %mul3A_2070 = arith.muli %add3A_1989, %mul3A_2069 : i32
        %get3A_2071 = arith.constant 1 : i32
        %get3A_2072 = arith.index_cast %get3A_2071 : i32 to index
        %get3A_2073 = arith.index_cast %mul3A_2070 : i32 to index
        %get3A_2074 = tpu.vector_load %arg5[%get3A_2072, %get3A_2073] {strides = array<i32>} : memref<4x1024xf32, #tpu.memory_space<vmem>>, vector<1x16xf32>,
        %get3A_2075 = vector.shape_cast %get3A_2074 : vector<1x16xf32> to vector<16xf32>
        %mul3A_2076 = arith.mulf %get3A_2075, %get3A_1996 : vector<16xf32>
        %add3A_2077 = arith.addf %add3A_1925, %mul3A_2076 : vector<16xf32>
        %mul3A_2078 = arith.mulf %get3A_2075, %get3A_2003 : vector<16xf32>
        %add3A_2079 = arith.addf %add3A_1927, %mul3A_2078 : vector<16xf32>
        %mul3A_2080 = arith.mulf %get3A_2075, %get3A_2010 : vector<16xf32>
        %add3A_2081 = arith.addf %add3A_1929, %mul3A_2080 : vector<16xf32>
        %mul3A_2082 = arith.mulf %get3A_2075, %get3A_2017 : vector<16xf32>
        %add3A_2083 = arith.addf %add3A_1931, %mul3A_2082 : vector<16xf32>
        %mul3A_2084 = arith.mulf %get3A_2075, %get3A_2024 : vector<16xf32>
        %add3A_2085 = arith.addf %add3A_1933, %mul3A_2084 : vector<16xf32>
        %mul3A_2086 = arith.mulf %get3A_2075, %get3A_2031 : vector<16xf32>
        %add3A_2087 = arith.addf %add3A_1935, %mul3A_2086 : vector<16xf32>
        %mul3A_2088 = arith.mulf %get3A_2075, %get3A_2038 : vector<16xf32>
        %add3A_2089 = arith.addf %add3A_1937, %mul3A_2088 : vector<16xf32>
        %mul3A_2090 = arith.mulf %get3A_2075, %get3A_2045 : vector<16xf32>
        %add3A_2091 = arith.addf %add3A_1939, %mul3A_2090 : vector<16xf32>
        %mul3A_2092 = arith.constant 16 : i32
        %mul3A_2093 = arith.muli %add3A_1989, %mul3A_2092 : i32
        %get3A_2094 = arith.constant 2 : i32
        %get3A_2095 = arith.index_cast %get3A_2094 : i32 to index
        %get3A_2096 = arith.index_cast %mul3A_2093 : i32 to index
        %get3A_2097 = tpu.vector_load %arg5[%get3A_2095, %get3A_2096] {strides = array<i32>} : memref<4x1024xf32, #tpu.memory_space<vmem>>, vector<1x16xf32>,
        %get3A_2098 = vector.shape_cast %get3A_2097 : vector<1x16xf32> to vector<16xf32>
        %mul3A_2099 = arith.mulf %get3A_2098, %get3A_1996 : vector<16xf32>
        %add3A_2100 = arith.addf %add3A_1948, %mul3A_2099 : vector<16xf32>
        %mul3A_2101 = arith.mulf %get3A_2098, %get3A_2003 : vector<16xf32>
        %add3A_2102 = arith.addf %add3A_1950, %mul3A_2101 : vector<16xf32>
        %mul3A_2103 = arith.mulf %get3A_2098, %get3A_2010 : vector<16xf32>
        %add3A_2104 = arith.addf %add3A_1952, %mul3A_2103 : vector<16xf32>
        %mul3A_2105 = arith.mulf %get3A_2098, %get3A_2017 : vector<16xf32>
        %add3A_2106 = arith.addf %add3A_1954, %mul3A_2105 : vector<16xf32>
        %mul3A_2107 = arith.mulf %get3A_2098, %get3A_2024 : vector<16xf32>
        %add3A_2108 = arith.addf %add3A_1956, %mul3A_2107 : vector<16xf32>
        %mul3A_2109 = arith.mulf %get3A_2098, %get3A_2031 : vector<16xf32>
        %add3A_2110 = arith.addf %add3A_1958, %mul3A_2109 : vector<16xf32>
        %mul3A_2111 = arith.mulf %get3A_2098, %get3A_2038 : vector<16xf32>
        %add3A_2112 = arith.addf %add3A_1960, %mul3A_2111 : vector<16xf32>
        %mul3A_2113 = arith.mulf %get3A_2098, %get3A_2045 : vector<16xf32>
        %add3A_2114 = arith.addf %add3A_1962, %mul3A_2113 : vector<16xf32>
        %mul3A_2115 = arith.constant 16 : i32
        %mul3A_2116 = arith.muli %add3A_1989, %mul3A_2115 : i32
        %get3A_2117 = arith.constant 3 : i32
        %get3A_2118 = arith.index_cast %get3A_2117 : i32 to index
        %get3A_2119 = arith.index_cast %mul3A_2116 : i32 to index
        %get3A_2120 = tpu.vector_load %arg5[%get3A_2118, %get3A_2119] {strides = array<i32>} : memref<4x1024xf32, #tpu.memory_space<vmem>>, vector<1x16xf32>,
        %get3A_2121 = vector.shape_cast %get3A_2120 : vector<1x16xf32> to vector<16xf32>
        %mul3A_2122 = arith.mulf %get3A_2121, %get3A_1996 : vector<16xf32>
        %add3A_2123 = arith.addf %add3A_1971, %mul3A_2122 : vector<16xf32>
        %mul3A_2124 = arith.mulf %get3A_2121, %get3A_2003 : vector<16xf32>
        %add3A_2125 = arith.addf %add3A_1973, %mul3A_2124 : vector<16xf32>
        %mul3A_2126 = arith.mulf %get3A_2121, %get3A_2010 : vector<16xf32>
        %add3A_2127 = arith.addf %add3A_1975, %mul3A_2126 : vector<16xf32>
        %mul3A_2128 = arith.mulf %get3A_2121, %get3A_2017 : vector<16xf32>
        %add3A_2129 = arith.addf %add3A_1977, %mul3A_2128 : vector<16xf32>
        %mul3A_2130 = arith.mulf %get3A_2121, %get3A_2024 : vector<16xf32>
        %add3A_2131 = arith.addf %add3A_1979, %mul3A_2130 : vector<16xf32>
        %mul3A_2132 = arith.mulf %get3A_2121, %get3A_2031 : vector<16xf32>
        %add3A_2133 = arith.addf %add3A_1981, %mul3A_2132 : vector<16xf32>
        %mul3A_2134 = arith.mulf %get3A_2121, %get3A_2038 : vector<16xf32>
        %add3A_2135 = arith.addf %add3A_1983, %mul3A_2134 : vector<16xf32>
        %mul3A_2136 = arith.mulf %get3A_2121, %get3A_2045 : vector<16xf32>
        %add3A_2137 = arith.addf %add3A_1985, %mul3A_2136 : vector<16xf32>
        %mul3A_2138 = arith.constant 4 : i32
        %mul3A_2139 = arith.muli %scan3A_1650, %mul3A_2138 : i32
        %add3A_2140 = arith.constant 3 : i32
        %add3A_2141 = arith.addi %mul3A_2139, %add3A_2140 : i32
        %mul3A_2142 = arith.constant 16 : i32
        %mul3A_2143 = arith.muli %add3A_2141, %mul3A_2142 : i32
        %get3A_2144 = arith.constant 0 : i32
        %get3A_2145 = arith.index_cast %get3A_2144 : i32 to index
        %get3A_2146 = arith.index_cast %mul3A_2143 : i32 to index
        %get3A_2147 = tpu.vector_load %arg7[%get3A_2145, %get3A_2146] {strides = array<i32>} : memref<8x1024xf32, #tpu.memory_space<vmem>>, vector<1x16xf32>,
        %get3A_2148 = vector.shape_cast %get3A_2147 : vector<1x16xf32> to vector<16xf32>
        %mul3A_2149 = arith.constant 16 : i32
        %mul3A_2150 = arith.muli %add3A_2141, %mul3A_2149 : i32
        %get3A_2151 = arith.constant 1 : i32
        %get3A_2152 = arith.index_cast %get3A_2151 : i32 to index
        %get3A_2153 = arith.index_cast %mul3A_2150 : i32 to index
        %get3A_2154 = tpu.vector_load %arg7[%get3A_2152, %get3A_2153] {strides = array<i32>} : memref<8x1024xf32, #tpu.memory_space<vmem>>, vector<1x16xf32>,
        %get3A_2155 = vector.shape_cast %get3A_2154 : vector<1x16xf32> to vector<16xf32>
        %mul3A_2156 = arith.constant 16 : i32
        %mul3A_2157 = arith.muli %add3A_2141, %mul3A_2156 : i32
        %get3A_2158 = arith.constant 2 : i32
        %get3A_2159 = arith.index_cast %get3A_2158 : i32 to index
        %get3A_2160 = arith.index_cast %mul3A_2157 : i32 to index
        %get3A_2161 = tpu.vector_load %arg7[%get3A_2159, %get3A_2160] {strides = array<i32>} : memref<8x1024xf32, #tpu.memory_space<vmem>>, vector<1x16xf32>,
        %get3A_2162 = vector.shape_cast %get3A_2161 : vector<1x16xf32> to vector<16xf32>
        %mul3A_2163 = arith.constant 16 : i32
        %mul3A_2164 = arith.muli %add3A_2141, %mul3A_2163 : i32
        %get3A_2165 = arith.constant 3 : i32
        %get3A_2166 = arith.index_cast %get3A_2165 : i32 to index
        %get3A_2167 = arith.index_cast %mul3A_2164 : i32 to index
        %get3A_2168 = tpu.vector_load %arg7[%get3A_2166, %get3A_2167] {strides = array<i32>} : memref<8x1024xf32, #tpu.memory_space<vmem>>, vector<1x16xf32>,
        %get3A_2169 = vector.shape_cast %get3A_2168 : vector<1x16xf32> to vector<16xf32>
        %mul3A_2170 = arith.constant 16 : i32
        %mul3A_2171 = arith.muli %add3A_2141, %mul3A_2170 : i32
        %get3A_2172 = arith.constant 4 : i32
        %get3A_2173 = arith.index_cast %get3A_2172 : i32 to index
        %get3A_2174 = arith.index_cast %mul3A_2171 : i32 to index
        %get3A_2175 = tpu.vector_load %arg7[%get3A_2173, %get3A_2174] {strides = array<i32>} : memref<8x1024xf32, #tpu.memory_space<vmem>>, vector<1x16xf32>,
        %get3A_2176 = vector.shape_cast %get3A_2175 : vector<1x16xf32> to vector<16xf32>
        %mul3A_2177 = arith.constant 16 : i32
        %mul3A_2178 = arith.muli %add3A_2141, %mul3A_2177 : i32
        %get3A_2179 = arith.constant 5 : i32
        %get3A_2180 = arith.index_cast %get3A_2179 : i32 to index
        %get3A_2181 = arith.index_cast %mul3A_2178 : i32 to index
        %get3A_2182 = tpu.vector_load %arg7[%get3A_2180, %get3A_2181] {strides = array<i32>} : memref<8x1024xf32, #tpu.memory_space<vmem>>, vector<1x16xf32>,
        %get3A_2183 = vector.shape_cast %get3A_2182 : vector<1x16xf32> to vector<16xf32>
        %mul3A_2184 = arith.constant 16 : i32
        %mul3A_2185 = arith.muli %add3A_2141, %mul3A_2184 : i32
        %get3A_2186 = arith.constant 6 : i32
        %get3A_2187 = arith.index_cast %get3A_2186 : i32 to index
        %get3A_2188 = arith.index_cast %mul3A_2185 : i32 to index
        %get3A_2189 = tpu.vector_load %arg7[%get3A_2187, %get3A_2188] {strides = array<i32>} : memref<8x1024xf32, #tpu.memory_space<vmem>>, vector<1x16xf32>,
        %get3A_2190 = vector.shape_cast %get3A_2189 : vector<1x16xf32> to vector<16xf32>
        %mul3A_2191 = arith.constant 16 : i32
        %mul3A_2192 = arith.muli %add3A_2141, %mul3A_2191 : i32
        %get3A_2193 = arith.constant 7 : i32
        %get3A_2194 = arith.index_cast %get3A_2193 : i32 to index
        %get3A_2195 = arith.index_cast %mul3A_2192 : i32 to index
        %get3A_2196 = tpu.vector_load %arg7[%get3A_2194, %get3A_2195] {strides = array<i32>} : memref<8x1024xf32, #tpu.memory_space<vmem>>, vector<1x16xf32>,
        %get3A_2197 = vector.shape_cast %get3A_2196 : vector<1x16xf32> to vector<16xf32>
        %mul3A_2198 = arith.constant 16 : i32
        %mul3A_2199 = arith.muli %add3A_2141, %mul3A_2198 : i32
        %get3A_2200 = arith.constant 0 : i32
        %get3A_2201 = arith.index_cast %get3A_2200 : i32 to index
        %get3A_2202 = arith.index_cast %mul3A_2199 : i32 to index
        %get3A_2203 = tpu.vector_load %arg5[%get3A_2201, %get3A_2202] {strides = array<i32>} : memref<4x1024xf32, #tpu.memory_space<vmem>>, vector<1x16xf32>,
        %get3A_2204 = vector.shape_cast %get3A_2203 : vector<1x16xf32> to vector<16xf32>
        %mul3A_2205 = arith.mulf %get3A_2204, %get3A_2148 : vector<16xf32>
        %add3A_2206 = arith.addf %add3A_2054, %mul3A_2205 : vector<16xf32>
        %mul3A_2207 = arith.mulf %get3A_2204, %get3A_2155 : vector<16xf32>
        %add3A_2208 = arith.addf %add3A_2056, %mul3A_2207 : vector<16xf32>
        %mul3A_2209 = arith.mulf %get3A_2204, %get3A_2162 : vector<16xf32>
        %add3A_2210 = arith.addf %add3A_2058, %mul3A_2209 : vector<16xf32>
        %mul3A_2211 = arith.mulf %get3A_2204, %get3A_2169 : vector<16xf32>
        %add3A_2212 = arith.addf %add3A_2060, %mul3A_2211 : vector<16xf32>
        %mul3A_2213 = arith.mulf %get3A_2204, %get3A_2176 : vector<16xf32>
        %add3A_2214 = arith.addf %add3A_2062, %mul3A_2213 : vector<16xf32>
        %mul3A_2215 = arith.mulf %get3A_2204, %get3A_2183 : vector<16xf32>
        %add3A_2216 = arith.addf %add3A_2064, %mul3A_2215 : vector<16xf32>
        %mul3A_2217 = arith.mulf %get3A_2204, %get3A_2190 : vector<16xf32>
        %add3A_2218 = arith.addf %add3A_2066, %mul3A_2217 : vector<16xf32>
        %mul3A_2219 = arith.mulf %get3A_2204, %get3A_2197 : vector<16xf32>
        %add3A_2220 = arith.addf %add3A_2068, %mul3A_2219 : vector<16xf32>
        %mul3A_2221 = arith.constant 16 : i32
        %mul3A_2222 = arith.muli %add3A_2141, %mul3A_2221 : i32
        %get3A_2223 = arith.constant 1 : i32
        %get3A_2224 = arith.index_cast %get3A_2223 : i32 to index
        %get3A_2225 = arith.index_cast %mul3A_2222 : i32 to index
        %get3A_2226 = tpu.vector_load %arg5[%get3A_2224, %get3A_2225] {strides = array<i32>} : memref<4x1024xf32, #tpu.memory_space<vmem>>, vector<1x16xf32>,
        %get3A_2227 = vector.shape_cast %get3A_2226 : vector<1x16xf32> to vector<16xf32>
        %mul3A_2228 = arith.mulf %get3A_2227, %get3A_2148 : vector<16xf32>
        %add3A_2229 = arith.addf %add3A_2077, %mul3A_2228 : vector<16xf32>
        %mul3A_2230 = arith.mulf %get3A_2227, %get3A_2155 : vector<16xf32>
        %add3A_2231 = arith.addf %add3A_2079, %mul3A_2230 : vector<16xf32>
        %mul3A_2232 = arith.mulf %get3A_2227, %get3A_2162 : vector<16xf32>
        %add3A_2233 = arith.addf %add3A_2081, %mul3A_2232 : vector<16xf32>
        %mul3A_2234 = arith.mulf %get3A_2227, %get3A_2169 : vector<16xf32>
        %add3A_2235 = arith.addf %add3A_2083, %mul3A_2234 : vector<16xf32>
        %mul3A_2236 = arith.mulf %get3A_2227, %get3A_2176 : vector<16xf32>
        %add3A_2237 = arith.addf %add3A_2085, %mul3A_2236 : vector<16xf32>
        %mul3A_2238 = arith.mulf %get3A_2227, %get3A_2183 : vector<16xf32>
        %add3A_2239 = arith.addf %add3A_2087, %mul3A_2238 : vector<16xf32>
        %mul3A_2240 = arith.mulf %get3A_2227, %get3A_2190 : vector<16xf32>
        %add3A_2241 = arith.addf %add3A_2089, %mul3A_2240 : vector<16xf32>
        %mul3A_2242 = arith.mulf %get3A_2227, %get3A_2197 : vector<16xf32>
        %add3A_2243 = arith.addf %add3A_2091, %mul3A_2242 : vector<16xf32>
        %mul3A_2244 = arith.constant 16 : i32
        %mul3A_2245 = arith.muli %add3A_2141, %mul3A_2244 : i32
        %get3A_2246 = arith.constant 2 : i32
        %get3A_2247 = arith.index_cast %get3A_2246 : i32 to index
        %get3A_2248 = arith.index_cast %mul3A_2245 : i32 to index
        %get3A_2249 = tpu.vector_load %arg5[%get3A_2247, %get3A_2248] {strides = array<i32>} : memref<4x1024xf32, #tpu.memory_space<vmem>>, vector<1x16xf32>,
        %get3A_2250 = vector.shape_cast %get3A_2249 : vector<1x16xf32> to vector<16xf32>
        %mul3A_2251 = arith.mulf %get3A_2250, %get3A_2148 : vector<16xf32>
        %add3A_2252 = arith.addf %add3A_2100, %mul3A_2251 : vector<16xf32>
        %mul3A_2253 = arith.mulf %get3A_2250, %get3A_2155 : vector<16xf32>
        %add3A_2254 = arith.addf %add3A_2102, %mul3A_2253 : vector<16xf32>
        %mul3A_2255 = arith.mulf %get3A_2250, %get3A_2162 : vector<16xf32>
        %add3A_2256 = arith.addf %add3A_2104, %mul3A_2255 : vector<16xf32>
        %mul3A_2257 = arith.mulf %get3A_2250, %get3A_2169 : vector<16xf32>
        %add3A_2258 = arith.addf %add3A_2106, %mul3A_2257 : vector<16xf32>
        %mul3A_2259 = arith.mulf %get3A_2250, %get3A_2176 : vector<16xf32>
        %add3A_2260 = arith.addf %add3A_2108, %mul3A_2259 : vector<16xf32>
        %mul3A_2261 = arith.mulf %get3A_2250, %get3A_2183 : vector<16xf32>
        %add3A_2262 = arith.addf %add3A_2110, %mul3A_2261 : vector<16xf32>
        %mul3A_2263 = arith.mulf %get3A_2250, %get3A_2190 : vector<16xf32>
        %add3A_2264 = arith.addf %add3A_2112, %mul3A_2263 : vector<16xf32>
        %mul3A_2265 = arith.mulf %get3A_2250, %get3A_2197 : vector<16xf32>
        %add3A_2266 = arith.addf %add3A_2114, %mul3A_2265 : vector<16xf32>
        %mul3A_2267 = arith.constant 16 : i32
        %mul3A_2268 = arith.muli %add3A_2141, %mul3A_2267 : i32
        %get3A_2269 = arith.constant 3 : i32
        %get3A_2270 = arith.index_cast %get3A_2269 : i32 to index
        %get3A_2271 = arith.index_cast %mul3A_2268 : i32 to index
        %get3A_2272 = tpu.vector_load %arg5[%get3A_2270, %get3A_2271] {strides = array<i32>} : memref<4x1024xf32, #tpu.memory_space<vmem>>, vector<1x16xf32>,
        %get3A_2273 = vector.shape_cast %get3A_2272 : vector<1x16xf32> to vector<16xf32>
        %mul3A_2274 = arith.mulf %get3A_2273, %get3A_2148 : vector<16xf32>
        %add3A_2275 = arith.addf %add3A_2123, %mul3A_2274 : vector<16xf32>
        %mul3A_2276 = arith.mulf %get3A_2273, %get3A_2155 : vector<16xf32>
        %add3A_2277 = arith.addf %add3A_2125, %mul3A_2276 : vector<16xf32>
        %mul3A_2278 = arith.mulf %get3A_2273, %get3A_2162 : vector<16xf32>
        %add3A_2279 = arith.addf %add3A_2127, %mul3A_2278 : vector<16xf32>
        %mul3A_2280 = arith.mulf %get3A_2273, %get3A_2169 : vector<16xf32>
        %add3A_2281 = arith.addf %add3A_2129, %mul3A_2280 : vector<16xf32>
        %mul3A_2282 = arith.mulf %get3A_2273, %get3A_2176 : vector<16xf32>
        %add3A_2283 = arith.addf %add3A_2131, %mul3A_2282 : vector<16xf32>
        %mul3A_2284 = arith.mulf %get3A_2273, %get3A_2183 : vector<16xf32>
        %add3A_2285 = arith.addf %add3A_2133, %mul3A_2284 : vector<16xf32>
        %mul3A_2286 = arith.mulf %get3A_2273, %get3A_2190 : vector<16xf32>
        %add3A_2287 = arith.addf %add3A_2135, %mul3A_2286 : vector<16xf32>
        %mul3A_2288 = arith.mulf %get3A_2273, %get3A_2197 : vector<16xf32>
        %add3A_2289 = arith.addf %add3A_2137, %mul3A_2288 : vector<16xf32>
        scf.yield %add3A_2206, %add3A_2208, %add3A_2210, %add3A_2212, %add3A_2214, %add3A_2216, %add3A_2218, %add3A_2220, %add3A_2229, %add3A_2231, %add3A_2233, %add3A_2235, %add3A_2237, %add3A_2239, %add3A_2241, %add3A_2243, %add3A_2252, %add3A_2254, %add3A_2256, %add3A_2258, %add3A_2260, %add3A_2262, %add3A_2264, %add3A_2266, %add3A_2275, %add3A_2277, %add3A_2279, %add3A_2281, %add3A_2283, %add3A_2285, %add3A_2287, %add3A_2289 : vector<16xf32>, vector<16xf32>, vector<16xf32>, vector<16xf32>, vector<16xf32>, vector<16xf32>, vector<16xf32>, vector<16xf32>, vector<16xf32>, vector<16xf32>, vector<16xf32>, vector<16xf32>, vector<16xf32>, vector<16xf32>, vector<16xf32>, vector<16xf32>, vector<16xf32>, vector<16xf32>, vector<16xf32>, vector<16xf32>, vector<16xf32>, vector<16xf32>, vector<16xf32>, vector<16xf32>, vector<16xf32>, vector<16xf32>, vector<16xf32>, vector<16xf32>, vector<16xf32>, vector<16xf32>, vector<16xf32>, vector<16xf32>
      }
      %scan3A_240 = arith.constant 16 : i32
      %broadcast_in_dim3A_241 = arith.constant 0.000000e+00 : f32
      %broadcast_in_dim3A_242 = vector.broadcast %broadcast_in_dim3A_241 : f32 to vector<16xf32>
      %broadcast_in_dim3A_243 = arith.constant 0.000000e+00 : f32
      %broadcast_in_dim3A_244 = vector.broadcast %broadcast_in_dim3A_243 : f32 to vector<16xf32>
      %broadcast_in_dim3A_245 = vector.shape_cast %select_n3A_59 : vector<16xi32> to vector<16x1xi32>
      %gather3A = vector.shape_cast %broadcast_in_dim3A_245 : vector<16x1xi32> to vector<16xi32>
      %gather3A_246 = tpu.dynamic_gather %scan3A_239#0[%gather3A] in [0] : vector<16xf32>, vector<16xi32> -> vector<16xf32>
      %add3A_247 = arith.addf %scan3A_239#0, %gather3A_246 : vector<16xf32>
      %broadcast_in_dim3A_248 = vector.shape_cast %select_n3A_84 : vector<16xi32> to vector<16x1xi32>
      %gather3A_249 = vector.shape_cast %broadcast_in_dim3A_248 : vector<16x1xi32> to vector<16xi32>
      %gather3A_250 = tpu.dynamic_gather %add3A_247[%gather3A_249] in [0] : vector<16xf32>, vector<16xi32> -> vector<16xf32>
      %add3A_251 = arith.addf %add3A_247, %gather3A_250 : vector<16xf32>
      %broadcast_in_dim3A_252 = vector.shape_cast %select_n3A_109 : vector<16xi32> to vector<16x1xi32>
      %gather3A_253 = vector.shape_cast %broadcast_in_dim3A_252 : vector<16x1xi32> to vector<16xi32>
      %gather3A_254 = tpu.dynamic_gather %add3A_251[%gather3A_253] in [0] : vector<16xf32>, vector<16xi32> -> vector<16xf32>
      %add3A_255 = arith.addf %add3A_251, %gather3A_254 : vector<16xf32>
      %broadcast_in_dim3A_256 = vector.shape_cast %select_n3A_134 : vector<16xi32> to vector<16x1xi32>
      %gather3A_257 = vector.shape_cast %broadcast_in_dim3A_256 : vector<16x1xi32> to vector<16xi32>
      %gather3A_258 = tpu.dynamic_gather %add3A_255[%gather3A_257] in [0] : vector<16xf32>, vector<16xi32> -> vector<16xf32>
      %add3A_259 = arith.addf %add3A_255, %gather3A_258 : vector<16xf32>
      %eq3A_260 = arith.constant 0 : i32
      %eq3A_261 = vector.broadcast %eq3A_260 : i32 to vector<16xi32>
      %eq3A_262 = arith.cmpi eq, %iota3A, %eq3A_261 : vector<16xi32>
      %select_n3A_263 = arith.select %eq3A_262, %add3A_259, %broadcast_in_dim3A_242 : vector<16xi1>, vector<16xf32>
      %broadcast_in_dim3A_264 = vector.shape_cast %select_n3A_59 : vector<16xi32> to vector<16x1xi32>
      %gather3A_265 = vector.shape_cast %broadcast_in_dim3A_264 : vector<16x1xi32> to vector<16xi32>
      %gather3A_266 = tpu.dynamic_gather %scan3A_239#1[%gather3A_265] in [0] : vector<16xf32>, vector<16xi32> -> vector<16xf32>
      %add3A_267 = arith.addf %scan3A_239#1, %gather3A_266 : vector<16xf32>
      %broadcast_in_dim3A_268 = vector.shape_cast %select_n3A_84 : vector<16xi32> to vector<16x1xi32>
      %gather3A_269 = vector.shape_cast %broadcast_in_dim3A_268 : vector<16x1xi32> to vector<16xi32>
      %gather3A_270 = tpu.dynamic_gather %add3A_267[%gather3A_269] in [0] : vector<16xf32>, vector<16xi32> -> vector<16xf32>
      %add3A_271 = arith.addf %add3A_267, %gather3A_270 : vector<16xf32>
      %broadcast_in_dim3A_272 = vector.shape_cast %select_n3A_109 : vector<16xi32> to vector<16x1xi32>
      %gather3A_273 = vector.shape_cast %broadcast_in_dim3A_272 : vector<16x1xi32> to vector<16xi32>
      %gather3A_274 = tpu.dynamic_gather %add3A_271[%gather3A_273] in [0] : vector<16xf32>, vector<16xi32> -> vector<16xf32>
      %add3A_275 = arith.addf %add3A_271, %gather3A_274 : vector<16xf32>
      %broadcast_in_dim3A_276 = vector.shape_cast %select_n3A_134 : vector<16xi32> to vector<16x1xi32>
      %gather3A_277 = vector.shape_cast %broadcast_in_dim3A_276 : vector<16x1xi32> to vector<16xi32>
      %gather3A_278 = tpu.dynamic_gather %add3A_275[%gather3A_277] in [0] : vector<16xf32>, vector<16xi32> -> vector<16xf32>
      %add3A_279 = arith.addf %add3A_275, %gather3A_278 : vector<16xf32>
      %eq3A_280 = arith.constant 1 : i32
      %eq3A_281 = vector.broadcast %eq3A_280 : i32 to vector<16xi32>
      %eq3A_282 = arith.cmpi eq, %iota3A, %eq3A_281 : vector<16xi32>
      %select_n3A_283 = arith.select %eq3A_282, %add3A_279, %select_n3A_263 : vector<16xi1>, vector<16xf32>
      %broadcast_in_dim3A_284 = vector.shape_cast %select_n3A_59 : vector<16xi32> to vector<16x1xi32>
      %gather3A_285 = vector.shape_cast %broadcast_in_dim3A_284 : vector<16x1xi32> to vector<16xi32>
      %gather3A_286 = tpu.dynamic_gather %scan3A_239#2[%gather3A_285] in [0] : vector<16xf32>, vector<16xi32> -> vector<16xf32>
      %add3A_287 = arith.addf %scan3A_239#2, %gather3A_286 : vector<16xf32>
      %broadcast_in_dim3A_288 = vector.shape_cast %select_n3A_84 : vector<16xi32> to vector<16x1xi32>
      %gather3A_289 = vector.shape_cast %broadcast_in_dim3A_288 : vector<16x1xi32> to vector<16xi32>
      %gather3A_290 = tpu.dynamic_gather %add3A_287[%gather3A_289] in [0] : vector<16xf32>, vector<16xi32> -> vector<16xf32>
      %add3A_291 = arith.addf %add3A_287, %gather3A_290 : vector<16xf32>
      %broadcast_in_dim3A_292 = vector.shape_cast %select_n3A_109 : vector<16xi32> to vector<16x1xi32>
      %gather3A_293 = vector.shape_cast %broadcast_in_dim3A_292 : vector<16x1xi32> to vector<16xi32>
      %gather3A_294 = tpu.dynamic_gather %add3A_291[%gather3A_293] in [0] : vector<16xf32>, vector<16xi32> -> vector<16xf32>
      %add3A_295 = arith.addf %add3A_291, %gather3A_294 : vector<16xf32>
      %broadcast_in_dim3A_296 = vector.shape_cast %select_n3A_134 : vector<16xi32> to vector<16x1xi32>
      %gather3A_297 = vector.shape_cast %broadcast_in_dim3A_296 : vector<16x1xi32> to vector<16xi32>
      %gather3A_298 = tpu.dynamic_gather %add3A_295[%gather3A_297] in [0] : vector<16xf32>, vector<16xi32> -> vector<16xf32>
      %add3A_299 = arith.addf %add3A_295, %gather3A_298 : vector<16xf32>
      %eq3A_300 = arith.constant 2 : i32
      %eq3A_301 = vector.broadcast %eq3A_300 : i32 to vector<16xi32>
      %eq3A_302 = arith.cmpi eq, %iota3A, %eq3A_301 : vector<16xi32>
      %select_n3A_303 = arith.select %eq3A_302, %add3A_299, %select_n3A_283 : vector<16xi1>, vector<16xf32>
      %broadcast_in_dim3A_304 = vector.shape_cast %select_n3A_59 : vector<16xi32> to vector<16x1xi32>
      %gather3A_305 = vector.shape_cast %broadcast_in_dim3A_304 : vector<16x1xi32> to vector<16xi32>
      %gather3A_306 = tpu.dynamic_gather %scan3A_239#3[%gather3A_305] in [0] : vector<16xf32>, vector<16xi32> -> vector<16xf32>
      %add3A_307 = arith.addf %scan3A_239#3, %gather3A_306 : vector<16xf32>
      %broadcast_in_dim3A_308 = vector.shape_cast %select_n3A_84 : vector<16xi32> to vector<16x1xi32>
      %gather3A_309 = vector.shape_cast %broadcast_in_dim3A_308 : vector<16x1xi32> to vector<16xi32>
      %gather3A_310 = tpu.dynamic_gather %add3A_307[%gather3A_309] in [0] : vector<16xf32>, vector<16xi32> -> vector<16xf32>
      %add3A_311 = arith.addf %add3A_307, %gather3A_310 : vector<16xf32>
      %broadcast_in_dim3A_312 = vector.shape_cast %select_n3A_109 : vector<16xi32> to vector<16x1xi32>
      %gather3A_313 = vector.shape_cast %broadcast_in_dim3A_312 : vector<16x1xi32> to vector<16xi32>
      %gather3A_314 = tpu.dynamic_gather %add3A_311[%gather3A_313] in [0] : vector<16xf32>, vector<16xi32> -> vector<16xf32>
      %add3A_315 = arith.addf %add3A_311, %gather3A_314 : vector<16xf32>
      %broadcast_in_dim3A_316 = vector.shape_cast %select_n3A_134 : vector<16xi32> to vector<16x1xi32>
      %gather3A_317 = vector.shape_cast %broadcast_in_dim3A_316 : vector<16x1xi32> to vector<16xi32>
      %gather3A_318 = tpu.dynamic_gather %add3A_315[%gather3A_317] in [0] : vector<16xf32>, vector<16xi32> -> vector<16xf32>
      %add3A_319 = arith.addf %add3A_315, %gather3A_318 : vector<16xf32>
      %eq3A_320 = arith.constant 3 : i32
      %eq3A_321 = vector.broadcast %eq3A_320 : i32 to vector<16xi32>
      %eq3A_322 = arith.cmpi eq, %iota3A, %eq3A_321 : vector<16xi32>
      %select_n3A_323 = arith.select %eq3A_322, %add3A_319, %select_n3A_303 : vector<16xi1>, vector<16xf32>
      %broadcast_in_dim3A_324 = vector.shape_cast %select_n3A_59 : vector<16xi32> to vector<16x1xi32>
      %gather3A_325 = vector.shape_cast %broadcast_in_dim3A_324 : vector<16x1xi32> to vector<16xi32>
      %gather3A_326 = tpu.dynamic_gather %scan3A_239#4[%gather3A_325] in [0] : vector<16xf32>, vector<16xi32> -> vector<16xf32>
      %add3A_327 = arith.addf %scan3A_239#4, %gather3A_326 : vector<16xf32>
      %broadcast_in_dim3A_328 = vector.shape_cast %select_n3A_84 : vector<16xi32> to vector<16x1xi32>
      %gather3A_329 = vector.shape_cast %broadcast_in_dim3A_328 : vector<16x1xi32> to vector<16xi32>
      %gather3A_330 = tpu.dynamic_gather %add3A_327[%gather3A_329] in [0] : vector<16xf32>, vector<16xi32> -> vector<16xf32>
      %add3A_331 = arith.addf %add3A_327, %gather3A_330 : vector<16xf32>
      %broadcast_in_dim3A_332 = vector.shape_cast %select_n3A_109 : vector<16xi32> to vector<16x1xi32>
      %gather3A_333 = vector.shape_cast %broadcast_in_dim3A_332 : vector<16x1xi32> to vector<16xi32>
      %gather3A_334 = tpu.dynamic_gather %add3A_331[%gather3A_333] in [0] : vector<16xf32>, vector<16xi32> -> vector<16xf32>
      %add3A_335 = arith.addf %add3A_331, %gather3A_334 : vector<16xf32>
      %broadcast_in_dim3A_336 = vector.shape_cast %select_n3A_134 : vector<16xi32> to vector<16x1xi32>
      %gather3A_337 = vector.shape_cast %broadcast_in_dim3A_336 : vector<16x1xi32> to vector<16xi32>
      %gather3A_338 = tpu.dynamic_gather %add3A_335[%gather3A_337] in [0] : vector<16xf32>, vector<16xi32> -> vector<16xf32>
      %add3A_339 = arith.addf %add3A_335, %gather3A_338 : vector<16xf32>
      %eq3A_340 = arith.constant 4 : i32
      %eq3A_341 = vector.broadcast %eq3A_340 : i32 to vector<16xi32>
      %eq3A_342 = arith.cmpi eq, %iota3A, %eq3A_341 : vector<16xi32>
      %select_n3A_343 = arith.select %eq3A_342, %add3A_339, %select_n3A_323 : vector<16xi1>, vector<16xf32>
      %broadcast_in_dim3A_344 = vector.shape_cast %select_n3A_59 : vector<16xi32> to vector<16x1xi32>
      %gather3A_345 = vector.shape_cast %broadcast_in_dim3A_344 : vector<16x1xi32> to vector<16xi32>
      %gather3A_346 = tpu.dynamic_gather %scan3A_239#5[%gather3A_345] in [0] : vector<16xf32>, vector<16xi32> -> vector<16xf32>
      %add3A_347 = arith.addf %scan3A_239#5, %gather3A_346 : vector<16xf32>
      %broadcast_in_dim3A_348 = vector.shape_cast %select_n3A_84 : vector<16xi32> to vector<16x1xi32>
      %gather3A_349 = vector.shape_cast %broadcast_in_dim3A_348 : vector<16x1xi32> to vector<16xi32>
      %gather3A_350 = tpu.dynamic_gather %add3A_347[%gather3A_349] in [0] : vector<16xf32>, vector<16xi32> -> vector<16xf32>
      %add3A_351 = arith.addf %add3A_347, %gather3A_350 : vector<16xf32>
      %broadcast_in_dim3A_352 = vector.shape_cast %select_n3A_109 : vector<16xi32> to vector<16x1xi32>
      %gather3A_353 = vector.shape_cast %broadcast_in_dim3A_352 : vector<16x1xi32> to vector<16xi32>
      %gather3A_354 = tpu.dynamic_gather %add3A_351[%gather3A_353] in [0] : vector<16xf32>, vector<16xi32> -> vector<16xf32>
      %add3A_355 = arith.addf %add3A_351, %gather3A_354 : vector<16xf32>
      %broadcast_in_dim3A_356 = vector.shape_cast %select_n3A_134 : vector<16xi32> to vector<16x1xi32>
      %gather3A_357 = vector.shape_cast %broadcast_in_dim3A_356 : vector<16x1xi32> to vector<16xi32>
      %gather3A_358 = tpu.dynamic_gather %add3A_355[%gather3A_357] in [0] : vector<16xf32>, vector<16xi32> -> vector<16xf32>
      %add3A_359 = arith.addf %add3A_355, %gather3A_358 : vector<16xf32>
      %eq3A_360 = arith.constant 5 : i32
      %eq3A_361 = vector.broadcast %eq3A_360 : i32 to vector<16xi32>
      %eq3A_362 = arith.cmpi eq, %iota3A, %eq3A_361 : vector<16xi32>
      %select_n3A_363 = arith.select %eq3A_362, %add3A_359, %select_n3A_343 : vector<16xi1>, vector<16xf32>
      %broadcast_in_dim3A_364 = vector.shape_cast %select_n3A_59 : vector<16xi32> to vector<16x1xi32>
      %gather3A_365 = vector.shape_cast %broadcast_in_dim3A_364 : vector<16x1xi32> to vector<16xi32>
      %gather3A_366 = tpu.dynamic_gather %scan3A_239#6[%gather3A_365] in [0] : vector<16xf32>, vector<16xi32> -> vector<16xf32>
      %add3A_367 = arith.addf %scan3A_239#6, %gather3A_366 : vector<16xf32>
      %broadcast_in_dim3A_368 = vector.shape_cast %select_n3A_84 : vector<16xi32> to vector<16x1xi32>
      %gather3A_369 = vector.shape_cast %broadcast_in_dim3A_368 : vector<16x1xi32> to vector<16xi32>
      %gather3A_370 = tpu.dynamic_gather %add3A_367[%gather3A_369] in [0] : vector<16xf32>, vector<16xi32> -> vector<16xf32>
      %add3A_371 = arith.addf %add3A_367, %gather3A_370 : vector<16xf32>
      %broadcast_in_dim3A_372 = vector.shape_cast %select_n3A_109 : vector<16xi32> to vector<16x1xi32>
      %gather3A_373 = vector.shape_cast %broadcast_in_dim3A_372 : vector<16x1xi32> to vector<16xi32>
      %gather3A_374 = tpu.dynamic_gather %add3A_371[%gather3A_373] in [0] : vector<16xf32>, vector<16xi32> -> vector<16xf32>
      %add3A_375 = arith.addf %add3A_371, %gather3A_374 : vector<16xf32>
      %broadcast_in_dim3A_376 = vector.shape_cast %select_n3A_134 : vector<16xi32> to vector<16x1xi32>
      %gather3A_377 = vector.shape_cast %broadcast_in_dim3A_376 : vector<16x1xi32> to vector<16xi32>
      %gather3A_378 = tpu.dynamic_gather %add3A_375[%gather3A_377] in [0] : vector<16xf32>, vector<16xi32> -> vector<16xf32>
      %add3A_379 = arith.addf %add3A_375, %gather3A_378 : vector<16xf32>
      %eq3A_380 = arith.constant 6 : i32
      %eq3A_381 = vector.broadcast %eq3A_380 : i32 to vector<16xi32>
      %eq3A_382 = arith.cmpi eq, %iota3A, %eq3A_381 : vector<16xi32>
      %select_n3A_383 = arith.select %eq3A_382, %add3A_379, %select_n3A_363 : vector<16xi1>, vector<16xf32>
      %broadcast_in_dim3A_384 = vector.shape_cast %select_n3A_59 : vector<16xi32> to vector<16x1xi32>
      %gather3A_385 = vector.shape_cast %broadcast_in_dim3A_384 : vector<16x1xi32> to vector<16xi32>
      %gather3A_386 = tpu.dynamic_gather %scan3A_239#7[%gather3A_385] in [0] : vector<16xf32>, vector<16xi32> -> vector<16xf32>
      %add3A_387 = arith.addf %scan3A_239#7, %gather3A_386 : vector<16xf32>
      %broadcast_in_dim3A_388 = vector.shape_cast %select_n3A_84 : vector<16xi32> to vector<16x1xi32>
      %gather3A_389 = vector.shape_cast %broadcast_in_dim3A_388 : vector<16x1xi32> to vector<16xi32>
      %gather3A_390 = tpu.dynamic_gather %add3A_387[%gather3A_389] in [0] : vector<16xf32>, vector<16xi32> -> vector<16xf32>
      %add3A_391 = arith.addf %add3A_387, %gather3A_390 : vector<16xf32>
      %broadcast_in_dim3A_392 = vector.shape_cast %select_n3A_109 : vector<16xi32> to vector<16x1xi32>
      %gather3A_393 = vector.shape_cast %broadcast_in_dim3A_392 : vector<16x1xi32> to vector<16xi32>
      %gather3A_394 = tpu.dynamic_gather %add3A_391[%gather3A_393] in [0] : vector<16xf32>, vector<16xi32> -> vector<16xf32>
      %add3A_395 = arith.addf %add3A_391, %gather3A_394 : vector<16xf32>
      %broadcast_in_dim3A_396 = vector.shape_cast %select_n3A_134 : vector<16xi32> to vector<16x1xi32>
      %gather3A_397 = vector.shape_cast %broadcast_in_dim3A_396 : vector<16x1xi32> to vector<16xi32>
      %gather3A_398 = tpu.dynamic_gather %add3A_395[%gather3A_397] in [0] : vector<16xf32>, vector<16xi32> -> vector<16xf32>
      %add3A_399 = arith.addf %add3A_395, %gather3A_398 : vector<16xf32>
      %eq3A_400 = arith.constant 7 : i32
      %eq3A_401 = vector.broadcast %eq3A_400 : i32 to vector<16xi32>
      %eq3A_402 = arith.cmpi eq, %iota3A, %eq3A_401 : vector<16xi32>
      %select_n3A_403 = arith.select %eq3A_402, %add3A_399, %select_n3A_383 : vector<16xi1>, vector<16xf32>
      %broadcast_in_dim3A_404 = vector.shape_cast %select_n3A_59 : vector<16xi32> to vector<16x1xi32>
      %gather3A_405 = vector.shape_cast %broadcast_in_dim3A_404 : vector<16x1xi32> to vector<16xi32>
      %gather3A_406 = tpu.dynamic_gather %scan3A_239#8[%gather3A_405] in [0] : vector<16xf32>, vector<16xi32> -> vector<16xf32>
      %add3A_407 = arith.addf %scan3A_239#8, %gather3A_406 : vector<16xf32>
      %broadcast_in_dim3A_408 = vector.shape_cast %select_n3A_84 : vector<16xi32> to vector<16x1xi32>
      %gather3A_409 = vector.shape_cast %broadcast_in_dim3A_408 : vector<16x1xi32> to vector<16xi32>
      %gather3A_410 = tpu.dynamic_gather %add3A_407[%gather3A_409] in [0] : vector<16xf32>, vector<16xi32> -> vector<16xf32>
      %add3A_411 = arith.addf %add3A_407, %gather3A_410 : vector<16xf32>
      %broadcast_in_dim3A_412 = vector.shape_cast %select_n3A_109 : vector<16xi32> to vector<16x1xi32>
      %gather3A_413 = vector.shape_cast %broadcast_in_dim3A_412 : vector<16x1xi32> to vector<16xi32>
      %gather3A_414 = tpu.dynamic_gather %add3A_411[%gather3A_413] in [0] : vector<16xf32>, vector<16xi32> -> vector<16xf32>
      %add3A_415 = arith.addf %add3A_411, %gather3A_414 : vector<16xf32>
      %broadcast_in_dim3A_416 = vector.shape_cast %select_n3A_134 : vector<16xi32> to vector<16x1xi32>
      %gather3A_417 = vector.shape_cast %broadcast_in_dim3A_416 : vector<16x1xi32> to vector<16xi32>
      %gather3A_418 = tpu.dynamic_gather %add3A_415[%gather3A_417] in [0] : vector<16xf32>, vector<16xi32> -> vector<16xf32>
      %add3A_419 = arith.addf %add3A_415, %gather3A_418 : vector<16xf32>
      %eq3A_420 = arith.constant 8 : i32
      %eq3A_421 = vector.broadcast %eq3A_420 : i32 to vector<16xi32>
      %eq3A_422 = arith.cmpi eq, %iota3A, %eq3A_421 : vector<16xi32>
      %select_n3A_423 = arith.select %eq3A_422, %add3A_419, %select_n3A_403 : vector<16xi1>, vector<16xf32>
      %broadcast_in_dim3A_424 = vector.shape_cast %select_n3A_59 : vector<16xi32> to vector<16x1xi32>
      %gather3A_425 = vector.shape_cast %broadcast_in_dim3A_424 : vector<16x1xi32> to vector<16xi32>
      %gather3A_426 = tpu.dynamic_gather %scan3A_239#9[%gather3A_425] in [0] : vector<16xf32>, vector<16xi32> -> vector<16xf32>
      %add3A_427 = arith.addf %scan3A_239#9, %gather3A_426 : vector<16xf32>
      %broadcast_in_dim3A_428 = vector.shape_cast %select_n3A_84 : vector<16xi32> to vector<16x1xi32>
      %gather3A_429 = vector.shape_cast %broadcast_in_dim3A_428 : vector<16x1xi32> to vector<16xi32>
      %gather3A_430 = tpu.dynamic_gather %add3A_427[%gather3A_429] in [0] : vector<16xf32>, vector<16xi32> -> vector<16xf32>
      %add3A_431 = arith.addf %add3A_427, %gather3A_430 : vector<16xf32>
      %broadcast_in_dim3A_432 = vector.shape_cast %select_n3A_109 : vector<16xi32> to vector<16x1xi32>
      %gather3A_433 = vector.shape_cast %broadcast_in_dim3A_432 : vector<16x1xi32> to vector<16xi32>
      %gather3A_434 = tpu.dynamic_gather %add3A_431[%gather3A_433] in [0] : vector<16xf32>, vector<16xi32> -> vector<16xf32>
      %add3A_435 = arith.addf %add3A_431, %gather3A_434 : vector<16xf32>
      %broadcast_in_dim3A_436 = vector.shape_cast %select_n3A_134 : vector<16xi32> to vector<16x1xi32>
      %gather3A_437 = vector.shape_cast %broadcast_in_dim3A_436 : vector<16x1xi32> to vector<16xi32>
      %gather3A_438 = tpu.dynamic_gather %add3A_435[%gather3A_437] in [0] : vector<16xf32>, vector<16xi32> -> vector<16xf32>
      %add3A_439 = arith.addf %add3A_435, %gather3A_438 : vector<16xf32>
      %eq3A_440 = arith.constant 9 : i32
      %eq3A_441 = vector.broadcast %eq3A_440 : i32 to vector<16xi32>
      %eq3A_442 = arith.cmpi eq, %iota3A, %eq3A_441 : vector<16xi32>
      %select_n3A_443 = arith.select %eq3A_442, %add3A_439, %select_n3A_423 : vector<16xi1>, vector<16xf32>
      %broadcast_in_dim3A_444 = vector.shape_cast %select_n3A_59 : vector<16xi32> to vector<16x1xi32>
      %gather3A_445 = vector.shape_cast %broadcast_in_dim3A_444 : vector<16x1xi32> to vector<16xi32>
      %gather3A_446 = tpu.dynamic_gather %scan3A_239#10[%gather3A_445] in [0] : vector<16xf32>, vector<16xi32> -> vector<16xf32>
      %add3A_447 = arith.addf %scan3A_239#10, %gather3A_446 : vector<16xf32>
      %broadcast_in_dim3A_448 = vector.shape_cast %select_n3A_84 : vector<16xi32> to vector<16x1xi32>
      %gather3A_449 = vector.shape_cast %broadcast_in_dim3A_448 : vector<16x1xi32> to vector<16xi32>
      %gather3A_450 = tpu.dynamic_gather %add3A_447[%gather3A_449] in [0] : vector<16xf32>, vector<16xi32> -> vector<16xf32>
      %add3A_451 = arith.addf %add3A_447, %gather3A_450 : vector<16xf32>
      %broadcast_in_dim3A_452 = vector.shape_cast %select_n3A_109 : vector<16xi32> to vector<16x1xi32>
      %gather3A_453 = vector.shape_cast %broadcast_in_dim3A_452 : vector<16x1xi32> to vector<16xi32>
      %gather3A_454 = tpu.dynamic_gather %add3A_451[%gather3A_453] in [0] : vector<16xf32>, vector<16xi32> -> vector<16xf32>
      %add3A_455 = arith.addf %add3A_451, %gather3A_454 : vector<16xf32>
      %broadcast_in_dim3A_456 = vector.shape_cast %select_n3A_134 : vector<16xi32> to vector<16x1xi32>
      %gather3A_457 = vector.shape_cast %broadcast_in_dim3A_456 : vector<16x1xi32> to vector<16xi32>
      %gather3A_458 = tpu.dynamic_gather %add3A_455[%gather3A_457] in [0] : vector<16xf32>, vector<16xi32> -> vector<16xf32>
      %add3A_459 = arith.addf %add3A_455, %gather3A_458 : vector<16xf32>
      %eq3A_460 = arith.constant 10 : i32
      %eq3A_461 = vector.broadcast %eq3A_460 : i32 to vector<16xi32>
      %eq3A_462 = arith.cmpi eq, %iota3A, %eq3A_461 : vector<16xi32>
      %select_n3A_463 = arith.select %eq3A_462, %add3A_459, %select_n3A_443 : vector<16xi1>, vector<16xf32>
      %broadcast_in_dim3A_464 = vector.shape_cast %select_n3A_59 : vector<16xi32> to vector<16x1xi32>
      %gather3A_465 = vector.shape_cast %broadcast_in_dim3A_464 : vector<16x1xi32> to vector<16xi32>
      %gather3A_466 = tpu.dynamic_gather %scan3A_239#11[%gather3A_465] in [0] : vector<16xf32>, vector<16xi32> -> vector<16xf32>
      %add3A_467 = arith.addf %scan3A_239#11, %gather3A_466 : vector<16xf32>
      %broadcast_in_dim3A_468 = vector.shape_cast %select_n3A_84 : vector<16xi32> to vector<16x1xi32>
      %gather3A_469 = vector.shape_cast %broadcast_in_dim3A_468 : vector<16x1xi32> to vector<16xi32>
      %gather3A_470 = tpu.dynamic_gather %add3A_467[%gather3A_469] in [0] : vector<16xf32>, vector<16xi32> -> vector<16xf32>
      %add3A_471 = arith.addf %add3A_467, %gather3A_470 : vector<16xf32>
      %broadcast_in_dim3A_472 = vector.shape_cast %select_n3A_109 : vector<16xi32> to vector<16x1xi32>
      %gather3A_473 = vector.shape_cast %broadcast_in_dim3A_472 : vector<16x1xi32> to vector<16xi32>
      %gather3A_474 = tpu.dynamic_gather %add3A_471[%gather3A_473] in [0] : vector<16xf32>, vector<16xi32> -> vector<16xf32>
      %add3A_475 = arith.addf %add3A_471, %gather3A_474 : vector<16xf32>
      %broadcast_in_dim3A_476 = vector.shape_cast %select_n3A_134 : vector<16xi32> to vector<16x1xi32>
      %gather3A_477 = vector.shape_cast %broadcast_in_dim3A_476 : vector<16x1xi32> to vector<16xi32>
      %gather3A_478 = tpu.dynamic_gather %add3A_475[%gather3A_477] in [0] : vector<16xf32>, vector<16xi32> -> vector<16xf32>
      %add3A_479 = arith.addf %add3A_475, %gather3A_478 : vector<16xf32>
      %eq3A_480 = arith.constant 11 : i32
      %eq3A_481 = vector.broadcast %eq3A_480 : i32 to vector<16xi32>
      %eq3A_482 = arith.cmpi eq, %iota3A, %eq3A_481 : vector<16xi32>
      %select_n3A_483 = arith.select %eq3A_482, %add3A_479, %select_n3A_463 : vector<16xi1>, vector<16xf32>
      %broadcast_in_dim3A_484 = vector.shape_cast %select_n3A_59 : vector<16xi32> to vector<16x1xi32>
      %gather3A_485 = vector.shape_cast %broadcast_in_dim3A_484 : vector<16x1xi32> to vector<16xi32>
      %gather3A_486 = tpu.dynamic_gather %scan3A_239#12[%gather3A_485] in [0] : vector<16xf32>, vector<16xi32> -> vector<16xf32>
      %add3A_487 = arith.addf %scan3A_239#12, %gather3A_486 : vector<16xf32>
      %broadcast_in_dim3A_488 = vector.shape_cast %select_n3A_84 : vector<16xi32> to vector<16x1xi32>
      %gather3A_489 = vector.shape_cast %broadcast_in_dim3A_488 : vector<16x1xi32> to vector<16xi32>
      %gather3A_490 = tpu.dynamic_gather %add3A_487[%gather3A_489] in [0] : vector<16xf32>, vector<16xi32> -> vector<16xf32>
      %add3A_491 = arith.addf %add3A_487, %gather3A_490 : vector<16xf32>
      %broadcast_in_dim3A_492 = vector.shape_cast %select_n3A_109 : vector<16xi32> to vector<16x1xi32>
      %gather3A_493 = vector.shape_cast %broadcast_in_dim3A_492 : vector<16x1xi32> to vector<16xi32>
      %gather3A_494 = tpu.dynamic_gather %add3A_491[%gather3A_493] in [0] : vector<16xf32>, vector<16xi32> -> vector<16xf32>
      %add3A_495 = arith.addf %add3A_491, %gather3A_494 : vector<16xf32>
      %broadcast_in_dim3A_496 = vector.shape_cast %select_n3A_134 : vector<16xi32> to vector<16x1xi32>
      %gather3A_497 = vector.shape_cast %broadcast_in_dim3A_496 : vector<16x1xi32> to vector<16xi32>
      %gather3A_498 = tpu.dynamic_gather %add3A_495[%gather3A_497] in [0] : vector<16xf32>, vector<16xi32> -> vector<16xf32>
      %add3A_499 = arith.addf %add3A_495, %gather3A_498 : vector<16xf32>
      %eq3A_500 = arith.constant 12 : i32
      %eq3A_501 = vector.broadcast %eq3A_500 : i32 to vector<16xi32>
      %eq3A_502 = arith.cmpi eq, %iota3A, %eq3A_501 : vector<16xi32>
      %select_n3A_503 = arith.select %eq3A_502, %add3A_499, %select_n3A_483 : vector<16xi1>, vector<16xf32>
      %broadcast_in_dim3A_504 = vector.shape_cast %select_n3A_59 : vector<16xi32> to vector<16x1xi32>
      %gather3A_505 = vector.shape_cast %broadcast_in_dim3A_504 : vector<16x1xi32> to vector<16xi32>
      %gather3A_506 = tpu.dynamic_gather %scan3A_239#13[%gather3A_505] in [0] : vector<16xf32>, vector<16xi32> -> vector<16xf32>
      %add3A_507 = arith.addf %scan3A_239#13, %gather3A_506 : vector<16xf32>
      %broadcast_in_dim3A_508 = vector.shape_cast %select_n3A_84 : vector<16xi32> to vector<16x1xi32>
      %gather3A_509 = vector.shape_cast %broadcast_in_dim3A_508 : vector<16x1xi32> to vector<16xi32>
      %gather3A_510 = tpu.dynamic_gather %add3A_507[%gather3A_509] in [0] : vector<16xf32>, vector<16xi32> -> vector<16xf32>
      %add3A_511 = arith.addf %add3A_507, %gather3A_510 : vector<16xf32>
      %broadcast_in_dim3A_512 = vector.shape_cast %select_n3A_109 : vector<16xi32> to vector<16x1xi32>
      %gather3A_513 = vector.shape_cast %broadcast_in_dim3A_512 : vector<16x1xi32> to vector<16xi32>
      %gather3A_514 = tpu.dynamic_gather %add3A_511[%gather3A_513] in [0] : vector<16xf32>, vector<16xi32> -> vector<16xf32>
      %add3A_515 = arith.addf %add3A_511, %gather3A_514 : vector<16xf32>
      %broadcast_in_dim3A_516 = vector.shape_cast %select_n3A_134 : vector<16xi32> to vector<16x1xi32>
      %gather3A_517 = vector.shape_cast %broadcast_in_dim3A_516 : vector<16x1xi32> to vector<16xi32>
      %gather3A_518 = tpu.dynamic_gather %add3A_515[%gather3A_517] in [0] : vector<16xf32>, vector<16xi32> -> vector<16xf32>
      %add3A_519 = arith.addf %add3A_515, %gather3A_518 : vector<16xf32>
      %eq3A_520 = arith.constant 13 : i32
      %eq3A_521 = vector.broadcast %eq3A_520 : i32 to vector<16xi32>
      %eq3A_522 = arith.cmpi eq, %iota3A, %eq3A_521 : vector<16xi32>
      %select_n3A_523 = arith.select %eq3A_522, %add3A_519, %select_n3A_503 : vector<16xi1>, vector<16xf32>
      %broadcast_in_dim3A_524 = vector.shape_cast %select_n3A_59 : vector<16xi32> to vector<16x1xi32>
      %gather3A_525 = vector.shape_cast %broadcast_in_dim3A_524 : vector<16x1xi32> to vector<16xi32>
      %gather3A_526 = tpu.dynamic_gather %scan3A_239#14[%gather3A_525] in [0] : vector<16xf32>, vector<16xi32> -> vector<16xf32>
      %add3A_527 = arith.addf %scan3A_239#14, %gather3A_526 : vector<16xf32>
      %broadcast_in_dim3A_528 = vector.shape_cast %select_n3A_84 : vector<16xi32> to vector<16x1xi32>
      %gather3A_529 = vector.shape_cast %broadcast_in_dim3A_528 : vector<16x1xi32> to vector<16xi32>
      %gather3A_530 = tpu.dynamic_gather %add3A_527[%gather3A_529] in [0] : vector<16xf32>, vector<16xi32> -> vector<16xf32>
      %add3A_531 = arith.addf %add3A_527, %gather3A_530 : vector<16xf32>
      %broadcast_in_dim3A_532 = vector.shape_cast %select_n3A_109 : vector<16xi32> to vector<16x1xi32>
      %gather3A_533 = vector.shape_cast %broadcast_in_dim3A_532 : vector<16x1xi32> to vector<16xi32>
      %gather3A_534 = tpu.dynamic_gather %add3A_531[%gather3A_533] in [0] : vector<16xf32>, vector<16xi32> -> vector<16xf32>
      %add3A_535 = arith.addf %add3A_531, %gather3A_534 : vector<16xf32>
      %broadcast_in_dim3A_536 = vector.shape_cast %select_n3A_134 : vector<16xi32> to vector<16x1xi32>
      %gather3A_537 = vector.shape_cast %broadcast_in_dim3A_536 : vector<16x1xi32> to vector<16xi32>
      %gather3A_538 = tpu.dynamic_gather %add3A_535[%gather3A_537] in [0] : vector<16xf32>, vector<16xi32> -> vector<16xf32>
      %add3A_539 = arith.addf %add3A_535, %gather3A_538 : vector<16xf32>
      %eq3A_540 = arith.constant 14 : i32
      %eq3A_541 = vector.broadcast %eq3A_540 : i32 to vector<16xi32>
      %eq3A_542 = arith.cmpi eq, %iota3A, %eq3A_541 : vector<16xi32>
      %select_n3A_543 = arith.select %eq3A_542, %add3A_539, %select_n3A_523 : vector<16xi1>, vector<16xf32>
      %broadcast_in_dim3A_544 = vector.shape_cast %select_n3A_59 : vector<16xi32> to vector<16x1xi32>
      %gather3A_545 = vector.shape_cast %broadcast_in_dim3A_544 : vector<16x1xi32> to vector<16xi32>
      %gather3A_546 = tpu.dynamic_gather %scan3A_239#15[%gather3A_545] in [0] : vector<16xf32>, vector<16xi32> -> vector<16xf32>
      %add3A_547 = arith.addf %scan3A_239#15, %gather3A_546 : vector<16xf32>
      %broadcast_in_dim3A_548 = vector.shape_cast %select_n3A_84 : vector<16xi32> to vector<16x1xi32>
      %gather3A_549 = vector.shape_cast %broadcast_in_dim3A_548 : vector<16x1xi32> to vector<16xi32>
      %gather3A_550 = tpu.dynamic_gather %add3A_547[%gather3A_549] in [0] : vector<16xf32>, vector<16xi32> -> vector<16xf32>
      %add3A_551 = arith.addf %add3A_547, %gather3A_550 : vector<16xf32>
      %broadcast_in_dim3A_552 = vector.shape_cast %select_n3A_109 : vector<16xi32> to vector<16x1xi32>
      %gather3A_553 = vector.shape_cast %broadcast_in_dim3A_552 : vector<16x1xi32> to vector<16xi32>
      %gather3A_554 = tpu.dynamic_gather %add3A_551[%gather3A_553] in [0] : vector<16xf32>, vector<16xi32> -> vector<16xf32>
      %add3A_555 = arith.addf %add3A_551, %gather3A_554 : vector<16xf32>
      %broadcast_in_dim3A_556 = vector.shape_cast %select_n3A_134 : vector<16xi32> to vector<16x1xi32>
      %gather3A_557 = vector.shape_cast %broadcast_in_dim3A_556 : vector<16x1xi32> to vector<16xi32>
      %gather3A_558 = tpu.dynamic_gather %add3A_555[%gather3A_557] in [0] : vector<16xf32>, vector<16xi32> -> vector<16xf32>
      %add3A_559 = arith.addf %add3A_555, %gather3A_558 : vector<16xf32>
      %eq3A_560 = arith.constant 15 : i32
      %eq3A_561 = vector.broadcast %eq3A_560 : i32 to vector<16xi32>
      %eq3A_562 = arith.cmpi eq, %iota3A, %eq3A_561 : vector<16xi32>
      %select_n3A_563 = arith.select %eq3A_562, %add3A_559, %select_n3A_543 : vector<16xi1>, vector<16xf32>
      %broadcast_in_dim3A_564 = vector.shape_cast %select_n3A_59 : vector<16xi32> to vector<16x1xi32>
      %gather3A_565 = vector.shape_cast %broadcast_in_dim3A_564 : vector<16x1xi32> to vector<16xi32>
      %gather3A_566 = tpu.dynamic_gather %scan3A_239#16[%gather3A_565] in [0] : vector<16xf32>, vector<16xi32> -> vector<16xf32>
      %add3A_567 = arith.addf %scan3A_239#16, %gather3A_566 : vector<16xf32>
      %broadcast_in_dim3A_568 = vector.shape_cast %select_n3A_84 : vector<16xi32> to vector<16x1xi32>
      %gather3A_569 = vector.shape_cast %broadcast_in_dim3A_568 : vector<16x1xi32> to vector<16xi32>
      %gather3A_570 = tpu.dynamic_gather %add3A_567[%gather3A_569] in [0] : vector<16xf32>, vector<16xi32> -> vector<16xf32>
      %add3A_571 = arith.addf %add3A_567, %gather3A_570 : vector<16xf32>
      %broadcast_in_dim3A_572 = vector.shape_cast %select_n3A_109 : vector<16xi32> to vector<16x1xi32>
      %gather3A_573 = vector.shape_cast %broadcast_in_dim3A_572 : vector<16x1xi32> to vector<16xi32>
      %gather3A_574 = tpu.dynamic_gather %add3A_571[%gather3A_573] in [0] : vector<16xf32>, vector<16xi32> -> vector<16xf32>
      %add3A_575 = arith.addf %add3A_571, %gather3A_574 : vector<16xf32>
      %broadcast_in_dim3A_576 = vector.shape_cast %select_n3A_134 : vector<16xi32> to vector<16x1xi32>
      %gather3A_577 = vector.shape_cast %broadcast_in_dim3A_576 : vector<16x1xi32> to vector<16xi32>
      %gather3A_578 = tpu.dynamic_gather %add3A_575[%gather3A_577] in [0] : vector<16xf32>, vector<16xi32> -> vector<16xf32>
      %add3A_579 = arith.addf %add3A_575, %gather3A_578 : vector<16xf32>
      %eq3A_580 = arith.constant 0 : i32
      %eq3A_581 = vector.broadcast %eq3A_580 : i32 to vector<16xi32>
      %eq3A_582 = arith.cmpi eq, %iota3A, %eq3A_581 : vector<16xi32>
      %select_n3A_583 = arith.select %eq3A_582, %add3A_579, %broadcast_in_dim3A_244 : vector<16xi1>, vector<16xf32>
      %broadcast_in_dim3A_584 = vector.shape_cast %select_n3A_59 : vector<16xi32> to vector<16x1xi32>
      %gather3A_585 = vector.shape_cast %broadcast_in_dim3A_584 : vector<16x1xi32> to vector<16xi32>
      %gather3A_586 = tpu.dynamic_gather %scan3A_239#17[%gather3A_585] in [0] : vector<16xf32>, vector<16xi32> -> vector<16xf32>
      %add3A_587 = arith.addf %scan3A_239#17, %gather3A_586 : vector<16xf32>
      %broadcast_in_dim3A_588 = vector.shape_cast %select_n3A_84 : vector<16xi32> to vector<16x1xi32>
      %gather3A_589 = vector.shape_cast %broadcast_in_dim3A_588 : vector<16x1xi32> to vector<16xi32>
      %gather3A_590 = tpu.dynamic_gather %add3A_587[%gather3A_589] in [0] : vector<16xf32>, vector<16xi32> -> vector<16xf32>
      %add3A_591 = arith.addf %add3A_587, %gather3A_590 : vector<16xf32>
      %broadcast_in_dim3A_592 = vector.shape_cast %select_n3A_109 : vector<16xi32> to vector<16x1xi32>
      %gather3A_593 = vector.shape_cast %broadcast_in_dim3A_592 : vector<16x1xi32> to vector<16xi32>
      %gather3A_594 = tpu.dynamic_gather %add3A_591[%gather3A_593] in [0] : vector<16xf32>, vector<16xi32> -> vector<16xf32>
      %add3A_595 = arith.addf %add3A_591, %gather3A_594 : vector<16xf32>
      %broadcast_in_dim3A_596 = vector.shape_cast %select_n3A_134 : vector<16xi32> to vector<16x1xi32>
      %gather3A_597 = vector.shape_cast %broadcast_in_dim3A_596 : vector<16x1xi32> to vector<16xi32>
      %gather3A_598 = tpu.dynamic_gather %add3A_595[%gather3A_597] in [0] : vector<16xf32>, vector<16xi32> -> vector<16xf32>
      %add3A_599 = arith.addf %add3A_595, %gather3A_598 : vector<16xf32>
      %eq3A_600 = arith.constant 1 : i32
      %eq3A_601 = vector.broadcast %eq3A_600 : i32 to vector<16xi32>
      %eq3A_602 = arith.cmpi eq, %iota3A, %eq3A_601 : vector<16xi32>
      %select_n3A_603 = arith.select %eq3A_602, %add3A_599, %select_n3A_583 : vector<16xi1>, vector<16xf32>
      %broadcast_in_dim3A_604 = vector.shape_cast %select_n3A_59 : vector<16xi32> to vector<16x1xi32>
      %gather3A_605 = vector.shape_cast %broadcast_in_dim3A_604 : vector<16x1xi32> to vector<16xi32>
      %gather3A_606 = tpu.dynamic_gather %scan3A_239#18[%gather3A_605] in [0] : vector<16xf32>, vector<16xi32> -> vector<16xf32>
      %add3A_607 = arith.addf %scan3A_239#18, %gather3A_606 : vector<16xf32>
      %broadcast_in_dim3A_608 = vector.shape_cast %select_n3A_84 : vector<16xi32> to vector<16x1xi32>
      %gather3A_609 = vector.shape_cast %broadcast_in_dim3A_608 : vector<16x1xi32> to vector<16xi32>
      %gather3A_610 = tpu.dynamic_gather %add3A_607[%gather3A_609] in [0] : vector<16xf32>, vector<16xi32> -> vector<16xf32>
      %add3A_611 = arith.addf %add3A_607, %gather3A_610 : vector<16xf32>
      %broadcast_in_dim3A_612 = vector.shape_cast %select_n3A_109 : vector<16xi32> to vector<16x1xi32>
      %gather3A_613 = vector.shape_cast %broadcast_in_dim3A_612 : vector<16x1xi32> to vector<16xi32>
      %gather3A_614 = tpu.dynamic_gather %add3A_611[%gather3A_613] in [0] : vector<16xf32>, vector<16xi32> -> vector<16xf32>
      %add3A_615 = arith.addf %add3A_611, %gather3A_614 : vector<16xf32>
      %broadcast_in_dim3A_616 = vector.shape_cast %select_n3A_134 : vector<16xi32> to vector<16x1xi32>
      %gather3A_617 = vector.shape_cast %broadcast_in_dim3A_616 : vector<16x1xi32> to vector<16xi32>
      %gather3A_618 = tpu.dynamic_gather %add3A_615[%gather3A_617] in [0] : vector<16xf32>, vector<16xi32> -> vector<16xf32>
      %add3A_619 = arith.addf %add3A_615, %gather3A_618 : vector<16xf32>
      %eq3A_620 = arith.constant 2 : i32
      %eq3A_621 = vector.broadcast %eq3A_620 : i32 to vector<16xi32>
      %eq3A_622 = arith.cmpi eq, %iota3A, %eq3A_621 : vector<16xi32>
      %select_n3A_623 = arith.select %eq3A_622, %add3A_619, %select_n3A_603 : vector<16xi1>, vector<16xf32>
      %broadcast_in_dim3A_624 = vector.shape_cast %select_n3A_59 : vector<16xi32> to vector<16x1xi32>
      %gather3A_625 = vector.shape_cast %broadcast_in_dim3A_624 : vector<16x1xi32> to vector<16xi32>
      %gather3A_626 = tpu.dynamic_gather %scan3A_239#19[%gather3A_625] in [0] : vector<16xf32>, vector<16xi32> -> vector<16xf32>
      %add3A_627 = arith.addf %scan3A_239#19, %gather3A_626 : vector<16xf32>
      %broadcast_in_dim3A_628 = vector.shape_cast %select_n3A_84 : vector<16xi32> to vector<16x1xi32>
      %gather3A_629 = vector.shape_cast %broadcast_in_dim3A_628 : vector<16x1xi32> to vector<16xi32>
      %gather3A_630 = tpu.dynamic_gather %add3A_627[%gather3A_629] in [0] : vector<16xf32>, vector<16xi32> -> vector<16xf32>
      %add3A_631 = arith.addf %add3A_627, %gather3A_630 : vector<16xf32>
      %broadcast_in_dim3A_632 = vector.shape_cast %select_n3A_109 : vector<16xi32> to vector<16x1xi32>
      %gather3A_633 = vector.shape_cast %broadcast_in_dim3A_632 : vector<16x1xi32> to vector<16xi32>
      %gather3A_634 = tpu.dynamic_gather %add3A_631[%gather3A_633] in [0] : vector<16xf32>, vector<16xi32> -> vector<16xf32>
      %add3A_635 = arith.addf %add3A_631, %gather3A_634 : vector<16xf32>
      %broadcast_in_dim3A_636 = vector.shape_cast %select_n3A_134 : vector<16xi32> to vector<16x1xi32>
      %gather3A_637 = vector.shape_cast %broadcast_in_dim3A_636 : vector<16x1xi32> to vector<16xi32>
      %gather3A_638 = tpu.dynamic_gather %add3A_635[%gather3A_637] in [0] : vector<16xf32>, vector<16xi32> -> vector<16xf32>
      %add3A_639 = arith.addf %add3A_635, %gather3A_638 : vector<16xf32>
      %eq3A_640 = arith.constant 3 : i32
      %eq3A_641 = vector.broadcast %eq3A_640 : i32 to vector<16xi32>
      %eq3A_642 = arith.cmpi eq, %iota3A, %eq3A_641 : vector<16xi32>
      %select_n3A_643 = arith.select %eq3A_642, %add3A_639, %select_n3A_623 : vector<16xi1>, vector<16xf32>
      %broadcast_in_dim3A_644 = vector.shape_cast %select_n3A_59 : vector<16xi32> to vector<16x1xi32>
      %gather3A_645 = vector.shape_cast %broadcast_in_dim3A_644 : vector<16x1xi32> to vector<16xi32>
      %gather3A_646 = tpu.dynamic_gather %scan3A_239#20[%gather3A_645] in [0] : vector<16xf32>, vector<16xi32> -> vector<16xf32>
      %add3A_647 = arith.addf %scan3A_239#20, %gather3A_646 : vector<16xf32>
      %broadcast_in_dim3A_648 = vector.shape_cast %select_n3A_84 : vector<16xi32> to vector<16x1xi32>
      %gather3A_649 = vector.shape_cast %broadcast_in_dim3A_648 : vector<16x1xi32> to vector<16xi32>
      %gather3A_650 = tpu.dynamic_gather %add3A_647[%gather3A_649] in [0] : vector<16xf32>, vector<16xi32> -> vector<16xf32>
      %add3A_651 = arith.addf %add3A_647, %gather3A_650 : vector<16xf32>
      %broadcast_in_dim3A_652 = vector.shape_cast %select_n3A_109 : vector<16xi32> to vector<16x1xi32>
      %gather3A_653 = vector.shape_cast %broadcast_in_dim3A_652 : vector<16x1xi32> to vector<16xi32>
      %gather3A_654 = tpu.dynamic_gather %add3A_651[%gather3A_653] in [0] : vector<16xf32>, vector<16xi32> -> vector<16xf32>
      %add3A_655 = arith.addf %add3A_651, %gather3A_654 : vector<16xf32>
      %broadcast_in_dim3A_656 = vector.shape_cast %select_n3A_134 : vector<16xi32> to vector<16x1xi32>
      %gather3A_657 = vector.shape_cast %broadcast_in_dim3A_656 : vector<16x1xi32> to vector<16xi32>
      %gather3A_658 = tpu.dynamic_gather %add3A_655[%gather3A_657] in [0] : vector<16xf32>, vector<16xi32> -> vector<16xf32>
      %add3A_659 = arith.addf %add3A_655, %gather3A_658 : vector<16xf32>
      %eq3A_660 = arith.constant 4 : i32
      %eq3A_661 = vector.broadcast %eq3A_660 : i32 to vector<16xi32>
      %eq3A_662 = arith.cmpi eq, %iota3A, %eq3A_661 : vector<16xi32>
      %select_n3A_663 = arith.select %eq3A_662, %add3A_659, %select_n3A_643 : vector<16xi1>, vector<16xf32>
      %broadcast_in_dim3A_664 = vector.shape_cast %select_n3A_59 : vector<16xi32> to vector<16x1xi32>
      %gather3A_665 = vector.shape_cast %broadcast_in_dim3A_664 : vector<16x1xi32> to vector<16xi32>
      %gather3A_666 = tpu.dynamic_gather %scan3A_239#21[%gather3A_665] in [0] : vector<16xf32>, vector<16xi32> -> vector<16xf32>
      %add3A_667 = arith.addf %scan3A_239#21, %gather3A_666 : vector<16xf32>
      %broadcast_in_dim3A_668 = vector.shape_cast %select_n3A_84 : vector<16xi32> to vector<16x1xi32>
      %gather3A_669 = vector.shape_cast %broadcast_in_dim3A_668 : vector<16x1xi32> to vector<16xi32>
      %gather3A_670 = tpu.dynamic_gather %add3A_667[%gather3A_669] in [0] : vector<16xf32>, vector<16xi32> -> vector<16xf32>
      %add3A_671 = arith.addf %add3A_667, %gather3A_670 : vector<16xf32>
      %broadcast_in_dim3A_672 = vector.shape_cast %select_n3A_109 : vector<16xi32> to vector<16x1xi32>
      %gather3A_673 = vector.shape_cast %broadcast_in_dim3A_672 : vector<16x1xi32> to vector<16xi32>
      %gather3A_674 = tpu.dynamic_gather %add3A_671[%gather3A_673] in [0] : vector<16xf32>, vector<16xi32> -> vector<16xf32>
      %add3A_675 = arith.addf %add3A_671, %gather3A_674 : vector<16xf32>
      %broadcast_in_dim3A_676 = vector.shape_cast %select_n3A_134 : vector<16xi32> to vector<16x1xi32>
      %gather3A_677 = vector.shape_cast %broadcast_in_dim3A_676 : vector<16x1xi32> to vector<16xi32>
      %gather3A_678 = tpu.dynamic_gather %add3A_675[%gather3A_677] in [0] : vector<16xf32>, vector<16xi32> -> vector<16xf32>
      %add3A_679 = arith.addf %add3A_675, %gather3A_678 : vector<16xf32>
      %eq3A_680 = arith.constant 5 : i32
      %eq3A_681 = vector.broadcast %eq3A_680 : i32 to vector<16xi32>
      %eq3A_682 = arith.cmpi eq, %iota3A, %eq3A_681 : vector<16xi32>
      %select_n3A_683 = arith.select %eq3A_682, %add3A_679, %select_n3A_663 : vector<16xi1>, vector<16xf32>
      %broadcast_in_dim3A_684 = vector.shape_cast %select_n3A_59 : vector<16xi32> to vector<16x1xi32>
      %gather3A_685 = vector.shape_cast %broadcast_in_dim3A_684 : vector<16x1xi32> to vector<16xi32>
      %gather3A_686 = tpu.dynamic_gather %scan3A_239#22[%gather3A_685] in [0] : vector<16xf32>, vector<16xi32> -> vector<16xf32>
      %add3A_687 = arith.addf %scan3A_239#22, %gather3A_686 : vector<16xf32>
      %broadcast_in_dim3A_688 = vector.shape_cast %select_n3A_84 : vector<16xi32> to vector<16x1xi32>
      %gather3A_689 = vector.shape_cast %broadcast_in_dim3A_688 : vector<16x1xi32> to vector<16xi32>
      %gather3A_690 = tpu.dynamic_gather %add3A_687[%gather3A_689] in [0] : vector<16xf32>, vector<16xi32> -> vector<16xf32>
      %add3A_691 = arith.addf %add3A_687, %gather3A_690 : vector<16xf32>
      %broadcast_in_dim3A_692 = vector.shape_cast %select_n3A_109 : vector<16xi32> to vector<16x1xi32>
      %gather3A_693 = vector.shape_cast %broadcast_in_dim3A_692 : vector<16x1xi32> to vector<16xi32>
      %gather3A_694 = tpu.dynamic_gather %add3A_691[%gather3A_693] in [0] : vector<16xf32>, vector<16xi32> -> vector<16xf32>
      %add3A_695 = arith.addf %add3A_691, %gather3A_694 : vector<16xf32>
      %broadcast_in_dim3A_696 = vector.shape_cast %select_n3A_134 : vector<16xi32> to vector<16x1xi32>
      %gather3A_697 = vector.shape_cast %broadcast_in_dim3A_696 : vector<16x1xi32> to vector<16xi32>
      %gather3A_698 = tpu.dynamic_gather %add3A_695[%gather3A_697] in [0] : vector<16xf32>, vector<16xi32> -> vector<16xf32>
      %add3A_699 = arith.addf %add3A_695, %gather3A_698 : vector<16xf32>
      %eq3A_700 = arith.constant 6 : i32
      %eq3A_701 = vector.broadcast %eq3A_700 : i32 to vector<16xi32>
      %eq3A_702 = arith.cmpi eq, %iota3A, %eq3A_701 : vector<16xi32>
      %select_n3A_703 = arith.select %eq3A_702, %add3A_699, %select_n3A_683 : vector<16xi1>, vector<16xf32>
      %broadcast_in_dim3A_704 = vector.shape_cast %select_n3A_59 : vector<16xi32> to vector<16x1xi32>
      %gather3A_705 = vector.shape_cast %broadcast_in_dim3A_704 : vector<16x1xi32> to vector<16xi32>
      %gather3A_706 = tpu.dynamic_gather %scan3A_239#23[%gather3A_705] in [0] : vector<16xf32>, vector<16xi32> -> vector<16xf32>
      %add3A_707 = arith.addf %scan3A_239#23, %gather3A_706 : vector<16xf32>
      %broadcast_in_dim3A_708 = vector.shape_cast %select_n3A_84 : vector<16xi32> to vector<16x1xi32>
      %gather3A_709 = vector.shape_cast %broadcast_in_dim3A_708 : vector<16x1xi32> to vector<16xi32>
      %gather3A_710 = tpu.dynamic_gather %add3A_707[%gather3A_709] in [0] : vector<16xf32>, vector<16xi32> -> vector<16xf32>
      %add3A_711 = arith.addf %add3A_707, %gather3A_710 : vector<16xf32>
      %broadcast_in_dim3A_712 = vector.shape_cast %select_n3A_109 : vector<16xi32> to vector<16x1xi32>
      %gather3A_713 = vector.shape_cast %broadcast_in_dim3A_712 : vector<16x1xi32> to vector<16xi32>
      %gather3A_714 = tpu.dynamic_gather %add3A_711[%gather3A_713] in [0] : vector<16xf32>, vector<16xi32> -> vector<16xf32>
      %add3A_715 = arith.addf %add3A_711, %gather3A_714 : vector<16xf32>
      %broadcast_in_dim3A_716 = vector.shape_cast %select_n3A_134 : vector<16xi32> to vector<16x1xi32>
      %gather3A_717 = vector.shape_cast %broadcast_in_dim3A_716 : vector<16x1xi32> to vector<16xi32>
      %gather3A_718 = tpu.dynamic_gather %add3A_715[%gather3A_717] in [0] : vector<16xf32>, vector<16xi32> -> vector<16xf32>
      %add3A_719 = arith.addf %add3A_715, %gather3A_718 : vector<16xf32>
      %eq3A_720 = arith.constant 7 : i32
      %eq3A_721 = vector.broadcast %eq3A_720 : i32 to vector<16xi32>
      %eq3A_722 = arith.cmpi eq, %iota3A, %eq3A_721 : vector<16xi32>
      %select_n3A_723 = arith.select %eq3A_722, %add3A_719, %select_n3A_703 : vector<16xi1>, vector<16xf32>
      %broadcast_in_dim3A_724 = vector.shape_cast %select_n3A_59 : vector<16xi32> to vector<16x1xi32>
      %gather3A_725 = vector.shape_cast %broadcast_in_dim3A_724 : vector<16x1xi32> to vector<16xi32>
      %gather3A_726 = tpu.dynamic_gather %scan3A_239#24[%gather3A_725] in [0] : vector<16xf32>, vector<16xi32> -> vector<16xf32>
      %add3A_727 = arith.addf %scan3A_239#24, %gather3A_726 : vector<16xf32>
      %broadcast_in_dim3A_728 = vector.shape_cast %select_n3A_84 : vector<16xi32> to vector<16x1xi32>
      %gather3A_729 = vector.shape_cast %broadcast_in_dim3A_728 : vector<16x1xi32> to vector<16xi32>
      %gather3A_730 = tpu.dynamic_gather %add3A_727[%gather3A_729] in [0] : vector<16xf32>, vector<16xi32> -> vector<16xf32>
      %add3A_731 = arith.addf %add3A_727, %gather3A_730 : vector<16xf32>
      %broadcast_in_dim3A_732 = vector.shape_cast %select_n3A_109 : vector<16xi32> to vector<16x1xi32>
      %gather3A_733 = vector.shape_cast %broadcast_in_dim3A_732 : vector<16x1xi32> to vector<16xi32>
      %gather3A_734 = tpu.dynamic_gather %add3A_731[%gather3A_733] in [0] : vector<16xf32>, vector<16xi32> -> vector<16xf32>
      %add3A_735 = arith.addf %add3A_731, %gather3A_734 : vector<16xf32>
      %broadcast_in_dim3A_736 = vector.shape_cast %select_n3A_134 : vector<16xi32> to vector<16x1xi32>
      %gather3A_737 = vector.shape_cast %broadcast_in_dim3A_736 : vector<16x1xi32> to vector<16xi32>
      %gather3A_738 = tpu.dynamic_gather %add3A_735[%gather3A_737] in [0] : vector<16xf32>, vector<16xi32> -> vector<16xf32>
      %add3A_739 = arith.addf %add3A_735, %gather3A_738 : vector<16xf32>
      %eq3A_740 = arith.constant 8 : i32
      %eq3A_741 = vector.broadcast %eq3A_740 : i32 to vector<16xi32>
      %eq3A_742 = arith.cmpi eq, %iota3A, %eq3A_741 : vector<16xi32>
      %select_n3A_743 = arith.select %eq3A_742, %add3A_739, %select_n3A_723 : vector<16xi1>, vector<16xf32>
      %broadcast_in_dim3A_744 = vector.shape_cast %select_n3A_59 : vector<16xi32> to vector<16x1xi32>
      %gather3A_745 = vector.shape_cast %broadcast_in_dim3A_744 : vector<16x1xi32> to vector<16xi32>
      %gather3A_746 = tpu.dynamic_gather %scan3A_239#25[%gather3A_745] in [0] : vector<16xf32>, vector<16xi32> -> vector<16xf32>
      %add3A_747 = arith.addf %scan3A_239#25, %gather3A_746 : vector<16xf32>
      %broadcast_in_dim3A_748 = vector.shape_cast %select_n3A_84 : vector<16xi32> to vector<16x1xi32>
      %gather3A_749 = vector.shape_cast %broadcast_in_dim3A_748 : vector<16x1xi32> to vector<16xi32>
      %gather3A_750 = tpu.dynamic_gather %add3A_747[%gather3A_749] in [0] : vector<16xf32>, vector<16xi32> -> vector<16xf32>
      %add3A_751 = arith.addf %add3A_747, %gather3A_750 : vector<16xf32>
      %broadcast_in_dim3A_752 = vector.shape_cast %select_n3A_109 : vector<16xi32> to vector<16x1xi32>
      %gather3A_753 = vector.shape_cast %broadcast_in_dim3A_752 : vector<16x1xi32> to vector<16xi32>
      %gather3A_754 = tpu.dynamic_gather %add3A_751[%gather3A_753] in [0] : vector<16xf32>, vector<16xi32> -> vector<16xf32>
      %add3A_755 = arith.addf %add3A_751, %gather3A_754 : vector<16xf32>
      %broadcast_in_dim3A_756 = vector.shape_cast %select_n3A_134 : vector<16xi32> to vector<16x1xi32>
      %gather3A_757 = vector.shape_cast %broadcast_in_dim3A_756 : vector<16x1xi32> to vector<16xi32>
      %gather3A_758 = tpu.dynamic_gather %add3A_755[%gather3A_757] in [0] : vector<16xf32>, vector<16xi32> -> vector<16xf32>
      %add3A_759 = arith.addf %add3A_755, %gather3A_758 : vector<16xf32>
      %eq3A_760 = arith.constant 9 : i32
      %eq3A_761 = vector.broadcast %eq3A_760 : i32 to vector<16xi32>
      %eq3A_762 = arith.cmpi eq, %iota3A, %eq3A_761 : vector<16xi32>
      %select_n3A_763 = arith.select %eq3A_762, %add3A_759, %select_n3A_743 : vector<16xi1>, vector<16xf32>
      %broadcast_in_dim3A_764 = vector.shape_cast %select_n3A_59 : vector<16xi32> to vector<16x1xi32>
      %gather3A_765 = vector.shape_cast %broadcast_in_dim3A_764 : vector<16x1xi32> to vector<16xi32>
      %gather3A_766 = tpu.dynamic_gather %scan3A_239#26[%gather3A_765] in [0] : vector<16xf32>, vector<16xi32> -> vector<16xf32>
      %add3A_767 = arith.addf %scan3A_239#26, %gather3A_766 : vector<16xf32>
      %broadcast_in_dim3A_768 = vector.shape_cast %select_n3A_84 : vector<16xi32> to vector<16x1xi32>
      %gather3A_769 = vector.shape_cast %broadcast_in_dim3A_768 : vector<16x1xi32> to vector<16xi32>
      %gather3A_770 = tpu.dynamic_gather %add3A_767[%gather3A_769] in [0] : vector<16xf32>, vector<16xi32> -> vector<16xf32>
      %add3A_771 = arith.addf %add3A_767, %gather3A_770 : vector<16xf32>
      %broadcast_in_dim3A_772 = vector.shape_cast %select_n3A_109 : vector<16xi32> to vector<16x1xi32>
      %gather3A_773 = vector.shape_cast %broadcast_in_dim3A_772 : vector<16x1xi32> to vector<16xi32>
      %gather3A_774 = tpu.dynamic_gather %add3A_771[%gather3A_773] in [0] : vector<16xf32>, vector<16xi32> -> vector<16xf32>
      %add3A_775 = arith.addf %add3A_771, %gather3A_774 : vector<16xf32>
      %broadcast_in_dim3A_776 = vector.shape_cast %select_n3A_134 : vector<16xi32> to vector<16x1xi32>
      %gather3A_777 = vector.shape_cast %broadcast_in_dim3A_776 : vector<16x1xi32> to vector<16xi32>
      %gather3A_778 = tpu.dynamic_gather %add3A_775[%gather3A_777] in [0] : vector<16xf32>, vector<16xi32> -> vector<16xf32>
      %add3A_779 = arith.addf %add3A_775, %gather3A_778 : vector<16xf32>
      %eq3A_780 = arith.constant 10 : i32
      %eq3A_781 = vector.broadcast %eq3A_780 : i32 to vector<16xi32>
      %eq3A_782 = arith.cmpi eq, %iota3A, %eq3A_781 : vector<16xi32>
      %select_n3A_783 = arith.select %eq3A_782, %add3A_779, %select_n3A_763 : vector<16xi1>, vector<16xf32>
      %broadcast_in_dim3A_784 = vector.shape_cast %select_n3A_59 : vector<16xi32> to vector<16x1xi32>
      %gather3A_785 = vector.shape_cast %broadcast_in_dim3A_784 : vector<16x1xi32> to vector<16xi32>
      %gather3A_786 = tpu.dynamic_gather %scan3A_239#27[%gather3A_785] in [0] : vector<16xf32>, vector<16xi32> -> vector<16xf32>
      %add3A_787 = arith.addf %scan3A_239#27, %gather3A_786 : vector<16xf32>
      %broadcast_in_dim3A_788 = vector.shape_cast %select_n3A_84 : vector<16xi32> to vector<16x1xi32>
      %gather3A_789 = vector.shape_cast %broadcast_in_dim3A_788 : vector<16x1xi32> to vector<16xi32>
      %gather3A_790 = tpu.dynamic_gather %add3A_787[%gather3A_789] in [0] : vector<16xf32>, vector<16xi32> -> vector<16xf32>
      %add3A_791 = arith.addf %add3A_787, %gather3A_790 : vector<16xf32>
      %broadcast_in_dim3A_792 = vector.shape_cast %select_n3A_109 : vector<16xi32> to vector<16x1xi32>
      %gather3A_793 = vector.shape_cast %broadcast_in_dim3A_792 : vector<16x1xi32> to vector<16xi32>
      %gather3A_794 = tpu.dynamic_gather %add3A_791[%gather3A_793] in [0] : vector<16xf32>, vector<16xi32> -> vector<16xf32>
      %add3A_795 = arith.addf %add3A_791, %gather3A_794 : vector<16xf32>
      %broadcast_in_dim3A_796 = vector.shape_cast %select_n3A_134 : vector<16xi32> to vector<16x1xi32>
      %gather3A_797 = vector.shape_cast %broadcast_in_dim3A_796 : vector<16x1xi32> to vector<16xi32>
      %gather3A_798 = tpu.dynamic_gather %add3A_795[%gather3A_797] in [0] : vector<16xf32>, vector<16xi32> -> vector<16xf32>
      %add3A_799 = arith.addf %add3A_795, %gather3A_798 : vector<16xf32>
      %eq3A_800 = arith.constant 11 : i32
      %eq3A_801 = vector.broadcast %eq3A_800 : i32 to vector<16xi32>
      %eq3A_802 = arith.cmpi eq, %iota3A, %eq3A_801 : vector<16xi32>
      %select_n3A_803 = arith.select %eq3A_802, %add3A_799, %select_n3A_783 : vector<16xi1>, vector<16xf32>
      %broadcast_in_dim3A_804 = vector.shape_cast %select_n3A_59 : vector<16xi32> to vector<16x1xi32>
      %gather3A_805 = vector.shape_cast %broadcast_in_dim3A_804 : vector<16x1xi32> to vector<16xi32>
      %gather3A_806 = tpu.dynamic_gather %scan3A_239#28[%gather3A_805] in [0] : vector<16xf32>, vector<16xi32> -> vector<16xf32>
      %add3A_807 = arith.addf %scan3A_239#28, %gather3A_806 : vector<16xf32>
      %broadcast_in_dim3A_808 = vector.shape_cast %select_n3A_84 : vector<16xi32> to vector<16x1xi32>
      %gather3A_809 = vector.shape_cast %broadcast_in_dim3A_808 : vector<16x1xi32> to vector<16xi32>
      %gather3A_810 = tpu.dynamic_gather %add3A_807[%gather3A_809] in [0] : vector<16xf32>, vector<16xi32> -> vector<16xf32>
      %add3A_811 = arith.addf %add3A_807, %gather3A_810 : vector<16xf32>
      %broadcast_in_dim3A_812 = vector.shape_cast %select_n3A_109 : vector<16xi32> to vector<16x1xi32>
      %gather3A_813 = vector.shape_cast %broadcast_in_dim3A_812 : vector<16x1xi32> to vector<16xi32>
      %gather3A_814 = tpu.dynamic_gather %add3A_811[%gather3A_813] in [0] : vector<16xf32>, vector<16xi32> -> vector<16xf32>
      %add3A_815 = arith.addf %add3A_811, %gather3A_814 : vector<16xf32>
      %broadcast_in_dim3A_816 = vector.shape_cast %select_n3A_134 : vector<16xi32> to vector<16x1xi32>
      %gather3A_817 = vector.shape_cast %broadcast_in_dim3A_816 : vector<16x1xi32> to vector<16xi32>
      %gather3A_818 = tpu.dynamic_gather %add3A_815[%gather3A_817] in [0] : vector<16xf32>, vector<16xi32> -> vector<16xf32>
      %add3A_819 = arith.addf %add3A_815, %gather3A_818 : vector<16xf32>
      %eq3A_820 = arith.constant 12 : i32
      %eq3A_821 = vector.broadcast %eq3A_820 : i32 to vector<16xi32>
      %eq3A_822 = arith.cmpi eq, %iota3A, %eq3A_821 : vector<16xi32>
      %select_n3A_823 = arith.select %eq3A_822, %add3A_819, %select_n3A_803 : vector<16xi1>, vector<16xf32>
      %broadcast_in_dim3A_824 = vector.shape_cast %select_n3A_59 : vector<16xi32> to vector<16x1xi32>
      %gather3A_825 = vector.shape_cast %broadcast_in_dim3A_824 : vector<16x1xi32> to vector<16xi32>
      %gather3A_826 = tpu.dynamic_gather %scan3A_239#29[%gather3A_825] in [0] : vector<16xf32>, vector<16xi32> -> vector<16xf32>
      %add3A_827 = arith.addf %scan3A_239#29, %gather3A_826 : vector<16xf32>
      %broadcast_in_dim3A_828 = vector.shape_cast %select_n3A_84 : vector<16xi32> to vector<16x1xi32>
      %gather3A_829 = vector.shape_cast %broadcast_in_dim3A_828 : vector<16x1xi32> to vector<16xi32>
      %gather3A_830 = tpu.dynamic_gather %add3A_827[%gather3A_829] in [0] : vector<16xf32>, vector<16xi32> -> vector<16xf32>
      %add3A_831 = arith.addf %add3A_827, %gather3A_830 : vector<16xf32>
      %broadcast_in_dim3A_832 = vector.shape_cast %select_n3A_109 : vector<16xi32> to vector<16x1xi32>
      %gather3A_833 = vector.shape_cast %broadcast_in_dim3A_832 : vector<16x1xi32> to vector<16xi32>
      %gather3A_834 = tpu.dynamic_gather %add3A_831[%gather3A_833] in [0] : vector<16xf32>, vector<16xi32> -> vector<16xf32>
      %add3A_835 = arith.addf %add3A_831, %gather3A_834 : vector<16xf32>
      %broadcast_in_dim3A_836 = vector.shape_cast %select_n3A_134 : vector<16xi32> to vector<16x1xi32>
      %gather3A_837 = vector.shape_cast %broadcast_in_dim3A_836 : vector<16x1xi32> to vector<16xi32>
      %gather3A_838 = tpu.dynamic_gather %add3A_835[%gather3A_837] in [0] : vector<16xf32>, vector<16xi32> -> vector<16xf32>
      %add3A_839 = arith.addf %add3A_835, %gather3A_838 : vector<16xf32>
      %eq3A_840 = arith.constant 13 : i32
      %eq3A_841 = vector.broadcast %eq3A_840 : i32 to vector<16xi32>
      %eq3A_842 = arith.cmpi eq, %iota3A, %eq3A_841 : vector<16xi32>
      %select_n3A_843 = arith.select %eq3A_842, %add3A_839, %select_n3A_823 : vector<16xi1>, vector<16xf32>
      %broadcast_in_dim3A_844 = vector.shape_cast %select_n3A_59 : vector<16xi32> to vector<16x1xi32>
      %gather3A_845 = vector.shape_cast %broadcast_in_dim3A_844 : vector<16x1xi32> to vector<16xi32>
      %gather3A_846 = tpu.dynamic_gather %scan3A_239#30[%gather3A_845] in [0] : vector<16xf32>, vector<16xi32> -> vector<16xf32>
      %add3A_847 = arith.addf %scan3A_239#30, %gather3A_846 : vector<16xf32>
      %broadcast_in_dim3A_848 = vector.shape_cast %select_n3A_84 : vector<16xi32> to vector<16x1xi32>
      %gather3A_849 = vector.shape_cast %broadcast_in_dim3A_848 : vector<16x1xi32> to vector<16xi32>
      %gather3A_850 = tpu.dynamic_gather %add3A_847[%gather3A_849] in [0] : vector<16xf32>, vector<16xi32> -> vector<16xf32>
      %add3A_851 = arith.addf %add3A_847, %gather3A_850 : vector<16xf32>
      %broadcast_in_dim3A_852 = vector.shape_cast %select_n3A_109 : vector<16xi32> to vector<16x1xi32>
      %gather3A_853 = vector.shape_cast %broadcast_in_dim3A_852 : vector<16x1xi32> to vector<16xi32>
      %gather3A_854 = tpu.dynamic_gather %add3A_851[%gather3A_853] in [0] : vector<16xf32>, vector<16xi32> -> vector<16xf32>
      %add3A_855 = arith.addf %add3A_851, %gather3A_854 : vector<16xf32>
      %broadcast_in_dim3A_856 = vector.shape_cast %select_n3A_134 : vector<16xi32> to vector<16x1xi32>
      %gather3A_857 = vector.shape_cast %broadcast_in_dim3A_856 : vector<16x1xi32> to vector<16xi32>
      %gather3A_858 = tpu.dynamic_gather %add3A_855[%gather3A_857] in [0] : vector<16xf32>, vector<16xi32> -> vector<16xf32>
      %add3A_859 = arith.addf %add3A_855, %gather3A_858 : vector<16xf32>
      %eq3A_860 = arith.constant 14 : i32
      %eq3A_861 = vector.broadcast %eq3A_860 : i32 to vector<16xi32>
      %eq3A_862 = arith.cmpi eq, %iota3A, %eq3A_861 : vector<16xi32>
      %select_n3A_863 = arith.select %eq3A_862, %add3A_859, %select_n3A_843 : vector<16xi1>, vector<16xf32>
      %broadcast_in_dim3A_864 = vector.shape_cast %select_n3A_59 : vector<16xi32> to vector<16x1xi32>
      %gather3A_865 = vector.shape_cast %broadcast_in_dim3A_864 : vector<16x1xi32> to vector<16xi32>
      %gather3A_866 = tpu.dynamic_gather %scan3A_239#31[%gather3A_865] in [0] : vector<16xf32>, vector<16xi32> -> vector<16xf32>
      %add3A_867 = arith.addf %scan3A_239#31, %gather3A_866 : vector<16xf32>
      %broadcast_in_dim3A_868 = vector.shape_cast %select_n3A_84 : vector<16xi32> to vector<16x1xi32>
      %gather3A_869 = vector.shape_cast %broadcast_in_dim3A_868 : vector<16x1xi32> to vector<16xi32>
      %gather3A_870 = tpu.dynamic_gather %add3A_867[%gather3A_869] in [0] : vector<16xf32>, vector<16xi32> -> vector<16xf32>
      %add3A_871 = arith.addf %add3A_867, %gather3A_870 : vector<16xf32>
      %broadcast_in_dim3A_872 = vector.shape_cast %select_n3A_109 : vector<16xi32> to vector<16x1xi32>
      %gather3A_873 = vector.shape_cast %broadcast_in_dim3A_872 : vector<16x1xi32> to vector<16xi32>
      %gather3A_874 = tpu.dynamic_gather %add3A_871[%gather3A_873] in [0] : vector<16xf32>, vector<16xi32> -> vector<16xf32>
      %add3A_875 = arith.addf %add3A_871, %gather3A_874 : vector<16xf32>
      %broadcast_in_dim3A_876 = vector.shape_cast %select_n3A_134 : vector<16xi32> to vector<16x1xi32>
      %gather3A_877 = vector.shape_cast %broadcast_in_dim3A_876 : vector<16x1xi32> to vector<16xi32>
      %gather3A_878 = tpu.dynamic_gather %add3A_875[%gather3A_877] in [0] : vector<16xf32>, vector<16xi32> -> vector<16xf32>
      %add3A_879 = arith.addf %add3A_875, %gather3A_878 : vector<16xf32>
      %eq3A_880 = arith.constant 15 : i32
      %eq3A_881 = vector.broadcast %eq3A_880 : i32 to vector<16xi32>
      %eq3A_882 = arith.cmpi eq, %iota3A, %eq3A_881 : vector<16xi32>
      %select_n3A_883 = arith.select %eq3A_882, %add3A_879, %select_n3A_863 : vector<16xi1>, vector<16xf32>
      %mul3A_884 = arith.constant 32 : i32
      %mul3A_885 = arith.muli %mul3A_171, %mul3A_884 : i32
      %swap3A = arith.index_cast %mul3A_885 : i32 to index
      %swap3A_886 = tpu.vector_load %arg8[%swap3A] {strides = array<i32>} : memref<2048xf32, #tpu.memory_space<vmem>>, vector<16xf32>,
      %swap3A_887 = vector.shape_cast %swap3A_886 : vector<16xf32> to vector<16xf32>
      %swap3A_888 = vector.shape_cast %select_n3A_563 : vector<16xf32> to vector<16xf32>
      tpu.vector_store %arg8[%swap3A], %swap3A_888 {strides = array<i32>} : memref<2048xf32, #tpu.memory_space<vmem>>, vector<16xf32>,
      %mul3A_889 = arith.constant 32 : i32
      %mul3A_890 = arith.muli %mul3A_171, %mul3A_889 : i32
      %add3A_891 = arith.constant 16 : i32
      %add3A_892 = arith.addi %mul3A_890, %add3A_891 : i32
      %swap3A_893 = arith.index_cast %add3A_892 : i32 to index
      %swap3A_894 = tpu.vector_load %arg8[%swap3A_893] {strides = array<i32>} : memref<2048xf32, #tpu.memory_space<vmem>>, vector<16xf32>,
      %swap3A_895 = vector.shape_cast %swap3A_894 : vector<16xf32> to vector<16xf32>
      %swap3A_896 = vector.shape_cast %select_n3A_883 : vector<16xf32> to vector<16xf32>
      tpu.vector_store %arg8[%swap3A_893], %swap3A_896 {strides = array<i32>} : memref<2048xf32, #tpu.memory_space<vmem>>, vector<16xf32>,
      %lt3A_897 = arith.constant 31 : i32
      %lt3A_898 = arith.cmpi slt, %scan3A_159, %lt3A_897 : i32
      %convert_element_type3A = arith.extui %lt3A_898 : i1 to i32
      %cond3A = arith.constant 0 : i32
      %cond3A_899 = arith.cmpi ne, %convert_element_type3A, %cond3A : i32
      scf.if %cond3A_899 {
        %mul3A_1650 = arith.constant 2 : i32
        %mul3A_1651 = arith.muli %mul3A_1650, %scan3A_159 : i32
        %add3A_1652 = arith.constant 2 : i32
        %add3A_1653 = arith.addi %mul3A_1651, %add3A_1652 : i32
        %mul3A_1654 = arith.constant 4 : i32
        %mul3A_1655 = arith.muli %add3A_1653, %mul3A_1654 : i32
        %add3A_1656 = arith.addi %add3A_34, %mul3A_1655 : i32
        %dma_start3A_1657 = arith.constant 0 : i32
        %dma_start3A_1658 = tpu.memref_slice %arg2[%select_n3A, %add3A_1656, %dma_start3A_1657] : memref<4x8192x1024xf32, #tpu.memory_space<hbm>> -> memref<1x4x1024xf32, #tpu.memory_space<hbm>>
        %dma_start3A_1659 = tpu.memref_squeeze %dma_start3A_1658 : memref<1x4x1024xf32, #tpu.memory_space<hbm>> -> memref<4x1024xf32, #tpu.memory_space<hbm>>
        %dma_start3A_1660 = arith.constant 0 : i32
        %dma_start3A_1661 = tpu.memref_slice %arg2[%select_n3A, %add3A_1656, %dma_start3A_1660] : memref<4x8192x1024xf32, #tpu.memory_space<hbm>> -> memref<1x4x1024xf32, #tpu.memory_space<hbm>>
        %dma_start3A_1662 = tpu.memref_squeeze %dma_start3A_1661 : memref<1x4x1024xf32, #tpu.memory_space<hbm>> -> memref<4x1024xf32, #tpu.memory_space<hbm>>
        tpu.enqueue_dma source(%dma_start3A_1662 : memref<4x1024xf32, #tpu.memory_space<hbm>>) target(%arg5 : memref<4x1024xf32, #tpu.memory_space<vmem>>) target_semaphore(%arg9 : memref<!tpu.dma_semaphore, #tpu.memory_space<semaphore_mem>>)
      } else {
      }
      %mul3A_900 = arith.constant 2 : i32
      %mul3A_901 = arith.muli %mul3A_900, %scan3A_159 : i32
      %add3A_902 = arith.constant 1 : i32
      %add3A_903 = arith.addi %mul3A_901, %add3A_902 : i32
      %mul3A_904 = arith.constant 4 : i32
      %mul3A_905 = arith.muli %add3A_903, %mul3A_904 : i32
      %add3A_906 = arith.addi %add3A_34, %mul3A_905 : i32
      %dma_wait3A_907 = arith.constant 0 : i32
      %dma_wait3A_908 = tpu.memref_slice %arg2[%select_n3A, %add3A_906, %dma_wait3A_907] : memref<4x8192x1024xf32, #tpu.memory_space<hbm>> -> memref<1x4x1024xf32, #tpu.memory_space<hbm>>
      %dma_wait3A_909 = tpu.memref_squeeze %dma_wait3A_908 : memref<1x4x1024xf32, #tpu.memory_space<hbm>> -> memref<4x1024xf32, #tpu.memory_space<hbm>>
      %dma_wait3A_910 = arith.constant 0 : i32
      %dma_wait3A_911 = tpu.memref_slice %arg2[%select_n3A, %add3A_906, %dma_wait3A_910] : memref<4x8192x1024xf32, #tpu.memory_space<hbm>> -> memref<1x4x1024xf32, #tpu.memory_space<hbm>>
      %dma_wait3A_912 = tpu.memref_squeeze %dma_wait3A_911 : memref<1x4x1024xf32, #tpu.memory_space<hbm>> -> memref<4x1024xf32, #tpu.memory_space<hbm>>
      tpu.wait_dma2 semaphore(%arg10 : memref<!tpu.dma_semaphore, #tpu.memory_space<semaphore_mem>>) src(%dma_wait3A_912 : memref<4x1024xf32, #tpu.memory_space<hbm>>) dst(%arg6 : memref<4x1024xf32, #tpu.memory_space<vmem>>)
      %mul3A_913 = arith.constant 2 : i32
      %mul3A_914 = arith.muli %mul3A_913, %scan3A_159 : i32
      %add3A_915 = arith.constant 1 : i32
      %add3A_916 = arith.addi %mul3A_914, %add3A_915 : i32
      %broadcast_in_dim3A_917 = arith.constant 0.000000e+00 : f32
      %broadcast_in_dim3A_918 = vector.broadcast %broadcast_in_dim3A_917 : f32 to vector<16xf32>
      %broadcast_in_dim3A_919 = arith.constant 0.000000e+00 : f32
      %broadcast_in_dim3A_920 = vector.broadcast %broadcast_in_dim3A_919 : f32 to vector<16xf32>
      %broadcast_in_dim3A_921 = arith.constant 0.000000e+00 : f32
      %broadcast_in_dim3A_922 = vector.broadcast %broadcast_in_dim3A_921 : f32 to vector<16xf32>
      %broadcast_in_dim3A_923 = arith.constant 0.000000e+00 : f32
      %broadcast_in_dim3A_924 = vector.broadcast %broadcast_in_dim3A_923 : f32 to vector<16xf32>
      %broadcast_in_dim3A_925 = arith.constant 0.000000e+00 : f32
      %broadcast_in_dim3A_926 = vector.broadcast %broadcast_in_dim3A_925 : f32 to vector<16xf32>
      %broadcast_in_dim3A_927 = arith.constant 0.000000e+00 : f32
      %broadcast_in_dim3A_928 = vector.broadcast %broadcast_in_dim3A_927 : f32 to vector<16xf32>
      %broadcast_in_dim3A_929 = arith.constant 0.000000e+00 : f32
      %broadcast_in_dim3A_930 = vector.broadcast %broadcast_in_dim3A_929 : f32 to vector<16xf32>
      %broadcast_in_dim3A_931 = arith.constant 0.000000e+00 : f32
      %broadcast_in_dim3A_932 = vector.broadcast %broadcast_in_dim3A_931 : f32 to vector<16xf32>
      %broadcast_in_dim3A_933 = arith.constant 0.000000e+00 : f32
      %broadcast_in_dim3A_934 = vector.broadcast %broadcast_in_dim3A_933 : f32 to vector<16xf32>
      %broadcast_in_dim3A_935 = arith.constant 0.000000e+00 : f32
      %broadcast_in_dim3A_936 = vector.broadcast %broadcast_in_dim3A_935 : f32 to vector<16xf32>
      %broadcast_in_dim3A_937 = arith.constant 0.000000e+00 : f32
      %broadcast_in_dim3A_938 = vector.broadcast %broadcast_in_dim3A_937 : f32 to vector<16xf32>
      %broadcast_in_dim3A_939 = arith.constant 0.000000e+00 : f32
      %broadcast_in_dim3A_940 = vector.broadcast %broadcast_in_dim3A_939 : f32 to vector<16xf32>
      %broadcast_in_dim3A_941 = arith.constant 0.000000e+00 : f32
      %broadcast_in_dim3A_942 = vector.broadcast %broadcast_in_dim3A_941 : f32 to vector<16xf32>
      %broadcast_in_dim3A_943 = arith.constant 0.000000e+00 : f32
      %broadcast_in_dim3A_944 = vector.broadcast %broadcast_in_dim3A_943 : f32 to vector<16xf32>
      %broadcast_in_dim3A_945 = arith.constant 0.000000e+00 : f32
      %broadcast_in_dim3A_946 = vector.broadcast %broadcast_in_dim3A_945 : f32 to vector<16xf32>
      %broadcast_in_dim3A_947 = arith.constant 0.000000e+00 : f32
      %broadcast_in_dim3A_948 = vector.broadcast %broadcast_in_dim3A_947 : f32 to vector<16xf32>
      %broadcast_in_dim3A_949 = arith.constant 0.000000e+00 : f32
      %broadcast_in_dim3A_950 = vector.broadcast %broadcast_in_dim3A_949 : f32 to vector<16xf32>
      %broadcast_in_dim3A_951 = arith.constant 0.000000e+00 : f32
      %broadcast_in_dim3A_952 = vector.broadcast %broadcast_in_dim3A_951 : f32 to vector<16xf32>
      %broadcast_in_dim3A_953 = arith.constant 0.000000e+00 : f32
      %broadcast_in_dim3A_954 = vector.broadcast %broadcast_in_dim3A_953 : f32 to vector<16xf32>
      %broadcast_in_dim3A_955 = arith.constant 0.000000e+00 : f32
      %broadcast_in_dim3A_956 = vector.broadcast %broadcast_in_dim3A_955 : f32 to vector<16xf32>
      %broadcast_in_dim3A_957 = arith.constant 0.000000e+00 : f32
      %broadcast_in_dim3A_958 = vector.broadcast %broadcast_in_dim3A_957 : f32 to vector<16xf32>
      %broadcast_in_dim3A_959 = arith.constant 0.000000e+00 : f32
      %broadcast_in_dim3A_960 = vector.broadcast %broadcast_in_dim3A_959 : f32 to vector<16xf32>
      %broadcast_in_dim3A_961 = arith.constant 0.000000e+00 : f32
      %broadcast_in_dim3A_962 = vector.broadcast %broadcast_in_dim3A_961 : f32 to vector<16xf32>
      %broadcast_in_dim3A_963 = arith.constant 0.000000e+00 : f32
      %broadcast_in_dim3A_964 = vector.broadcast %broadcast_in_dim3A_963 : f32 to vector<16xf32>
      %broadcast_in_dim3A_965 = arith.constant 0.000000e+00 : f32
      %broadcast_in_dim3A_966 = vector.broadcast %broadcast_in_dim3A_965 : f32 to vector<16xf32>
      %broadcast_in_dim3A_967 = arith.constant 0.000000e+00 : f32
      %broadcast_in_dim3A_968 = vector.broadcast %broadcast_in_dim3A_967 : f32 to vector<16xf32>
      %broadcast_in_dim3A_969 = arith.constant 0.000000e+00 : f32
      %broadcast_in_dim3A_970 = vector.broadcast %broadcast_in_dim3A_969 : f32 to vector<16xf32>
      %broadcast_in_dim3A_971 = arith.constant 0.000000e+00 : f32
      %broadcast_in_dim3A_972 = vector.broadcast %broadcast_in_dim3A_971 : f32 to vector<16xf32>
      %broadcast_in_dim3A_973 = arith.constant 0.000000e+00 : f32
      %broadcast_in_dim3A_974 = vector.broadcast %broadcast_in_dim3A_973 : f32 to vector<16xf32>
      %broadcast_in_dim3A_975 = arith.constant 0.000000e+00 : f32
      %broadcast_in_dim3A_976 = vector.broadcast %broadcast_in_dim3A_975 : f32 to vector<16xf32>
      %broadcast_in_dim3A_977 = arith.constant 0.000000e+00 : f32
      %broadcast_in_dim3A_978 = vector.broadcast %broadcast_in_dim3A_977 : f32 to vector<16xf32>
      %broadcast_in_dim3A_979 = arith.constant 0.000000e+00 : f32
      %broadcast_in_dim3A_980 = vector.broadcast %broadcast_in_dim3A_979 : f32 to vector<16xf32>
      %scan3A_981 = arith.constant 0 : i32
      %scan3A_982 = arith.constant 16 : i32
      %scan3A_983 = arith.addi %scan3A_981, %scan3A_982 : i32
      %scan3A_984 = arith.constant 1 : i32
      %scan3A_985:32 = scf.for %scan3A_1650 = %scan3A_981 to %scan3A_983 step %scan3A_984 iter_args(%scan3A_1651 = %broadcast_in_dim3A_918, %scan3A_1652 = %broadcast_in_dim3A_920, %scan3A_1653 = %broadcast_in_dim3A_922, %scan3A_1654 = %broadcast_in_dim3A_924, %scan3A_1655 = %broadcast_in_dim3A_926, %scan3A_1656 = %broadcast_in_dim3A_928, %scan3A_1657 = %broadcast_in_dim3A_930, %scan3A_1658 = %broadcast_in_dim3A_932, %scan3A_1659 = %broadcast_in_dim3A_934, %scan3A_1660 = %broadcast_in_dim3A_936, %scan3A_1661 = %broadcast_in_dim3A_938, %scan3A_1662 = %broadcast_in_dim3A_940, %scan3A_1663 = %broadcast_in_dim3A_942, %scan3A_1664 = %broadcast_in_dim3A_944, %scan3A_1665 = %broadcast_in_dim3A_946, %scan3A_1666 = %broadcast_in_dim3A_948, %scan3A_1667 = %broadcast_in_dim3A_950, %scan3A_1668 = %broadcast_in_dim3A_952, %scan3A_1669 = %broadcast_in_dim3A_954, %scan3A_1670 = %broadcast_in_dim3A_956, %scan3A_1671 = %broadcast_in_dim3A_958, %scan3A_1672 = %broadcast_in_dim3A_960, %scan3A_1673 = %broadcast_in_dim3A_962, %scan3A_1674 = %broadcast_in_dim3A_964, %scan3A_1675 = %broadcast_in_dim3A_966, %scan3A_1676 = %broadcast_in_dim3A_968, %scan3A_1677 = %broadcast_in_dim3A_970, %scan3A_1678 = %broadcast_in_dim3A_972, %scan3A_1679 = %broadcast_in_dim3A_974, %scan3A_1680 = %broadcast_in_dim3A_976, %scan3A_1681 = %broadcast_in_dim3A_978, %scan3A_1682 = %broadcast_in_dim3A_980) -> (vector<16xf32>, vector<16xf32>, vector<16xf32>, vector<16xf32>, vector<16xf32>, vector<16xf32>, vector<16xf32>, vector<16xf32>, vector<16xf32>, vector<16xf32>, vector<16xf32>, vector<16xf32>, vector<16xf32>, vector<16xf32>, vector<16xf32>, vector<16xf32>, vector<16xf32>, vector<16xf32>, vector<16xf32>, vector<16xf32>, vector<16xf32>, vector<16xf32>, vector<16xf32>, vector<16xf32>, vector<16xf32>, vector<16xf32>, vector<16xf32>, vector<16xf32>, vector<16xf32>, vector<16xf32>, vector<16xf32>, vector<16xf32>)  : i32 {
        %mul3A_1683 = arith.constant 4 : i32
        %mul3A_1684 = arith.muli %scan3A_1650, %mul3A_1683 : i32
        %add3A_1685 = arith.constant 0 : i32
        %add3A_1686 = arith.addi %mul3A_1684, %add3A_1685 : i32
        %mul3A_1687 = arith.constant 16 : i32
        %mul3A_1688 = arith.muli %add3A_1686, %mul3A_1687 : i32
        %get3A = arith.constant 0 : i32
        %get3A_1689 = arith.index_cast %get3A : i32 to index
        %get3A_1690 = arith.index_cast %mul3A_1688 : i32 to index
        %get3A_1691 = tpu.vector_load %arg7[%get3A_1689, %get3A_1690] {strides = array<i32>} : memref<8x1024xf32, #tpu.memory_space<vmem>>, vector<1x16xf32>,
        %get3A_1692 = vector.shape_cast %get3A_1691 : vector<1x16xf32> to vector<16xf32>
        %mul3A_1693 = arith.constant 16 : i32
        %mul3A_1694 = arith.muli %add3A_1686, %mul3A_1693 : i32
        %get3A_1695 = arith.constant 1 : i32
        %get3A_1696 = arith.index_cast %get3A_1695 : i32 to index
        %get3A_1697 = arith.index_cast %mul3A_1694 : i32 to index
        %get3A_1698 = tpu.vector_load %arg7[%get3A_1696, %get3A_1697] {strides = array<i32>} : memref<8x1024xf32, #tpu.memory_space<vmem>>, vector<1x16xf32>,
        %get3A_1699 = vector.shape_cast %get3A_1698 : vector<1x16xf32> to vector<16xf32>
        %mul3A_1700 = arith.constant 16 : i32
        %mul3A_1701 = arith.muli %add3A_1686, %mul3A_1700 : i32
        %get3A_1702 = arith.constant 2 : i32
        %get3A_1703 = arith.index_cast %get3A_1702 : i32 to index
        %get3A_1704 = arith.index_cast %mul3A_1701 : i32 to index
        %get3A_1705 = tpu.vector_load %arg7[%get3A_1703, %get3A_1704] {strides = array<i32>} : memref<8x1024xf32, #tpu.memory_space<vmem>>, vector<1x16xf32>,
        %get3A_1706 = vector.shape_cast %get3A_1705 : vector<1x16xf32> to vector<16xf32>
        %mul3A_1707 = arith.constant 16 : i32
        %mul3A_1708 = arith.muli %add3A_1686, %mul3A_1707 : i32
        %get3A_1709 = arith.constant 3 : i32
        %get3A_1710 = arith.index_cast %get3A_1709 : i32 to index
        %get3A_1711 = arith.index_cast %mul3A_1708 : i32 to index
        %get3A_1712 = tpu.vector_load %arg7[%get3A_1710, %get3A_1711] {strides = array<i32>} : memref<8x1024xf32, #tpu.memory_space<vmem>>, vector<1x16xf32>,
        %get3A_1713 = vector.shape_cast %get3A_1712 : vector<1x16xf32> to vector<16xf32>
        %mul3A_1714 = arith.constant 16 : i32
        %mul3A_1715 = arith.muli %add3A_1686, %mul3A_1714 : i32
        %get3A_1716 = arith.constant 4 : i32
        %get3A_1717 = arith.index_cast %get3A_1716 : i32 to index
        %get3A_1718 = arith.index_cast %mul3A_1715 : i32 to index
        %get3A_1719 = tpu.vector_load %arg7[%get3A_1717, %get3A_1718] {strides = array<i32>} : memref<8x1024xf32, #tpu.memory_space<vmem>>, vector<1x16xf32>,
        %get3A_1720 = vector.shape_cast %get3A_1719 : vector<1x16xf32> to vector<16xf32>
        %mul3A_1721 = arith.constant 16 : i32
        %mul3A_1722 = arith.muli %add3A_1686, %mul3A_1721 : i32
        %get3A_1723 = arith.constant 5 : i32
        %get3A_1724 = arith.index_cast %get3A_1723 : i32 to index
        %get3A_1725 = arith.index_cast %mul3A_1722 : i32 to index
        %get3A_1726 = tpu.vector_load %arg7[%get3A_1724, %get3A_1725] {strides = array<i32>} : memref<8x1024xf32, #tpu.memory_space<vmem>>, vector<1x16xf32>,
        %get3A_1727 = vector.shape_cast %get3A_1726 : vector<1x16xf32> to vector<16xf32>
        %mul3A_1728 = arith.constant 16 : i32
        %mul3A_1729 = arith.muli %add3A_1686, %mul3A_1728 : i32
        %get3A_1730 = arith.constant 6 : i32
        %get3A_1731 = arith.index_cast %get3A_1730 : i32 to index
        %get3A_1732 = arith.index_cast %mul3A_1729 : i32 to index
        %get3A_1733 = tpu.vector_load %arg7[%get3A_1731, %get3A_1732] {strides = array<i32>} : memref<8x1024xf32, #tpu.memory_space<vmem>>, vector<1x16xf32>,
        %get3A_1734 = vector.shape_cast %get3A_1733 : vector<1x16xf32> to vector<16xf32>
        %mul3A_1735 = arith.constant 16 : i32
        %mul3A_1736 = arith.muli %add3A_1686, %mul3A_1735 : i32
        %get3A_1737 = arith.constant 7 : i32
        %get3A_1738 = arith.index_cast %get3A_1737 : i32 to index
        %get3A_1739 = arith.index_cast %mul3A_1736 : i32 to index
        %get3A_1740 = tpu.vector_load %arg7[%get3A_1738, %get3A_1739] {strides = array<i32>} : memref<8x1024xf32, #tpu.memory_space<vmem>>, vector<1x16xf32>,
        %get3A_1741 = vector.shape_cast %get3A_1740 : vector<1x16xf32> to vector<16xf32>
        %mul3A_1742 = arith.constant 16 : i32
        %mul3A_1743 = arith.muli %add3A_1686, %mul3A_1742 : i32
        %get3A_1744 = arith.constant 0 : i32
        %get3A_1745 = arith.index_cast %get3A_1744 : i32 to index
        %get3A_1746 = arith.index_cast %mul3A_1743 : i32 to index
        %get3A_1747 = tpu.vector_load %arg6[%get3A_1745, %get3A_1746] {strides = array<i32>} : memref<4x1024xf32, #tpu.memory_space<vmem>>, vector<1x16xf32>,
        %get3A_1748 = vector.shape_cast %get3A_1747 : vector<1x16xf32> to vector<16xf32>
        %mul3A_1749 = arith.mulf %get3A_1748, %get3A_1692 : vector<16xf32>
        %add3A_1750 = arith.addf %scan3A_1651, %mul3A_1749 : vector<16xf32>
        %mul3A_1751 = arith.mulf %get3A_1748, %get3A_1699 : vector<16xf32>
        %add3A_1752 = arith.addf %scan3A_1652, %mul3A_1751 : vector<16xf32>
        %mul3A_1753 = arith.mulf %get3A_1748, %get3A_1706 : vector<16xf32>
        %add3A_1754 = arith.addf %scan3A_1653, %mul3A_1753 : vector<16xf32>
        %mul3A_1755 = arith.mulf %get3A_1748, %get3A_1713 : vector<16xf32>
        %add3A_1756 = arith.addf %scan3A_1654, %mul3A_1755 : vector<16xf32>
        %mul3A_1757 = arith.mulf %get3A_1748, %get3A_1720 : vector<16xf32>
        %add3A_1758 = arith.addf %scan3A_1655, %mul3A_1757 : vector<16xf32>
        %mul3A_1759 = arith.mulf %get3A_1748, %get3A_1727 : vector<16xf32>
        %add3A_1760 = arith.addf %scan3A_1656, %mul3A_1759 : vector<16xf32>
        %mul3A_1761 = arith.mulf %get3A_1748, %get3A_1734 : vector<16xf32>
        %add3A_1762 = arith.addf %scan3A_1657, %mul3A_1761 : vector<16xf32>
        %mul3A_1763 = arith.mulf %get3A_1748, %get3A_1741 : vector<16xf32>
        %add3A_1764 = arith.addf %scan3A_1658, %mul3A_1763 : vector<16xf32>
        %mul3A_1765 = arith.constant 16 : i32
        %mul3A_1766 = arith.muli %add3A_1686, %mul3A_1765 : i32
        %get3A_1767 = arith.constant 1 : i32
        %get3A_1768 = arith.index_cast %get3A_1767 : i32 to index
        %get3A_1769 = arith.index_cast %mul3A_1766 : i32 to index
        %get3A_1770 = tpu.vector_load %arg6[%get3A_1768, %get3A_1769] {strides = array<i32>} : memref<4x1024xf32, #tpu.memory_space<vmem>>, vector<1x16xf32>,
        %get3A_1771 = vector.shape_cast %get3A_1770 : vector<1x16xf32> to vector<16xf32>
        %mul3A_1772 = arith.mulf %get3A_1771, %get3A_1692 : vector<16xf32>
        %add3A_1773 = arith.addf %scan3A_1659, %mul3A_1772 : vector<16xf32>
        %mul3A_1774 = arith.mulf %get3A_1771, %get3A_1699 : vector<16xf32>
        %add3A_1775 = arith.addf %scan3A_1660, %mul3A_1774 : vector<16xf32>
        %mul3A_1776 = arith.mulf %get3A_1771, %get3A_1706 : vector<16xf32>
        %add3A_1777 = arith.addf %scan3A_1661, %mul3A_1776 : vector<16xf32>
        %mul3A_1778 = arith.mulf %get3A_1771, %get3A_1713 : vector<16xf32>
        %add3A_1779 = arith.addf %scan3A_1662, %mul3A_1778 : vector<16xf32>
        %mul3A_1780 = arith.mulf %get3A_1771, %get3A_1720 : vector<16xf32>
        %add3A_1781 = arith.addf %scan3A_1663, %mul3A_1780 : vector<16xf32>
        %mul3A_1782 = arith.mulf %get3A_1771, %get3A_1727 : vector<16xf32>
        %add3A_1783 = arith.addf %scan3A_1664, %mul3A_1782 : vector<16xf32>
        %mul3A_1784 = arith.mulf %get3A_1771, %get3A_1734 : vector<16xf32>
        %add3A_1785 = arith.addf %scan3A_1665, %mul3A_1784 : vector<16xf32>
        %mul3A_1786 = arith.mulf %get3A_1771, %get3A_1741 : vector<16xf32>
        %add3A_1787 = arith.addf %scan3A_1666, %mul3A_1786 : vector<16xf32>
        %mul3A_1788 = arith.constant 16 : i32
        %mul3A_1789 = arith.muli %add3A_1686, %mul3A_1788 : i32
        %get3A_1790 = arith.constant 2 : i32
        %get3A_1791 = arith.index_cast %get3A_1790 : i32 to index
        %get3A_1792 = arith.index_cast %mul3A_1789 : i32 to index
        %get3A_1793 = tpu.vector_load %arg6[%get3A_1791, %get3A_1792] {strides = array<i32>} : memref<4x1024xf32, #tpu.memory_space<vmem>>, vector<1x16xf32>,
        %get3A_1794 = vector.shape_cast %get3A_1793 : vector<1x16xf32> to vector<16xf32>
        %mul3A_1795 = arith.mulf %get3A_1794, %get3A_1692 : vector<16xf32>
        %add3A_1796 = arith.addf %scan3A_1667, %mul3A_1795 : vector<16xf32>
        %mul3A_1797 = arith.mulf %get3A_1794, %get3A_1699 : vector<16xf32>
        %add3A_1798 = arith.addf %scan3A_1668, %mul3A_1797 : vector<16xf32>
        %mul3A_1799 = arith.mulf %get3A_1794, %get3A_1706 : vector<16xf32>
        %add3A_1800 = arith.addf %scan3A_1669, %mul3A_1799 : vector<16xf32>
        %mul3A_1801 = arith.mulf %get3A_1794, %get3A_1713 : vector<16xf32>
        %add3A_1802 = arith.addf %scan3A_1670, %mul3A_1801 : vector<16xf32>
        %mul3A_1803 = arith.mulf %get3A_1794, %get3A_1720 : vector<16xf32>
        %add3A_1804 = arith.addf %scan3A_1671, %mul3A_1803 : vector<16xf32>
        %mul3A_1805 = arith.mulf %get3A_1794, %get3A_1727 : vector<16xf32>
        %add3A_1806 = arith.addf %scan3A_1672, %mul3A_1805 : vector<16xf32>
        %mul3A_1807 = arith.mulf %get3A_1794, %get3A_1734 : vector<16xf32>
        %add3A_1808 = arith.addf %scan3A_1673, %mul3A_1807 : vector<16xf32>
        %mul3A_1809 = arith.mulf %get3A_1794, %get3A_1741 : vector<16xf32>
        %add3A_1810 = arith.addf %scan3A_1674, %mul3A_1809 : vector<16xf32>
        %mul3A_1811 = arith.constant 16 : i32
        %mul3A_1812 = arith.muli %add3A_1686, %mul3A_1811 : i32
        %get3A_1813 = arith.constant 3 : i32
        %get3A_1814 = arith.index_cast %get3A_1813 : i32 to index
        %get3A_1815 = arith.index_cast %mul3A_1812 : i32 to index
        %get3A_1816 = tpu.vector_load %arg6[%get3A_1814, %get3A_1815] {strides = array<i32>} : memref<4x1024xf32, #tpu.memory_space<vmem>>, vector<1x16xf32>,
        %get3A_1817 = vector.shape_cast %get3A_1816 : vector<1x16xf32> to vector<16xf32>
        %mul3A_1818 = arith.mulf %get3A_1817, %get3A_1692 : vector<16xf32>
        %add3A_1819 = arith.addf %scan3A_1675, %mul3A_1818 : vector<16xf32>
        %mul3A_1820 = arith.mulf %get3A_1817, %get3A_1699 : vector<16xf32>
        %add3A_1821 = arith.addf %scan3A_1676, %mul3A_1820 : vector<16xf32>
        %mul3A_1822 = arith.mulf %get3A_1817, %get3A_1706 : vector<16xf32>
        %add3A_1823 = arith.addf %scan3A_1677, %mul3A_1822 : vector<16xf32>
        %mul3A_1824 = arith.mulf %get3A_1817, %get3A_1713 : vector<16xf32>
        %add3A_1825 = arith.addf %scan3A_1678, %mul3A_1824 : vector<16xf32>
        %mul3A_1826 = arith.mulf %get3A_1817, %get3A_1720 : vector<16xf32>
        %add3A_1827 = arith.addf %scan3A_1679, %mul3A_1826 : vector<16xf32>
        %mul3A_1828 = arith.mulf %get3A_1817, %get3A_1727 : vector<16xf32>
        %add3A_1829 = arith.addf %scan3A_1680, %mul3A_1828 : vector<16xf32>
        %mul3A_1830 = arith.mulf %get3A_1817, %get3A_1734 : vector<16xf32>
        %add3A_1831 = arith.addf %scan3A_1681, %mul3A_1830 : vector<16xf32>
        %mul3A_1832 = arith.mulf %get3A_1817, %get3A_1741 : vector<16xf32>
        %add3A_1833 = arith.addf %scan3A_1682, %mul3A_1832 : vector<16xf32>
        %mul3A_1834 = arith.constant 4 : i32
        %mul3A_1835 = arith.muli %scan3A_1650, %mul3A_1834 : i32
        %add3A_1836 = arith.constant 1 : i32
        %add3A_1837 = arith.addi %mul3A_1835, %add3A_1836 : i32
        %mul3A_1838 = arith.constant 16 : i32
        %mul3A_1839 = arith.muli %add3A_1837, %mul3A_1838 : i32
        %get3A_1840 = arith.constant 0 : i32
        %get3A_1841 = arith.index_cast %get3A_1840 : i32 to index
        %get3A_1842 = arith.index_cast %mul3A_1839 : i32 to index
        %get3A_1843 = tpu.vector_load %arg7[%get3A_1841, %get3A_1842] {strides = array<i32>} : memref<8x1024xf32, #tpu.memory_space<vmem>>, vector<1x16xf32>,
        %get3A_1844 = vector.shape_cast %get3A_1843 : vector<1x16xf32> to vector<16xf32>
        %mul3A_1845 = arith.constant 16 : i32
        %mul3A_1846 = arith.muli %add3A_1837, %mul3A_1845 : i32
        %get3A_1847 = arith.constant 1 : i32
        %get3A_1848 = arith.index_cast %get3A_1847 : i32 to index
        %get3A_1849 = arith.index_cast %mul3A_1846 : i32 to index
        %get3A_1850 = tpu.vector_load %arg7[%get3A_1848, %get3A_1849] {strides = array<i32>} : memref<8x1024xf32, #tpu.memory_space<vmem>>, vector<1x16xf32>,
        %get3A_1851 = vector.shape_cast %get3A_1850 : vector<1x16xf32> to vector<16xf32>
        %mul3A_1852 = arith.constant 16 : i32
        %mul3A_1853 = arith.muli %add3A_1837, %mul3A_1852 : i32
        %get3A_1854 = arith.constant 2 : i32
        %get3A_1855 = arith.index_cast %get3A_1854 : i32 to index
        %get3A_1856 = arith.index_cast %mul3A_1853 : i32 to index
        %get3A_1857 = tpu.vector_load %arg7[%get3A_1855, %get3A_1856] {strides = array<i32>} : memref<8x1024xf32, #tpu.memory_space<vmem>>, vector<1x16xf32>,
        %get3A_1858 = vector.shape_cast %get3A_1857 : vector<1x16xf32> to vector<16xf32>
        %mul3A_1859 = arith.constant 16 : i32
        %mul3A_1860 = arith.muli %add3A_1837, %mul3A_1859 : i32
        %get3A_1861 = arith.constant 3 : i32
        %get3A_1862 = arith.index_cast %get3A_1861 : i32 to index
        %get3A_1863 = arith.index_cast %mul3A_1860 : i32 to index
        %get3A_1864 = tpu.vector_load %arg7[%get3A_1862, %get3A_1863] {strides = array<i32>} : memref<8x1024xf32, #tpu.memory_space<vmem>>, vector<1x16xf32>,
        %get3A_1865 = vector.shape_cast %get3A_1864 : vector<1x16xf32> to vector<16xf32>
        %mul3A_1866 = arith.constant 16 : i32
        %mul3A_1867 = arith.muli %add3A_1837, %mul3A_1866 : i32
        %get3A_1868 = arith.constant 4 : i32
        %get3A_1869 = arith.index_cast %get3A_1868 : i32 to index
        %get3A_1870 = arith.index_cast %mul3A_1867 : i32 to index
        %get3A_1871 = tpu.vector_load %arg7[%get3A_1869, %get3A_1870] {strides = array<i32>} : memref<8x1024xf32, #tpu.memory_space<vmem>>, vector<1x16xf32>,
        %get3A_1872 = vector.shape_cast %get3A_1871 : vector<1x16xf32> to vector<16xf32>
        %mul3A_1873 = arith.constant 16 : i32
        %mul3A_1874 = arith.muli %add3A_1837, %mul3A_1873 : i32
        %get3A_1875 = arith.constant 5 : i32
        %get3A_1876 = arith.index_cast %get3A_1875 : i32 to index
        %get3A_1877 = arith.index_cast %mul3A_1874 : i32 to index
        %get3A_1878 = tpu.vector_load %arg7[%get3A_1876, %get3A_1877] {strides = array<i32>} : memref<8x1024xf32, #tpu.memory_space<vmem>>, vector<1x16xf32>,
        %get3A_1879 = vector.shape_cast %get3A_1878 : vector<1x16xf32> to vector<16xf32>
        %mul3A_1880 = arith.constant 16 : i32
        %mul3A_1881 = arith.muli %add3A_1837, %mul3A_1880 : i32
        %get3A_1882 = arith.constant 6 : i32
        %get3A_1883 = arith.index_cast %get3A_1882 : i32 to index
        %get3A_1884 = arith.index_cast %mul3A_1881 : i32 to index
        %get3A_1885 = tpu.vector_load %arg7[%get3A_1883, %get3A_1884] {strides = array<i32>} : memref<8x1024xf32, #tpu.memory_space<vmem>>, vector<1x16xf32>,
        %get3A_1886 = vector.shape_cast %get3A_1885 : vector<1x16xf32> to vector<16xf32>
        %mul3A_1887 = arith.constant 16 : i32
        %mul3A_1888 = arith.muli %add3A_1837, %mul3A_1887 : i32
        %get3A_1889 = arith.constant 7 : i32
        %get3A_1890 = arith.index_cast %get3A_1889 : i32 to index
        %get3A_1891 = arith.index_cast %mul3A_1888 : i32 to index
        %get3A_1892 = tpu.vector_load %arg7[%get3A_1890, %get3A_1891] {strides = array<i32>} : memref<8x1024xf32, #tpu.memory_space<vmem>>, vector<1x16xf32>,
        %get3A_1893 = vector.shape_cast %get3A_1892 : vector<1x16xf32> to vector<16xf32>
        %mul3A_1894 = arith.constant 16 : i32
        %mul3A_1895 = arith.muli %add3A_1837, %mul3A_1894 : i32
        %get3A_1896 = arith.constant 0 : i32
        %get3A_1897 = arith.index_cast %get3A_1896 : i32 to index
        %get3A_1898 = arith.index_cast %mul3A_1895 : i32 to index
        %get3A_1899 = tpu.vector_load %arg6[%get3A_1897, %get3A_1898] {strides = array<i32>} : memref<4x1024xf32, #tpu.memory_space<vmem>>, vector<1x16xf32>,
        %get3A_1900 = vector.shape_cast %get3A_1899 : vector<1x16xf32> to vector<16xf32>
        %mul3A_1901 = arith.mulf %get3A_1900, %get3A_1844 : vector<16xf32>
        %add3A_1902 = arith.addf %add3A_1750, %mul3A_1901 : vector<16xf32>
        %mul3A_1903 = arith.mulf %get3A_1900, %get3A_1851 : vector<16xf32>
        %add3A_1904 = arith.addf %add3A_1752, %mul3A_1903 : vector<16xf32>
        %mul3A_1905 = arith.mulf %get3A_1900, %get3A_1858 : vector<16xf32>
        %add3A_1906 = arith.addf %add3A_1754, %mul3A_1905 : vector<16xf32>
        %mul3A_1907 = arith.mulf %get3A_1900, %get3A_1865 : vector<16xf32>
        %add3A_1908 = arith.addf %add3A_1756, %mul3A_1907 : vector<16xf32>
        %mul3A_1909 = arith.mulf %get3A_1900, %get3A_1872 : vector<16xf32>
        %add3A_1910 = arith.addf %add3A_1758, %mul3A_1909 : vector<16xf32>
        %mul3A_1911 = arith.mulf %get3A_1900, %get3A_1879 : vector<16xf32>
        %add3A_1912 = arith.addf %add3A_1760, %mul3A_1911 : vector<16xf32>
        %mul3A_1913 = arith.mulf %get3A_1900, %get3A_1886 : vector<16xf32>
        %add3A_1914 = arith.addf %add3A_1762, %mul3A_1913 : vector<16xf32>
        %mul3A_1915 = arith.mulf %get3A_1900, %get3A_1893 : vector<16xf32>
        %add3A_1916 = arith.addf %add3A_1764, %mul3A_1915 : vector<16xf32>
        %mul3A_1917 = arith.constant 16 : i32
        %mul3A_1918 = arith.muli %add3A_1837, %mul3A_1917 : i32
        %get3A_1919 = arith.constant 1 : i32
        %get3A_1920 = arith.index_cast %get3A_1919 : i32 to index
        %get3A_1921 = arith.index_cast %mul3A_1918 : i32 to index
        %get3A_1922 = tpu.vector_load %arg6[%get3A_1920, %get3A_1921] {strides = array<i32>} : memref<4x1024xf32, #tpu.memory_space<vmem>>, vector<1x16xf32>,
        %get3A_1923 = vector.shape_cast %get3A_1922 : vector<1x16xf32> to vector<16xf32>
        %mul3A_1924 = arith.mulf %get3A_1923, %get3A_1844 : vector<16xf32>
        %add3A_1925 = arith.addf %add3A_1773, %mul3A_1924 : vector<16xf32>
        %mul3A_1926 = arith.mulf %get3A_1923, %get3A_1851 : vector<16xf32>
        %add3A_1927 = arith.addf %add3A_1775, %mul3A_1926 : vector<16xf32>
        %mul3A_1928 = arith.mulf %get3A_1923, %get3A_1858 : vector<16xf32>
        %add3A_1929 = arith.addf %add3A_1777, %mul3A_1928 : vector<16xf32>
        %mul3A_1930 = arith.mulf %get3A_1923, %get3A_1865 : vector<16xf32>
        %add3A_1931 = arith.addf %add3A_1779, %mul3A_1930 : vector<16xf32>
        %mul3A_1932 = arith.mulf %get3A_1923, %get3A_1872 : vector<16xf32>
        %add3A_1933 = arith.addf %add3A_1781, %mul3A_1932 : vector<16xf32>
        %mul3A_1934 = arith.mulf %get3A_1923, %get3A_1879 : vector<16xf32>
        %add3A_1935 = arith.addf %add3A_1783, %mul3A_1934 : vector<16xf32>
        %mul3A_1936 = arith.mulf %get3A_1923, %get3A_1886 : vector<16xf32>
        %add3A_1937 = arith.addf %add3A_1785, %mul3A_1936 : vector<16xf32>
        %mul3A_1938 = arith.mulf %get3A_1923, %get3A_1893 : vector<16xf32>
        %add3A_1939 = arith.addf %add3A_1787, %mul3A_1938 : vector<16xf32>
        %mul3A_1940 = arith.constant 16 : i32
        %mul3A_1941 = arith.muli %add3A_1837, %mul3A_1940 : i32
        %get3A_1942 = arith.constant 2 : i32
        %get3A_1943 = arith.index_cast %get3A_1942 : i32 to index
        %get3A_1944 = arith.index_cast %mul3A_1941 : i32 to index
        %get3A_1945 = tpu.vector_load %arg6[%get3A_1943, %get3A_1944] {strides = array<i32>} : memref<4x1024xf32, #tpu.memory_space<vmem>>, vector<1x16xf32>,
        %get3A_1946 = vector.shape_cast %get3A_1945 : vector<1x16xf32> to vector<16xf32>
        %mul3A_1947 = arith.mulf %get3A_1946, %get3A_1844 : vector<16xf32>
        %add3A_1948 = arith.addf %add3A_1796, %mul3A_1947 : vector<16xf32>
        %mul3A_1949 = arith.mulf %get3A_1946, %get3A_1851 : vector<16xf32>
        %add3A_1950 = arith.addf %add3A_1798, %mul3A_1949 : vector<16xf32>
        %mul3A_1951 = arith.mulf %get3A_1946, %get3A_1858 : vector<16xf32>
        %add3A_1952 = arith.addf %add3A_1800, %mul3A_1951 : vector<16xf32>
        %mul3A_1953 = arith.mulf %get3A_1946, %get3A_1865 : vector<16xf32>
        %add3A_1954 = arith.addf %add3A_1802, %mul3A_1953 : vector<16xf32>
        %mul3A_1955 = arith.mulf %get3A_1946, %get3A_1872 : vector<16xf32>
        %add3A_1956 = arith.addf %add3A_1804, %mul3A_1955 : vector<16xf32>
        %mul3A_1957 = arith.mulf %get3A_1946, %get3A_1879 : vector<16xf32>
        %add3A_1958 = arith.addf %add3A_1806, %mul3A_1957 : vector<16xf32>
        %mul3A_1959 = arith.mulf %get3A_1946, %get3A_1886 : vector<16xf32>
        %add3A_1960 = arith.addf %add3A_1808, %mul3A_1959 : vector<16xf32>
        %mul3A_1961 = arith.mulf %get3A_1946, %get3A_1893 : vector<16xf32>
        %add3A_1962 = arith.addf %add3A_1810, %mul3A_1961 : vector<16xf32>
        %mul3A_1963 = arith.constant 16 : i32
        %mul3A_1964 = arith.muli %add3A_1837, %mul3A_1963 : i32
        %get3A_1965 = arith.constant 3 : i32
        %get3A_1966 = arith.index_cast %get3A_1965 : i32 to index
        %get3A_1967 = arith.index_cast %mul3A_1964 : i32 to index
        %get3A_1968 = tpu.vector_load %arg6[%get3A_1966, %get3A_1967] {strides = array<i32>} : memref<4x1024xf32, #tpu.memory_space<vmem>>, vector<1x16xf32>,
        %get3A_1969 = vector.shape_cast %get3A_1968 : vector<1x16xf32> to vector<16xf32>
        %mul3A_1970 = arith.mulf %get3A_1969, %get3A_1844 : vector<16xf32>
        %add3A_1971 = arith.addf %add3A_1819, %mul3A_1970 : vector<16xf32>
        %mul3A_1972 = arith.mulf %get3A_1969, %get3A_1851 : vector<16xf32>
        %add3A_1973 = arith.addf %add3A_1821, %mul3A_1972 : vector<16xf32>
        %mul3A_1974 = arith.mulf %get3A_1969, %get3A_1858 : vector<16xf32>
        %add3A_1975 = arith.addf %add3A_1823, %mul3A_1974 : vector<16xf32>
        %mul3A_1976 = arith.mulf %get3A_1969, %get3A_1865 : vector<16xf32>
        %add3A_1977 = arith.addf %add3A_1825, %mul3A_1976 : vector<16xf32>
        %mul3A_1978 = arith.mulf %get3A_1969, %get3A_1872 : vector<16xf32>
        %add3A_1979 = arith.addf %add3A_1827, %mul3A_1978 : vector<16xf32>
        %mul3A_1980 = arith.mulf %get3A_1969, %get3A_1879 : vector<16xf32>
        %add3A_1981 = arith.addf %add3A_1829, %mul3A_1980 : vector<16xf32>
        %mul3A_1982 = arith.mulf %get3A_1969, %get3A_1886 : vector<16xf32>
        %add3A_1983 = arith.addf %add3A_1831, %mul3A_1982 : vector<16xf32>
        %mul3A_1984 = arith.mulf %get3A_1969, %get3A_1893 : vector<16xf32>
        %add3A_1985 = arith.addf %add3A_1833, %mul3A_1984 : vector<16xf32>
        %mul3A_1986 = arith.constant 4 : i32
        %mul3A_1987 = arith.muli %scan3A_1650, %mul3A_1986 : i32
        %add3A_1988 = arith.constant 2 : i32
        %add3A_1989 = arith.addi %mul3A_1987, %add3A_1988 : i32
        %mul3A_1990 = arith.constant 16 : i32
        %mul3A_1991 = arith.muli %add3A_1989, %mul3A_1990 : i32
        %get3A_1992 = arith.constant 0 : i32
        %get3A_1993 = arith.index_cast %get3A_1992 : i32 to index
        %get3A_1994 = arith.index_cast %mul3A_1991 : i32 to index
        %get3A_1995 = tpu.vector_load %arg7[%get3A_1993, %get3A_1994] {strides = array<i32>} : memref<8x1024xf32, #tpu.memory_space<vmem>>, vector<1x16xf32>,
        %get3A_1996 = vector.shape_cast %get3A_1995 : vector<1x16xf32> to vector<16xf32>
        %mul3A_1997 = arith.constant 16 : i32
        %mul3A_1998 = arith.muli %add3A_1989, %mul3A_1997 : i32
        %get3A_1999 = arith.constant 1 : i32
        %get3A_2000 = arith.index_cast %get3A_1999 : i32 to index
        %get3A_2001 = arith.index_cast %mul3A_1998 : i32 to index
        %get3A_2002 = tpu.vector_load %arg7[%get3A_2000, %get3A_2001] {strides = array<i32>} : memref<8x1024xf32, #tpu.memory_space<vmem>>, vector<1x16xf32>,
        %get3A_2003 = vector.shape_cast %get3A_2002 : vector<1x16xf32> to vector<16xf32>
        %mul3A_2004 = arith.constant 16 : i32
        %mul3A_2005 = arith.muli %add3A_1989, %mul3A_2004 : i32
        %get3A_2006 = arith.constant 2 : i32
        %get3A_2007 = arith.index_cast %get3A_2006 : i32 to index
        %get3A_2008 = arith.index_cast %mul3A_2005 : i32 to index
        %get3A_2009 = tpu.vector_load %arg7[%get3A_2007, %get3A_2008] {strides = array<i32>} : memref<8x1024xf32, #tpu.memory_space<vmem>>, vector<1x16xf32>,
        %get3A_2010 = vector.shape_cast %get3A_2009 : vector<1x16xf32> to vector<16xf32>
        %mul3A_2011 = arith.constant 16 : i32
        %mul3A_2012 = arith.muli %add3A_1989, %mul3A_2011 : i32
        %get3A_2013 = arith.constant 3 : i32
        %get3A_2014 = arith.index_cast %get3A_2013 : i32 to index
        %get3A_2015 = arith.index_cast %mul3A_2012 : i32 to index
        %get3A_2016 = tpu.vector_load %arg7[%get3A_2014, %get3A_2015] {strides = array<i32>} : memref<8x1024xf32, #tpu.memory_space<vmem>>, vector<1x16xf32>,
        %get3A_2017 = vector.shape_cast %get3A_2016 : vector<1x16xf32> to vector<16xf32>
        %mul3A_2018 = arith.constant 16 : i32
        %mul3A_2019 = arith.muli %add3A_1989, %mul3A_2018 : i32
        %get3A_2020 = arith.constant 4 : i32
        %get3A_2021 = arith.index_cast %get3A_2020 : i32 to index
        %get3A_2022 = arith.index_cast %mul3A_2019 : i32 to index
        %get3A_2023 = tpu.vector_load %arg7[%get3A_2021, %get3A_2022] {strides = array<i32>} : memref<8x1024xf32, #tpu.memory_space<vmem>>, vector<1x16xf32>,
        %get3A_2024 = vector.shape_cast %get3A_2023 : vector<1x16xf32> to vector<16xf32>
        %mul3A_2025 = arith.constant 16 : i32
        %mul3A_2026 = arith.muli %add3A_1989, %mul3A_2025 : i32
        %get3A_2027 = arith.constant 5 : i32
        %get3A_2028 = arith.index_cast %get3A_2027 : i32 to index
        %get3A_2029 = arith.index_cast %mul3A_2026 : i32 to index
        %get3A_2030 = tpu.vector_load %arg7[%get3A_2028, %get3A_2029] {strides = array<i32>} : memref<8x1024xf32, #tpu.memory_space<vmem>>, vector<1x16xf32>,
        %get3A_2031 = vector.shape_cast %get3A_2030 : vector<1x16xf32> to vector<16xf32>
        %mul3A_2032 = arith.constant 16 : i32
        %mul3A_2033 = arith.muli %add3A_1989, %mul3A_2032 : i32
        %get3A_2034 = arith.constant 6 : i32
        %get3A_2035 = arith.index_cast %get3A_2034 : i32 to index
        %get3A_2036 = arith.index_cast %mul3A_2033 : i32 to index
        %get3A_2037 = tpu.vector_load %arg7[%get3A_2035, %get3A_2036] {strides = array<i32>} : memref<8x1024xf32, #tpu.memory_space<vmem>>, vector<1x16xf32>,
        %get3A_2038 = vector.shape_cast %get3A_2037 : vector<1x16xf32> to vector<16xf32>
        %mul3A_2039 = arith.constant 16 : i32
        %mul3A_2040 = arith.muli %add3A_1989, %mul3A_2039 : i32
        %get3A_2041 = arith.constant 7 : i32
        %get3A_2042 = arith.index_cast %get3A_2041 : i32 to index
        %get3A_2043 = arith.index_cast %mul3A_2040 : i32 to index
        %get3A_2044 = tpu.vector_load %arg7[%get3A_2042, %get3A_2043] {strides = array<i32>} : memref<8x1024xf32, #tpu.memory_space<vmem>>, vector<1x16xf32>,
        %get3A_2045 = vector.shape_cast %get3A_2044 : vector<1x16xf32> to vector<16xf32>
        %mul3A_2046 = arith.constant 16 : i32
        %mul3A_2047 = arith.muli %add3A_1989, %mul3A_2046 : i32
        %get3A_2048 = arith.constant 0 : i32
        %get3A_2049 = arith.index_cast %get3A_2048 : i32 to index
        %get3A_2050 = arith.index_cast %mul3A_2047 : i32 to index
        %get3A_2051 = tpu.vector_load %arg6[%get3A_2049, %get3A_2050] {strides = array<i32>} : memref<4x1024xf32, #tpu.memory_space<vmem>>, vector<1x16xf32>,
        %get3A_2052 = vector.shape_cast %get3A_2051 : vector<1x16xf32> to vector<16xf32>
        %mul3A_2053 = arith.mulf %get3A_2052, %get3A_1996 : vector<16xf32>
        %add3A_2054 = arith.addf %add3A_1902, %mul3A_2053 : vector<16xf32>
        %mul3A_2055 = arith.mulf %get3A_2052, %get3A_2003 : vector<16xf32>
        %add3A_2056 = arith.addf %add3A_1904, %mul3A_2055 : vector<16xf32>
        %mul3A_2057 = arith.mulf %get3A_2052, %get3A_2010 : vector<16xf32>
        %add3A_2058 = arith.addf %add3A_1906, %mul3A_2057 : vector<16xf32>
        %mul3A_2059 = arith.mulf %get3A_2052, %get3A_2017 : vector<16xf32>
        %add3A_2060 = arith.addf %add3A_1908, %mul3A_2059 : vector<16xf32>
        %mul3A_2061 = arith.mulf %get3A_2052, %get3A_2024 : vector<16xf32>
        %add3A_2062 = arith.addf %add3A_1910, %mul3A_2061 : vector<16xf32>
        %mul3A_2063 = arith.mulf %get3A_2052, %get3A_2031 : vector<16xf32>
        %add3A_2064 = arith.addf %add3A_1912, %mul3A_2063 : vector<16xf32>
        %mul3A_2065 = arith.mulf %get3A_2052, %get3A_2038 : vector<16xf32>
        %add3A_2066 = arith.addf %add3A_1914, %mul3A_2065 : vector<16xf32>
        %mul3A_2067 = arith.mulf %get3A_2052, %get3A_2045 : vector<16xf32>
        %add3A_2068 = arith.addf %add3A_1916, %mul3A_2067 : vector<16xf32>
        %mul3A_2069 = arith.constant 16 : i32
        %mul3A_2070 = arith.muli %add3A_1989, %mul3A_2069 : i32
        %get3A_2071 = arith.constant 1 : i32
        %get3A_2072 = arith.index_cast %get3A_2071 : i32 to index
        %get3A_2073 = arith.index_cast %mul3A_2070 : i32 to index
        %get3A_2074 = tpu.vector_load %arg6[%get3A_2072, %get3A_2073] {strides = array<i32>} : memref<4x1024xf32, #tpu.memory_space<vmem>>, vector<1x16xf32>,
        %get3A_2075 = vector.shape_cast %get3A_2074 : vector<1x16xf32> to vector<16xf32>
        %mul3A_2076 = arith.mulf %get3A_2075, %get3A_1996 : vector<16xf32>
        %add3A_2077 = arith.addf %add3A_1925, %mul3A_2076 : vector<16xf32>
        %mul3A_2078 = arith.mulf %get3A_2075, %get3A_2003 : vector<16xf32>
        %add3A_2079 = arith.addf %add3A_1927, %mul3A_2078 : vector<16xf32>
        %mul3A_2080 = arith.mulf %get3A_2075, %get3A_2010 : vector<16xf32>
        %add3A_2081 = arith.addf %add3A_1929, %mul3A_2080 : vector<16xf32>
        %mul3A_2082 = arith.mulf %get3A_2075, %get3A_2017 : vector<16xf32>
        %add3A_2083 = arith.addf %add3A_1931, %mul3A_2082 : vector<16xf32>
        %mul3A_2084 = arith.mulf %get3A_2075, %get3A_2024 : vector<16xf32>
        %add3A_2085 = arith.addf %add3A_1933, %mul3A_2084 : vector<16xf32>
        %mul3A_2086 = arith.mulf %get3A_2075, %get3A_2031 : vector<16xf32>
        %add3A_2087 = arith.addf %add3A_1935, %mul3A_2086 : vector<16xf32>
        %mul3A_2088 = arith.mulf %get3A_2075, %get3A_2038 : vector<16xf32>
        %add3A_2089 = arith.addf %add3A_1937, %mul3A_2088 : vector<16xf32>
        %mul3A_2090 = arith.mulf %get3A_2075, %get3A_2045 : vector<16xf32>
        %add3A_2091 = arith.addf %add3A_1939, %mul3A_2090 : vector<16xf32>
        %mul3A_2092 = arith.constant 16 : i32
        %mul3A_2093 = arith.muli %add3A_1989, %mul3A_2092 : i32
        %get3A_2094 = arith.constant 2 : i32
        %get3A_2095 = arith.index_cast %get3A_2094 : i32 to index
        %get3A_2096 = arith.index_cast %mul3A_2093 : i32 to index
        %get3A_2097 = tpu.vector_load %arg6[%get3A_2095, %get3A_2096] {strides = array<i32>} : memref<4x1024xf32, #tpu.memory_space<vmem>>, vector<1x16xf32>,
        %get3A_2098 = vector.shape_cast %get3A_2097 : vector<1x16xf32> to vector<16xf32>
        %mul3A_2099 = arith.mulf %get3A_2098, %get3A_1996 : vector<16xf32>
        %add3A_2100 = arith.addf %add3A_1948, %mul3A_2099 : vector<16xf32>
        %mul3A_2101 = arith.mulf %get3A_2098, %get3A_2003 : vector<16xf32>
        %add3A_2102 = arith.addf %add3A_1950, %mul3A_2101 : vector<16xf32>
        %mul3A_2103 = arith.mulf %get3A_2098, %get3A_2010 : vector<16xf32>
        %add3A_2104 = arith.addf %add3A_1952, %mul3A_2103 : vector<16xf32>
        %mul3A_2105 = arith.mulf %get3A_2098, %get3A_2017 : vector<16xf32>
        %add3A_2106 = arith.addf %add3A_1954, %mul3A_2105 : vector<16xf32>
        %mul3A_2107 = arith.mulf %get3A_2098, %get3A_2024 : vector<16xf32>
        %add3A_2108 = arith.addf %add3A_1956, %mul3A_2107 : vector<16xf32>
        %mul3A_2109 = arith.mulf %get3A_2098, %get3A_2031 : vector<16xf32>
        %add3A_2110 = arith.addf %add3A_1958, %mul3A_2109 : vector<16xf32>
        %mul3A_2111 = arith.mulf %get3A_2098, %get3A_2038 : vector<16xf32>
        %add3A_2112 = arith.addf %add3A_1960, %mul3A_2111 : vector<16xf32>
        %mul3A_2113 = arith.mulf %get3A_2098, %get3A_2045 : vector<16xf32>
        %add3A_2114 = arith.addf %add3A_1962, %mul3A_2113 : vector<16xf32>
        %mul3A_2115 = arith.constant 16 : i32
        %mul3A_2116 = arith.muli %add3A_1989, %mul3A_2115 : i32
        %get3A_2117 = arith.constant 3 : i32
        %get3A_2118 = arith.index_cast %get3A_2117 : i32 to index
        %get3A_2119 = arith.index_cast %mul3A_2116 : i32 to index
        %get3A_2120 = tpu.vector_load %arg6[%get3A_2118, %get3A_2119] {strides = array<i32>} : memref<4x1024xf32, #tpu.memory_space<vmem>>, vector<1x16xf32>,
        %get3A_2121 = vector.shape_cast %get3A_2120 : vector<1x16xf32> to vector<16xf32>
        %mul3A_2122 = arith.mulf %get3A_2121, %get3A_1996 : vector<16xf32>
        %add3A_2123 = arith.addf %add3A_1971, %mul3A_2122 : vector<16xf32>
        %mul3A_2124 = arith.mulf %get3A_2121, %get3A_2003 : vector<16xf32>
        %add3A_2125 = arith.addf %add3A_1973, %mul3A_2124 : vector<16xf32>
        %mul3A_2126 = arith.mulf %get3A_2121, %get3A_2010 : vector<16xf32>
        %add3A_2127 = arith.addf %add3A_1975, %mul3A_2126 : vector<16xf32>
        %mul3A_2128 = arith.mulf %get3A_2121, %get3A_2017 : vector<16xf32>
        %add3A_2129 = arith.addf %add3A_1977, %mul3A_2128 : vector<16xf32>
        %mul3A_2130 = arith.mulf %get3A_2121, %get3A_2024 : vector<16xf32>
        %add3A_2131 = arith.addf %add3A_1979, %mul3A_2130 : vector<16xf32>
        %mul3A_2132 = arith.mulf %get3A_2121, %get3A_2031 : vector<16xf32>
        %add3A_2133 = arith.addf %add3A_1981, %mul3A_2132 : vector<16xf32>
        %mul3A_2134 = arith.mulf %get3A_2121, %get3A_2038 : vector<16xf32>
        %add3A_2135 = arith.addf %add3A_1983, %mul3A_2134 : vector<16xf32>
        %mul3A_2136 = arith.mulf %get3A_2121, %get3A_2045 : vector<16xf32>
        %add3A_2137 = arith.addf %add3A_1985, %mul3A_2136 : vector<16xf32>
        %mul3A_2138 = arith.constant 4 : i32
        %mul3A_2139 = arith.muli %scan3A_1650, %mul3A_2138 : i32
        %add3A_2140 = arith.constant 3 : i32
        %add3A_2141 = arith.addi %mul3A_2139, %add3A_2140 : i32
        %mul3A_2142 = arith.constant 16 : i32
        %mul3A_2143 = arith.muli %add3A_2141, %mul3A_2142 : i32
        %get3A_2144 = arith.constant 0 : i32
        %get3A_2145 = arith.index_cast %get3A_2144 : i32 to index
        %get3A_2146 = arith.index_cast %mul3A_2143 : i32 to index
        %get3A_2147 = tpu.vector_load %arg7[%get3A_2145, %get3A_2146] {strides = array<i32>} : memref<8x1024xf32, #tpu.memory_space<vmem>>, vector<1x16xf32>,
        %get3A_2148 = vector.shape_cast %get3A_2147 : vector<1x16xf32> to vector<16xf32>
        %mul3A_2149 = arith.constant 16 : i32
        %mul3A_2150 = arith.muli %add3A_2141, %mul3A_2149 : i32
        %get3A_2151 = arith.constant 1 : i32
        %get3A_2152 = arith.index_cast %get3A_2151 : i32 to index
        %get3A_2153 = arith.index_cast %mul3A_2150 : i32 to index
        %get3A_2154 = tpu.vector_load %arg7[%get3A_2152, %get3A_2153] {strides = array<i32>} : memref<8x1024xf32, #tpu.memory_space<vmem>>, vector<1x16xf32>,
        %get3A_2155 = vector.shape_cast %get3A_2154 : vector<1x16xf32> to vector<16xf32>
        %mul3A_2156 = arith.constant 16 : i32
        %mul3A_2157 = arith.muli %add3A_2141, %mul3A_2156 : i32
        %get3A_2158 = arith.constant 2 : i32
        %get3A_2159 = arith.index_cast %get3A_2158 : i32 to index
        %get3A_2160 = arith.index_cast %mul3A_2157 : i32 to index
        %get3A_2161 = tpu.vector_load %arg7[%get3A_2159, %get3A_2160] {strides = array<i32>} : memref<8x1024xf32, #tpu.memory_space<vmem>>, vector<1x16xf32>,
        %get3A_2162 = vector.shape_cast %get3A_2161 : vector<1x16xf32> to vector<16xf32>
        %mul3A_2163 = arith.constant 16 : i32
        %mul3A_2164 = arith.muli %add3A_2141, %mul3A_2163 : i32
        %get3A_2165 = arith.constant 3 : i32
        %get3A_2166 = arith.index_cast %get3A_2165 : i32 to index
        %get3A_2167 = arith.index_cast %mul3A_2164 : i32 to index
        %get3A_2168 = tpu.vector_load %arg7[%get3A_2166, %get3A_2167] {strides = array<i32>} : memref<8x1024xf32, #tpu.memory_space<vmem>>, vector<1x16xf32>,
        %get3A_2169 = vector.shape_cast %get3A_2168 : vector<1x16xf32> to vector<16xf32>
        %mul3A_2170 = arith.constant 16 : i32
        %mul3A_2171 = arith.muli %add3A_2141, %mul3A_2170 : i32
        %get3A_2172 = arith.constant 4 : i32
        %get3A_2173 = arith.index_cast %get3A_2172 : i32 to index
        %get3A_2174 = arith.index_cast %mul3A_2171 : i32 to index
        %get3A_2175 = tpu.vector_load %arg7[%get3A_2173, %get3A_2174] {strides = array<i32>} : memref<8x1024xf32, #tpu.memory_space<vmem>>, vector<1x16xf32>,
        %get3A_2176 = vector.shape_cast %get3A_2175 : vector<1x16xf32> to vector<16xf32>
        %mul3A_2177 = arith.constant 16 : i32
        %mul3A_2178 = arith.muli %add3A_2141, %mul3A_2177 : i32
        %get3A_2179 = arith.constant 5 : i32
        %get3A_2180 = arith.index_cast %get3A_2179 : i32 to index
        %get3A_2181 = arith.index_cast %mul3A_2178 : i32 to index
        %get3A_2182 = tpu.vector_load %arg7[%get3A_2180, %get3A_2181] {strides = array<i32>} : memref<8x1024xf32, #tpu.memory_space<vmem>>, vector<1x16xf32>,
        %get3A_2183 = vector.shape_cast %get3A_2182 : vector<1x16xf32> to vector<16xf32>
        %mul3A_2184 = arith.constant 16 : i32
        %mul3A_2185 = arith.muli %add3A_2141, %mul3A_2184 : i32
        %get3A_2186 = arith.constant 6 : i32
        %get3A_2187 = arith.index_cast %get3A_2186 : i32 to index
        %get3A_2188 = arith.index_cast %mul3A_2185 : i32 to index
        %get3A_2189 = tpu.vector_load %arg7[%get3A_2187, %get3A_2188] {strides = array<i32>} : memref<8x1024xf32, #tpu.memory_space<vmem>>, vector<1x16xf32>,
        %get3A_2190 = vector.shape_cast %get3A_2189 : vector<1x16xf32> to vector<16xf32>
        %mul3A_2191 = arith.constant 16 : i32
        %mul3A_2192 = arith.muli %add3A_2141, %mul3A_2191 : i32
        %get3A_2193 = arith.constant 7 : i32
        %get3A_2194 = arith.index_cast %get3A_2193 : i32 to index
        %get3A_2195 = arith.index_cast %mul3A_2192 : i32 to index
        %get3A_2196 = tpu.vector_load %arg7[%get3A_2194, %get3A_2195] {strides = array<i32>} : memref<8x1024xf32, #tpu.memory_space<vmem>>, vector<1x16xf32>,
        %get3A_2197 = vector.shape_cast %get3A_2196 : vector<1x16xf32> to vector<16xf32>
        %mul3A_2198 = arith.constant 16 : i32
        %mul3A_2199 = arith.muli %add3A_2141, %mul3A_2198 : i32
        %get3A_2200 = arith.constant 0 : i32
        %get3A_2201 = arith.index_cast %get3A_2200 : i32 to index
        %get3A_2202 = arith.index_cast %mul3A_2199 : i32 to index
        %get3A_2203 = tpu.vector_load %arg6[%get3A_2201, %get3A_2202] {strides = array<i32>} : memref<4x1024xf32, #tpu.memory_space<vmem>>, vector<1x16xf32>,
        %get3A_2204 = vector.shape_cast %get3A_2203 : vector<1x16xf32> to vector<16xf32>
        %mul3A_2205 = arith.mulf %get3A_2204, %get3A_2148 : vector<16xf32>
        %add3A_2206 = arith.addf %add3A_2054, %mul3A_2205 : vector<16xf32>
        %mul3A_2207 = arith.mulf %get3A_2204, %get3A_2155 : vector<16xf32>
        %add3A_2208 = arith.addf %add3A_2056, %mul3A_2207 : vector<16xf32>
        %mul3A_2209 = arith.mulf %get3A_2204, %get3A_2162 : vector<16xf32>
        %add3A_2210 = arith.addf %add3A_2058, %mul3A_2209 : vector<16xf32>
        %mul3A_2211 = arith.mulf %get3A_2204, %get3A_2169 : vector<16xf32>
        %add3A_2212 = arith.addf %add3A_2060, %mul3A_2211 : vector<16xf32>
        %mul3A_2213 = arith.mulf %get3A_2204, %get3A_2176 : vector<16xf32>
        %add3A_2214 = arith.addf %add3A_2062, %mul3A_2213 : vector<16xf32>
        %mul3A_2215 = arith.mulf %get3A_2204, %get3A_2183 : vector<16xf32>
        %add3A_2216 = arith.addf %add3A_2064, %mul3A_2215 : vector<16xf32>
        %mul3A_2217 = arith.mulf %get3A_2204, %get3A_2190 : vector<16xf32>
        %add3A_2218 = arith.addf %add3A_2066, %mul3A_2217 : vector<16xf32>
        %mul3A_2219 = arith.mulf %get3A_2204, %get3A_2197 : vector<16xf32>
        %add3A_2220 = arith.addf %add3A_2068, %mul3A_2219 : vector<16xf32>
        %mul3A_2221 = arith.constant 16 : i32
        %mul3A_2222 = arith.muli %add3A_2141, %mul3A_2221 : i32
        %get3A_2223 = arith.constant 1 : i32
        %get3A_2224 = arith.index_cast %get3A_2223 : i32 to index
        %get3A_2225 = arith.index_cast %mul3A_2222 : i32 to index
        %get3A_2226 = tpu.vector_load %arg6[%get3A_2224, %get3A_2225] {strides = array<i32>} : memref<4x1024xf32, #tpu.memory_space<vmem>>, vector<1x16xf32>,
        %get3A_2227 = vector.shape_cast %get3A_2226 : vector<1x16xf32> to vector<16xf32>
        %mul3A_2228 = arith.mulf %get3A_2227, %get3A_2148 : vector<16xf32>
        %add3A_2229 = arith.addf %add3A_2077, %mul3A_2228 : vector<16xf32>
        %mul3A_2230 = arith.mulf %get3A_2227, %get3A_2155 : vector<16xf32>
        %add3A_2231 = arith.addf %add3A_2079, %mul3A_2230 : vector<16xf32>
        %mul3A_2232 = arith.mulf %get3A_2227, %get3A_2162 : vector<16xf32>
        %add3A_2233 = arith.addf %add3A_2081, %mul3A_2232 : vector<16xf32>
        %mul3A_2234 = arith.mulf %get3A_2227, %get3A_2169 : vector<16xf32>
        %add3A_2235 = arith.addf %add3A_2083, %mul3A_2234 : vector<16xf32>
        %mul3A_2236 = arith.mulf %get3A_2227, %get3A_2176 : vector<16xf32>
        %add3A_2237 = arith.addf %add3A_2085, %mul3A_2236 : vector<16xf32>
        %mul3A_2238 = arith.mulf %get3A_2227, %get3A_2183 : vector<16xf32>
        %add3A_2239 = arith.addf %add3A_2087, %mul3A_2238 : vector<16xf32>
        %mul3A_2240 = arith.mulf %get3A_2227, %get3A_2190 : vector<16xf32>
        %add3A_2241 = arith.addf %add3A_2089, %mul3A_2240 : vector<16xf32>
        %mul3A_2242 = arith.mulf %get3A_2227, %get3A_2197 : vector<16xf32>
        %add3A_2243 = arith.addf %add3A_2091, %mul3A_2242 : vector<16xf32>
        %mul3A_2244 = arith.constant 16 : i32
        %mul3A_2245 = arith.muli %add3A_2141, %mul3A_2244 : i32
        %get3A_2246 = arith.constant 2 : i32
        %get3A_2247 = arith.index_cast %get3A_2246 : i32 to index
        %get3A_2248 = arith.index_cast %mul3A_2245 : i32 to index
        %get3A_2249 = tpu.vector_load %arg6[%get3A_2247, %get3A_2248] {strides = array<i32>} : memref<4x1024xf32, #tpu.memory_space<vmem>>, vector<1x16xf32>,
        %get3A_2250 = vector.shape_cast %get3A_2249 : vector<1x16xf32> to vector<16xf32>
        %mul3A_2251 = arith.mulf %get3A_2250, %get3A_2148 : vector<16xf32>
        %add3A_2252 = arith.addf %add3A_2100, %mul3A_2251 : vector<16xf32>
        %mul3A_2253 = arith.mulf %get3A_2250, %get3A_2155 : vector<16xf32>
        %add3A_2254 = arith.addf %add3A_2102, %mul3A_2253 : vector<16xf32>
        %mul3A_2255 = arith.mulf %get3A_2250, %get3A_2162 : vector<16xf32>
        %add3A_2256 = arith.addf %add3A_2104, %mul3A_2255 : vector<16xf32>
        %mul3A_2257 = arith.mulf %get3A_2250, %get3A_2169 : vector<16xf32>
        %add3A_2258 = arith.addf %add3A_2106, %mul3A_2257 : vector<16xf32>
        %mul3A_2259 = arith.mulf %get3A_2250, %get3A_2176 : vector<16xf32>
        %add3A_2260 = arith.addf %add3A_2108, %mul3A_2259 : vector<16xf32>
        %mul3A_2261 = arith.mulf %get3A_2250, %get3A_2183 : vector<16xf32>
        %add3A_2262 = arith.addf %add3A_2110, %mul3A_2261 : vector<16xf32>
        %mul3A_2263 = arith.mulf %get3A_2250, %get3A_2190 : vector<16xf32>
        %add3A_2264 = arith.addf %add3A_2112, %mul3A_2263 : vector<16xf32>
        %mul3A_2265 = arith.mulf %get3A_2250, %get3A_2197 : vector<16xf32>
        %add3A_2266 = arith.addf %add3A_2114, %mul3A_2265 : vector<16xf32>
        %mul3A_2267 = arith.constant 16 : i32
        %mul3A_2268 = arith.muli %add3A_2141, %mul3A_2267 : i32
        %get3A_2269 = arith.constant 3 : i32
        %get3A_2270 = arith.index_cast %get3A_2269 : i32 to index
        %get3A_2271 = arith.index_cast %mul3A_2268 : i32 to index
        %get3A_2272 = tpu.vector_load %arg6[%get3A_2270, %get3A_2271] {strides = array<i32>} : memref<4x1024xf32, #tpu.memory_space<vmem>>, vector<1x16xf32>,
        %get3A_2273 = vector.shape_cast %get3A_2272 : vector<1x16xf32> to vector<16xf32>
        %mul3A_2274 = arith.mulf %get3A_2273, %get3A_2148 : vector<16xf32>
        %add3A_2275 = arith.addf %add3A_2123, %mul3A_2274 : vector<16xf32>
        %mul3A_2276 = arith.mulf %get3A_2273, %get3A_2155 : vector<16xf32>
        %add3A_2277 = arith.addf %add3A_2125, %mul3A_2276 : vector<16xf32>
        %mul3A_2278 = arith.mulf %get3A_2273, %get3A_2162 : vector<16xf32>
        %add3A_2279 = arith.addf %add3A_2127, %mul3A_2278 : vector<16xf32>
        %mul3A_2280 = arith.mulf %get3A_2273, %get3A_2169 : vector<16xf32>
        %add3A_2281 = arith.addf %add3A_2129, %mul3A_2280 : vector<16xf32>
        %mul3A_2282 = arith.mulf %get3A_2273, %get3A_2176 : vector<16xf32>
        %add3A_2283 = arith.addf %add3A_2131, %mul3A_2282 : vector<16xf32>
        %mul3A_2284 = arith.mulf %get3A_2273, %get3A_2183 : vector<16xf32>
        %add3A_2285 = arith.addf %add3A_2133, %mul3A_2284 : vector<16xf32>
        %mul3A_2286 = arith.mulf %get3A_2273, %get3A_2190 : vector<16xf32>
        %add3A_2287 = arith.addf %add3A_2135, %mul3A_2286 : vector<16xf32>
        %mul3A_2288 = arith.mulf %get3A_2273, %get3A_2197 : vector<16xf32>
        %add3A_2289 = arith.addf %add3A_2137, %mul3A_2288 : vector<16xf32>
        scf.yield %add3A_2206, %add3A_2208, %add3A_2210, %add3A_2212, %add3A_2214, %add3A_2216, %add3A_2218, %add3A_2220, %add3A_2229, %add3A_2231, %add3A_2233, %add3A_2235, %add3A_2237, %add3A_2239, %add3A_2241, %add3A_2243, %add3A_2252, %add3A_2254, %add3A_2256, %add3A_2258, %add3A_2260, %add3A_2262, %add3A_2264, %add3A_2266, %add3A_2275, %add3A_2277, %add3A_2279, %add3A_2281, %add3A_2283, %add3A_2285, %add3A_2287, %add3A_2289 : vector<16xf32>, vector<16xf32>, vector<16xf32>, vector<16xf32>, vector<16xf32>, vector<16xf32>, vector<16xf32>, vector<16xf32>, vector<16xf32>, vector<16xf32>, vector<16xf32>, vector<16xf32>, vector<16xf32>, vector<16xf32>, vector<16xf32>, vector<16xf32>, vector<16xf32>, vector<16xf32>, vector<16xf32>, vector<16xf32>, vector<16xf32>, vector<16xf32>, vector<16xf32>, vector<16xf32>, vector<16xf32>, vector<16xf32>, vector<16xf32>, vector<16xf32>, vector<16xf32>, vector<16xf32>, vector<16xf32>, vector<16xf32>
      }
      %scan3A_986 = arith.constant 16 : i32
      %broadcast_in_dim3A_987 = arith.constant 0.000000e+00 : f32
      %broadcast_in_dim3A_988 = vector.broadcast %broadcast_in_dim3A_987 : f32 to vector<16xf32>
      %broadcast_in_dim3A_989 = arith.constant 0.000000e+00 : f32
      %broadcast_in_dim3A_990 = vector.broadcast %broadcast_in_dim3A_989 : f32 to vector<16xf32>
      %broadcast_in_dim3A_991 = vector.shape_cast %select_n3A_59 : vector<16xi32> to vector<16x1xi32>
      %gather3A_992 = vector.shape_cast %broadcast_in_dim3A_991 : vector<16x1xi32> to vector<16xi32>
      %gather3A_993 = tpu.dynamic_gather %scan3A_985#0[%gather3A_992] in [0] : vector<16xf32>, vector<16xi32> -> vector<16xf32>
      %add3A_994 = arith.addf %scan3A_985#0, %gather3A_993 : vector<16xf32>
      %broadcast_in_dim3A_995 = vector.shape_cast %select_n3A_84 : vector<16xi32> to vector<16x1xi32>
      %gather3A_996 = vector.shape_cast %broadcast_in_dim3A_995 : vector<16x1xi32> to vector<16xi32>
      %gather3A_997 = tpu.dynamic_gather %add3A_994[%gather3A_996] in [0] : vector<16xf32>, vector<16xi32> -> vector<16xf32>
      %add3A_998 = arith.addf %add3A_994, %gather3A_997 : vector<16xf32>
      %broadcast_in_dim3A_999 = vector.shape_cast %select_n3A_109 : vector<16xi32> to vector<16x1xi32>
      %gather3A_1000 = vector.shape_cast %broadcast_in_dim3A_999 : vector<16x1xi32> to vector<16xi32>
      %gather3A_1001 = tpu.dynamic_gather %add3A_998[%gather3A_1000] in [0] : vector<16xf32>, vector<16xi32> -> vector<16xf32>
      %add3A_1002 = arith.addf %add3A_998, %gather3A_1001 : vector<16xf32>
      %broadcast_in_dim3A_1003 = vector.shape_cast %select_n3A_134 : vector<16xi32> to vector<16x1xi32>
      %gather3A_1004 = vector.shape_cast %broadcast_in_dim3A_1003 : vector<16x1xi32> to vector<16xi32>
      %gather3A_1005 = tpu.dynamic_gather %add3A_1002[%gather3A_1004] in [0] : vector<16xf32>, vector<16xi32> -> vector<16xf32>
      %add3A_1006 = arith.addf %add3A_1002, %gather3A_1005 : vector<16xf32>
      %eq3A_1007 = arith.constant 0 : i32
      %eq3A_1008 = vector.broadcast %eq3A_1007 : i32 to vector<16xi32>
      %eq3A_1009 = arith.cmpi eq, %iota3A, %eq3A_1008 : vector<16xi32>
      %select_n3A_1010 = arith.select %eq3A_1009, %add3A_1006, %broadcast_in_dim3A_988 : vector<16xi1>, vector<16xf32>
      %broadcast_in_dim3A_1011 = vector.shape_cast %select_n3A_59 : vector<16xi32> to vector<16x1xi32>
      %gather3A_1012 = vector.shape_cast %broadcast_in_dim3A_1011 : vector<16x1xi32> to vector<16xi32>
      %gather3A_1013 = tpu.dynamic_gather %scan3A_985#1[%gather3A_1012] in [0] : vector<16xf32>, vector<16xi32> -> vector<16xf32>
      %add3A_1014 = arith.addf %scan3A_985#1, %gather3A_1013 : vector<16xf32>
      %broadcast_in_dim3A_1015 = vector.shape_cast %select_n3A_84 : vector<16xi32> to vector<16x1xi32>
      %gather3A_1016 = vector.shape_cast %broadcast_in_dim3A_1015 : vector<16x1xi32> to vector<16xi32>
      %gather3A_1017 = tpu.dynamic_gather %add3A_1014[%gather3A_1016] in [0] : vector<16xf32>, vector<16xi32> -> vector<16xf32>
      %add3A_1018 = arith.addf %add3A_1014, %gather3A_1017 : vector<16xf32>
      %broadcast_in_dim3A_1019 = vector.shape_cast %select_n3A_109 : vector<16xi32> to vector<16x1xi32>
      %gather3A_1020 = vector.shape_cast %broadcast_in_dim3A_1019 : vector<16x1xi32> to vector<16xi32>
      %gather3A_1021 = tpu.dynamic_gather %add3A_1018[%gather3A_1020] in [0] : vector<16xf32>, vector<16xi32> -> vector<16xf32>
      %add3A_1022 = arith.addf %add3A_1018, %gather3A_1021 : vector<16xf32>
      %broadcast_in_dim3A_1023 = vector.shape_cast %select_n3A_134 : vector<16xi32> to vector<16x1xi32>
      %gather3A_1024 = vector.shape_cast %broadcast_in_dim3A_1023 : vector<16x1xi32> to vector<16xi32>
      %gather3A_1025 = tpu.dynamic_gather %add3A_1022[%gather3A_1024] in [0] : vector<16xf32>, vector<16xi32> -> vector<16xf32>
      %add3A_1026 = arith.addf %add3A_1022, %gather3A_1025 : vector<16xf32>
      %eq3A_1027 = arith.constant 1 : i32
      %eq3A_1028 = vector.broadcast %eq3A_1027 : i32 to vector<16xi32>
      %eq3A_1029 = arith.cmpi eq, %iota3A, %eq3A_1028 : vector<16xi32>
      %select_n3A_1030 = arith.select %eq3A_1029, %add3A_1026, %select_n3A_1010 : vector<16xi1>, vector<16xf32>
      %broadcast_in_dim3A_1031 = vector.shape_cast %select_n3A_59 : vector<16xi32> to vector<16x1xi32>
      %gather3A_1032 = vector.shape_cast %broadcast_in_dim3A_1031 : vector<16x1xi32> to vector<16xi32>
      %gather3A_1033 = tpu.dynamic_gather %scan3A_985#2[%gather3A_1032] in [0] : vector<16xf32>, vector<16xi32> -> vector<16xf32>
      %add3A_1034 = arith.addf %scan3A_985#2, %gather3A_1033 : vector<16xf32>
      %broadcast_in_dim3A_1035 = vector.shape_cast %select_n3A_84 : vector<16xi32> to vector<16x1xi32>
      %gather3A_1036 = vector.shape_cast %broadcast_in_dim3A_1035 : vector<16x1xi32> to vector<16xi32>
      %gather3A_1037 = tpu.dynamic_gather %add3A_1034[%gather3A_1036] in [0] : vector<16xf32>, vector<16xi32> -> vector<16xf32>
      %add3A_1038 = arith.addf %add3A_1034, %gather3A_1037 : vector<16xf32>
      %broadcast_in_dim3A_1039 = vector.shape_cast %select_n3A_109 : vector<16xi32> to vector<16x1xi32>
      %gather3A_1040 = vector.shape_cast %broadcast_in_dim3A_1039 : vector<16x1xi32> to vector<16xi32>
      %gather3A_1041 = tpu.dynamic_gather %add3A_1038[%gather3A_1040] in [0] : vector<16xf32>, vector<16xi32> -> vector<16xf32>
      %add3A_1042 = arith.addf %add3A_1038, %gather3A_1041 : vector<16xf32>
      %broadcast_in_dim3A_1043 = vector.shape_cast %select_n3A_134 : vector<16xi32> to vector<16x1xi32>
      %gather3A_1044 = vector.shape_cast %broadcast_in_dim3A_1043 : vector<16x1xi32> to vector<16xi32>
      %gather3A_1045 = tpu.dynamic_gather %add3A_1042[%gather3A_1044] in [0] : vector<16xf32>, vector<16xi32> -> vector<16xf32>
      %add3A_1046 = arith.addf %add3A_1042, %gather3A_1045 : vector<16xf32>
      %eq3A_1047 = arith.constant 2 : i32
      %eq3A_1048 = vector.broadcast %eq3A_1047 : i32 to vector<16xi32>
      %eq3A_1049 = arith.cmpi eq, %iota3A, %eq3A_1048 : vector<16xi32>
      %select_n3A_1050 = arith.select %eq3A_1049, %add3A_1046, %select_n3A_1030 : vector<16xi1>, vector<16xf32>
      %broadcast_in_dim3A_1051 = vector.shape_cast %select_n3A_59 : vector<16xi32> to vector<16x1xi32>
      %gather3A_1052 = vector.shape_cast %broadcast_in_dim3A_1051 : vector<16x1xi32> to vector<16xi32>
      %gather3A_1053 = tpu.dynamic_gather %scan3A_985#3[%gather3A_1052] in [0] : vector<16xf32>, vector<16xi32> -> vector<16xf32>
      %add3A_1054 = arith.addf %scan3A_985#3, %gather3A_1053 : vector<16xf32>
      %broadcast_in_dim3A_1055 = vector.shape_cast %select_n3A_84 : vector<16xi32> to vector<16x1xi32>
      %gather3A_1056 = vector.shape_cast %broadcast_in_dim3A_1055 : vector<16x1xi32> to vector<16xi32>
      %gather3A_1057 = tpu.dynamic_gather %add3A_1054[%gather3A_1056] in [0] : vector<16xf32>, vector<16xi32> -> vector<16xf32>
      %add3A_1058 = arith.addf %add3A_1054, %gather3A_1057 : vector<16xf32>
      %broadcast_in_dim3A_1059 = vector.shape_cast %select_n3A_109 : vector<16xi32> to vector<16x1xi32>
      %gather3A_1060 = vector.shape_cast %broadcast_in_dim3A_1059 : vector<16x1xi32> to vector<16xi32>
      %gather3A_1061 = tpu.dynamic_gather %add3A_1058[%gather3A_1060] in [0] : vector<16xf32>, vector<16xi32> -> vector<16xf32>
      %add3A_1062 = arith.addf %add3A_1058, %gather3A_1061 : vector<16xf32>
      %broadcast_in_dim3A_1063 = vector.shape_cast %select_n3A_134 : vector<16xi32> to vector<16x1xi32>
      %gather3A_1064 = vector.shape_cast %broadcast_in_dim3A_1063 : vector<16x1xi32> to vector<16xi32>
      %gather3A_1065 = tpu.dynamic_gather %add3A_1062[%gather3A_1064] in [0] : vector<16xf32>, vector<16xi32> -> vector<16xf32>
      %add3A_1066 = arith.addf %add3A_1062, %gather3A_1065 : vector<16xf32>
      %eq3A_1067 = arith.constant 3 : i32
      %eq3A_1068 = vector.broadcast %eq3A_1067 : i32 to vector<16xi32>
      %eq3A_1069 = arith.cmpi eq, %iota3A, %eq3A_1068 : vector<16xi32>
      %select_n3A_1070 = arith.select %eq3A_1069, %add3A_1066, %select_n3A_1050 : vector<16xi1>, vector<16xf32>
      %broadcast_in_dim3A_1071 = vector.shape_cast %select_n3A_59 : vector<16xi32> to vector<16x1xi32>
      %gather3A_1072 = vector.shape_cast %broadcast_in_dim3A_1071 : vector<16x1xi32> to vector<16xi32>
      %gather3A_1073 = tpu.dynamic_gather %scan3A_985#4[%gather3A_1072] in [0] : vector<16xf32>, vector<16xi32> -> vector<16xf32>
      %add3A_1074 = arith.addf %scan3A_985#4, %gather3A_1073 : vector<16xf32>
      %broadcast_in_dim3A_1075 = vector.shape_cast %select_n3A_84 : vector<16xi32> to vector<16x1xi32>
      %gather3A_1076 = vector.shape_cast %broadcast_in_dim3A_1075 : vector<16x1xi32> to vector<16xi32>
      %gather3A_1077 = tpu.dynamic_gather %add3A_1074[%gather3A_1076] in [0] : vector<16xf32>, vector<16xi32> -> vector<16xf32>
      %add3A_1078 = arith.addf %add3A_1074, %gather3A_1077 : vector<16xf32>
      %broadcast_in_dim3A_1079 = vector.shape_cast %select_n3A_109 : vector<16xi32> to vector<16x1xi32>
      %gather3A_1080 = vector.shape_cast %broadcast_in_dim3A_1079 : vector<16x1xi32> to vector<16xi32>
      %gather3A_1081 = tpu.dynamic_gather %add3A_1078[%gather3A_1080] in [0] : vector<16xf32>, vector<16xi32> -> vector<16xf32>
      %add3A_1082 = arith.addf %add3A_1078, %gather3A_1081 : vector<16xf32>
      %broadcast_in_dim3A_1083 = vector.shape_cast %select_n3A_134 : vector<16xi32> to vector<16x1xi32>
      %gather3A_1084 = vector.shape_cast %broadcast_in_dim3A_1083 : vector<16x1xi32> to vector<16xi32>
      %gather3A_1085 = tpu.dynamic_gather %add3A_1082[%gather3A_1084] in [0] : vector<16xf32>, vector<16xi32> -> vector<16xf32>
      %add3A_1086 = arith.addf %add3A_1082, %gather3A_1085 : vector<16xf32>
      %eq3A_1087 = arith.constant 4 : i32
      %eq3A_1088 = vector.broadcast %eq3A_1087 : i32 to vector<16xi32>
      %eq3A_1089 = arith.cmpi eq, %iota3A, %eq3A_1088 : vector<16xi32>
      %select_n3A_1090 = arith.select %eq3A_1089, %add3A_1086, %select_n3A_1070 : vector<16xi1>, vector<16xf32>
      %broadcast_in_dim3A_1091 = vector.shape_cast %select_n3A_59 : vector<16xi32> to vector<16x1xi32>
      %gather3A_1092 = vector.shape_cast %broadcast_in_dim3A_1091 : vector<16x1xi32> to vector<16xi32>
      %gather3A_1093 = tpu.dynamic_gather %scan3A_985#5[%gather3A_1092] in [0] : vector<16xf32>, vector<16xi32> -> vector<16xf32>
      %add3A_1094 = arith.addf %scan3A_985#5, %gather3A_1093 : vector<16xf32>
      %broadcast_in_dim3A_1095 = vector.shape_cast %select_n3A_84 : vector<16xi32> to vector<16x1xi32>
      %gather3A_1096 = vector.shape_cast %broadcast_in_dim3A_1095 : vector<16x1xi32> to vector<16xi32>
      %gather3A_1097 = tpu.dynamic_gather %add3A_1094[%gather3A_1096] in [0] : vector<16xf32>, vector<16xi32> -> vector<16xf32>
      %add3A_1098 = arith.addf %add3A_1094, %gather3A_1097 : vector<16xf32>
      %broadcast_in_dim3A_1099 = vector.shape_cast %select_n3A_109 : vector<16xi32> to vector<16x1xi32>
      %gather3A_1100 = vector.shape_cast %broadcast_in_dim3A_1099 : vector<16x1xi32> to vector<16xi32>
      %gather3A_1101 = tpu.dynamic_gather %add3A_1098[%gather3A_1100] in [0] : vector<16xf32>, vector<16xi32> -> vector<16xf32>
      %add3A_1102 = arith.addf %add3A_1098, %gather3A_1101 : vector<16xf32>
      %broadcast_in_dim3A_1103 = vector.shape_cast %select_n3A_134 : vector<16xi32> to vector<16x1xi32>
      %gather3A_1104 = vector.shape_cast %broadcast_in_dim3A_1103 : vector<16x1xi32> to vector<16xi32>
      %gather3A_1105 = tpu.dynamic_gather %add3A_1102[%gather3A_1104] in [0] : vector<16xf32>, vector<16xi32> -> vector<16xf32>
      %add3A_1106 = arith.addf %add3A_1102, %gather3A_1105 : vector<16xf32>
      %eq3A_1107 = arith.constant 5 : i32
      %eq3A_1108 = vector.broadcast %eq3A_1107 : i32 to vector<16xi32>
      %eq3A_1109 = arith.cmpi eq, %iota3A, %eq3A_1108 : vector<16xi32>
      %select_n3A_1110 = arith.select %eq3A_1109, %add3A_1106, %select_n3A_1090 : vector<16xi1>, vector<16xf32>
      %broadcast_in_dim3A_1111 = vector.shape_cast %select_n3A_59 : vector<16xi32> to vector<16x1xi32>
      %gather3A_1112 = vector.shape_cast %broadcast_in_dim3A_1111 : vector<16x1xi32> to vector<16xi32>
      %gather3A_1113 = tpu.dynamic_gather %scan3A_985#6[%gather3A_1112] in [0] : vector<16xf32>, vector<16xi32> -> vector<16xf32>
      %add3A_1114 = arith.addf %scan3A_985#6, %gather3A_1113 : vector<16xf32>
      %broadcast_in_dim3A_1115 = vector.shape_cast %select_n3A_84 : vector<16xi32> to vector<16x1xi32>
      %gather3A_1116 = vector.shape_cast %broadcast_in_dim3A_1115 : vector<16x1xi32> to vector<16xi32>
      %gather3A_1117 = tpu.dynamic_gather %add3A_1114[%gather3A_1116] in [0] : vector<16xf32>, vector<16xi32> -> vector<16xf32>
      %add3A_1118 = arith.addf %add3A_1114, %gather3A_1117 : vector<16xf32>
      %broadcast_in_dim3A_1119 = vector.shape_cast %select_n3A_109 : vector<16xi32> to vector<16x1xi32>
      %gather3A_1120 = vector.shape_cast %broadcast_in_dim3A_1119 : vector<16x1xi32> to vector<16xi32>
      %gather3A_1121 = tpu.dynamic_gather %add3A_1118[%gather3A_1120] in [0] : vector<16xf32>, vector<16xi32> -> vector<16xf32>
      %add3A_1122 = arith.addf %add3A_1118, %gather3A_1121 : vector<16xf32>
      %broadcast_in_dim3A_1123 = vector.shape_cast %select_n3A_134 : vector<16xi32> to vector<16x1xi32>
      %gather3A_1124 = vector.shape_cast %broadcast_in_dim3A_1123 : vector<16x1xi32> to vector<16xi32>
      %gather3A_1125 = tpu.dynamic_gather %add3A_1122[%gather3A_1124] in [0] : vector<16xf32>, vector<16xi32> -> vector<16xf32>
      %add3A_1126 = arith.addf %add3A_1122, %gather3A_1125 : vector<16xf32>
      %eq3A_1127 = arith.constant 6 : i32
      %eq3A_1128 = vector.broadcast %eq3A_1127 : i32 to vector<16xi32>
      %eq3A_1129 = arith.cmpi eq, %iota3A, %eq3A_1128 : vector<16xi32>
      %select_n3A_1130 = arith.select %eq3A_1129, %add3A_1126, %select_n3A_1110 : vector<16xi1>, vector<16xf32>
      %broadcast_in_dim3A_1131 = vector.shape_cast %select_n3A_59 : vector<16xi32> to vector<16x1xi32>
      %gather3A_1132 = vector.shape_cast %broadcast_in_dim3A_1131 : vector<16x1xi32> to vector<16xi32>
      %gather3A_1133 = tpu.dynamic_gather %scan3A_985#7[%gather3A_1132] in [0] : vector<16xf32>, vector<16xi32> -> vector<16xf32>
      %add3A_1134 = arith.addf %scan3A_985#7, %gather3A_1133 : vector<16xf32>
      %broadcast_in_dim3A_1135 = vector.shape_cast %select_n3A_84 : vector<16xi32> to vector<16x1xi32>
      %gather3A_1136 = vector.shape_cast %broadcast_in_dim3A_1135 : vector<16x1xi32> to vector<16xi32>
      %gather3A_1137 = tpu.dynamic_gather %add3A_1134[%gather3A_1136] in [0] : vector<16xf32>, vector<16xi32> -> vector<16xf32>
      %add3A_1138 = arith.addf %add3A_1134, %gather3A_1137 : vector<16xf32>
      %broadcast_in_dim3A_1139 = vector.shape_cast %select_n3A_109 : vector<16xi32> to vector<16x1xi32>
      %gather3A_1140 = vector.shape_cast %broadcast_in_dim3A_1139 : vector<16x1xi32> to vector<16xi32>
      %gather3A_1141 = tpu.dynamic_gather %add3A_1138[%gather3A_1140] in [0] : vector<16xf32>, vector<16xi32> -> vector<16xf32>
      %add3A_1142 = arith.addf %add3A_1138, %gather3A_1141 : vector<16xf32>
      %broadcast_in_dim3A_1143 = vector.shape_cast %select_n3A_134 : vector<16xi32> to vector<16x1xi32>
      %gather3A_1144 = vector.shape_cast %broadcast_in_dim3A_1143 : vector<16x1xi32> to vector<16xi32>
      %gather3A_1145 = tpu.dynamic_gather %add3A_1142[%gather3A_1144] in [0] : vector<16xf32>, vector<16xi32> -> vector<16xf32>
      %add3A_1146 = arith.addf %add3A_1142, %gather3A_1145 : vector<16xf32>
      %eq3A_1147 = arith.constant 7 : i32
      %eq3A_1148 = vector.broadcast %eq3A_1147 : i32 to vector<16xi32>
      %eq3A_1149 = arith.cmpi eq, %iota3A, %eq3A_1148 : vector<16xi32>
      %select_n3A_1150 = arith.select %eq3A_1149, %add3A_1146, %select_n3A_1130 : vector<16xi1>, vector<16xf32>
      %broadcast_in_dim3A_1151 = vector.shape_cast %select_n3A_59 : vector<16xi32> to vector<16x1xi32>
      %gather3A_1152 = vector.shape_cast %broadcast_in_dim3A_1151 : vector<16x1xi32> to vector<16xi32>
      %gather3A_1153 = tpu.dynamic_gather %scan3A_985#8[%gather3A_1152] in [0] : vector<16xf32>, vector<16xi32> -> vector<16xf32>
      %add3A_1154 = arith.addf %scan3A_985#8, %gather3A_1153 : vector<16xf32>
      %broadcast_in_dim3A_1155 = vector.shape_cast %select_n3A_84 : vector<16xi32> to vector<16x1xi32>
      %gather3A_1156 = vector.shape_cast %broadcast_in_dim3A_1155 : vector<16x1xi32> to vector<16xi32>
      %gather3A_1157 = tpu.dynamic_gather %add3A_1154[%gather3A_1156] in [0] : vector<16xf32>, vector<16xi32> -> vector<16xf32>
      %add3A_1158 = arith.addf %add3A_1154, %gather3A_1157 : vector<16xf32>
      %broadcast_in_dim3A_1159 = vector.shape_cast %select_n3A_109 : vector<16xi32> to vector<16x1xi32>
      %gather3A_1160 = vector.shape_cast %broadcast_in_dim3A_1159 : vector<16x1xi32> to vector<16xi32>
      %gather3A_1161 = tpu.dynamic_gather %add3A_1158[%gather3A_1160] in [0] : vector<16xf32>, vector<16xi32> -> vector<16xf32>
      %add3A_1162 = arith.addf %add3A_1158, %gather3A_1161 : vector<16xf32>
      %broadcast_in_dim3A_1163 = vector.shape_cast %select_n3A_134 : vector<16xi32> to vector<16x1xi32>
      %gather3A_1164 = vector.shape_cast %broadcast_in_dim3A_1163 : vector<16x1xi32> to vector<16xi32>
      %gather3A_1165 = tpu.dynamic_gather %add3A_1162[%gather3A_1164] in [0] : vector<16xf32>, vector<16xi32> -> vector<16xf32>
      %add3A_1166 = arith.addf %add3A_1162, %gather3A_1165 : vector<16xf32>
      %eq3A_1167 = arith.constant 8 : i32
      %eq3A_1168 = vector.broadcast %eq3A_1167 : i32 to vector<16xi32>
      %eq3A_1169 = arith.cmpi eq, %iota3A, %eq3A_1168 : vector<16xi32>
      %select_n3A_1170 = arith.select %eq3A_1169, %add3A_1166, %select_n3A_1150 : vector<16xi1>, vector<16xf32>
      %broadcast_in_dim3A_1171 = vector.shape_cast %select_n3A_59 : vector<16xi32> to vector<16x1xi32>
      %gather3A_1172 = vector.shape_cast %broadcast_in_dim3A_1171 : vector<16x1xi32> to vector<16xi32>
      %gather3A_1173 = tpu.dynamic_gather %scan3A_985#9[%gather3A_1172] in [0] : vector<16xf32>, vector<16xi32> -> vector<16xf32>
      %add3A_1174 = arith.addf %scan3A_985#9, %gather3A_1173 : vector<16xf32>
      %broadcast_in_dim3A_1175 = vector.shape_cast %select_n3A_84 : vector<16xi32> to vector<16x1xi32>
      %gather3A_1176 = vector.shape_cast %broadcast_in_dim3A_1175 : vector<16x1xi32> to vector<16xi32>
      %gather3A_1177 = tpu.dynamic_gather %add3A_1174[%gather3A_1176] in [0] : vector<16xf32>, vector<16xi32> -> vector<16xf32>
      %add3A_1178 = arith.addf %add3A_1174, %gather3A_1177 : vector<16xf32>
      %broadcast_in_dim3A_1179 = vector.shape_cast %select_n3A_109 : vector<16xi32> to vector<16x1xi32>
      %gather3A_1180 = vector.shape_cast %broadcast_in_dim3A_1179 : vector<16x1xi32> to vector<16xi32>
      %gather3A_1181 = tpu.dynamic_gather %add3A_1178[%gather3A_1180] in [0] : vector<16xf32>, vector<16xi32> -> vector<16xf32>
      %add3A_1182 = arith.addf %add3A_1178, %gather3A_1181 : vector<16xf32>
      %broadcast_in_dim3A_1183 = vector.shape_cast %select_n3A_134 : vector<16xi32> to vector<16x1xi32>
      %gather3A_1184 = vector.shape_cast %broadcast_in_dim3A_1183 : vector<16x1xi32> to vector<16xi32>
      %gather3A_1185 = tpu.dynamic_gather %add3A_1182[%gather3A_1184] in [0] : vector<16xf32>, vector<16xi32> -> vector<16xf32>
      %add3A_1186 = arith.addf %add3A_1182, %gather3A_1185 : vector<16xf32>
      %eq3A_1187 = arith.constant 9 : i32
      %eq3A_1188 = vector.broadcast %eq3A_1187 : i32 to vector<16xi32>
      %eq3A_1189 = arith.cmpi eq, %iota3A, %eq3A_1188 : vector<16xi32>
      %select_n3A_1190 = arith.select %eq3A_1189, %add3A_1186, %select_n3A_1170 : vector<16xi1>, vector<16xf32>
      %broadcast_in_dim3A_1191 = vector.shape_cast %select_n3A_59 : vector<16xi32> to vector<16x1xi32>
      %gather3A_1192 = vector.shape_cast %broadcast_in_dim3A_1191 : vector<16x1xi32> to vector<16xi32>
      %gather3A_1193 = tpu.dynamic_gather %scan3A_985#10[%gather3A_1192] in [0] : vector<16xf32>, vector<16xi32> -> vector<16xf32>
      %add3A_1194 = arith.addf %scan3A_985#10, %gather3A_1193 : vector<16xf32>
      %broadcast_in_dim3A_1195 = vector.shape_cast %select_n3A_84 : vector<16xi32> to vector<16x1xi32>
      %gather3A_1196 = vector.shape_cast %broadcast_in_dim3A_1195 : vector<16x1xi32> to vector<16xi32>
      %gather3A_1197 = tpu.dynamic_gather %add3A_1194[%gather3A_1196] in [0] : vector<16xf32>, vector<16xi32> -> vector<16xf32>
      %add3A_1198 = arith.addf %add3A_1194, %gather3A_1197 : vector<16xf32>
      %broadcast_in_dim3A_1199 = vector.shape_cast %select_n3A_109 : vector<16xi32> to vector<16x1xi32>
      %gather3A_1200 = vector.shape_cast %broadcast_in_dim3A_1199 : vector<16x1xi32> to vector<16xi32>
      %gather3A_1201 = tpu.dynamic_gather %add3A_1198[%gather3A_1200] in [0] : vector<16xf32>, vector<16xi32> -> vector<16xf32>
      %add3A_1202 = arith.addf %add3A_1198, %gather3A_1201 : vector<16xf32>
      %broadcast_in_dim3A_1203 = vector.shape_cast %select_n3A_134 : vector<16xi32> to vector<16x1xi32>
      %gather3A_1204 = vector.shape_cast %broadcast_in_dim3A_1203 : vector<16x1xi32> to vector<16xi32>
      %gather3A_1205 = tpu.dynamic_gather %add3A_1202[%gather3A_1204] in [0] : vector<16xf32>, vector<16xi32> -> vector<16xf32>
      %add3A_1206 = arith.addf %add3A_1202, %gather3A_1205 : vector<16xf32>
      %eq3A_1207 = arith.constant 10 : i32
      %eq3A_1208 = vector.broadcast %eq3A_1207 : i32 to vector<16xi32>
      %eq3A_1209 = arith.cmpi eq, %iota3A, %eq3A_1208 : vector<16xi32>
      %select_n3A_1210 = arith.select %eq3A_1209, %add3A_1206, %select_n3A_1190 : vector<16xi1>, vector<16xf32>
      %broadcast_in_dim3A_1211 = vector.shape_cast %select_n3A_59 : vector<16xi32> to vector<16x1xi32>
      %gather3A_1212 = vector.shape_cast %broadcast_in_dim3A_1211 : vector<16x1xi32> to vector<16xi32>
      %gather3A_1213 = tpu.dynamic_gather %scan3A_985#11[%gather3A_1212] in [0] : vector<16xf32>, vector<16xi32> -> vector<16xf32>
      %add3A_1214 = arith.addf %scan3A_985#11, %gather3A_1213 : vector<16xf32>
      %broadcast_in_dim3A_1215 = vector.shape_cast %select_n3A_84 : vector<16xi32> to vector<16x1xi32>
      %gather3A_1216 = vector.shape_cast %broadcast_in_dim3A_1215 : vector<16x1xi32> to vector<16xi32>
      %gather3A_1217 = tpu.dynamic_gather %add3A_1214[%gather3A_1216] in [0] : vector<16xf32>, vector<16xi32> -> vector<16xf32>
      %add3A_1218 = arith.addf %add3A_1214, %gather3A_1217 : vector<16xf32>
      %broadcast_in_dim3A_1219 = vector.shape_cast %select_n3A_109 : vector<16xi32> to vector<16x1xi32>
      %gather3A_1220 = vector.shape_cast %broadcast_in_dim3A_1219 : vector<16x1xi32> to vector<16xi32>
      %gather3A_1221 = tpu.dynamic_gather %add3A_1218[%gather3A_1220] in [0] : vector<16xf32>, vector<16xi32> -> vector<16xf32>
      %add3A_1222 = arith.addf %add3A_1218, %gather3A_1221 : vector<16xf32>
      %broadcast_in_dim3A_1223 = vector.shape_cast %select_n3A_134 : vector<16xi32> to vector<16x1xi32>
      %gather3A_1224 = vector.shape_cast %broadcast_in_dim3A_1223 : vector<16x1xi32> to vector<16xi32>
      %gather3A_1225 = tpu.dynamic_gather %add3A_1222[%gather3A_1224] in [0] : vector<16xf32>, vector<16xi32> -> vector<16xf32>
      %add3A_1226 = arith.addf %add3A_1222, %gather3A_1225 : vector<16xf32>
      %eq3A_1227 = arith.constant 11 : i32
      %eq3A_1228 = vector.broadcast %eq3A_1227 : i32 to vector<16xi32>
      %eq3A_1229 = arith.cmpi eq, %iota3A, %eq3A_1228 : vector<16xi32>
      %select_n3A_1230 = arith.select %eq3A_1229, %add3A_1226, %select_n3A_1210 : vector<16xi1>, vector<16xf32>
      %broadcast_in_dim3A_1231 = vector.shape_cast %select_n3A_59 : vector<16xi32> to vector<16x1xi32>
      %gather3A_1232 = vector.shape_cast %broadcast_in_dim3A_1231 : vector<16x1xi32> to vector<16xi32>
      %gather3A_1233 = tpu.dynamic_gather %scan3A_985#12[%gather3A_1232] in [0] : vector<16xf32>, vector<16xi32> -> vector<16xf32>
      %add3A_1234 = arith.addf %scan3A_985#12, %gather3A_1233 : vector<16xf32>
      %broadcast_in_dim3A_1235 = vector.shape_cast %select_n3A_84 : vector<16xi32> to vector<16x1xi32>
      %gather3A_1236 = vector.shape_cast %broadcast_in_dim3A_1235 : vector<16x1xi32> to vector<16xi32>
      %gather3A_1237 = tpu.dynamic_gather %add3A_1234[%gather3A_1236] in [0] : vector<16xf32>, vector<16xi32> -> vector<16xf32>
      %add3A_1238 = arith.addf %add3A_1234, %gather3A_1237 : vector<16xf32>
      %broadcast_in_dim3A_1239 = vector.shape_cast %select_n3A_109 : vector<16xi32> to vector<16x1xi32>
      %gather3A_1240 = vector.shape_cast %broadcast_in_dim3A_1239 : vector<16x1xi32> to vector<16xi32>
      %gather3A_1241 = tpu.dynamic_gather %add3A_1238[%gather3A_1240] in [0] : vector<16xf32>, vector<16xi32> -> vector<16xf32>
      %add3A_1242 = arith.addf %add3A_1238, %gather3A_1241 : vector<16xf32>
      %broadcast_in_dim3A_1243 = vector.shape_cast %select_n3A_134 : vector<16xi32> to vector<16x1xi32>
      %gather3A_1244 = vector.shape_cast %broadcast_in_dim3A_1243 : vector<16x1xi32> to vector<16xi32>
      %gather3A_1245 = tpu.dynamic_gather %add3A_1242[%gather3A_1244] in [0] : vector<16xf32>, vector<16xi32> -> vector<16xf32>
      %add3A_1246 = arith.addf %add3A_1242, %gather3A_1245 : vector<16xf32>
      %eq3A_1247 = arith.constant 12 : i32
      %eq3A_1248 = vector.broadcast %eq3A_1247 : i32 to vector<16xi32>
      %eq3A_1249 = arith.cmpi eq, %iota3A, %eq3A_1248 : vector<16xi32>
      %select_n3A_1250 = arith.select %eq3A_1249, %add3A_1246, %select_n3A_1230 : vector<16xi1>, vector<16xf32>
      %broadcast_in_dim3A_1251 = vector.shape_cast %select_n3A_59 : vector<16xi32> to vector<16x1xi32>
      %gather3A_1252 = vector.shape_cast %broadcast_in_dim3A_1251 : vector<16x1xi32> to vector<16xi32>
      %gather3A_1253 = tpu.dynamic_gather %scan3A_985#13[%gather3A_1252] in [0] : vector<16xf32>, vector<16xi32> -> vector<16xf32>
      %add3A_1254 = arith.addf %scan3A_985#13, %gather3A_1253 : vector<16xf32>
      %broadcast_in_dim3A_1255 = vector.shape_cast %select_n3A_84 : vector<16xi32> to vector<16x1xi32>
      %gather3A_1256 = vector.shape_cast %broadcast_in_dim3A_1255 : vector<16x1xi32> to vector<16xi32>
      %gather3A_1257 = tpu.dynamic_gather %add3A_1254[%gather3A_1256] in [0] : vector<16xf32>, vector<16xi32> -> vector<16xf32>
      %add3A_1258 = arith.addf %add3A_1254, %gather3A_1257 : vector<16xf32>
      %broadcast_in_dim3A_1259 = vector.shape_cast %select_n3A_109 : vector<16xi32> to vector<16x1xi32>
      %gather3A_1260 = vector.shape_cast %broadcast_in_dim3A_1259 : vector<16x1xi32> to vector<16xi32>
      %gather3A_1261 = tpu.dynamic_gather %add3A_1258[%gather3A_1260] in [0] : vector<16xf32>, vector<16xi32> -> vector<16xf32>
      %add3A_1262 = arith.addf %add3A_1258, %gather3A_1261 : vector<16xf32>
      %broadcast_in_dim3A_1263 = vector.shape_cast %select_n3A_134 : vector<16xi32> to vector<16x1xi32>
      %gather3A_1264 = vector.shape_cast %broadcast_in_dim3A_1263 : vector<16x1xi32> to vector<16xi32>
      %gather3A_1265 = tpu.dynamic_gather %add3A_1262[%gather3A_1264] in [0] : vector<16xf32>, vector<16xi32> -> vector<16xf32>
      %add3A_1266 = arith.addf %add3A_1262, %gather3A_1265 : vector<16xf32>
      %eq3A_1267 = arith.constant 13 : i32
      %eq3A_1268 = vector.broadcast %eq3A_1267 : i32 to vector<16xi32>
      %eq3A_1269 = arith.cmpi eq, %iota3A, %eq3A_1268 : vector<16xi32>
      %select_n3A_1270 = arith.select %eq3A_1269, %add3A_1266, %select_n3A_1250 : vector<16xi1>, vector<16xf32>
      %broadcast_in_dim3A_1271 = vector.shape_cast %select_n3A_59 : vector<16xi32> to vector<16x1xi32>
      %gather3A_1272 = vector.shape_cast %broadcast_in_dim3A_1271 : vector<16x1xi32> to vector<16xi32>
      %gather3A_1273 = tpu.dynamic_gather %scan3A_985#14[%gather3A_1272] in [0] : vector<16xf32>, vector<16xi32> -> vector<16xf32>
      %add3A_1274 = arith.addf %scan3A_985#14, %gather3A_1273 : vector<16xf32>
      %broadcast_in_dim3A_1275 = vector.shape_cast %select_n3A_84 : vector<16xi32> to vector<16x1xi32>
      %gather3A_1276 = vector.shape_cast %broadcast_in_dim3A_1275 : vector<16x1xi32> to vector<16xi32>
      %gather3A_1277 = tpu.dynamic_gather %add3A_1274[%gather3A_1276] in [0] : vector<16xf32>, vector<16xi32> -> vector<16xf32>
      %add3A_1278 = arith.addf %add3A_1274, %gather3A_1277 : vector<16xf32>
      %broadcast_in_dim3A_1279 = vector.shape_cast %select_n3A_109 : vector<16xi32> to vector<16x1xi32>
      %gather3A_1280 = vector.shape_cast %broadcast_in_dim3A_1279 : vector<16x1xi32> to vector<16xi32>
      %gather3A_1281 = tpu.dynamic_gather %add3A_1278[%gather3A_1280] in [0] : vector<16xf32>, vector<16xi32> -> vector<16xf32>
      %add3A_1282 = arith.addf %add3A_1278, %gather3A_1281 : vector<16xf32>
      %broadcast_in_dim3A_1283 = vector.shape_cast %select_n3A_134 : vector<16xi32> to vector<16x1xi32>
      %gather3A_1284 = vector.shape_cast %broadcast_in_dim3A_1283 : vector<16x1xi32> to vector<16xi32>
      %gather3A_1285 = tpu.dynamic_gather %add3A_1282[%gather3A_1284] in [0] : vector<16xf32>, vector<16xi32> -> vector<16xf32>
      %add3A_1286 = arith.addf %add3A_1282, %gather3A_1285 : vector<16xf32>
      %eq3A_1287 = arith.constant 14 : i32
      %eq3A_1288 = vector.broadcast %eq3A_1287 : i32 to vector<16xi32>
      %eq3A_1289 = arith.cmpi eq, %iota3A, %eq3A_1288 : vector<16xi32>
      %select_n3A_1290 = arith.select %eq3A_1289, %add3A_1286, %select_n3A_1270 : vector<16xi1>, vector<16xf32>
      %broadcast_in_dim3A_1291 = vector.shape_cast %select_n3A_59 : vector<16xi32> to vector<16x1xi32>
      %gather3A_1292 = vector.shape_cast %broadcast_in_dim3A_1291 : vector<16x1xi32> to vector<16xi32>
      %gather3A_1293 = tpu.dynamic_gather %scan3A_985#15[%gather3A_1292] in [0] : vector<16xf32>, vector<16xi32> -> vector<16xf32>
      %add3A_1294 = arith.addf %scan3A_985#15, %gather3A_1293 : vector<16xf32>
      %broadcast_in_dim3A_1295 = vector.shape_cast %select_n3A_84 : vector<16xi32> to vector<16x1xi32>
      %gather3A_1296 = vector.shape_cast %broadcast_in_dim3A_1295 : vector<16x1xi32> to vector<16xi32>
      %gather3A_1297 = tpu.dynamic_gather %add3A_1294[%gather3A_1296] in [0] : vector<16xf32>, vector<16xi32> -> vector<16xf32>
      %add3A_1298 = arith.addf %add3A_1294, %gather3A_1297 : vector<16xf32>
      %broadcast_in_dim3A_1299 = vector.shape_cast %select_n3A_109 : vector<16xi32> to vector<16x1xi32>
      %gather3A_1300 = vector.shape_cast %broadcast_in_dim3A_1299 : vector<16x1xi32> to vector<16xi32>
      %gather3A_1301 = tpu.dynamic_gather %add3A_1298[%gather3A_1300] in [0] : vector<16xf32>, vector<16xi32> -> vector<16xf32>
      %add3A_1302 = arith.addf %add3A_1298, %gather3A_1301 : vector<16xf32>
      %broadcast_in_dim3A_1303 = vector.shape_cast %select_n3A_134 : vector<16xi32> to vector<16x1xi32>
      %gather3A_1304 = vector.shape_cast %broadcast_in_dim3A_1303 : vector<16x1xi32> to vector<16xi32>
      %gather3A_1305 = tpu.dynamic_gather %add3A_1302[%gather3A_1304] in [0] : vector<16xf32>, vector<16xi32> -> vector<16xf32>
      %add3A_1306 = arith.addf %add3A_1302, %gather3A_1305 : vector<16xf32>
      %eq3A_1307 = arith.constant 15 : i32
      %eq3A_1308 = vector.broadcast %eq3A_1307 : i32 to vector<16xi32>
      %eq3A_1309 = arith.cmpi eq, %iota3A, %eq3A_1308 : vector<16xi32>
      %select_n3A_1310 = arith.select %eq3A_1309, %add3A_1306, %select_n3A_1290 : vector<16xi1>, vector<16xf32>
      %broadcast_in_dim3A_1311 = vector.shape_cast %select_n3A_59 : vector<16xi32> to vector<16x1xi32>
      %gather3A_1312 = vector.shape_cast %broadcast_in_dim3A_1311 : vector<16x1xi32> to vector<16xi32>
      %gather3A_1313 = tpu.dynamic_gather %scan3A_985#16[%gather3A_1312] in [0] : vector<16xf32>, vector<16xi32> -> vector<16xf32>
      %add3A_1314 = arith.addf %scan3A_985#16, %gather3A_1313 : vector<16xf32>
      %broadcast_in_dim3A_1315 = vector.shape_cast %select_n3A_84 : vector<16xi32> to vector<16x1xi32>
      %gather3A_1316 = vector.shape_cast %broadcast_in_dim3A_1315 : vector<16x1xi32> to vector<16xi32>
      %gather3A_1317 = tpu.dynamic_gather %add3A_1314[%gather3A_1316] in [0] : vector<16xf32>, vector<16xi32> -> vector<16xf32>
      %add3A_1318 = arith.addf %add3A_1314, %gather3A_1317 : vector<16xf32>
      %broadcast_in_dim3A_1319 = vector.shape_cast %select_n3A_109 : vector<16xi32> to vector<16x1xi32>
      %gather3A_1320 = vector.shape_cast %broadcast_in_dim3A_1319 : vector<16x1xi32> to vector<16xi32>
      %gather3A_1321 = tpu.dynamic_gather %add3A_1318[%gather3A_1320] in [0] : vector<16xf32>, vector<16xi32> -> vector<16xf32>
      %add3A_1322 = arith.addf %add3A_1318, %gather3A_1321 : vector<16xf32>
      %broadcast_in_dim3A_1323 = vector.shape_cast %select_n3A_134 : vector<16xi32> to vector<16x1xi32>
      %gather3A_1324 = vector.shape_cast %broadcast_in_dim3A_1323 : vector<16x1xi32> to vector<16xi32>
      %gather3A_1325 = tpu.dynamic_gather %add3A_1322[%gather3A_1324] in [0] : vector<16xf32>, vector<16xi32> -> vector<16xf32>
      %add3A_1326 = arith.addf %add3A_1322, %gather3A_1325 : vector<16xf32>
      %eq3A_1327 = arith.constant 0 : i32
      %eq3A_1328 = vector.broadcast %eq3A_1327 : i32 to vector<16xi32>
      %eq3A_1329 = arith.cmpi eq, %iota3A, %eq3A_1328 : vector<16xi32>
      %select_n3A_1330 = arith.select %eq3A_1329, %add3A_1326, %broadcast_in_dim3A_990 : vector<16xi1>, vector<16xf32>
      %broadcast_in_dim3A_1331 = vector.shape_cast %select_n3A_59 : vector<16xi32> to vector<16x1xi32>
      %gather3A_1332 = vector.shape_cast %broadcast_in_dim3A_1331 : vector<16x1xi32> to vector<16xi32>
      %gather3A_1333 = tpu.dynamic_gather %scan3A_985#17[%gather3A_1332] in [0] : vector<16xf32>, vector<16xi32> -> vector<16xf32>
      %add3A_1334 = arith.addf %scan3A_985#17, %gather3A_1333 : vector<16xf32>
      %broadcast_in_dim3A_1335 = vector.shape_cast %select_n3A_84 : vector<16xi32> to vector<16x1xi32>
      %gather3A_1336 = vector.shape_cast %broadcast_in_dim3A_1335 : vector<16x1xi32> to vector<16xi32>
      %gather3A_1337 = tpu.dynamic_gather %add3A_1334[%gather3A_1336] in [0] : vector<16xf32>, vector<16xi32> -> vector<16xf32>
      %add3A_1338 = arith.addf %add3A_1334, %gather3A_1337 : vector<16xf32>
      %broadcast_in_dim3A_1339 = vector.shape_cast %select_n3A_109 : vector<16xi32> to vector<16x1xi32>
      %gather3A_1340 = vector.shape_cast %broadcast_in_dim3A_1339 : vector<16x1xi32> to vector<16xi32>
      %gather3A_1341 = tpu.dynamic_gather %add3A_1338[%gather3A_1340] in [0] : vector<16xf32>, vector<16xi32> -> vector<16xf32>
      %add3A_1342 = arith.addf %add3A_1338, %gather3A_1341 : vector<16xf32>
      %broadcast_in_dim3A_1343 = vector.shape_cast %select_n3A_134 : vector<16xi32> to vector<16x1xi32>
      %gather3A_1344 = vector.shape_cast %broadcast_in_dim3A_1343 : vector<16x1xi32> to vector<16xi32>
      %gather3A_1345 = tpu.dynamic_gather %add3A_1342[%gather3A_1344] in [0] : vector<16xf32>, vector<16xi32> -> vector<16xf32>
      %add3A_1346 = arith.addf %add3A_1342, %gather3A_1345 : vector<16xf32>
      %eq3A_1347 = arith.constant 1 : i32
      %eq3A_1348 = vector.broadcast %eq3A_1347 : i32 to vector<16xi32>
      %eq3A_1349 = arith.cmpi eq, %iota3A, %eq3A_1348 : vector<16xi32>
      %select_n3A_1350 = arith.select %eq3A_1349, %add3A_1346, %select_n3A_1330 : vector<16xi1>, vector<16xf32>
      %broadcast_in_dim3A_1351 = vector.shape_cast %select_n3A_59 : vector<16xi32> to vector<16x1xi32>
      %gather3A_1352 = vector.shape_cast %broadcast_in_dim3A_1351 : vector<16x1xi32> to vector<16xi32>
      %gather3A_1353 = tpu.dynamic_gather %scan3A_985#18[%gather3A_1352] in [0] : vector<16xf32>, vector<16xi32> -> vector<16xf32>
      %add3A_1354 = arith.addf %scan3A_985#18, %gather3A_1353 : vector<16xf32>
      %broadcast_in_dim3A_1355 = vector.shape_cast %select_n3A_84 : vector<16xi32> to vector<16x1xi32>
      %gather3A_1356 = vector.shape_cast %broadcast_in_dim3A_1355 : vector<16x1xi32> to vector<16xi32>
      %gather3A_1357 = tpu.dynamic_gather %add3A_1354[%gather3A_1356] in [0] : vector<16xf32>, vector<16xi32> -> vector<16xf32>
      %add3A_1358 = arith.addf %add3A_1354, %gather3A_1357 : vector<16xf32>
      %broadcast_in_dim3A_1359 = vector.shape_cast %select_n3A_109 : vector<16xi32> to vector<16x1xi32>
      %gather3A_1360 = vector.shape_cast %broadcast_in_dim3A_1359 : vector<16x1xi32> to vector<16xi32>
      %gather3A_1361 = tpu.dynamic_gather %add3A_1358[%gather3A_1360] in [0] : vector<16xf32>, vector<16xi32> -> vector<16xf32>
      %add3A_1362 = arith.addf %add3A_1358, %gather3A_1361 : vector<16xf32>
      %broadcast_in_dim3A_1363 = vector.shape_cast %select_n3A_134 : vector<16xi32> to vector<16x1xi32>
      %gather3A_1364 = vector.shape_cast %broadcast_in_dim3A_1363 : vector<16x1xi32> to vector<16xi32>
      %gather3A_1365 = tpu.dynamic_gather %add3A_1362[%gather3A_1364] in [0] : vector<16xf32>, vector<16xi32> -> vector<16xf32>
      %add3A_1366 = arith.addf %add3A_1362, %gather3A_1365 : vector<16xf32>
      %eq3A_1367 = arith.constant 2 : i32
      %eq3A_1368 = vector.broadcast %eq3A_1367 : i32 to vector<16xi32>
      %eq3A_1369 = arith.cmpi eq, %iota3A, %eq3A_1368 : vector<16xi32>
      %select_n3A_1370 = arith.select %eq3A_1369, %add3A_1366, %select_n3A_1350 : vector<16xi1>, vector<16xf32>
      %broadcast_in_dim3A_1371 = vector.shape_cast %select_n3A_59 : vector<16xi32> to vector<16x1xi32>
      %gather3A_1372 = vector.shape_cast %broadcast_in_dim3A_1371 : vector<16x1xi32> to vector<16xi32>
      %gather3A_1373 = tpu.dynamic_gather %scan3A_985#19[%gather3A_1372] in [0] : vector<16xf32>, vector<16xi32> -> vector<16xf32>
      %add3A_1374 = arith.addf %scan3A_985#19, %gather3A_1373 : vector<16xf32>
      %broadcast_in_dim3A_1375 = vector.shape_cast %select_n3A_84 : vector<16xi32> to vector<16x1xi32>
      %gather3A_1376 = vector.shape_cast %broadcast_in_dim3A_1375 : vector<16x1xi32> to vector<16xi32>
      %gather3A_1377 = tpu.dynamic_gather %add3A_1374[%gather3A_1376] in [0] : vector<16xf32>, vector<16xi32> -> vector<16xf32>
      %add3A_1378 = arith.addf %add3A_1374, %gather3A_1377 : vector<16xf32>
      %broadcast_in_dim3A_1379 = vector.shape_cast %select_n3A_109 : vector<16xi32> to vector<16x1xi32>
      %gather3A_1380 = vector.shape_cast %broadcast_in_dim3A_1379 : vector<16x1xi32> to vector<16xi32>
      %gather3A_1381 = tpu.dynamic_gather %add3A_1378[%gather3A_1380] in [0] : vector<16xf32>, vector<16xi32> -> vector<16xf32>
      %add3A_1382 = arith.addf %add3A_1378, %gather3A_1381 : vector<16xf32>
      %broadcast_in_dim3A_1383 = vector.shape_cast %select_n3A_134 : vector<16xi32> to vector<16x1xi32>
      %gather3A_1384 = vector.shape_cast %broadcast_in_dim3A_1383 : vector<16x1xi32> to vector<16xi32>
      %gather3A_1385 = tpu.dynamic_gather %add3A_1382[%gather3A_1384] in [0] : vector<16xf32>, vector<16xi32> -> vector<16xf32>
      %add3A_1386 = arith.addf %add3A_1382, %gather3A_1385 : vector<16xf32>
      %eq3A_1387 = arith.constant 3 : i32
      %eq3A_1388 = vector.broadcast %eq3A_1387 : i32 to vector<16xi32>
      %eq3A_1389 = arith.cmpi eq, %iota3A, %eq3A_1388 : vector<16xi32>
      %select_n3A_1390 = arith.select %eq3A_1389, %add3A_1386, %select_n3A_1370 : vector<16xi1>, vector<16xf32>
      %broadcast_in_dim3A_1391 = vector.shape_cast %select_n3A_59 : vector<16xi32> to vector<16x1xi32>
      %gather3A_1392 = vector.shape_cast %broadcast_in_dim3A_1391 : vector<16x1xi32> to vector<16xi32>
      %gather3A_1393 = tpu.dynamic_gather %scan3A_985#20[%gather3A_1392] in [0] : vector<16xf32>, vector<16xi32> -> vector<16xf32>
      %add3A_1394 = arith.addf %scan3A_985#20, %gather3A_1393 : vector<16xf32>
      %broadcast_in_dim3A_1395 = vector.shape_cast %select_n3A_84 : vector<16xi32> to vector<16x1xi32>
      %gather3A_1396 = vector.shape_cast %broadcast_in_dim3A_1395 : vector<16x1xi32> to vector<16xi32>
      %gather3A_1397 = tpu.dynamic_gather %add3A_1394[%gather3A_1396] in [0] : vector<16xf32>, vector<16xi32> -> vector<16xf32>
      %add3A_1398 = arith.addf %add3A_1394, %gather3A_1397 : vector<16xf32>
      %broadcast_in_dim3A_1399 = vector.shape_cast %select_n3A_109 : vector<16xi32> to vector<16x1xi32>
      %gather3A_1400 = vector.shape_cast %broadcast_in_dim3A_1399 : vector<16x1xi32> to vector<16xi32>
      %gather3A_1401 = tpu.dynamic_gather %add3A_1398[%gather3A_1400] in [0] : vector<16xf32>, vector<16xi32> -> vector<16xf32>
      %add3A_1402 = arith.addf %add3A_1398, %gather3A_1401 : vector<16xf32>
      %broadcast_in_dim3A_1403 = vector.shape_cast %select_n3A_134 : vector<16xi32> to vector<16x1xi32>
      %gather3A_1404 = vector.shape_cast %broadcast_in_dim3A_1403 : vector<16x1xi32> to vector<16xi32>
      %gather3A_1405 = tpu.dynamic_gather %add3A_1402[%gather3A_1404] in [0] : vector<16xf32>, vector<16xi32> -> vector<16xf32>
      %add3A_1406 = arith.addf %add3A_1402, %gather3A_1405 : vector<16xf32>
      %eq3A_1407 = arith.constant 4 : i32
      %eq3A_1408 = vector.broadcast %eq3A_1407 : i32 to vector<16xi32>
      %eq3A_1409 = arith.cmpi eq, %iota3A, %eq3A_1408 : vector<16xi32>
      %select_n3A_1410 = arith.select %eq3A_1409, %add3A_1406, %select_n3A_1390 : vector<16xi1>, vector<16xf32>
      %broadcast_in_dim3A_1411 = vector.shape_cast %select_n3A_59 : vector<16xi32> to vector<16x1xi32>
      %gather3A_1412 = vector.shape_cast %broadcast_in_dim3A_1411 : vector<16x1xi32> to vector<16xi32>
      %gather3A_1413 = tpu.dynamic_gather %scan3A_985#21[%gather3A_1412] in [0] : vector<16xf32>, vector<16xi32> -> vector<16xf32>
      %add3A_1414 = arith.addf %scan3A_985#21, %gather3A_1413 : vector<16xf32>
      %broadcast_in_dim3A_1415 = vector.shape_cast %select_n3A_84 : vector<16xi32> to vector<16x1xi32>
      %gather3A_1416 = vector.shape_cast %broadcast_in_dim3A_1415 : vector<16x1xi32> to vector<16xi32>
      %gather3A_1417 = tpu.dynamic_gather %add3A_1414[%gather3A_1416] in [0] : vector<16xf32>, vector<16xi32> -> vector<16xf32>
      %add3A_1418 = arith.addf %add3A_1414, %gather3A_1417 : vector<16xf32>
      %broadcast_in_dim3A_1419 = vector.shape_cast %select_n3A_109 : vector<16xi32> to vector<16x1xi32>
      %gather3A_1420 = vector.shape_cast %broadcast_in_dim3A_1419 : vector<16x1xi32> to vector<16xi32>
      %gather3A_1421 = tpu.dynamic_gather %add3A_1418[%gather3A_1420] in [0] : vector<16xf32>, vector<16xi32> -> vector<16xf32>
      %add3A_1422 = arith.addf %add3A_1418, %gather3A_1421 : vector<16xf32>
      %broadcast_in_dim3A_1423 = vector.shape_cast %select_n3A_134 : vector<16xi32> to vector<16x1xi32>
      %gather3A_1424 = vector.shape_cast %broadcast_in_dim3A_1423 : vector<16x1xi32> to vector<16xi32>
      %gather3A_1425 = tpu.dynamic_gather %add3A_1422[%gather3A_1424] in [0] : vector<16xf32>, vector<16xi32> -> vector<16xf32>
      %add3A_1426 = arith.addf %add3A_1422, %gather3A_1425 : vector<16xf32>
      %eq3A_1427 = arith.constant 5 : i32
      %eq3A_1428 = vector.broadcast %eq3A_1427 : i32 to vector<16xi32>
      %eq3A_1429 = arith.cmpi eq, %iota3A, %eq3A_1428 : vector<16xi32>
      %select_n3A_1430 = arith.select %eq3A_1429, %add3A_1426, %select_n3A_1410 : vector<16xi1>, vector<16xf32>
      %broadcast_in_dim3A_1431 = vector.shape_cast %select_n3A_59 : vector<16xi32> to vector<16x1xi32>
      %gather3A_1432 = vector.shape_cast %broadcast_in_dim3A_1431 : vector<16x1xi32> to vector<16xi32>
      %gather3A_1433 = tpu.dynamic_gather %scan3A_985#22[%gather3A_1432] in [0] : vector<16xf32>, vector<16xi32> -> vector<16xf32>
      %add3A_1434 = arith.addf %scan3A_985#22, %gather3A_1433 : vector<16xf32>
      %broadcast_in_dim3A_1435 = vector.shape_cast %select_n3A_84 : vector<16xi32> to vector<16x1xi32>
      %gather3A_1436 = vector.shape_cast %broadcast_in_dim3A_1435 : vector<16x1xi32> to vector<16xi32>
      %gather3A_1437 = tpu.dynamic_gather %add3A_1434[%gather3A_1436] in [0] : vector<16xf32>, vector<16xi32> -> vector<16xf32>
      %add3A_1438 = arith.addf %add3A_1434, %gather3A_1437 : vector<16xf32>
      %broadcast_in_dim3A_1439 = vector.shape_cast %select_n3A_109 : vector<16xi32> to vector<16x1xi32>
      %gather3A_1440 = vector.shape_cast %broadcast_in_dim3A_1439 : vector<16x1xi32> to vector<16xi32>
      %gather3A_1441 = tpu.dynamic_gather %add3A_1438[%gather3A_1440] in [0] : vector<16xf32>, vector<16xi32> -> vector<16xf32>
      %add3A_1442 = arith.addf %add3A_1438, %gather3A_1441 : vector<16xf32>
      %broadcast_in_dim3A_1443 = vector.shape_cast %select_n3A_134 : vector<16xi32> to vector<16x1xi32>
      %gather3A_1444 = vector.shape_cast %broadcast_in_dim3A_1443 : vector<16x1xi32> to vector<16xi32>
      %gather3A_1445 = tpu.dynamic_gather %add3A_1442[%gather3A_1444] in [0] : vector<16xf32>, vector<16xi32> -> vector<16xf32>
      %add3A_1446 = arith.addf %add3A_1442, %gather3A_1445 : vector<16xf32>
      %eq3A_1447 = arith.constant 6 : i32
      %eq3A_1448 = vector.broadcast %eq3A_1447 : i32 to vector<16xi32>
      %eq3A_1449 = arith.cmpi eq, %iota3A, %eq3A_1448 : vector<16xi32>
      %select_n3A_1450 = arith.select %eq3A_1449, %add3A_1446, %select_n3A_1430 : vector<16xi1>, vector<16xf32>
      %broadcast_in_dim3A_1451 = vector.shape_cast %select_n3A_59 : vector<16xi32> to vector<16x1xi32>
      %gather3A_1452 = vector.shape_cast %broadcast_in_dim3A_1451 : vector<16x1xi32> to vector<16xi32>
      %gather3A_1453 = tpu.dynamic_gather %scan3A_985#23[%gather3A_1452] in [0] : vector<16xf32>, vector<16xi32> -> vector<16xf32>
      %add3A_1454 = arith.addf %scan3A_985#23, %gather3A_1453 : vector<16xf32>
      %broadcast_in_dim3A_1455 = vector.shape_cast %select_n3A_84 : vector<16xi32> to vector<16x1xi32>
      %gather3A_1456 = vector.shape_cast %broadcast_in_dim3A_1455 : vector<16x1xi32> to vector<16xi32>
      %gather3A_1457 = tpu.dynamic_gather %add3A_1454[%gather3A_1456] in [0] : vector<16xf32>, vector<16xi32> -> vector<16xf32>
      %add3A_1458 = arith.addf %add3A_1454, %gather3A_1457 : vector<16xf32>
      %broadcast_in_dim3A_1459 = vector.shape_cast %select_n3A_109 : vector<16xi32> to vector<16x1xi32>
      %gather3A_1460 = vector.shape_cast %broadcast_in_dim3A_1459 : vector<16x1xi32> to vector<16xi32>
      %gather3A_1461 = tpu.dynamic_gather %add3A_1458[%gather3A_1460] in [0] : vector<16xf32>, vector<16xi32> -> vector<16xf32>
      %add3A_1462 = arith.addf %add3A_1458, %gather3A_1461 : vector<16xf32>
      %broadcast_in_dim3A_1463 = vector.shape_cast %select_n3A_134 : vector<16xi32> to vector<16x1xi32>
      %gather3A_1464 = vector.shape_cast %broadcast_in_dim3A_1463 : vector<16x1xi32> to vector<16xi32>
      %gather3A_1465 = tpu.dynamic_gather %add3A_1462[%gather3A_1464] in [0] : vector<16xf32>, vector<16xi32> -> vector<16xf32>
      %add3A_1466 = arith.addf %add3A_1462, %gather3A_1465 : vector<16xf32>
      %eq3A_1467 = arith.constant 7 : i32
      %eq3A_1468 = vector.broadcast %eq3A_1467 : i32 to vector<16xi32>
      %eq3A_1469 = arith.cmpi eq, %iota3A, %eq3A_1468 : vector<16xi32>
      %select_n3A_1470 = arith.select %eq3A_1469, %add3A_1466, %select_n3A_1450 : vector<16xi1>, vector<16xf32>
      %broadcast_in_dim3A_1471 = vector.shape_cast %select_n3A_59 : vector<16xi32> to vector<16x1xi32>
      %gather3A_1472 = vector.shape_cast %broadcast_in_dim3A_1471 : vector<16x1xi32> to vector<16xi32>
      %gather3A_1473 = tpu.dynamic_gather %scan3A_985#24[%gather3A_1472] in [0] : vector<16xf32>, vector<16xi32> -> vector<16xf32>
      %add3A_1474 = arith.addf %scan3A_985#24, %gather3A_1473 : vector<16xf32>
      %broadcast_in_dim3A_1475 = vector.shape_cast %select_n3A_84 : vector<16xi32> to vector<16x1xi32>
      %gather3A_1476 = vector.shape_cast %broadcast_in_dim3A_1475 : vector<16x1xi32> to vector<16xi32>
      %gather3A_1477 = tpu.dynamic_gather %add3A_1474[%gather3A_1476] in [0] : vector<16xf32>, vector<16xi32> -> vector<16xf32>
      %add3A_1478 = arith.addf %add3A_1474, %gather3A_1477 : vector<16xf32>
      %broadcast_in_dim3A_1479 = vector.shape_cast %select_n3A_109 : vector<16xi32> to vector<16x1xi32>
      %gather3A_1480 = vector.shape_cast %broadcast_in_dim3A_1479 : vector<16x1xi32> to vector<16xi32>
      %gather3A_1481 = tpu.dynamic_gather %add3A_1478[%gather3A_1480] in [0] : vector<16xf32>, vector<16xi32> -> vector<16xf32>
      %add3A_1482 = arith.addf %add3A_1478, %gather3A_1481 : vector<16xf32>
      %broadcast_in_dim3A_1483 = vector.shape_cast %select_n3A_134 : vector<16xi32> to vector<16x1xi32>
      %gather3A_1484 = vector.shape_cast %broadcast_in_dim3A_1483 : vector<16x1xi32> to vector<16xi32>
      %gather3A_1485 = tpu.dynamic_gather %add3A_1482[%gather3A_1484] in [0] : vector<16xf32>, vector<16xi32> -> vector<16xf32>
      %add3A_1486 = arith.addf %add3A_1482, %gather3A_1485 : vector<16xf32>
      %eq3A_1487 = arith.constant 8 : i32
      %eq3A_1488 = vector.broadcast %eq3A_1487 : i32 to vector<16xi32>
      %eq3A_1489 = arith.cmpi eq, %iota3A, %eq3A_1488 : vector<16xi32>
      %select_n3A_1490 = arith.select %eq3A_1489, %add3A_1486, %select_n3A_1470 : vector<16xi1>, vector<16xf32>
      %broadcast_in_dim3A_1491 = vector.shape_cast %select_n3A_59 : vector<16xi32> to vector<16x1xi32>
      %gather3A_1492 = vector.shape_cast %broadcast_in_dim3A_1491 : vector<16x1xi32> to vector<16xi32>
      %gather3A_1493 = tpu.dynamic_gather %scan3A_985#25[%gather3A_1492] in [0] : vector<16xf32>, vector<16xi32> -> vector<16xf32>
      %add3A_1494 = arith.addf %scan3A_985#25, %gather3A_1493 : vector<16xf32>
      %broadcast_in_dim3A_1495 = vector.shape_cast %select_n3A_84 : vector<16xi32> to vector<16x1xi32>
      %gather3A_1496 = vector.shape_cast %broadcast_in_dim3A_1495 : vector<16x1xi32> to vector<16xi32>
      %gather3A_1497 = tpu.dynamic_gather %add3A_1494[%gather3A_1496] in [0] : vector<16xf32>, vector<16xi32> -> vector<16xf32>
      %add3A_1498 = arith.addf %add3A_1494, %gather3A_1497 : vector<16xf32>
      %broadcast_in_dim3A_1499 = vector.shape_cast %select_n3A_109 : vector<16xi32> to vector<16x1xi32>
      %gather3A_1500 = vector.shape_cast %broadcast_in_dim3A_1499 : vector<16x1xi32> to vector<16xi32>
      %gather3A_1501 = tpu.dynamic_gather %add3A_1498[%gather3A_1500] in [0] : vector<16xf32>, vector<16xi32> -> vector<16xf32>
      %add3A_1502 = arith.addf %add3A_1498, %gather3A_1501 : vector<16xf32>
      %broadcast_in_dim3A_1503 = vector.shape_cast %select_n3A_134 : vector<16xi32> to vector<16x1xi32>
      %gather3A_1504 = vector.shape_cast %broadcast_in_dim3A_1503 : vector<16x1xi32> to vector<16xi32>
      %gather3A_1505 = tpu.dynamic_gather %add3A_1502[%gather3A_1504] in [0] : vector<16xf32>, vector<16xi32> -> vector<16xf32>
      %add3A_1506 = arith.addf %add3A_1502, %gather3A_1505 : vector<16xf32>
      %eq3A_1507 = arith.constant 9 : i32
      %eq3A_1508 = vector.broadcast %eq3A_1507 : i32 to vector<16xi32>
      %eq3A_1509 = arith.cmpi eq, %iota3A, %eq3A_1508 : vector<16xi32>
      %select_n3A_1510 = arith.select %eq3A_1509, %add3A_1506, %select_n3A_1490 : vector<16xi1>, vector<16xf32>
      %broadcast_in_dim3A_1511 = vector.shape_cast %select_n3A_59 : vector<16xi32> to vector<16x1xi32>
      %gather3A_1512 = vector.shape_cast %broadcast_in_dim3A_1511 : vector<16x1xi32> to vector<16xi32>
      %gather3A_1513 = tpu.dynamic_gather %scan3A_985#26[%gather3A_1512] in [0] : vector<16xf32>, vector<16xi32> -> vector<16xf32>
      %add3A_1514 = arith.addf %scan3A_985#26, %gather3A_1513 : vector<16xf32>
      %broadcast_in_dim3A_1515 = vector.shape_cast %select_n3A_84 : vector<16xi32> to vector<16x1xi32>
      %gather3A_1516 = vector.shape_cast %broadcast_in_dim3A_1515 : vector<16x1xi32> to vector<16xi32>
      %gather3A_1517 = tpu.dynamic_gather %add3A_1514[%gather3A_1516] in [0] : vector<16xf32>, vector<16xi32> -> vector<16xf32>
      %add3A_1518 = arith.addf %add3A_1514, %gather3A_1517 : vector<16xf32>
      %broadcast_in_dim3A_1519 = vector.shape_cast %select_n3A_109 : vector<16xi32> to vector<16x1xi32>
      %gather3A_1520 = vector.shape_cast %broadcast_in_dim3A_1519 : vector<16x1xi32> to vector<16xi32>
      %gather3A_1521 = tpu.dynamic_gather %add3A_1518[%gather3A_1520] in [0] : vector<16xf32>, vector<16xi32> -> vector<16xf32>
      %add3A_1522 = arith.addf %add3A_1518, %gather3A_1521 : vector<16xf32>
      %broadcast_in_dim3A_1523 = vector.shape_cast %select_n3A_134 : vector<16xi32> to vector<16x1xi32>
      %gather3A_1524 = vector.shape_cast %broadcast_in_dim3A_1523 : vector<16x1xi32> to vector<16xi32>
      %gather3A_1525 = tpu.dynamic_gather %add3A_1522[%gather3A_1524] in [0] : vector<16xf32>, vector<16xi32> -> vector<16xf32>
      %add3A_1526 = arith.addf %add3A_1522, %gather3A_1525 : vector<16xf32>
      %eq3A_1527 = arith.constant 10 : i32
      %eq3A_1528 = vector.broadcast %eq3A_1527 : i32 to vector<16xi32>
      %eq3A_1529 = arith.cmpi eq, %iota3A, %eq3A_1528 : vector<16xi32>
      %select_n3A_1530 = arith.select %eq3A_1529, %add3A_1526, %select_n3A_1510 : vector<16xi1>, vector<16xf32>
      %broadcast_in_dim3A_1531 = vector.shape_cast %select_n3A_59 : vector<16xi32> to vector<16x1xi32>
      %gather3A_1532 = vector.shape_cast %broadcast_in_dim3A_1531 : vector<16x1xi32> to vector<16xi32>
      %gather3A_1533 = tpu.dynamic_gather %scan3A_985#27[%gather3A_1532] in [0] : vector<16xf32>, vector<16xi32> -> vector<16xf32>
      %add3A_1534 = arith.addf %scan3A_985#27, %gather3A_1533 : vector<16xf32>
      %broadcast_in_dim3A_1535 = vector.shape_cast %select_n3A_84 : vector<16xi32> to vector<16x1xi32>
      %gather3A_1536 = vector.shape_cast %broadcast_in_dim3A_1535 : vector<16x1xi32> to vector<16xi32>
      %gather3A_1537 = tpu.dynamic_gather %add3A_1534[%gather3A_1536] in [0] : vector<16xf32>, vector<16xi32> -> vector<16xf32>
      %add3A_1538 = arith.addf %add3A_1534, %gather3A_1537 : vector<16xf32>
      %broadcast_in_dim3A_1539 = vector.shape_cast %select_n3A_109 : vector<16xi32> to vector<16x1xi32>
      %gather3A_1540 = vector.shape_cast %broadcast_in_dim3A_1539 : vector<16x1xi32> to vector<16xi32>
      %gather3A_1541 = tpu.dynamic_gather %add3A_1538[%gather3A_1540] in [0] : vector<16xf32>, vector<16xi32> -> vector<16xf32>
      %add3A_1542 = arith.addf %add3A_1538, %gather3A_1541 : vector<16xf32>
      %broadcast_in_dim3A_1543 = vector.shape_cast %select_n3A_134 : vector<16xi32> to vector<16x1xi32>
      %gather3A_1544 = vector.shape_cast %broadcast_in_dim3A_1543 : vector<16x1xi32> to vector<16xi32>
      %gather3A_1545 = tpu.dynamic_gather %add3A_1542[%gather3A_1544] in [0] : vector<16xf32>, vector<16xi32> -> vector<16xf32>
      %add3A_1546 = arith.addf %add3A_1542, %gather3A_1545 : vector<16xf32>
      %eq3A_1547 = arith.constant 11 : i32
      %eq3A_1548 = vector.broadcast %eq3A_1547 : i32 to vector<16xi32>
      %eq3A_1549 = arith.cmpi eq, %iota3A, %eq3A_1548 : vector<16xi32>
      %select_n3A_1550 = arith.select %eq3A_1549, %add3A_1546, %select_n3A_1530 : vector<16xi1>, vector<16xf32>
      %broadcast_in_dim3A_1551 = vector.shape_cast %select_n3A_59 : vector<16xi32> to vector<16x1xi32>
      %gather3A_1552 = vector.shape_cast %broadcast_in_dim3A_1551 : vector<16x1xi32> to vector<16xi32>
      %gather3A_1553 = tpu.dynamic_gather %scan3A_985#28[%gather3A_1552] in [0] : vector<16xf32>, vector<16xi32> -> vector<16xf32>
      %add3A_1554 = arith.addf %scan3A_985#28, %gather3A_1553 : vector<16xf32>
      %broadcast_in_dim3A_1555 = vector.shape_cast %select_n3A_84 : vector<16xi32> to vector<16x1xi32>
      %gather3A_1556 = vector.shape_cast %broadcast_in_dim3A_1555 : vector<16x1xi32> to vector<16xi32>
      %gather3A_1557 = tpu.dynamic_gather %add3A_1554[%gather3A_1556] in [0] : vector<16xf32>, vector<16xi32> -> vector<16xf32>
      %add3A_1558 = arith.addf %add3A_1554, %gather3A_1557 : vector<16xf32>
      %broadcast_in_dim3A_1559 = vector.shape_cast %select_n3A_109 : vector<16xi32> to vector<16x1xi32>
      %gather3A_1560 = vector.shape_cast %broadcast_in_dim3A_1559 : vector<16x1xi32> to vector<16xi32>
      %gather3A_1561 = tpu.dynamic_gather %add3A_1558[%gather3A_1560] in [0] : vector<16xf32>, vector<16xi32> -> vector<16xf32>
      %add3A_1562 = arith.addf %add3A_1558, %gather3A_1561 : vector<16xf32>
      %broadcast_in_dim3A_1563 = vector.shape_cast %select_n3A_134 : vector<16xi32> to vector<16x1xi32>
      %gather3A_1564 = vector.shape_cast %broadcast_in_dim3A_1563 : vector<16x1xi32> to vector<16xi32>
      %gather3A_1565 = tpu.dynamic_gather %add3A_1562[%gather3A_1564] in [0] : vector<16xf32>, vector<16xi32> -> vector<16xf32>
      %add3A_1566 = arith.addf %add3A_1562, %gather3A_1565 : vector<16xf32>
      %eq3A_1567 = arith.constant 12 : i32
      %eq3A_1568 = vector.broadcast %eq3A_1567 : i32 to vector<16xi32>
      %eq3A_1569 = arith.cmpi eq, %iota3A, %eq3A_1568 : vector<16xi32>
      %select_n3A_1570 = arith.select %eq3A_1569, %add3A_1566, %select_n3A_1550 : vector<16xi1>, vector<16xf32>
      %broadcast_in_dim3A_1571 = vector.shape_cast %select_n3A_59 : vector<16xi32> to vector<16x1xi32>
      %gather3A_1572 = vector.shape_cast %broadcast_in_dim3A_1571 : vector<16x1xi32> to vector<16xi32>
      %gather3A_1573 = tpu.dynamic_gather %scan3A_985#29[%gather3A_1572] in [0] : vector<16xf32>, vector<16xi32> -> vector<16xf32>
      %add3A_1574 = arith.addf %scan3A_985#29, %gather3A_1573 : vector<16xf32>
      %broadcast_in_dim3A_1575 = vector.shape_cast %select_n3A_84 : vector<16xi32> to vector<16x1xi32>
      %gather3A_1576 = vector.shape_cast %broadcast_in_dim3A_1575 : vector<16x1xi32> to vector<16xi32>
      %gather3A_1577 = tpu.dynamic_gather %add3A_1574[%gather3A_1576] in [0] : vector<16xf32>, vector<16xi32> -> vector<16xf32>
      %add3A_1578 = arith.addf %add3A_1574, %gather3A_1577 : vector<16xf32>
      %broadcast_in_dim3A_1579 = vector.shape_cast %select_n3A_109 : vector<16xi32> to vector<16x1xi32>
      %gather3A_1580 = vector.shape_cast %broadcast_in_dim3A_1579 : vector<16x1xi32> to vector<16xi32>
      %gather3A_1581 = tpu.dynamic_gather %add3A_1578[%gather3A_1580] in [0] : vector<16xf32>, vector<16xi32> -> vector<16xf32>
      %add3A_1582 = arith.addf %add3A_1578, %gather3A_1581 : vector<16xf32>
      %broadcast_in_dim3A_1583 = vector.shape_cast %select_n3A_134 : vector<16xi32> to vector<16x1xi32>
      %gather3A_1584 = vector.shape_cast %broadcast_in_dim3A_1583 : vector<16x1xi32> to vector<16xi32>
      %gather3A_1585 = tpu.dynamic_gather %add3A_1582[%gather3A_1584] in [0] : vector<16xf32>, vector<16xi32> -> vector<16xf32>
      %add3A_1586 = arith.addf %add3A_1582, %gather3A_1585 : vector<16xf32>
      %eq3A_1587 = arith.constant 13 : i32
      %eq3A_1588 = vector.broadcast %eq3A_1587 : i32 to vector<16xi32>
      %eq3A_1589 = arith.cmpi eq, %iota3A, %eq3A_1588 : vector<16xi32>
      %select_n3A_1590 = arith.select %eq3A_1589, %add3A_1586, %select_n3A_1570 : vector<16xi1>, vector<16xf32>
      %broadcast_in_dim3A_1591 = vector.shape_cast %select_n3A_59 : vector<16xi32> to vector<16x1xi32>
      %gather3A_1592 = vector.shape_cast %broadcast_in_dim3A_1591 : vector<16x1xi32> to vector<16xi32>
      %gather3A_1593 = tpu.dynamic_gather %scan3A_985#30[%gather3A_1592] in [0] : vector<16xf32>, vector<16xi32> -> vector<16xf32>
      %add3A_1594 = arith.addf %scan3A_985#30, %gather3A_1593 : vector<16xf32>
      %broadcast_in_dim3A_1595 = vector.shape_cast %select_n3A_84 : vector<16xi32> to vector<16x1xi32>
      %gather3A_1596 = vector.shape_cast %broadcast_in_dim3A_1595 : vector<16x1xi32> to vector<16xi32>
      %gather3A_1597 = tpu.dynamic_gather %add3A_1594[%gather3A_1596] in [0] : vector<16xf32>, vector<16xi32> -> vector<16xf32>
      %add3A_1598 = arith.addf %add3A_1594, %gather3A_1597 : vector<16xf32>
      %broadcast_in_dim3A_1599 = vector.shape_cast %select_n3A_109 : vector<16xi32> to vector<16x1xi32>
      %gather3A_1600 = vector.shape_cast %broadcast_in_dim3A_1599 : vector<16x1xi32> to vector<16xi32>
      %gather3A_1601 = tpu.dynamic_gather %add3A_1598[%gather3A_1600] in [0] : vector<16xf32>, vector<16xi32> -> vector<16xf32>
      %add3A_1602 = arith.addf %add3A_1598, %gather3A_1601 : vector<16xf32>
      %broadcast_in_dim3A_1603 = vector.shape_cast %select_n3A_134 : vector<16xi32> to vector<16x1xi32>
      %gather3A_1604 = vector.shape_cast %broadcast_in_dim3A_1603 : vector<16x1xi32> to vector<16xi32>
      %gather3A_1605 = tpu.dynamic_gather %add3A_1602[%gather3A_1604] in [0] : vector<16xf32>, vector<16xi32> -> vector<16xf32>
      %add3A_1606 = arith.addf %add3A_1602, %gather3A_1605 : vector<16xf32>
      %eq3A_1607 = arith.constant 14 : i32
      %eq3A_1608 = vector.broadcast %eq3A_1607 : i32 to vector<16xi32>
      %eq3A_1609 = arith.cmpi eq, %iota3A, %eq3A_1608 : vector<16xi32>
      %select_n3A_1610 = arith.select %eq3A_1609, %add3A_1606, %select_n3A_1590 : vector<16xi1>, vector<16xf32>
      %broadcast_in_dim3A_1611 = vector.shape_cast %select_n3A_59 : vector<16xi32> to vector<16x1xi32>
      %gather3A_1612 = vector.shape_cast %broadcast_in_dim3A_1611 : vector<16x1xi32> to vector<16xi32>
      %gather3A_1613 = tpu.dynamic_gather %scan3A_985#31[%gather3A_1612] in [0] : vector<16xf32>, vector<16xi32> -> vector<16xf32>
      %add3A_1614 = arith.addf %scan3A_985#31, %gather3A_1613 : vector<16xf32>
      %broadcast_in_dim3A_1615 = vector.shape_cast %select_n3A_84 : vector<16xi32> to vector<16x1xi32>
      %gather3A_1616 = vector.shape_cast %broadcast_in_dim3A_1615 : vector<16x1xi32> to vector<16xi32>
      %gather3A_1617 = tpu.dynamic_gather %add3A_1614[%gather3A_1616] in [0] : vector<16xf32>, vector<16xi32> -> vector<16xf32>
      %add3A_1618 = arith.addf %add3A_1614, %gather3A_1617 : vector<16xf32>
      %broadcast_in_dim3A_1619 = vector.shape_cast %select_n3A_109 : vector<16xi32> to vector<16x1xi32>
      %gather3A_1620 = vector.shape_cast %broadcast_in_dim3A_1619 : vector<16x1xi32> to vector<16xi32>
      %gather3A_1621 = tpu.dynamic_gather %add3A_1618[%gather3A_1620] in [0] : vector<16xf32>, vector<16xi32> -> vector<16xf32>
      %add3A_1622 = arith.addf %add3A_1618, %gather3A_1621 : vector<16xf32>
      %broadcast_in_dim3A_1623 = vector.shape_cast %select_n3A_134 : vector<16xi32> to vector<16x1xi32>
      %gather3A_1624 = vector.shape_cast %broadcast_in_dim3A_1623 : vector<16x1xi32> to vector<16xi32>
      %gather3A_1625 = tpu.dynamic_gather %add3A_1622[%gather3A_1624] in [0] : vector<16xf32>, vector<16xi32> -> vector<16xf32>
      %add3A_1626 = arith.addf %add3A_1622, %gather3A_1625 : vector<16xf32>
      %eq3A_1627 = arith.constant 15 : i32
      %eq3A_1628 = vector.broadcast %eq3A_1627 : i32 to vector<16xi32>
      %eq3A_1629 = arith.cmpi eq, %iota3A, %eq3A_1628 : vector<16xi32>
      %select_n3A_1630 = arith.select %eq3A_1629, %add3A_1626, %select_n3A_1610 : vector<16xi1>, vector<16xf32>
      %mul3A_1631 = arith.constant 32 : i32
      %mul3A_1632 = arith.muli %add3A_916, %mul3A_1631 : i32
      %swap3A_1633 = arith.index_cast %mul3A_1632 : i32 to index
      %swap3A_1634 = tpu.vector_load %arg8[%swap3A_1633] {strides = array<i32>} : memref<2048xf32, #tpu.memory_space<vmem>>, vector<16xf32>,
      %swap3A_1635 = vector.shape_cast %swap3A_1634 : vector<16xf32> to vector<16xf32>
      %swap3A_1636 = vector.shape_cast %select_n3A_1310 : vector<16xf32> to vector<16xf32>
      tpu.vector_store %arg8[%swap3A_1633], %swap3A_1636 {strides = array<i32>} : memref<2048xf32, #tpu.memory_space<vmem>>, vector<16xf32>,
      %mul3A_1637 = arith.constant 32 : i32
      %mul3A_1638 = arith.muli %add3A_916, %mul3A_1637 : i32
      %add3A_1639 = arith.constant 16 : i32
      %add3A_1640 = arith.addi %mul3A_1638, %add3A_1639 : i32
      %swap3A_1641 = arith.index_cast %add3A_1640 : i32 to index
      %swap3A_1642 = tpu.vector_load %arg8[%swap3A_1641] {strides = array<i32>} : memref<2048xf32, #tpu.memory_space<vmem>>, vector<16xf32>,
      %swap3A_1643 = vector.shape_cast %swap3A_1642 : vector<16xf32> to vector<16xf32>
      %swap3A_1644 = vector.shape_cast %select_n3A_1630 : vector<16xf32> to vector<16xf32>
      tpu.vector_store %arg8[%swap3A_1641], %swap3A_1644 {strides = array<i32>} : memref<2048xf32, #tpu.memory_space<vmem>>, vector<16xf32>,
      %lt3A_1645 = arith.constant 31 : i32
      %lt3A_1646 = arith.cmpi slt, %scan3A_159, %lt3A_1645 : i32
      %convert_element_type3A_1647 = arith.extui %lt3A_1646 : i1 to i32
      %cond3A_1648 = arith.constant 0 : i32
      %cond3A_1649 = arith.cmpi ne, %convert_element_type3A_1647, %cond3A_1648 : i32
      scf.if %cond3A_1649 {
        %mul3A_1650 = arith.constant 2 : i32
        %mul3A_1651 = arith.muli %mul3A_1650, %scan3A_159 : i32
        %add3A_1652 = arith.constant 3 : i32
        %add3A_1653 = arith.addi %mul3A_1651, %add3A_1652 : i32
        %mul3A_1654 = arith.constant 4 : i32
        %mul3A_1655 = arith.muli %add3A_1653, %mul3A_1654 : i32
        %add3A_1656 = arith.addi %add3A_34, %mul3A_1655 : i32
        %dma_start3A_1657 = arith.constant 0 : i32
        %dma_start3A_1658 = tpu.memref_slice %arg2[%select_n3A, %add3A_1656, %dma_start3A_1657] : memref<4x8192x1024xf32, #tpu.memory_space<hbm>> -> memref<1x4x1024xf32, #tpu.memory_space<hbm>>
        %dma_start3A_1659 = tpu.memref_squeeze %dma_start3A_1658 : memref<1x4x1024xf32, #tpu.memory_space<hbm>> -> memref<4x1024xf32, #tpu.memory_space<hbm>>
        %dma_start3A_1660 = arith.constant 0 : i32
        %dma_start3A_1661 = tpu.memref_slice %arg2[%select_n3A, %add3A_1656, %dma_start3A_1660] : memref<4x8192x1024xf32, #tpu.memory_space<hbm>> -> memref<1x4x1024xf32, #tpu.memory_space<hbm>>
        %dma_start3A_1662 = tpu.memref_squeeze %dma_start3A_1661 : memref<1x4x1024xf32, #tpu.memory_space<hbm>> -> memref<4x1024xf32, #tpu.memory_space<hbm>>
        tpu.enqueue_dma source(%dma_start3A_1662 : memref<4x1024xf32, #tpu.memory_space<hbm>>) target(%arg6 : memref<4x1024xf32, #tpu.memory_space<vmem>>) target_semaphore(%arg10 : memref<!tpu.dma_semaphore, #tpu.memory_space<semaphore_mem>>)
      } else {
      }
    }
    %scan3A_154 = arith.constant 32 : i32
    %mul3A_155 = arith.constant 256 : i32
    %mul3A_156 = arith.muli %select_n3A_30, %mul3A_155 : i32
    %mul3A_157 = arith.constant 8 : i32
    %mul3A_158 = arith.muli %mul3A_156, %mul3A_157 : i32
    "tpu.region"() ({
      %run_scoped3A = tpu.sem_alloc : memref<!tpu.dma_semaphore, #tpu.memory_space<semaphore_mem>>
      %dma_start3A_159 = tpu.memref_slice %arg4[%select_n3A, %mul3A_158] : memref<4x16384xf32, #tpu.memory_space<hbm>> -> memref<1x2048xf32, #tpu.memory_space<hbm>>
      %dma_start3A_160 = tpu.memref_squeeze %dma_start3A_159 : memref<1x2048xf32, #tpu.memory_space<hbm>> -> memref<2048xf32, #tpu.memory_space<hbm>>
      %dma_start3A_161 = tpu.memref_slice %arg4[%select_n3A, %mul3A_158] : memref<4x16384xf32, #tpu.memory_space<hbm>> -> memref<1x2048xf32, #tpu.memory_space<hbm>>
      %dma_start3A_162 = tpu.memref_squeeze %dma_start3A_161 : memref<1x2048xf32, #tpu.memory_space<hbm>> -> memref<2048xf32, #tpu.memory_space<hbm>>
      tpu.enqueue_dma source(%arg8 : memref<2048xf32, #tpu.memory_space<vmem>>) target(%dma_start3A_162 : memref<2048xf32, #tpu.memory_space<hbm>>) target_semaphore(%run_scoped3A : memref<!tpu.dma_semaphore, #tpu.memory_space<semaphore_mem>>)
      %dma_wait3A = tpu.memref_slice %arg4[%select_n3A, %mul3A_158] : memref<4x16384xf32, #tpu.memory_space<hbm>> -> memref<1x2048xf32, #tpu.memory_space<hbm>>
      %dma_wait3A_163 = tpu.memref_squeeze %dma_wait3A : memref<1x2048xf32, #tpu.memory_space<hbm>> -> memref<2048xf32, #tpu.memory_space<hbm>>
      %dma_wait3A_164 = tpu.memref_slice %arg4[%select_n3A, %mul3A_158] : memref<4x16384xf32, #tpu.memory_space<hbm>> -> memref<1x2048xf32, #tpu.memory_space<hbm>>
      %dma_wait3A_165 = tpu.memref_squeeze %dma_wait3A_164 : memref<1x2048xf32, #tpu.memory_space<hbm>> -> memref<2048xf32, #tpu.memory_space<hbm>>
      tpu.wait_dma2 semaphore(%run_scoped3A : memref<!tpu.dma_semaphore, #tpu.memory_space<semaphore_mem>>) src(%arg8 : memref<2048xf32, #tpu.memory_space<vmem>>) dst(%dma_wait3A_165 : memref<2048xf32, #tpu.memory_space<hbm>>)
      tpu.yield
    }) : () -> ()
    return
  }
}

module attributes {stable_mosaic.version = 14 : i64} {
  func.func @_tc_stream_kernel(%arg0: i32, %arg1: i32, %arg2: memref<1x2048x1024xf32, #tpu.memory_space<vmem>>, %arg3: memref<8x1024xf32, #tpu.memory_space<vmem>>, %arg4: memref<8x1xf32, #tpu.memory_space<vmem>>, %arg5: memref<8x128xf32, #tpu.memory_space<vmem>>, %arg6: memref<8x128xf32, #tpu.memory_space<vmem>>) attributes {dimension_semantics = [#tpu.dimension_semantics<arbitrary>, #tpu.dimension_semantics<arbitrary>], iteration_bounds = array<i64: 4, 3>, scalar_prefetch = 0 : i64, scratch_operands = 1 : i64, tpu.core_type = #tpu.core_type<tc>, window_params = [{transform_indices = @transform_0, window_bounds = array<i64: 1, 2048, 1024>}, {pipeline_mode = #tpu.pipeline_mode<synchronous>, transform_indices = @transform_1, window_bounds = array<i64: 8, 1024>}, {pipeline_mode = #tpu.pipeline_mode<synchronous>, transform_indices = @transform_2, window_bounds = array<i64: 8, 1>}, {pipeline_mode = #tpu.pipeline_mode<synchronous>, transform_indices = @transform_3, window_bounds = array<i64: 8, 128>}]} {
    %eq3A = arith.constant 0 : i32
    %eq3A_0 = arith.cmpi eq, %arg0, %eq3A : i32
    %eq3A_1 = arith.constant 0 : i32
    %eq3A_2 = arith.cmpi eq, %arg1, %eq3A_1 : i32
    %and3A = arith.andi %eq3A_0, %eq3A_2 : i1
    %convert_element_type3A = arith.extui %and3A : i1 to i32
    %cond3A = arith.constant 0 : i32
    %cond3A_3 = arith.cmpi ne, %convert_element_type3A, %cond3A : i32
    scf.if %cond3A_3 {
      %broadcast_in_dim3A_41 = arith.constant 0.000000e+00 : f32
      %broadcast_in_dim3A_42 = vector.broadcast %broadcast_in_dim3A_41 : f32 to vector<8x128xf32>
      %swap3A_43 = arith.constant 0 : index
      %swap3A_44 = arith.constant 0 : index
      %swap3A_45 = vector.load %arg6[%swap3A_43, %swap3A_44] : memref<8x128xf32, #tpu.memory_space<vmem>>, vector<8x128xf32>
      tpu.vector_store %arg6[%swap3A_43, %swap3A_44], %broadcast_in_dim3A_42 {strides = array<i32>} : memref<8x128xf32, #tpu.memory_space<vmem>>, vector<8x128xf32>,
    } else {
    }
    %get3A = arith.constant 0 : index
    %get3A_4 = arith.constant 0 : index
    %get3A_5 = arith.constant 0 : index
    %get3A_6 = vector.load %arg2[%get3A, %get3A_4, %get3A_5] : memref<1x2048x1024xf32, #tpu.memory_space<vmem>>, vector<1x2048x1024xf32>
    %get3A_7 = vector.shape_cast %get3A_6 : vector<1x2048x1024xf32> to vector<2048x1024xf32>
    %get3A_8 = arith.constant 0 : index
    %get3A_9 = arith.constant 0 : index
    %get3A_10 = vector.load %arg3[%get3A_8, %get3A_9] : memref<8x1024xf32, #tpu.memory_space<vmem>>, vector<8x1024xf32>
    %dot_general3A = arith.constant dense<0.000000e+00> : vector<8x2048xf32>
    %dot_general3A_11 = tpu.matmul %get3A_10, %get3A_7, %dot_general3A {dimension_numbers = #tpu.dot_dimension_numbers<[1], [1], [0], [0], [0, 0, 1, 0], [], []>, transpose_lhs_hint = false} : vector<8x1024xf32>, vector<2048x1024xf32>, vector<8x2048xf32> -> vector<8x2048xf32>
    %get3A_12 = arith.constant 0 : index
    %get3A_13 = arith.constant 0 : index
    %get3A_14 = vector.load %arg4[%get3A_12, %get3A_13] : memref<8x1xf32, #tpu.memory_space<vmem>>, vector<8x1xf32>
    %add3A = vector.broadcast %get3A_14 : vector<8x1xf32> to vector<8x2048xf32>
    %add3A_15 = arith.addf %dot_general3A_11, %add3A : vector<8x2048xf32>
    %max3A = arith.constant 0.000000e+00 : f32
    %max3A_16 = vector.broadcast %max3A : f32 to vector<8x2048xf32>
    %max3A_17 = arith.maximumf %add3A_15, %max3A_16 : vector<8x2048xf32>
    %abs3A = math.absf %add3A_15 : vector<8x2048xf32>
    %neg3A = arith.constant 0.000000e+00 : f32
    %neg3A_18 = vector.broadcast %neg3A : f32 to vector<8x2048xf32>
    %neg3A_19 = arith.subf %neg3A_18, %abs3A : vector<8x2048xf32>
    %exp3A = math.exp %neg3A_19 : vector<8x2048xf32>
    %log1p3A = math.log1p %exp3A : vector<8x2048xf32>
    %add3A_20 = arith.addf %max3A_17, %log1p3A : vector<8x2048xf32>
    %reduce_sum3A = arith.constant dense<0.000000e+00> : vector<8xf32>
    %reduce_sum3A_21 = vector.multi_reduction <add>, %add3A_20, %reduce_sum3A [1] : vector<8x2048xf32> to vector<8xf32>
    %broadcast_in_dim3A = vector.shape_cast %reduce_sum3A_21 : vector<8xf32> to vector<8x1xf32>
    %iota3A = tpu.iota {dimensions = array<i32: 1>} : vector<8x128xi32>
    %get3A_22 = arith.constant 0 : index
    %get3A_23 = arith.constant 0 : index
    %get3A_24 = vector.load %arg6[%get3A_22, %get3A_23] : memref<8x128xf32, #tpu.memory_space<vmem>>, vector<8x128xf32>
    %eq3A_25 = vector.broadcast %arg0 : i32 to vector<8x128xi32>
    %eq3A_26 = arith.cmpi eq, %iota3A, %eq3A_25 : vector<8x128xi32>
    %jit3A = arith.constant 0.000000e+00 : f32
    %broadcast_in_dim3A_27 = vector.shape_cast %broadcast_in_dim3A : vector<8x1xf32> to vector<8x1xf32>
    %broadcast_in_dim3A_28 = vector.broadcast %broadcast_in_dim3A_27 : vector<8x1xf32> to vector<8x128xf32>
    %broadcast_in_dim3A_29 = vector.broadcast %jit3A : f32 to vector<8x128xf32>
    %select_n3A = arith.select %eq3A_26, %broadcast_in_dim3A_28, %broadcast_in_dim3A_29 : vector<8x128xi1>, vector<8x128xf32>
    %add3A_30 = arith.addf %get3A_24, %select_n3A : vector<8x128xf32>
    %swap3A = arith.constant 0 : index
    %swap3A_31 = arith.constant 0 : index
    %swap3A_32 = vector.load %arg6[%swap3A, %swap3A_31] : memref<8x128xf32, #tpu.memory_space<vmem>>, vector<8x128xf32>
    tpu.vector_store %arg6[%swap3A, %swap3A_31], %add3A_30 {strides = array<i32>} : memref<8x128xf32, #tpu.memory_space<vmem>>, vector<8x128xf32>,
    %eq3A_33 = arith.constant 3 : i32
    %eq3A_34 = arith.cmpi eq, %arg0, %eq3A_33 : i32
    %eq3A_35 = arith.constant 2 : i32
    %eq3A_36 = arith.cmpi eq, %arg1, %eq3A_35 : i32
    %and3A_37 = arith.andi %eq3A_34, %eq3A_36 : i1
    %convert_element_type3A_38 = arith.extui %and3A_37 : i1 to i32
    %cond3A_39 = arith.constant 0 : i32
    %cond3A_40 = arith.cmpi ne, %convert_element_type3A_38, %cond3A_39 : i32
    scf.if %cond3A_40 {
      %get3A_41 = arith.constant 0 : index
      %get3A_42 = arith.constant 0 : index
      %get3A_43 = vector.load %arg6[%get3A_41, %get3A_42] : memref<8x128xf32, #tpu.memory_space<vmem>>, vector<8x128xf32>
      %swap3A_44 = arith.constant 0 : index
      %swap3A_45 = arith.constant 0 : index
      %swap3A_46 = vector.load %arg5[%swap3A_44, %swap3A_45] : memref<8x128xf32, #tpu.memory_space<vmem>>, vector<8x128xf32>
      tpu.vector_store %arg5[%swap3A_44, %swap3A_45], %get3A_43 {strides = array<i32>} : memref<8x128xf32, #tpu.memory_space<vmem>>, vector<8x128xf32>,
    } else {
    }
    return
  }
  func.func @transform_0(%arg0: i32, %arg1: i32) -> (i32, i32, i32) {
    %c0_i32 = arith.constant 0 : i32
    %c0_i32_0 = arith.constant 0 : i32
    return %arg0, %arg1, %c0_i32 : i32, i32, i32
  }
  func.func @transform_1(%arg0: i32, %arg1: i32) -> (i32, i32) {
    %c0_i32 = arith.constant 0 : i32
    %c0_i32_0 = arith.constant 0 : i32
    %c0_i32_1 = arith.constant 0 : i32
    return %c0_i32, %c0_i32_0 : i32, i32
  }
  func.func @transform_2(%arg0: i32, %arg1: i32) -> (i32, i32) {
    %c0_i32 = arith.constant 0 : i32
    %c0_i32_0 = arith.constant 0 : i32
    %c0_i32_1 = arith.constant 0 : i32
    return %c0_i32, %c0_i32_0 : i32, i32
  }
  func.func @transform_3(%arg0: i32, %arg1: i32) -> (i32, i32) {
    %c0_i32 = arith.constant 0 : i32
    %c0_i32_0 = arith.constant 0 : i32
    %c0_i32_1 = arith.constant 0 : i32
    return %c0_i32, %c0_i32_0 : i32, i32
  }
}

module attributes {stable_mosaic.version = 14 : i64} {
  func.func @_combine_kernel(%arg0: memref<4x128x128xf32, #tpu.memory_space<vmem>>, %arg1: memref<8x128xf32, #tpu.memory_space<vmem>>, %arg2: memref<4x1024xf32, #tpu.memory_space<vmem>>, %arg3: memref<8x1024xf32, #tpu.memory_space<vmem>>, %arg4: memref<1x8xf32, #tpu.memory_space<vmem>>, %arg5: memref<1x8xf32, #tpu.memory_space<vmem>>, %arg6: memref<4x8xf32, #tpu.memory_space<vmem>>, %arg7: memref<4x8xf32, #tpu.memory_space<vmem>>, %arg8: memref<4x2xi32, #tpu.memory_space<vmem>>) attributes {dimension_semantics = [], scalar_prefetch = 0 : i64, scratch_operands = 0 : i64, tpu.core_type = #tpu.core_type<tc>} {
    %get3A = arith.constant 0 : index
    %get3A_0 = arith.constant 0 : index
    %get3A_1 = vector.load %arg1[%get3A, %get3A_0] : memref<8x128xf32, #tpu.memory_space<vmem>>, vector<8x128xf32>
    %get3A_2 = arith.constant 0 : index
    %get3A_3 = arith.constant 0 : index
    %get3A_4 = vector.load %arg5[%get3A_2, %get3A_3] : memref<1x8xf32, #tpu.memory_space<vmem>>, vector<1x8xf32>
    %concatenate3A = tpu.concatenate %get3A_4, %get3A_4, %get3A_4, %get3A_4, %get3A_4, %get3A_4, %get3A_4, %get3A_4, %get3A_4, %get3A_4, %get3A_4, %get3A_4, %get3A_4, %get3A_4, %get3A_4, %get3A_4 in 1 : vector<1x8xf32>, vector<1x8xf32>, vector<1x8xf32>, vector<1x8xf32>, vector<1x8xf32>, vector<1x8xf32>, vector<1x8xf32>, vector<1x8xf32>, vector<1x8xf32>, vector<1x8xf32>, vector<1x8xf32>, vector<1x8xf32>, vector<1x8xf32>, vector<1x8xf32>, vector<1x8xf32>, vector<1x8xf32> -> vector<1x128xf32>
    %get3A_5 = arith.constant 0 : index
    %get3A_6 = arith.constant 0 : index
    %get3A_7 = arith.constant 0 : index
    %get3A_8 = vector.load %arg0[%get3A_5, %get3A_6, %get3A_7] : memref<4x128x128xf32, #tpu.memory_space<vmem>>, vector<1x128x128xf32>
    %get3A_9 = vector.shape_cast %get3A_8 : vector<1x128x128xf32> to vector<128x128xf32>
    %add3A = vector.broadcast %concatenate3A : vector<1x128xf32> to vector<128x128xf32>
    %add3A_10 = arith.addf %get3A_9, %add3A : vector<128x128xf32>
    %max3A = arith.constant 0.000000e+00 : f32
    %max3A_11 = vector.broadcast %max3A : f32 to vector<128x128xf32>
    %max3A_12 = arith.maximumf %add3A_10, %max3A_11 : vector<128x128xf32>
    %abs3A = math.absf %add3A_10 : vector<128x128xf32>
    %neg3A = arith.constant 0.000000e+00 : f32
    %neg3A_13 = vector.broadcast %neg3A : f32 to vector<128x128xf32>
    %neg3A_14 = arith.subf %neg3A_13, %abs3A : vector<128x128xf32>
    %exp3A = math.exp %neg3A_14 : vector<128x128xf32>
    %log1p3A = math.log1p %exp3A : vector<128x128xf32>
    %add3A_15 = arith.addf %max3A_12, %log1p3A : vector<128x128xf32>
    %reduce_sum3A = arith.constant dense<0.000000e+00> : vector<128xf32>
    %reduce_sum3A_16 = vector.multi_reduction <add>, %add3A_15, %reduce_sum3A [0] : vector<128x128xf32> to vector<128xf32>
    %broadcast_in_dim3A = vector.shape_cast %reduce_sum3A_16 : vector<128xf32> to vector<1x128xf32>
    %slice3A = vector.extract_strided_slice %broadcast_in_dim3A {offsets = [0, 0], sizes = [1, 8], strides = [1, 1]} : vector<1x128xf32> to vector<1x8xf32>
    %slice3A_17 = vector.extract_strided_slice %broadcast_in_dim3A {offsets = [0, 8], sizes = [1, 8], strides = [1, 1]} : vector<1x128xf32> to vector<1x8xf32>
    %add3A_18 = arith.addf %slice3A, %slice3A_17 : vector<1x8xf32>
    %slice3A_19 = vector.extract_strided_slice %broadcast_in_dim3A {offsets = [0, 16], sizes = [1, 8], strides = [1, 1]} : vector<1x128xf32> to vector<1x8xf32>
    %add3A_20 = arith.addf %add3A_18, %slice3A_19 : vector<1x8xf32>
    %slice3A_21 = vector.extract_strided_slice %broadcast_in_dim3A {offsets = [0, 24], sizes = [1, 8], strides = [1, 1]} : vector<1x128xf32> to vector<1x8xf32>
    %add3A_22 = arith.addf %add3A_20, %slice3A_21 : vector<1x8xf32>
    %slice3A_23 = vector.extract_strided_slice %broadcast_in_dim3A {offsets = [0, 32], sizes = [1, 8], strides = [1, 1]} : vector<1x128xf32> to vector<1x8xf32>
    %add3A_24 = arith.addf %add3A_22, %slice3A_23 : vector<1x8xf32>
    %slice3A_25 = vector.extract_strided_slice %broadcast_in_dim3A {offsets = [0, 40], sizes = [1, 8], strides = [1, 1]} : vector<1x128xf32> to vector<1x8xf32>
    %add3A_26 = arith.addf %add3A_24, %slice3A_25 : vector<1x8xf32>
    %slice3A_27 = vector.extract_strided_slice %broadcast_in_dim3A {offsets = [0, 48], sizes = [1, 8], strides = [1, 1]} : vector<1x128xf32> to vector<1x8xf32>
    %add3A_28 = arith.addf %add3A_26, %slice3A_27 : vector<1x8xf32>
    %slice3A_29 = vector.extract_strided_slice %broadcast_in_dim3A {offsets = [0, 56], sizes = [1, 8], strides = [1, 1]} : vector<1x128xf32> to vector<1x8xf32>
    %add3A_30 = arith.addf %add3A_28, %slice3A_29 : vector<1x8xf32>
    %slice3A_31 = vector.extract_strided_slice %broadcast_in_dim3A {offsets = [0, 64], sizes = [1, 8], strides = [1, 1]} : vector<1x128xf32> to vector<1x8xf32>
    %add3A_32 = arith.addf %add3A_30, %slice3A_31 : vector<1x8xf32>
    %slice3A_33 = vector.extract_strided_slice %broadcast_in_dim3A {offsets = [0, 72], sizes = [1, 8], strides = [1, 1]} : vector<1x128xf32> to vector<1x8xf32>
    %add3A_34 = arith.addf %add3A_32, %slice3A_33 : vector<1x8xf32>
    %slice3A_35 = vector.extract_strided_slice %broadcast_in_dim3A {offsets = [0, 80], sizes = [1, 8], strides = [1, 1]} : vector<1x128xf32> to vector<1x8xf32>
    %add3A_36 = arith.addf %add3A_34, %slice3A_35 : vector<1x8xf32>
    %slice3A_37 = vector.extract_strided_slice %broadcast_in_dim3A {offsets = [0, 88], sizes = [1, 8], strides = [1, 1]} : vector<1x128xf32> to vector<1x8xf32>
    %add3A_38 = arith.addf %add3A_36, %slice3A_37 : vector<1x8xf32>
    %slice3A_39 = vector.extract_strided_slice %broadcast_in_dim3A {offsets = [0, 96], sizes = [1, 8], strides = [1, 1]} : vector<1x128xf32> to vector<1x8xf32>
    %add3A_40 = arith.addf %add3A_38, %slice3A_39 : vector<1x8xf32>
    %slice3A_41 = vector.extract_strided_slice %broadcast_in_dim3A {offsets = [0, 104], sizes = [1, 8], strides = [1, 1]} : vector<1x128xf32> to vector<1x8xf32>
    %add3A_42 = arith.addf %add3A_40, %slice3A_41 : vector<1x8xf32>
    %slice3A_43 = vector.extract_strided_slice %broadcast_in_dim3A {offsets = [0, 112], sizes = [1, 8], strides = [1, 1]} : vector<1x128xf32> to vector<1x8xf32>
    %add3A_44 = arith.addf %add3A_42, %slice3A_43 : vector<1x8xf32>
    %slice3A_45 = vector.extract_strided_slice %broadcast_in_dim3A {offsets = [0, 120], sizes = [1, 8], strides = [1, 1]} : vector<1x128xf32> to vector<1x8xf32>
    %add3A_46 = arith.addf %add3A_44, %slice3A_45 : vector<1x8xf32>
    %get3A_47 = arith.constant 1 : index
    %get3A_48 = arith.constant 0 : index
    %get3A_49 = arith.constant 0 : index
    %get3A_50 = vector.load %arg0[%get3A_47, %get3A_48, %get3A_49] : memref<4x128x128xf32, #tpu.memory_space<vmem>>, vector<1x128x128xf32>
    %get3A_51 = vector.shape_cast %get3A_50 : vector<1x128x128xf32> to vector<128x128xf32>
    %add3A_52 = vector.broadcast %concatenate3A : vector<1x128xf32> to vector<128x128xf32>
    %add3A_53 = arith.addf %get3A_51, %add3A_52 : vector<128x128xf32>
    %max3A_54 = arith.constant 0.000000e+00 : f32
    %max3A_55 = vector.broadcast %max3A_54 : f32 to vector<128x128xf32>
    %max3A_56 = arith.maximumf %add3A_53, %max3A_55 : vector<128x128xf32>
    %abs3A_57 = math.absf %add3A_53 : vector<128x128xf32>
    %neg3A_58 = arith.constant 0.000000e+00 : f32
    %neg3A_59 = vector.broadcast %neg3A_58 : f32 to vector<128x128xf32>
    %neg3A_60 = arith.subf %neg3A_59, %abs3A_57 : vector<128x128xf32>
    %exp3A_61 = math.exp %neg3A_60 : vector<128x128xf32>
    %log1p3A_62 = math.log1p %exp3A_61 : vector<128x128xf32>
    %add3A_63 = arith.addf %max3A_56, %log1p3A_62 : vector<128x128xf32>
    %reduce_sum3A_64 = arith.constant dense<0.000000e+00> : vector<128xf32>
    %reduce_sum3A_65 = vector.multi_reduction <add>, %add3A_63, %reduce_sum3A_64 [0] : vector<128x128xf32> to vector<128xf32>
    %broadcast_in_dim3A_66 = vector.shape_cast %reduce_sum3A_65 : vector<128xf32> to vector<1x128xf32>
    %slice3A_67 = vector.extract_strided_slice %broadcast_in_dim3A_66 {offsets = [0, 0], sizes = [1, 8], strides = [1, 1]} : vector<1x128xf32> to vector<1x8xf32>
    %slice3A_68 = vector.extract_strided_slice %broadcast_in_dim3A_66 {offsets = [0, 8], sizes = [1, 8], strides = [1, 1]} : vector<1x128xf32> to vector<1x8xf32>
    %add3A_69 = arith.addf %slice3A_67, %slice3A_68 : vector<1x8xf32>
    %slice3A_70 = vector.extract_strided_slice %broadcast_in_dim3A_66 {offsets = [0, 16], sizes = [1, 8], strides = [1, 1]} : vector<1x128xf32> to vector<1x8xf32>
    %add3A_71 = arith.addf %add3A_69, %slice3A_70 : vector<1x8xf32>
    %slice3A_72 = vector.extract_strided_slice %broadcast_in_dim3A_66 {offsets = [0, 24], sizes = [1, 8], strides = [1, 1]} : vector<1x128xf32> to vector<1x8xf32>
    %add3A_73 = arith.addf %add3A_71, %slice3A_72 : vector<1x8xf32>
    %slice3A_74 = vector.extract_strided_slice %broadcast_in_dim3A_66 {offsets = [0, 32], sizes = [1, 8], strides = [1, 1]} : vector<1x128xf32> to vector<1x8xf32>
    %add3A_75 = arith.addf %add3A_73, %slice3A_74 : vector<1x8xf32>
    %slice3A_76 = vector.extract_strided_slice %broadcast_in_dim3A_66 {offsets = [0, 40], sizes = [1, 8], strides = [1, 1]} : vector<1x128xf32> to vector<1x8xf32>
    %add3A_77 = arith.addf %add3A_75, %slice3A_76 : vector<1x8xf32>
    %slice3A_78 = vector.extract_strided_slice %broadcast_in_dim3A_66 {offsets = [0, 48], sizes = [1, 8], strides = [1, 1]} : vector<1x128xf32> to vector<1x8xf32>
    %add3A_79 = arith.addf %add3A_77, %slice3A_78 : vector<1x8xf32>
    %slice3A_80 = vector.extract_strided_slice %broadcast_in_dim3A_66 {offsets = [0, 56], sizes = [1, 8], strides = [1, 1]} : vector<1x128xf32> to vector<1x8xf32>
    %add3A_81 = arith.addf %add3A_79, %slice3A_80 : vector<1x8xf32>
    %slice3A_82 = vector.extract_strided_slice %broadcast_in_dim3A_66 {offsets = [0, 64], sizes = [1, 8], strides = [1, 1]} : vector<1x128xf32> to vector<1x8xf32>
    %add3A_83 = arith.addf %add3A_81, %slice3A_82 : vector<1x8xf32>
    %slice3A_84 = vector.extract_strided_slice %broadcast_in_dim3A_66 {offsets = [0, 72], sizes = [1, 8], strides = [1, 1]} : vector<1x128xf32> to vector<1x8xf32>
    %add3A_85 = arith.addf %add3A_83, %slice3A_84 : vector<1x8xf32>
    %slice3A_86 = vector.extract_strided_slice %broadcast_in_dim3A_66 {offsets = [0, 80], sizes = [1, 8], strides = [1, 1]} : vector<1x128xf32> to vector<1x8xf32>
    %add3A_87 = arith.addf %add3A_85, %slice3A_86 : vector<1x8xf32>
    %slice3A_88 = vector.extract_strided_slice %broadcast_in_dim3A_66 {offsets = [0, 88], sizes = [1, 8], strides = [1, 1]} : vector<1x128xf32> to vector<1x8xf32>
    %add3A_89 = arith.addf %add3A_87, %slice3A_88 : vector<1x8xf32>
    %slice3A_90 = vector.extract_strided_slice %broadcast_in_dim3A_66 {offsets = [0, 96], sizes = [1, 8], strides = [1, 1]} : vector<1x128xf32> to vector<1x8xf32>
    %add3A_91 = arith.addf %add3A_89, %slice3A_90 : vector<1x8xf32>
    %slice3A_92 = vector.extract_strided_slice %broadcast_in_dim3A_66 {offsets = [0, 104], sizes = [1, 8], strides = [1, 1]} : vector<1x128xf32> to vector<1x8xf32>
    %add3A_93 = arith.addf %add3A_91, %slice3A_92 : vector<1x8xf32>
    %slice3A_94 = vector.extract_strided_slice %broadcast_in_dim3A_66 {offsets = [0, 112], sizes = [1, 8], strides = [1, 1]} : vector<1x128xf32> to vector<1x8xf32>
    %add3A_95 = arith.addf %add3A_93, %slice3A_94 : vector<1x8xf32>
    %slice3A_96 = vector.extract_strided_slice %broadcast_in_dim3A_66 {offsets = [0, 120], sizes = [1, 8], strides = [1, 1]} : vector<1x128xf32> to vector<1x8xf32>
    %add3A_97 = arith.addf %add3A_95, %slice3A_96 : vector<1x8xf32>
    %get3A_98 = arith.constant 2 : index
    %get3A_99 = arith.constant 0 : index
    %get3A_100 = arith.constant 0 : index
    %get3A_101 = vector.load %arg0[%get3A_98, %get3A_99, %get3A_100] : memref<4x128x128xf32, #tpu.memory_space<vmem>>, vector<1x128x128xf32>
    %get3A_102 = vector.shape_cast %get3A_101 : vector<1x128x128xf32> to vector<128x128xf32>
    %add3A_103 = vector.broadcast %concatenate3A : vector<1x128xf32> to vector<128x128xf32>
    %add3A_104 = arith.addf %get3A_102, %add3A_103 : vector<128x128xf32>
    %max3A_105 = arith.constant 0.000000e+00 : f32
    %max3A_106 = vector.broadcast %max3A_105 : f32 to vector<128x128xf32>
    %max3A_107 = arith.maximumf %add3A_104, %max3A_106 : vector<128x128xf32>
    %abs3A_108 = math.absf %add3A_104 : vector<128x128xf32>
    %neg3A_109 = arith.constant 0.000000e+00 : f32
    %neg3A_110 = vector.broadcast %neg3A_109 : f32 to vector<128x128xf32>
    %neg3A_111 = arith.subf %neg3A_110, %abs3A_108 : vector<128x128xf32>
    %exp3A_112 = math.exp %neg3A_111 : vector<128x128xf32>
    %log1p3A_113 = math.log1p %exp3A_112 : vector<128x128xf32>
    %add3A_114 = arith.addf %max3A_107, %log1p3A_113 : vector<128x128xf32>
    %reduce_sum3A_115 = arith.constant dense<0.000000e+00> : vector<128xf32>
    %reduce_sum3A_116 = vector.multi_reduction <add>, %add3A_114, %reduce_sum3A_115 [0] : vector<128x128xf32> to vector<128xf32>
    %broadcast_in_dim3A_117 = vector.shape_cast %reduce_sum3A_116 : vector<128xf32> to vector<1x128xf32>
    %slice3A_118 = vector.extract_strided_slice %broadcast_in_dim3A_117 {offsets = [0, 0], sizes = [1, 8], strides = [1, 1]} : vector<1x128xf32> to vector<1x8xf32>
    %slice3A_119 = vector.extract_strided_slice %broadcast_in_dim3A_117 {offsets = [0, 8], sizes = [1, 8], strides = [1, 1]} : vector<1x128xf32> to vector<1x8xf32>
    %add3A_120 = arith.addf %slice3A_118, %slice3A_119 : vector<1x8xf32>
    %slice3A_121 = vector.extract_strided_slice %broadcast_in_dim3A_117 {offsets = [0, 16], sizes = [1, 8], strides = [1, 1]} : vector<1x128xf32> to vector<1x8xf32>
    %add3A_122 = arith.addf %add3A_120, %slice3A_121 : vector<1x8xf32>
    %slice3A_123 = vector.extract_strided_slice %broadcast_in_dim3A_117 {offsets = [0, 24], sizes = [1, 8], strides = [1, 1]} : vector<1x128xf32> to vector<1x8xf32>
    %add3A_124 = arith.addf %add3A_122, %slice3A_123 : vector<1x8xf32>
    %slice3A_125 = vector.extract_strided_slice %broadcast_in_dim3A_117 {offsets = [0, 32], sizes = [1, 8], strides = [1, 1]} : vector<1x128xf32> to vector<1x8xf32>
    %add3A_126 = arith.addf %add3A_124, %slice3A_125 : vector<1x8xf32>
    %slice3A_127 = vector.extract_strided_slice %broadcast_in_dim3A_117 {offsets = [0, 40], sizes = [1, 8], strides = [1, 1]} : vector<1x128xf32> to vector<1x8xf32>
    %add3A_128 = arith.addf %add3A_126, %slice3A_127 : vector<1x8xf32>
    %slice3A_129 = vector.extract_strided_slice %broadcast_in_dim3A_117 {offsets = [0, 48], sizes = [1, 8], strides = [1, 1]} : vector<1x128xf32> to vector<1x8xf32>
    %add3A_130 = arith.addf %add3A_128, %slice3A_129 : vector<1x8xf32>
    %slice3A_131 = vector.extract_strided_slice %broadcast_in_dim3A_117 {offsets = [0, 56], sizes = [1, 8], strides = [1, 1]} : vector<1x128xf32> to vector<1x8xf32>
    %add3A_132 = arith.addf %add3A_130, %slice3A_131 : vector<1x8xf32>
    %slice3A_133 = vector.extract_strided_slice %broadcast_in_dim3A_117 {offsets = [0, 64], sizes = [1, 8], strides = [1, 1]} : vector<1x128xf32> to vector<1x8xf32>
    %add3A_134 = arith.addf %add3A_132, %slice3A_133 : vector<1x8xf32>
    %slice3A_135 = vector.extract_strided_slice %broadcast_in_dim3A_117 {offsets = [0, 72], sizes = [1, 8], strides = [1, 1]} : vector<1x128xf32> to vector<1x8xf32>
    %add3A_136 = arith.addf %add3A_134, %slice3A_135 : vector<1x8xf32>
    %slice3A_137 = vector.extract_strided_slice %broadcast_in_dim3A_117 {offsets = [0, 80], sizes = [1, 8], strides = [1, 1]} : vector<1x128xf32> to vector<1x8xf32>
    %add3A_138 = arith.addf %add3A_136, %slice3A_137 : vector<1x8xf32>
    %slice3A_139 = vector.extract_strided_slice %broadcast_in_dim3A_117 {offsets = [0, 88], sizes = [1, 8], strides = [1, 1]} : vector<1x128xf32> to vector<1x8xf32>
    %add3A_140 = arith.addf %add3A_138, %slice3A_139 : vector<1x8xf32>
    %slice3A_141 = vector.extract_strided_slice %broadcast_in_dim3A_117 {offsets = [0, 96], sizes = [1, 8], strides = [1, 1]} : vector<1x128xf32> to vector<1x8xf32>
    %add3A_142 = arith.addf %add3A_140, %slice3A_141 : vector<1x8xf32>
    %slice3A_143 = vector.extract_strided_slice %broadcast_in_dim3A_117 {offsets = [0, 104], sizes = [1, 8], strides = [1, 1]} : vector<1x128xf32> to vector<1x8xf32>
    %add3A_144 = arith.addf %add3A_142, %slice3A_143 : vector<1x8xf32>
    %slice3A_145 = vector.extract_strided_slice %broadcast_in_dim3A_117 {offsets = [0, 112], sizes = [1, 8], strides = [1, 1]} : vector<1x128xf32> to vector<1x8xf32>
    %add3A_146 = arith.addf %add3A_144, %slice3A_145 : vector<1x8xf32>
    %slice3A_147 = vector.extract_strided_slice %broadcast_in_dim3A_117 {offsets = [0, 120], sizes = [1, 8], strides = [1, 1]} : vector<1x128xf32> to vector<1x8xf32>
    %add3A_148 = arith.addf %add3A_146, %slice3A_147 : vector<1x8xf32>
    %get3A_149 = arith.constant 3 : index
    %get3A_150 = arith.constant 0 : index
    %get3A_151 = arith.constant 0 : index
    %get3A_152 = vector.load %arg0[%get3A_149, %get3A_150, %get3A_151] : memref<4x128x128xf32, #tpu.memory_space<vmem>>, vector<1x128x128xf32>
    %get3A_153 = vector.shape_cast %get3A_152 : vector<1x128x128xf32> to vector<128x128xf32>
    %add3A_154 = vector.broadcast %concatenate3A : vector<1x128xf32> to vector<128x128xf32>
    %add3A_155 = arith.addf %get3A_153, %add3A_154 : vector<128x128xf32>
    %max3A_156 = arith.constant 0.000000e+00 : f32
    %max3A_157 = vector.broadcast %max3A_156 : f32 to vector<128x128xf32>
    %max3A_158 = arith.maximumf %add3A_155, %max3A_157 : vector<128x128xf32>
    %abs3A_159 = math.absf %add3A_155 : vector<128x128xf32>
    %neg3A_160 = arith.constant 0.000000e+00 : f32
    %neg3A_161 = vector.broadcast %neg3A_160 : f32 to vector<128x128xf32>
    %neg3A_162 = arith.subf %neg3A_161, %abs3A_159 : vector<128x128xf32>
    %exp3A_163 = math.exp %neg3A_162 : vector<128x128xf32>
    %log1p3A_164 = math.log1p %exp3A_163 : vector<128x128xf32>
    %add3A_165 = arith.addf %max3A_158, %log1p3A_164 : vector<128x128xf32>
    %reduce_sum3A_166 = arith.constant dense<0.000000e+00> : vector<128xf32>
    %reduce_sum3A_167 = vector.multi_reduction <add>, %add3A_165, %reduce_sum3A_166 [0] : vector<128x128xf32> to vector<128xf32>
    %broadcast_in_dim3A_168 = vector.shape_cast %reduce_sum3A_167 : vector<128xf32> to vector<1x128xf32>
    %slice3A_169 = vector.extract_strided_slice %broadcast_in_dim3A_168 {offsets = [0, 0], sizes = [1, 8], strides = [1, 1]} : vector<1x128xf32> to vector<1x8xf32>
    %slice3A_170 = vector.extract_strided_slice %broadcast_in_dim3A_168 {offsets = [0, 8], sizes = [1, 8], strides = [1, 1]} : vector<1x128xf32> to vector<1x8xf32>
    %add3A_171 = arith.addf %slice3A_169, %slice3A_170 : vector<1x8xf32>
    %slice3A_172 = vector.extract_strided_slice %broadcast_in_dim3A_168 {offsets = [0, 16], sizes = [1, 8], strides = [1, 1]} : vector<1x128xf32> to vector<1x8xf32>
    %add3A_173 = arith.addf %add3A_171, %slice3A_172 : vector<1x8xf32>
    %slice3A_174 = vector.extract_strided_slice %broadcast_in_dim3A_168 {offsets = [0, 24], sizes = [1, 8], strides = [1, 1]} : vector<1x128xf32> to vector<1x8xf32>
    %add3A_175 = arith.addf %add3A_173, %slice3A_174 : vector<1x8xf32>
    %slice3A_176 = vector.extract_strided_slice %broadcast_in_dim3A_168 {offsets = [0, 32], sizes = [1, 8], strides = [1, 1]} : vector<1x128xf32> to vector<1x8xf32>
    %add3A_177 = arith.addf %add3A_175, %slice3A_176 : vector<1x8xf32>
    %slice3A_178 = vector.extract_strided_slice %broadcast_in_dim3A_168 {offsets = [0, 40], sizes = [1, 8], strides = [1, 1]} : vector<1x128xf32> to vector<1x8xf32>
    %add3A_179 = arith.addf %add3A_177, %slice3A_178 : vector<1x8xf32>
    %slice3A_180 = vector.extract_strided_slice %broadcast_in_dim3A_168 {offsets = [0, 48], sizes = [1, 8], strides = [1, 1]} : vector<1x128xf32> to vector<1x8xf32>
    %add3A_181 = arith.addf %add3A_179, %slice3A_180 : vector<1x8xf32>
    %slice3A_182 = vector.extract_strided_slice %broadcast_in_dim3A_168 {offsets = [0, 56], sizes = [1, 8], strides = [1, 1]} : vector<1x128xf32> to vector<1x8xf32>
    %add3A_183 = arith.addf %add3A_181, %slice3A_182 : vector<1x8xf32>
    %slice3A_184 = vector.extract_strided_slice %broadcast_in_dim3A_168 {offsets = [0, 64], sizes = [1, 8], strides = [1, 1]} : vector<1x128xf32> to vector<1x8xf32>
    %add3A_185 = arith.addf %add3A_183, %slice3A_184 : vector<1x8xf32>
    %slice3A_186 = vector.extract_strided_slice %broadcast_in_dim3A_168 {offsets = [0, 72], sizes = [1, 8], strides = [1, 1]} : vector<1x128xf32> to vector<1x8xf32>
    %add3A_187 = arith.addf %add3A_185, %slice3A_186 : vector<1x8xf32>
    %slice3A_188 = vector.extract_strided_slice %broadcast_in_dim3A_168 {offsets = [0, 80], sizes = [1, 8], strides = [1, 1]} : vector<1x128xf32> to vector<1x8xf32>
    %add3A_189 = arith.addf %add3A_187, %slice3A_188 : vector<1x8xf32>
    %slice3A_190 = vector.extract_strided_slice %broadcast_in_dim3A_168 {offsets = [0, 88], sizes = [1, 8], strides = [1, 1]} : vector<1x128xf32> to vector<1x8xf32>
    %add3A_191 = arith.addf %add3A_189, %slice3A_190 : vector<1x8xf32>
    %slice3A_192 = vector.extract_strided_slice %broadcast_in_dim3A_168 {offsets = [0, 96], sizes = [1, 8], strides = [1, 1]} : vector<1x128xf32> to vector<1x8xf32>
    %add3A_193 = arith.addf %add3A_191, %slice3A_192 : vector<1x8xf32>
    %slice3A_194 = vector.extract_strided_slice %broadcast_in_dim3A_168 {offsets = [0, 104], sizes = [1, 8], strides = [1, 1]} : vector<1x128xf32> to vector<1x8xf32>
    %add3A_195 = arith.addf %add3A_193, %slice3A_194 : vector<1x8xf32>
    %slice3A_196 = vector.extract_strided_slice %broadcast_in_dim3A_168 {offsets = [0, 112], sizes = [1, 8], strides = [1, 1]} : vector<1x128xf32> to vector<1x8xf32>
    %add3A_197 = arith.addf %add3A_195, %slice3A_196 : vector<1x8xf32>
    %slice3A_198 = vector.extract_strided_slice %broadcast_in_dim3A_168 {offsets = [0, 120], sizes = [1, 8], strides = [1, 1]} : vector<1x128xf32> to vector<1x8xf32>
    %add3A_199 = arith.addf %add3A_197, %slice3A_198 : vector<1x8xf32>
    %concatenate3A_200 = tpu.concatenate %add3A_46, %add3A_97, %add3A_148, %add3A_199 in 0 : vector<1x8xf32>, vector<1x8xf32>, vector<1x8xf32>, vector<1x8xf32> -> vector<4x8xf32>
    %transpose3A = tpu.transpose %get3A_1, [1, 0] : vector<8x128xf32> -> vector<128x8xf32>
    %slice3A_201 = vector.extract_strided_slice %transpose3A {offsets = [0, 0], sizes = [4, 8], strides = [1, 1]} : vector<128x8xf32> to vector<4x8xf32>
    %add3A_202 = arith.addf %slice3A_201, %concatenate3A_200 : vector<4x8xf32>
    %mul3A = arith.constant 1.22070313E-4 : f32
    %mul3A_203 = vector.broadcast %mul3A : f32 to vector<4x8xf32>
    %mul3A_204 = arith.mulf %add3A_202, %mul3A_203 : vector<4x8xf32>
    %get3A_205 = arith.constant 0 : index
    %get3A_206 = arith.constant 0 : index
    %get3A_207 = vector.load %arg2[%get3A_205, %get3A_206] : memref<4x1024xf32, #tpu.memory_space<vmem>>, vector<4x1024xf32>
    %get3A_208 = arith.constant 0 : index
    %get3A_209 = arith.constant 0 : index
    %get3A_210 = vector.load %arg3[%get3A_208, %get3A_209] : memref<8x1024xf32, #tpu.memory_space<vmem>>, vector<8x1024xf32>
    %dot_general3A = arith.constant dense<0.000000e+00> : vector<4x8xf32>
    %dot_general3A_211 = tpu.matmul %get3A_207, %get3A_210, %dot_general3A {dimension_numbers = #tpu.dot_dimension_numbers<[1], [1], [0], [0], [0, 0, 1, 0], [], []>, transpose_lhs_hint = false} : vector<4x1024xf32>, vector<8x1024xf32>, vector<4x8xf32> -> vector<4x8xf32>
    %get3A_212 = arith.constant 0 : index
    %get3A_213 = arith.constant 0 : index
    %get3A_214 = vector.load %arg4[%get3A_212, %get3A_213] : memref<1x8xf32, #tpu.memory_space<vmem>>, vector<1x8xf32>
    %add3A_215 = vector.broadcast %get3A_214 : vector<1x8xf32> to vector<4x8xf32>
    %add3A_216 = arith.addf %dot_general3A_211, %add3A_215 : vector<4x8xf32>
    %get3A_217 = arith.constant 0 : index
    %get3A_218 = arith.constant 0 : index
    %get3A_219 = vector.load %arg6[%get3A_217, %get3A_218] : memref<4x8xf32, #tpu.memory_space<vmem>>, vector<4x8xf32>
    %mul3A_220 = arith.mulf %get3A_219, %mul3A_204 : vector<4x8xf32>
    %add3A_221 = arith.addf %add3A_216, %mul3A_220 : vector<4x8xf32>
    %iota3A = tpu.iota {dimensions = array<i32: 1>} : vector<4x8xi32>
    %reduce_max3A = arith.constant dense<0xFF800000> : vector<4xf32>
    %reduce_max3A_222 = vector.multi_reduction <maximumf>, %add3A_221, %reduce_max3A [1] : vector<4x8xf32> to vector<4xf32>
    %broadcast_in_dim3A_223 = vector.shape_cast %reduce_max3A_222 : vector<4xf32> to vector<4x1xf32>
    %eq3A = vector.broadcast %broadcast_in_dim3A_223 : vector<4x1xf32> to vector<4x8xf32>
    %eq3A_224 = arith.cmpf oeq, %add3A_221, %eq3A : vector<4x8xf32>
    %jit3A = arith.constant 8 : i32
    %broadcast_in_dim3A_225 = vector.broadcast %jit3A : i32 to vector<4x8xi32>
    %select_n3A = arith.select %eq3A_224, %iota3A, %broadcast_in_dim3A_225 : vector<4x8xi1>, vector<4x8xi32>
    %reduce_min3A = arith.constant dense<2147483647> : vector<4xi32>
    %reduce_min3A_226 = vector.multi_reduction <minsi>, %select_n3A, %reduce_min3A [1] : vector<4x8xi32> to vector<4xi32>
    %broadcast_in_dim3A_227 = vector.shape_cast %reduce_min3A_226 : vector<4xi32> to vector<4x1xi32>
    %eq3A_228 = vector.broadcast %broadcast_in_dim3A_227 : vector<4x1xi32> to vector<4x8xi32>
    %eq3A_229 = arith.cmpi eq, %iota3A, %eq3A_228 : vector<4x8xi32>
    %jit3A_230 = arith.constant -1.000000e+30 : f32
    %broadcast_in_dim3A_231 = vector.broadcast %jit3A_230 : f32 to vector<4x8xf32>
    %select_n3A_232 = arith.select %eq3A_229, %broadcast_in_dim3A_231, %add3A_221 : vector<4x8xi1>, vector<4x8xf32>
    %reduce_max3A_233 = arith.constant dense<0xFF800000> : vector<4xf32>
    %reduce_max3A_234 = vector.multi_reduction <maximumf>, %select_n3A_232, %reduce_max3A_233 [1] : vector<4x8xf32> to vector<4xf32>
    %broadcast_in_dim3A_235 = vector.shape_cast %reduce_max3A_234 : vector<4xf32> to vector<4x1xf32>
    %eq3A_236 = vector.broadcast %broadcast_in_dim3A_235 : vector<4x1xf32> to vector<4x8xf32>
    %eq3A_237 = arith.cmpf oeq, %select_n3A_232, %eq3A_236 : vector<4x8xf32>
    %jit3A_238 = arith.constant 8 : i32
    %broadcast_in_dim3A_239 = vector.broadcast %jit3A_238 : i32 to vector<4x8xi32>
    %select_n3A_240 = arith.select %eq3A_237, %iota3A, %broadcast_in_dim3A_239 : vector<4x8xi1>, vector<4x8xi32>
    %reduce_min3A_241 = arith.constant dense<2147483647> : vector<4xi32>
    %reduce_min3A_242 = vector.multi_reduction <minsi>, %select_n3A_240, %reduce_min3A_241 [1] : vector<4x8xi32> to vector<4xi32>
    %broadcast_in_dim3A_243 = vector.shape_cast %reduce_min3A_242 : vector<4xi32> to vector<4x1xi32>
    %sub3A = arith.subf %broadcast_in_dim3A_235, %broadcast_in_dim3A_223 : vector<4x1xf32>
    %exp3A_244 = math.exp %sub3A : vector<4x1xf32>
    %add3A_245 = arith.constant 1.000000e+00 : f32
    %add3A_246 = vector.broadcast %add3A_245 : f32 to vector<4x1xf32>
    %add3A_247 = arith.addf %add3A_246, %exp3A_244 : vector<4x1xf32>
    %div3A = arith.constant 1.000000e+00 : f32
    %div3A_248 = vector.broadcast %div3A : f32 to vector<4x1xf32>
    %div3A_249 = arith.divf %div3A_248, %add3A_247 : vector<4x1xf32>
    %add3A_250 = arith.constant 1.000000e+00 : f32
    %add3A_251 = vector.broadcast %add3A_250 : f32 to vector<4x1xf32>
    %add3A_252 = arith.addf %add3A_251, %exp3A_244 : vector<4x1xf32>
    %div3A_253 = arith.divf %exp3A_244, %add3A_252 : vector<4x1xf32>
    %eq3A_254 = vector.broadcast %broadcast_in_dim3A_227 : vector<4x1xi32> to vector<4x8xi32>
    %eq3A_255 = arith.cmpi eq, %iota3A, %eq3A_254 : vector<4x8xi32>
    %eq3A_256 = vector.broadcast %broadcast_in_dim3A_243 : vector<4x1xi32> to vector<4x8xi32>
    %eq3A_257 = arith.cmpi eq, %iota3A, %eq3A_256 : vector<4x8xi32>
    %jit3A_258 = arith.constant 0.000000e+00 : f32
    %broadcast_in_dim3A_259 = vector.shape_cast %div3A_253 : vector<4x1xf32> to vector<4x1xf32>
    %broadcast_in_dim3A_260 = vector.broadcast %broadcast_in_dim3A_259 : vector<4x1xf32> to vector<4x8xf32>
    %broadcast_in_dim3A_261 = vector.broadcast %jit3A_258 : f32 to vector<4x8xf32>
    %select_n3A_262 = arith.select %eq3A_257, %broadcast_in_dim3A_260, %broadcast_in_dim3A_261 : vector<4x8xi1>, vector<4x8xf32>
    %broadcast_in_dim3A_263 = vector.shape_cast %div3A_249 : vector<4x1xf32> to vector<4x1xf32>
    %broadcast_in_dim3A_264 = vector.broadcast %broadcast_in_dim3A_263 : vector<4x1xf32> to vector<4x8xf32>
    %select_n3A_265 = arith.select %eq3A_255, %broadcast_in_dim3A_264, %select_n3A_262 : vector<4x8xi1>, vector<4x8xf32>
    %swap3A = arith.constant 0 : index
    %swap3A_266 = arith.constant 0 : index
    %swap3A_267 = vector.load %arg7[%swap3A, %swap3A_266] : memref<4x8xf32, #tpu.memory_space<vmem>>, vector<4x8xf32>
    tpu.vector_store %arg7[%swap3A, %swap3A_266], %select_n3A_265 {strides = array<i32>} : memref<4x8xf32, #tpu.memory_space<vmem>>, vector<4x8xf32>,
    %swap3A_268 = arith.constant 0 : index
    %swap3A_269 = arith.constant 0 : index
    %swap3A_270 = vector.load %arg8[%swap3A_268, %swap3A_269] : memref<4x2xi32, #tpu.memory_space<vmem>>, vector<4x1xi32>
    tpu.vector_store %arg8[%swap3A_268, %swap3A_269], %broadcast_in_dim3A_227 {strides = array<i32>} : memref<4x2xi32, #tpu.memory_space<vmem>>, vector<4x1xi32>,
    %swap3A_271 = arith.constant 0 : index
    %swap3A_272 = arith.constant 1 : index
    %swap3A_273 = vector.load %arg8[%swap3A_271, %swap3A_272] : memref<4x2xi32, #tpu.memory_space<vmem>>, vector<4x1xi32>
    tpu.vector_store %arg8[%swap3A_271, %swap3A_272], %broadcast_in_dim3A_243 {strides = array<i32>} : memref<4x2xi32, #tpu.memory_space<vmem>>, vector<4x1xi32>,
    return
  }
}

</mosaic_0001>

<sc_bundles>
// kernel: kernel.5.cloned.1.call-start
scs
__scs_entry_jumppad:
0x0: {  	(pc) =	sbr.rel $0x88, $3  }
0x1: {  	(tag) =	ssettag $0x0;
	lr =	simm.s32 $0x1  }
0x2: {  	[smem:$0x3F9B] =	sst lr;
	_ =	strace $0xD0000000  }
0x3: {  	_ = 	snop  }
0x4: {  	_ = 	snop  }
0x5: {  	_ = 	snop  }
0x6: {  	_ = 	snop  }
0x7: {  	_ = 	snop  }
__scs_overlays_trampoline_lowered:
0x8: {  	[smem:$0x3FAA] =	sst s0  }
0x9: {  	[smem:$0x3FAB] =	sst s1  }
0xa: {  	[smem:$0x3FAC] =	sst s2  }
0xb: {  	[smem:$0x3FAD] =	sst s3  }
0xc: {  	[smem:$0x3FAE] =	sst s4  }
0xd: {  	[smem:$0x3FAF] =	sst s5  }
0xe: {  	[smem:$0x3FB0] =	sst s6  }
0xf: {  	[smem:$0x3FB1] =	sst s7  }
0x10: {  	[smem:$0x3FB2] =	sst s8  }
0x11: {  	[smem:$0x3FB3] =	sst s9;
	s0 =	simm.s32 @!p0 $0x0  }
0x12: {  	s1 =	sld [smem:$0x3F99];
	s0 =	simm.s32 @p0 $0x1  }
0x13: {  	[smem:$0x3FB4] =	sst s0;
	s0 =	simm.s32 @!p1 $0x0  }
0x14: {  	s2 =	sld [smem:$0x3F98];
	s0 =	simm.s32 @p1 $0x1  }
0x15: {  	[smem:$0x3FB5] =	sst s0;
	s0 =	simm.s32 @!p2 $0x0  }
0x16: {  	s3 =	sld [smem:$0x3FDB];
	s0 =	simm.s32 @p2 $0x1  }
0x17: {  	s4 =	simm.s32 $0x1BF5;
	[smem:$0x3FB7] =	sst s0  }
0x18: {  	s0 =	sld [smem:$0x3F9A];
	_ =	swait.ge [sflag:s4], $0x0  }
0x19: {  	s7 =	sld [smem:$0x3F9B]  }
0x1a: {  	s8 =	sadd.s32 $0xFFFFE003, lr  }
0x1b: {  	s9 =	sadd.s32 $0xFFFFFEF7, lr;
	s5 =	simm.s32 $0xFFFFFFFF;
	p2 =	slt.u32 s8, $0xFFFFF086  }
0x1c: {  	p1 =	slt.u32 s9, $0xF7A;
	s5 =	simm.s32 @!p2 $0x0  }
0x1d: {  	s5 =	simm.s32 @p1 $0x1;
	p0 =	seq.s32 s7, s2  }
0x1e: {  	s7 =	smul.u32 @!p0 $0xF7A, s2;
	p2 =	seq.s32 @!p0 s5, $0x0  }
0x1f: {  	s9 =	smul.u32 $0xF7A, s1;
	s8 =	simm.s32 @!p0 $0x1BF5;
	p2 =	por !p2, p0  }
0x20: {  	[sflag:s8] =	ssyncset.s32 @!p0 $0xFFFFF086;
	s6 =	sadd.s32 @!p0 s3, s7;
	s7 =	simm.s32 @!p0 $0x108  }
0x21: {  	s3 =	sadd.s32 s3, s9;
	s6 =	sadd.s32 @!p0 $0x88, s6;
	s7 =	simm.s32 @p2 $0x1082  }
0x22: {  	[simem:s7], [sflag:s8] =	dma.local @!p0 [hbm:s6], $0xF7A  }
0x23: {  	s9 =	sor.u32 $0xD0000000, s2;
	s6 =	simm.s32 $0x108;
	_ =	swait.ge @!p0 [sflag:s8], $0x0  }
0x24: {  	s3 =	sadd.s32 $0x88, s3;
	s6 =	simm.s32 @!p1 $0x1082;
	[sflag:s4] =	ssyncset.s32 $0xFFFFF086  }
0x25: {  	[simem:s6], [sflag:s4] =	dma.local [hbm:s3], $0xF7A  }
0x26: {  	[smem:$0x3F9B] =	sst s1;
	(tag) =	ssettag s2;
	_ =	strace s9  }
0x27: {  	s1 =	sld [smem:$0x3FAB]  }
0x28: {  	s2 =	sld [smem:$0x3FAC]  }
0x29: {  	s4 =	sld [smem:$0x3FAE]  }
0x2a: {  	p0 =	seq.s32 s5, $0x0;
	s5 =	sld [smem:$0x3FAF]  }
0x2b: {  	s6 =	sld [smem:$0x3FB0]  }
0x2c: {  	s7 =	sld [smem:$0x3FB1]  }
0x2d: {  	s3 =	simm.s32 $0x108;
	s8 =	sld [smem:$0x3FB2]  }
0x2e: {  	s3 =	simm.s32 @!p0 $0x1082;
	s9 =	sld [smem:$0x3FB3]  }
0x2f: {  	lr =	sadd.s32 s0, s3;
	s0 =	sld [smem:$0x3FAA]  }
0x30: {  	s3 =	sld [smem:$0x3FAD]  }
0x31: {  	[smem:$0x3FB6] =	sst s10  }
0x32: {  	s10 =	sld [smem:$0x3FB4];
	_ =	sdelay $0x3  }
0x33: {  	p0 =	seq.s32 s10, $0x1;
	s10 =	sld [smem:$0x3FB6];
	_ =	sdelay $0x3  }
0x34: {  	[smem:$0x3FB6] =	sst s10  }
0x35: {  	s10 =	sld [smem:$0x3FB5];
	_ =	sdelay $0x3  }
0x36: {  	p1 =	seq.s32 s10, $0x1;
	s10 =	sld [smem:$0x3FB6];
	_ =	sdelay $0x3  }
0x37: {  	[smem:$0x3FB6] =	sst s10  }
0x38: {  	s10 =	sld [smem:$0x3FB7]  }
0x39: {  	_ = 	snop;
	(pc) =	sbr.ind lr, $3  }
0x3a: {  	_ = 	snop  }
0x3b: {  	_ = 	snop  }
0x3c: {  	p2 =	seq.s32 s10, $0x1;
	s10 =	sld [smem:$0x3FB6]  }
0x3d: {  	_ =	shalt  }
0x3e: {  	_ =	shalt  }
0x3f: {  	_ =	shalt  }
0x40: {  	_ =	shalt  }
0x41: {  	_ =	shalt  }
0x42: {  	_ =	shalt  }
0x43: {  	_ =	shalt  }
0x44: {  	_ =	shalt  }
0x45: {  	_ =	shalt  }
0x46: {  	_ =	shalt  }
0x47: {  	_ =	shalt  }
0x48: {  	_ =	shalt  }
0x49: {  	_ =	shalt  }
0x4a: {  	_ =	shalt  }
0x4b: {  	_ =	shalt  }
0x4c: {  	_ =	shalt  }
0x4d: {  	_ =	shalt  }
0x4e: {  	_ =	shalt  }
0x4f: {  	_ =	shalt  }
0x50: {  	_ =	shalt  }
0x51: {  	_ =	shalt  }
0x52: {  	_ =	shalt  }
0x53: {  	_ =	shalt  }
0x54: {  	_ =	shalt  }
0x55: {  	_ =	shalt  }
0x56: {  	_ =	shalt  }
0x57: {  	_ =	shalt  }
0x58: {  	_ =	shalt  }
0x59: {  	_ =	shalt  }
0x5a: {  	_ =	shalt  }
0x5b: {  	_ =	shalt  }
0x5c: {  	_ =	shalt  }
0x5d: {  	_ =	shalt  }
0x5e: {  	_ =	shalt  }
0x5f: {  	_ =	shalt  }
0x60: {  	_ =	shalt  }
0x61: {  	_ =	shalt  }
0x62: {  	_ =	shalt  }
0x63: {  	_ =	shalt  }
0x64: {  	_ =	shalt  }
0x65: {  	_ =	shalt  }
0x66: {  	_ =	shalt  }
0x67: {  	_ =	shalt  }
0x68: {  	_ =	shalt  }
0x69: {  	_ =	shalt  }
0x6a: {  	_ =	shalt  }
0x6b: {  	_ =	shalt  }
0x6c: {  	_ =	shalt  }
0x6d: {  	_ =	shalt  }
0x6e: {  	_ =	shalt  }
0x6f: {  	_ =	shalt  }
0x70: {  	_ =	shalt  }
0x71: {  	_ =	shalt  }
0x72: {  	_ =	shalt  }
0x73: {  	_ =	shalt  }
0x74: {  	_ =	shalt  }
0x75: {  	_ =	shalt  }
0x76: {  	_ =	shalt  }
0x77: {  	_ =	shalt  }
0x78: {  	_ =	shalt  }
0x79: {  	_ =	shalt  }
0x7a: {  	_ =	shalt  }
0x7b: {  	_ =	shalt  }
0x7c: {  	_ =	shalt  }
0x7d: {  	_ =	shalt  }
0x7e: {  	_ =	shalt  }
0x7f: {  	_ =	shalt  }
0x80: {  	_ =	shalt  }
0x81: {  	_ =	shalt  }
0x82: {  	_ =	shalt  }
0x83: {  	_ =	shalt  }
0x84: {  	_ =	shalt  }
0x85: {  	_ =	shalt  }
0x86: {  	_ =	shalt  }
0x87: {  	_ =	shalt  }
.Lfunc_end0:
.L_simem_size_0:
called_computation_lowered:
.L_overlay_start_0:
0x88: {  	s2 =	sld [smem:$0x3FD9]  }
0x89: {  	s3 =	sld [smem:$0x3FFE];
	_ =	sdelay $0x1  }
0x8a: {  	s1 =	srdreg.scid  }
0x8b: {  	s0 =	sand.u32 $0x1, s1  }
0x8c: {  	s17 =	sshll.u32 s0, $0xA;
	s2 =	sadd.s32 s3, s2  }
0x8d: {  	s2 =	sadd.s32 s2, s17  }
0x8e: {  	[smem:$0x3FC2] =	sst s2  }
0x8f: {  	_ = 	snop  }
0x90: {  	s2 =	sld [smem:$0x3FC9]  }
0x91: {  	s18 =	sld [smem:$0x3FC5];
	(tm) =	ssettm $0x1  }
0x92: {  	s4 =	sld [smem:$0x3FFB];
	_ =	sdelay $0x3  }
0x93: {  	_ =	strace s4  }
0x94: {  	s4 =	sld [smem:$0x3FFC];
	_ =	sdelay $0x3  }
0x95: {  	_ =	strace s4  }
0x96: {  	s4 =	sld [smem:$0x3FFD];
	_ =	sdelay $0x3  }
0x97: {  	_ =	strace s4  }
0x98: {  	_ =	strace $0x8FFFFFFF  }
0x99: {  	s19 =	sld [smem:$0x3FDB];
	_ =	sdelay $0x1  }
0x9a: {  	s5 =	simm.s32 $_scs_section_size  }
0x9b: {  	s6 =	simm.s32 $_size__tile_overlayer_lowered;
	s7 =	simm.s32 $_tile_overlayer_lowered  }
0x9c: {  	s22 =	simm.s32 $0x1BFF;
	s21 =	sshll.u32 s7, $0x1;
	s4 =	sadd.s32 s5, s19  }
0x9d: {  	s8 =	simm.s32 $0x0;
	s20 =	sshll.u32 s6, $0x1;
	s6 =	sadd.s32 s21, s4  }
0x9e: {  	[timem:s8], [sflag:s22] =	dma.local [hbm:s6], s20  }
0x9f: {  	_ =	swait.ge [sflag:s22], s20  }
0xa0: {  	s5 =	ssub.s32 $0x0, s20;
	[sflag:s22] =	ssyncset.done $0x0  }
0xa1: {  	[sflag:s22] =	ssyncadd.s32 s5;
	_ =	sdelay $0x1  }
0xa2: {  	s23 =	simm.s32 $0x1B8B  }
0xa3: {  	_ =	swait.ge [sflag:s23], $0x1  }
0xa4: {  	[sflag:s23] =	ssyncset.done $0x0  }
0xa5: {  	s25 =	simm.s32 $0x1B8E;
	s24 =	sld [smem:$0x3FFE];
	[sflag:s23] =	ssyncadd.s32 $0xFFFFFFFF  }
0xa6: {  	s26 =	simm.s32 $execute0_lowered;
	[smem:$0x3FD2] =	sst s25  }
0xa7: {  	s6 =	sshll.u32 s26, $0x1;
	_ =	strace $0x80000046;
	[dreg:$0x1] =	wrdreg $0xFFFFFFFF  }
0xa8: {  	s28 =	simm.s32 $_size_execute0_lowered;
	s4 =	sadd.s32 s4, s6;
	[dreg:$0x0] =	wrdreg $0x0  }
0xa9: {  	s6 =	sshll.u32 s28, $0x1;
	[dreg:$0x2] =	wrdreg s4  }
0xaa: {  	[dreg:$0x3] =	wrdreg s6  }
0xab: {  	[dreg:$0x4] =	wrdreg $0xC0  }
0xac: {  	_ =	task [dreg:s8], $0x5FFFF  }
0xad: {  	[dreg:$0x1] =	wrdreg $0xFFFFFFFF  }
0xae: {  	[dreg:$0x0] =	wrdreg $0x60  }
0xaf: {  	[dreg:$0x2] =	wrdreg s2  }
0xb0: {  	[dreg:$0x3] =	wrdreg s18  }
0xb1: {  	[dreg:$0x4] =	wrdreg s24  }
0xb2: {  	[dreg:$0x5] =	wrdreg $0x9  }
0xb3: {  	_ =	task.clear_ibuf [dreg:s8], $0x6FFFF;
	_ =	strace $0x90000046  }
0xb4: {  	s29 =	simm.s32 $0x9;
	_ =	strace $0x80000048  }
0xb5: {  	_ =	swait.ge [sflag:s29], $0x1  }
0xb6: {  	[sflag:s29] =	ssyncadd.s32 $0xFFFFFFFF  }
0xb7: {  	_ =	strace $0x90000048  }
0xb8: {  	_ =	sfence  }
0xb9: {  	s30 =	sld [smem:$0x0];
	_ =	sdelay $0x2  }
0xba: {  	s31 =	sshll.u32 s1, $0xD;
	s1 =	sshrl.u32 s1, $0x2  }
0xbb: {  	s3 =	sand.u32 $0x4000, s31;
	s1 =	sadd.s32 s1, s30  }
0xbc: {  	s0 =	sor.u32 s3, s0;
	s1 =	sshll.u32 s1, $0x11  }
0xbd: {  	s0 =	sor.u32 s1, s0  }
0xbe: {  	s0 =	sadd.s32 $0x8F2B, s0  }
0xbf: {  	[sflag:s0] =	ssyncadd.remote.s32 $0x1  }
0xc0: {  	_ =	sfence.sel $0xFFFF  }
0xc1: {  	[dreg:$0x0] =	wrdreg $0xFFFFFFFF;
	(pc) =	sbr.abs _section_cstart, $3  }
0xc2: {  	[dreg:$0x1] =	wrdreg $0xFFFFFFFF  }
0xc3: {  	_ =	task.clear_ibuf [dreg:s8], $0x2FFFF;
	_ =	strace $0x9FFFFFFF  }
0xc4: {  	(tm) =	ssettm $0x7FFFFFFF  }
0xc5: {  	_ =	shalt  }
tec
execute0_lowered:
.L_overlay_start_1:
0x0: {  	(tag) =	ssettag $0x1  }
0x1: {  	s0 =	srdreg.scid;
	s2 =	rddreg [dreg:$0x1]  }
0x2: {  	s4 =	simm.s32 $0x1;
	s7 =	rddreg [dreg:$0x2];
	s14 =	simm.s32 $0x200  }
0x3: {  	s15 =	simm.s32 $0x400;
	s16 =	simm.s32 $0x1000;
	s6 =	sand.u32 $0x1, s0  }
0x4: {  	v0 =	vimm.s32 $0x76543210;
	v1 =	vimm.s32 $0xFEDCBA98;
	v2 =	vimm.s32 $0x3210FEDC;
	s17 =	simm.s32 $0x2;
	s0 =	stileid.u32;
	s1 =	sshll.u32 s6, $0x4  }
0x5: {  	v3 =	vimm.s32 $0xBA987654;
	v4 =	vimm.s32 $0x10FEDCBA;
	v5 =	vimm.s32 $0x98765432;
	s18 =	simm.s32 $0x80;
	s5 =	sand.u32 $0x7, s0;
	s3 =	sor.u32 s0, s1  }
0x6: {  	v6 =	vimm.s32 $0xFEDCBA9;
	v7 =	vimm.s32 $0x87654321;
	s19 =	simm.s32 $0x4000;
	p1 =	sne.s32 s5, $0x0;
	p0 =	seq.s32 s3, $0x0  }
0x7: {  	vm0 =	vmmov $0x1;
	vm1 =	vmmov $0x3;
	vm2 =	vmmov $0x7;
	s20 =	simm.s32 $0x0;
	s28 =	sshll.u32 s0, $0x12;
	p0 =	por !p1, !p0  }
0x8: {  	vm3 =	vmmov $0xf;
	vm4 =	vmmov $0x1f;
	v0 =	vunpack.c.l.s4.s8 v0;
	s29 =	ssub.s32 $0x2, s6;
	s1 =	rddreg [dreg:$0x0];
	p0 =	por !p0, !p0  }
0x9: {  	v1 =	vunpack.c.l.s4.s8 v1;
	v2 =	vunpack.c.l.s4.s8 v2;
	v3 =	vunpack.c.l.s4.s8 v3;
	s5 =	sshll.u32 s5, $0xD;
	s3 =	sshrl.u32 s3, $0x3;
	s4 =	simm.s32 @!p0 $0x0  }
0xa: {  	v4 =	vunpack.c.l.s4.s8 v4;
	v5 =	vunpack.c.l.s4.s8 v5;
	v6 =	vunpack.c.l.s4.s8 v6;
	s30 =	sshrl.u32 s29, $0x1;
	s6 =	sadd.s32 $0x40, s1;
	s8 =	ssub.s32 s3, s4  }
0xb: {  	v7 =	vunpack.c.l.s4.s8 v7;
	v2 =	vunpack.c.0.s8.s32 v2;
	v1 =	vunpack.c.0.s8.s32 v1;
	s13 =	ssub.s32 s29, s30;
	s4 =	simm.s32 $0x0;
	s9 =	sshll.u32 s8, $0xE  }
0xc: {  	v3 =	vunpack.c.0.s8.s32 v3;
	v4 =	vunpack.c.0.s8.s32 v4;
	v0 =	vunpack.c.0.s8.s32 v0;
	s10 =	sshll.u32 s8, $0x7;
	[smem:$0x7FF] =	sst s4;
	s8 =	sshll.u32 s8, $0x17  }
0xd: {  	v5 =	vunpack.c.0.s8.s32 v5;
	v6 =	vunpack.c.0.s8.s32 v6;
	v1 =	vand.u32 $0xF, v1;
	s9 =	sand.u32 $0xFFFF0000, s9;
	s10 =	sand.u32 $0x180, s10;
	_ =	strace $0x80000047  }
0xe: {  	v7 =	vunpack.c.0.s8.s32 v7;
	v2 =	vcombine.low v3, v2;
	v0 =	vcombine.low v1, v0;
	s11 =	sor.u32 s8, s28;
	s9 =	sor.u32 s5, s9;
	s5 =	simm.s32 $0x1  }
.Ltmp0:
0xf: {  	vm5 =	vmmov $0x3f;
	vm6 =	vmmov $0x7f;
	v59 =	vcombine.low v5, v4;
	s31 =	sor.u32 $0x600000, s11;
	s9 =	sor.u32 s10, s9;
	(pc) =	sbr.rel .LBB2_1-.Ltmp0, $4  }
0x10: {  	vm7 =	vmmov $0xff;
	v60 =	vcombine.low v7, v6;
	v61 =	vand.u32 $0xF, v2;
	[tilespmem:$0x1FFC0] =	vst v0;
	s10 =	sshrl.u32 s11, $0x3;
	s12 =	sshrl.u32 s31, $0x3;
	s9 =	sshrl.u32 s9, $0x3  }
0x11: {  	vm8 =	vmmov $0x1ff;
	vm9 =	vmmov $0x3ff;
	v62 =	vand.u32 $0xF, v59;
	[tilespmem:$0x1FFD0] =	vst v61;
	s11 =	sor.u32 $0x602000, s11;
	s10 =	sor.u32 $0xC0000, s10;
	s9 =	sadd.s32 s9, s7  }
0x12: {  	vm10 =	vmmov $0x7ff;
	vm11 =	vmmov $0xfff;
	v63 =	vand.u32 $0xF, v60;
	[tilespmem:$0x1FFE0] =	vst v62;
	s7 =	sadd.s32 s1, s12;
	s8 =	sadd.s32 s10, s6;
	s10 =	smax.u32 s13, $0x1  }
0x13: {  	vm12 =	vmmov $0x1fff;
	vm13 =	vmmov $0x3fff;
	vm14 =	vmmov $0x7fff;
	[tilespmem:$0x1FFF0] =	vst v63;
	s12 =	simm.s32 $0x2000;
	s13 =	simm.s32 $0x3;
	s9 =	sadd.s32 $0x1200, s9  }
.LBB2_8:
0x14: {  	s20 =	sadd.s32 $0x1, s20  }
0x15: {  	p0 =	sne.s32 s20, s10  }
.Ltmp1:
0x16: {  	_ = 	snop;
	(pc) =	sbr.rel @!p0 .LBB2_9-.Ltmp1, $4  }
0x17: {  	[hbm4b:s9+s18] =	stream.strided.scatter [tilespmem:s19], [sflag:$0x3], $0x800, s14, s18, $0x38;
	[tilespmem:$0x4800] =	vst v63  }
0x18: {  	_ =	swait.ge [sflag:s13], $0x800  }
0x19: {  	[sflag:s13] =	ssyncset.done $0x0  }
0x1a: {  	[sflag:s13] =	ssyncadd.s32 $0xFFFFF800  }
.LBB2_1:
0x1b: {  	[tilespmem:s12], [sflag:$0x3] =	stream.linear.gather [hbm4b:s2+s4], $0x2000, $0x38;
	[tilespmem:$0x4800] =	vst v63  }
0x1c: {  	_ =	swait.ge [sflag:s13], $0x2000  }
0x1d: {  	[sflag:s13] =	ssyncset.done $0x0  }
0x1e: {  	[sflag:s13] =	ssyncadd.s32 $0xFFFFE000  }
0x1f: {  	[tilespmem:s4], [sflag:$0x1] =	stream.strided.gather [hbm4b:s7+s14], $0x1000, s15, s14, $0x38;
	[tilespmem:$0x4800] =	vst v63  }
0x20: {  	s21 =	simm.s32 $0x0  }
0x21: {  	[tilespmem:s16], [sflag:$0x2] =	stream.strided.gather [hbm4b:s8+s14], $0x1000, s15, s14, $0x38;
	[tilespmem:$0x4800] =	vst v63  }
.LBB2_2:
0x22: {  	_ =	swait.ge [sflag:s5], $0x1000;
	s22 =	simm.s32 $0x0  }
0x23: {  	s23 =	simm.s32 $0x0;
	s24 =	simm.s32 $0x0;
	[sflag:s5] =	ssyncset.done $0x0  }
0x24: {  	s29 =	sand.u32 $0x40, s22;
	s23 =	sand.u32 $0x3FFFFC00, s23;
	s25 =	sand.u32 $0x3FFFFE00, s24  }
0x25: {  	s28 =	sor.u32 $0x30, s29;
	[sflag:s5] =	ssyncadd.s32 $0xFFFFF000;
	s3 =	sor.u32 s29, s25  }
0x26: {  	s30 =	sadd.s32 $0x2000, s23;
	s26 =	sor.u32 s28, s25;
	v31 =	vld [tilespmem:s3+$0x0]  }
0x27: {  	s23 =	sor.u32 s28, s30;
	v10 =	vld [tilespmem:s26+$0x0]  }
0x28: {  	v17 =	vld [tilespmem:s23+$0x0]  }
0x29: {  	v13 =	vld [tilespmem:s23+$0x80]  }
0x2a: {  	v11 =	vld [tilespmem:s23+$0x100]  }
0x2b: {  	v9 =	vld [tilespmem:s23+$0x180]  }
0x2c: {  	v8 =	vld [tilespmem:s23+$0x200]  }
0x2d: {  	v21 =	vld [tilespmem:s23+$0x280]  }
0x2e: {  	v5 =	vld [tilespmem:s23+$0x300]  }
0x2f: {  	v20 =	vld [tilespmem:s23+$0x380]  }
0x30: {  	s31 =	sor.u32 $0x20, s29;
	v19 =	vld [tilespmem:s26+$0x80]  }
0x31: {  	s24 =	sor.u32 s31, s25;
	v18 =	vld [tilespmem:s26+$0x100]  }
0x32: {  	s28 =	sor.u32 s31, s30;
	v26 =	vld [tilespmem:s24+$0x0]  }
0x33: {  	v1 =	vld [tilespmem:s28+$0x0]  }
0x34: {  	v14 =	vld [tilespmem:s28+$0x80]  }
0x35: {  	v2 =	vld [tilespmem:s28+$0x100]  }
0x36: {  	s31 =	sor.u32 $0x10, s29;
	s29 =	sor.u32 s29, s30;
	v4 =	vld [tilespmem:s28+$0x180]  }
0x37: {  	v15 =	vld [tilespmem:s29+$0x80];
	v27 =	vmul.f32 v10, v17;
	v28 =	vmul.f32 v10, v13  }
0x38: {  	v16 =	vld [tilespmem:s29+$0x100];
	v40 =	vmul.f32 v10, v11;
	v41 =	vmul.f32 v10, v9  }
0x39: {  	s25 =	sor.u32 s31, s25;
	v44 =	vld [tilespmem:s29+$0x180];
	v46 =	vmul.f32 v10, v8;
	v47 =	vmul.f32 v10, v21  }
0x3a: {  	s31 =	sor.u32 s31, s30;
	v45 =	vld [tilespmem:s25+$0x0];
	v48 =	vmul.f32 v10, v5;
	v49 =	vmul.f32 v10, v20  }
0x3b: {  	v12 =	vld [tilespmem:s31+$0x0];
	v50 =	vmul.f32 v19, v17;
	v51 =	vmul.f32 v19, v13  }
0x3c: {  	v7 =	vld [tilespmem:s31+$0x80];
	v52 =	vmul.f32 v19, v11;
	v53 =	vmul.f32 v19, v9  }
0x3d: {  	v10 =	vld [tilespmem:s29+$0x0];
	v25 =	vmul.f32 v19, v8;
	v23 =	vmul.f32 v19, v21  }
0x3e: {  	v43 =	vld [tilespmem:s31+$0x180];
	v24 =	vmul.f32 v19, v5;
	v22 =	vmul.f32 v19, v20  }
0x3f: {  	v6 =	vld [tilespmem:s28+$0x200];
	v3 =	vmul.f32 v18, v17;
	v30 =	vmul.f32 v26, v1  }
0x40: {  	v42 =	vld [tilespmem:s31+$0x100];
	v55 =	vmul.f32 v26, v4;
	v33 =	vmul.f32 v31, v15  }
0x41: {  	v38 =	vld [tilespmem:s29+$0x200];
	v56 =	vmul.f32 v31, v16;
	v57 =	vmul.f32 v31, v44  }
0x42: {  	v0 =	vimm.f32 $0.0e+00;
	v34 =	vld [tilespmem:s29+$0x280];
	v29 =	vmul.f32 v45, v12;
	v19 =	vmul.f32 v31, v10  }
0x43: {  	v39 =	vld [tilespmem:s29+$0x300];
	v35 =	vmul.f32 v45, v7;
	v61 =	vmul.f32 v45, v43;
	v57 =	vadd.f32 v57, v0  }
0x44: {  	v37 =	vld [tilespmem:s31+$0x200];
	[tilespmem:$0x1FF80] =	vst v3;
	v3 =	vmul.f32 v18, v13;
	v59 =	vadd.f32 v33, v0;
	v58 =	vadd.f32 v19, v0  }
0x45: {  	v32 =	vld [tilespmem:s31+$0x280];
	v60 =	vmul.f32 v45, v42;
	v56 =	vadd.f32 v56, v0;
	v57 =	vadd.f32 v61, v57  }
0x46: {  	v36 =	vmul.f32 v26, v14;
	v33 =	vld [tilespmem:s29+$0x380];
	v59 =	vadd.f32 v35, v59;
	v58 =	vadd.f32 v29, v58  }
0x47: {  	v54 =	vmul.f32 v26, v2;
	v56 =	vadd.f32 v60, v56;
	v35 =	vld [tilespmem:s31+$0x300];
	v55 =	vadd.f32 v55, v57  }
0x48: {  	[tilespmem:$0x1FFA0] =	vst v3;
	v3 =	vmov v1;
	v1 =	vld [tilespmem:s28+$0x300];
	v59 =	vadd.f32 v36, v59;
	v58 =	vadd.f32 v30, v58  }
0x49: {  	v36 =	vld [tilespmem:s31+$0x380];
	v54 =	vadd.f32 v54, v56;
	v56 =	vmul.f32 v31, v34;
	v41 =	vadd.f32 v41, v55  }
0x4a: {  	v62 =	vmul.f32 v26, v6;
	v63 =	vmul.f32 v45, v37;
	v19 =	vld [tilespmem:s28+$0x280];
	v27 =	vadd.f32 v27, v58  }
0x4b: {  	v60 =	vmul.f32 v45, v32;
	v61 =	vmul.f32 v31, v38;
	[tilespmem:$0x1FF30] =	vst v41;
	v41 =	vadd.f32 v56, v0;
	v30 =	vld [tilespmem:s28+$0x380]  }
0x4c: {  	v40 =	vadd.f32 v40, v54;
	v54 =	vld [tilespmem:s25+$0x80];
	[tilespmem:$0x1FF00] =	vst v27;
	v27 =	vadd.f32 v28, v59;
	v28 =	vmul.f32 v31, v39  }
0x4d: {  	v41 =	vadd.f32 v60, v41;
	v59 =	vadd.f32 v61, v0;
	v31 =	vmul.f32 v31, v33  }
0x4e: {  	v55 =	vld [tilespmem:s3+$0x80];
	v60 =	vmul.f32 v26, v1;
	v61 =	vmul.f32 v45, v35;
	v28 =	vadd.f32 v28, v0  }
0x4f: {  	[tilespmem:$0x1FF20] =	vst v40;
	v45 =	vmul.f32 v45, v36;
	v40 =	vadd.f32 v63, v59;
	v31 =	vadd.f32 v31, v0  }
0x50: {  	v63 =	vmul.f32 v26, v19;
	v26 =	vmul.f32 v26, v30;
	v28 =	vadd.f32 v61, v28  }
0x51: {  	[tilespmem:$0x1FF10] =	vst v27;
	v27 =	vld [tilespmem:s24+$0x80];
	v59 =	vmul.f32 v54, v42;
	v31 =	vadd.f32 v45, v31;
	v40 =	vadd.f32 v62, v40  }
0x52: {  	v61 =	vmul.f32 v54, v12;
	v41 =	vadd.f32 v63, v41;
	v62 =	vmul.f32 v54, v7  }
0x53: {  	v63 =	vmul.f32 v55, v10;
	v28 =	vadd.f32 v60, v28;
	v26 =	vadd.f32 v26, v31  }
0x54: {  	v31 =	vmul.f32 v55, v15;
	v29 =	vadd.f32 v46, v40;
	v46 =	vmul.f32 v55, v16  }
0x55: {  	v41 =	vadd.f32 v47, v41;
	v60 =	vmul.f32 v54, v43;
	v28 =	vadd.f32 v48, v28  }
0x56: {  	v47 =	vmul.f32 v54, v37;
	v45 =	vmul.f32 v27, v3;
	v26 =	vadd.f32 v49, v26  }
0x57: {  	v56 =	vmul.f32 v27, v1;
	v31 =	vadd.f32 v31, v0;
	v40 =	vadd.f32 v46, v0;
	[tilespmem:$0x1FF60] =	vst v28  }
0x58: {  	v57 =	vld [tilespmem:s24+$0x100];
	v46 =	vmul.f32 v27, v6;
	v28 =	vmul.f32 v55, v44;
	[tilespmem:$0x1FF70] =	vst v26;
	v26 =	vadd.f32 v63, v0  }
0x59: {  	v31 =	vadd.f32 v62, v31;
	v62 =	vmul.f32 v27, v2;
	v40 =	vadd.f32 v59, v40  }
0x5a: {  	v48 =	vmul.f32 v54, v32;
	v49 =	vmul.f32 v55, v38;
	v28 =	vadd.f32 v28, v0  }
0x5b: {  	v26 =	vadd.f32 v61, v26;
	v61 =	vmul.f32 v27, v14;
	v40 =	vadd.f32 v62, v40  }
0x5c: {  	v63 =	vmul.f32 v27, v4;
	v62 =	vadd.f32 v49, v0;
	v28 =	vadd.f32 v60, v28  }
0x5d: {  	v49 =	vmul.f32 v57, v3;
	v26 =	vadd.f32 v45, v26;
	v31 =	vadd.f32 v61, v31  }
0x5e: {  	v45 =	vmul.f32 v27, v19;
	v58 =	vadd.f32 v52, v40;
	v40 =	vadd.f32 v47, v62  }
0x5f: {  	v52 =	vmul.f32 v54, v35;
	v60 =	vadd.f32 v50, v26;
	v26 =	vmul.f32 v55, v34  }
0x60: {  	v27 =	vmul.f32 v27, v30;
	v61 =	vadd.f32 v51, v31;
	v31 =	vmul.f32 v55, v39  }
0x61: {  	v28 =	vadd.f32 v63, v28;
	v63 =	vmul.f32 v55, v33;
	v26 =	vadd.f32 v26, v0  }
0x62: {  	[tilespmem:$0x1FFB0] =	vst v6;
	v47 =	vmul.f32 v57, v2;
	v50 =	vld [tilespmem:s25+$0x100];
	v40 =	vadd.f32 v46, v40;
	v31 =	vadd.f32 v31, v0  }
0x63: {  	[tilespmem:$0x1FF50] =	vst v41;
	v55 =	vmul.f32 v54, v36;
	v41 =	vadd.f32 v63, v0;
	v26 =	vadd.f32 v48, v26;
	v48 =	vld [tilespmem:s3+$0x100]  }
0x64: {  	v6 =	vmovc v3;
	v46 =	vmul.f32 v57, v14;
	v53 =	vadd.f32 v53, v28;
	v31 =	vadd.f32 v52, v31  }
0x65: {  	v3 =	vmovc v14;
	v14 =	vmul.f32 v18, v21;
	v41 =	vadd.f32 v55, v41;
	v55 =	vadd.f32 v25, v40  }
0x66: {  	v28 =	vmovc v5;
	v5 =	vmul.f32 v18, v11;
	v26 =	vadd.f32 v45, v26;
	v31 =	vadd.f32 v56, v31  }
0x67: {  	v59 =	vmul.f32 v50, v12;
	v62 =	vmul.f32 v50, v7;
	v27 =	vadd.f32 v27, v41  }
0x68: {  	v54 =	vadd.f32 v23, v26;
	v52 =	vadd.f32 v24, v31;
	v63 =	vmul.f32 v48, v10  }
0x69: {  	v51 =	vadd.f32 v22, v27;
	v25 =	vmul.f32 v48, v15;
	v23 =	vmul.f32 v48, v16  }
0x6a: {  	v26 =	vmul.f32 v50, v42;
	v31 =	vld [tilespmem:s26+$0x180];
	v24 =	vmul.f32 v48, v44;
	v22 =	vadd.f32 v63, v0  }
0x6b: {  	v27 =	vmul.f32 v50, v43;
	v25 =	vadd.f32 v25, v0;
	v23 =	vadd.f32 v23, v0  }
0x6c: {  	v24 =	vadd.f32 v24, v0;
	v0 =	vld [tilespmem:$0x1FF80];
	v63 =	vmul.f32 v18, v28;
	v22 =	vadd.f32 v59, v22  }
0x6d: {  	v25 =	vadd.f32 v62, v25;
	v23 =	vadd.f32 v26, v23;
	v26 =	vmul.f32 v57, v4  }
0x6e: {  	v24 =	vadd.f32 v27, v24;
	v59 =	vmul.f32 v18, v9;
	v27 =	vmul.f32 v18, v8  }
0x6f: {  	v45 =	vmul.f32 v31, v17;
	v17 =	vmul.f32 v48, v34;
	v22 =	vadd.f32 v49, v22  }
0x70: {  	v62 =	vmul.f32 v31, v9;
	v9 =	vmul.f32 v48, v33;
	v23 =	vadd.f32 v47, v23  }
0x71: {  	v41 =	vmul.f32 v31, v8;
	v24 =	vadd.f32 v26, v24;
	v40 =	vadd.f32 v0, v22  }
0x72: {  	[tilespmem:$0x1FF40] =	vst v29;
	v0 =	vmul.f32 v18, v20;
	v18 =	vmul.f32 v48, v38;
	v47 =	vadd.f32 v5, v23  }
0x73: {  	v26 =	vmovc v20;
	v29 =	vadd.f32 v59, v24;
	v20 =	vmul.f32 v50, v37;
	v24 =	vmul.f32 v31, v13  }
0x74: {  	v5 =	vimm.f32 $0.0e+00;
	v59 =	vmul.f32 v31, v11;
	v11 =	vmul.f32 v48, v39  }
0x75: {  	v56 =	vmovc v2;
	v49 =	vld [tilespmem:s24+$0x180];
	v13 =	vadd.f32 v17, v5;
	v17 =	vmul.f32 v50, v32;
	v2 =	vadd.f32 v9, v5  }
0x76: {  	v9 =	vmul.f32 v50, v36;
	v8 =	vadd.f32 v11, v5;
	v11 =	vmul.f32 v50, v35;
	v50 =	vld [tilespmem:$0x1FFB0]  }
0x77: {  	[tilespmem:$0x1FF90] =	vst v0;
	v0 =	vld [tilespmem:$0x1FFA0]  }
0x78: {  	v25 =	vadd.f32 v46, v25;
	v48 =	vmul.f32 v31, v21;
	v18 =	vadd.f32 v18, v5  }
0x79: {  	v22 =	vmul.f32 v57, v1;
	v23 =	vmul.f32 v57, v30;
	v13 =	vadd.f32 v17, v13  }
0x7a: {  	v21 =	vadd.f32 v9, v2;
	v9 =	vld [tilespmem:s3+$0x180];
	v2 =	vmul.f32 v49, v6;
	v18 =	vadd.f32 v20, v18  }
0x7b: {  	v8 =	vadd.f32 v11, v8;
	v20 =	vmul.f32 v57, v19;
	v11 =	vld [tilespmem:s25+$0x180];
	v17 =	vmul.f32 v57, v50  }
0x7c: {  	v46 =	vadd.f32 v0, v25;
	v25 =	vmovc v1;
	v1 =	vmul.f32 v49, v3;
	v0 =	vmul.f32 v49, v56  }
0x7d: {  	v8 =	vadd.f32 v22, v8;
	v57 =	vmul.f32 v49, v4;
	v22 =	vmul.f32 v49, v50  }
0x7e: {  	v50 =	vmul.f32 v49, v19;
	v3 =	vadd.f32 v23, v21;
	v21 =	vimm.f32 $0.0e+00  }
0x7f: {  	v19 =	vimm.f32 $0.0e+00;
	v10 =	vmul.f32 v9, v10;
	v17 =	vadd.f32 v17, v18  }
0x80: {  	v18 =	vadd.f32 v20, v13;
	v6 =	vmul.f32 v11, v12;
	v7 =	vmul.f32 v11, v7  }
0x81: {  	v12 =	vmul.f32 v9, v15;
	v13 =	vmul.f32 v9, v16;
	v15 =	vimm.f32 $0.0e+00  }
0x82: {  	v16 =	vimm.f32 $0.0e+00;
	v20 =	vimm.f32 $0.0e+00;
	v27 =	vadd.f32 v27, v17  }
0x83: {  	s23 =	simm.s32 $0x1;
	v56 =	vadd.f32 v14, v18;
	v17 =	vimm.f32 $0.0e+00;
	v18 =	vimm.f32 $0.0e+00  }
.LBB2_3:
0x84: {  	v4 =	vadd.f32 v63, v8;
	_ =	sdelay $0x1  }
0x85: {  	[tilespmem:$0x1FE20] =	vst v4;
	v4 =	vld [tilespmem:$0x1FF90];
	_ =	sdelay $0x4  }
0x86: {  	v3 =	vadd.f32 v4, v3;
	_ =	sdelay $0x1  }
0x87: {  	v14 =	vmul.f32 v9, v44;
	[tilespmem:$0x1FE40] =	vst v3;
	v3 =	vadd.f32 v10, v5  }
0x88: {  	v8 =	vadd.f32 v12, v15;
	v12 =	vadd.f32 v13, v21;
	v10 =	vmul.f32 v11, v42  }
0x89: {  	v13 =	vadd.f32 v14, v16;
	v3 =	vadd.f32 v6, v3  }
0x8a: {  	v14 =	vmul.f32 v11, v43;
	v6 =	vadd.f32 v7, v8;
	v8 =	vadd.f32 v10, v12;
	_ =	sdelay $0x1  }
0x8b: {  	v10 =	vadd.f32 v14, v13;
	v0 =	vadd.f32 v0, v8  }
0x8c: {  	v7 =	vmul.f32 v11, v37;
	v2 =	vadd.f32 v2, v3  }
0x8d: {  	v13 =	vmul.f32 v9, v38;
	v8 =	vadd.f32 v57, v10;
	v0 =	vadd.f32 v59, v0  }
0x8e: {  	v1 =	vadd.f32 v1, v6;
	v6 =	vmul.f32 v9, v34;
	v2 =	vadd.f32 v45, v2  }
0x8f: {  	s22 =	sadd.s32 $0x40, s22;
	s24 =	sshll.u32 s23, $0x9;
	v14 =	vmul.f32 v9, v39;
	[tilespmem:$0x1FCA0] =	vst v0;
	v0 =	vadd.f32 v62, v8;
	v8 =	vadd.f32 v13, v19  }
0x90: {  	s25 =	sshll.u32 s23, $0x8;
	s26 =	sand.u32 $0x40, s22;
	s24 =	sand.u32 $0x3FFFFC00, s24;
	v12 =	vmul.f32 v11, v32;
	v6 =	vadd.f32 v6, v20;
	[tilespmem:$0x1FEF0] =	vst v2;
	v2 =	vmul.f32 v9, v33  }
0x91: {  	s25 =	sand.u32 $0x3FFFFE00, s25;
	s29 =	sor.u32 $0x30, s26;
	s28 =	sadd.s32 $0x2000, s24;
	v14 =	vadd.f32 v14, v17;
	v9 =	vmul.f32 v11, v35;
	v7 =	vadd.f32 v7, v8  }
0x92: {  	s3 =	sor.u32 s29, s25;
	s29 =	sor.u32 s29, s28;
	v11 =	vmul.f32 v11, v36;
	v6 =	vadd.f32 v12, v6;
	v2 =	vadd.f32 v2, v18  }
0x93: {  	v15 =	vld [tilespmem:s29+$0x200];
	v9 =	vadd.f32 v9, v14;
	v14 =	vadd.f32 v22, v7  }
0x94: {  	v3 =	vld [tilespmem:s3+$0x0];
	v8 =	vmul.f32 v49, v25;
	v2 =	vadd.f32 v11, v2;
	v11 =	vmul.f32 v49, v30  }
0x95: {  	[tilespmem:$0x1FC30] =	vst v53;
	v17 =	vld [tilespmem:s3+$0x80];
	v6 =	vadd.f32 v50, v6;
	v4 =	vadd.f32 v41, v14  }
0x96: {  	[tilespmem:$0x1FE90] =	vst v0;
	v0 =	vld [tilespmem:s29+$0x100];
	v8 =	vadd.f32 v8, v9;
	v9 =	vmul.f32 v31, v26;
	v2 =	vadd.f32 v11, v2  }
0x97: {  	v16 =	vmul.f32 v31, v28;
	v12 =	vld [tilespmem:s29+$0x280];
	[tilespmem:$0x1FE30] =	vst v4;
	v4 =	vadd.f32 v48, v6  }
0x98: {  	[tilespmem:$0x1FC90] =	vst v54;
	v13 =	vld [tilespmem:s29+$0x180];
	v2 =	vadd.f32 v9, v2  }
0x99: {  	v54 =	vld [tilespmem:s29+$0x300];
	[tilespmem:$0x1FD40] =	vst v4;
	v4 =	vadd.f32 v16, v8  }
0x9a: {  	[tilespmem:$0x1FE50] =	vst v2;
	v2 =	vmul.f32 v3, v15  }
0x9b: {  	v53 =	vld [tilespmem:s29+$0x380];
	[tilespmem:$0x1FEC0] =	vst v4;
	v4 =	vmul.f32 v17, v0  }
0x9c: {  	[tilespmem:$0x1FBE0] =	vst v2;
	v2 =	vmul.f32 v3, v12  }
0x9d: {  	[tilespmem:$0x1FC70] =	vst v4;
	v4 =	vmul.f32 v17, v13  }
0x9e: {  	[tilespmem:$0x1FBF0] =	vst v2;
	v2 =	vmul.f32 v3, v54  }
0x9f: {  	[tilespmem:$0x1FC80] =	vst v4;
	v4 =	vmul.f32 v17, v15  }
0xa0: {  	[tilespmem:$0x1FC00] =	vst v2;
	v2 =	vmul.f32 v3, v53  }
0xa1: {  	v10 =	vld [tilespmem:s29+$0x0];
	[tilespmem:$0x1FCF0] =	vst v4;
	v4 =	vmul.f32 v17, v12  }
0xa2: {  	v1 =	vadd.f32 v24, v1;
	[tilespmem:$0x1FC10] =	vst v2;
	v2 =	vld [tilespmem:s3+$0x100]  }
0xa3: {  	[tilespmem:$0x1FD00] =	vst v4;
	v4 =	vmul.f32 v17, v54  }
0xa4: {  	[tilespmem:$0x1FE60] =	vst v1;
	v1 =	vld [tilespmem:s29+$0x80]  }
0xa5: {  	[tilespmem:$0x1FD10] =	vst v4;
	v4 =	vmul.f32 v17, v53  }
0xa6: {  	v31 =	vld [tilespmem:s3+$0x180]  }
0xa7: {  	[tilespmem:$0x1FD20] =	vst v4;
	v4 =	vmul.f32 v2, v10;
	_ =	sdelay $0x1  }
0xa8: {  	s30 =	sor.u32 $0x20, s26;
	[tilespmem:$0x1FDC0] =	vst v4;
	v4 =	vmul.f32 v2, v1  }
0xa9: {  	[tilespmem:$0x1FE10] =	vst v56;
	s31 =	sor.u32 s30, s28;
	v19 =	vmul.f32 v3, v0  }
0xaa: {  	v56 =	vld [tilespmem:s31+$0x180];
	[tilespmem:$0x1FDD0] =	vst v4;
	v4 =	vmul.f32 v2, v0;
	v0 =	vmul.f32 v31, v0  }
0xab: {  	v63 =	vld [tilespmem:s31+$0x300]  }
0xac: {  	v32 =	vld [tilespmem:s31+$0x0];
	[tilespmem:$0x1FD30] =	vst v0;
	v0 =	vmul.f32 v31, v13  }
0xad: {  	v57 =	vld [tilespmem:s31+$0x200];
	s29 =	sor.u32 s30, s25;
	[tilespmem:$0x1FDE0] =	vst v4;
	v4 =	vmul.f32 v2, v13  }
0xae: {  	v7 =	vmul.f32 v3, v10;
	v18 =	vmul.f32 v3, v1;
	[tilespmem:$0x1FC20] =	vst v0;
	v0 =	vld [tilespmem:s29+$0x80]  }
0xaf: {  	v59 =	vld [tilespmem:s31+$0x280];
	v20 =	vmul.f32 v3, v13;
	[tilespmem:$0x1FDF0] =	vst v4;
	v4 =	vmul.f32 v2, v15  }
0xb0: {  	v33 =	vld [tilespmem:s31+$0x80];
	v3 =	vmul.f32 v17, v10;
	v11 =	vmul.f32 v2, v54  }
0xb1: {  	v34 =	vld [tilespmem:s31+$0x100];
	[tilespmem:$0x1FED0] =	vst v4;
	v4 =	vmul.f32 v2, v12;
	v2 =	vmul.f32 v2, v53  }
0xb2: {  	v30 =	vld [tilespmem:s31+$0x380];
	[tilespmem:$0x1FC50] =	vst v3;
	v3 =	vmul.f32 v17, v1;
	v1 =	vmul.f32 v31, v1  }
0xb3: {  	v6 =	vmul.f32 v31, v10;
	[tilespmem:$0x1FF90] =	vst v2;
	v2 =	vmul.f32 v0, v57  }
0xb4: {  	v41 =	vmul.f32 v31, v12;
	[tilespmem:$0x1FC40] =	vst v1;
	v1 =	vld [tilespmem:s29+$0x100];
	v10 =	vmul.f32 v0, v32  }
0xb5: {  	v22 =	vmul.f32 v0, v33;
	[tilespmem:$0x1FCB0] =	vst v2;
	v2 =	vmul.f32 v0, v59  }
0xb6: {  	v21 =	vmul.f32 v0, v34;
	v12 =	vmul.f32 v0, v56  }
0xb7: {  	[tilespmem:$0x1FCC0] =	vst v2;
	v2 =	vmul.f32 v0, v63;
	v0 =	vmul.f32 v0, v30;
	_ =	sdelay $0x1  }
0xb8: {  	[tilespmem:$0x1FCE0] =	vst v0;
	v0 =	vmul.f32 v1, v32;
	_ =	sdelay $0x1  }
0xb9: {  	[tilespmem:$0x1FD80] =	vst v0;
	v0 =	vmul.f32 v1, v33;
	_ =	sdelay $0x1  }
0xba: {  	[tilespmem:$0x1FD90] =	vst v0;
	v0 =	vmul.f32 v1, v34;
	_ =	sdelay $0x1  }
0xbb: {  	[tilespmem:$0x1FDA0] =	vst v0;
	v0 =	vmul.f32 v1, v56  }
0xbc: {  	[tilespmem:$0x1FD70] =	vst v29;
	v29 =	vld [tilespmem:$0x1FF00];
	s24 =	sor.u32 s26, s25  }
0xbd: {  	v50 =	vld [tilespmem:s24+$0x0];
	[tilespmem:$0x1FDB0] =	vst v0;
	v0 =	vmul.f32 v1, v57  }
0xbe: {  	v49 =	vld [tilespmem:s29+$0x180];
	[tilespmem:$0x1FC60] =	vst v3  }
0xbf: {  	s3 =	sor.u32 $0x10, s26;
	s26 =	sor.u32 s26, s28;
	v3 =	vld [tilespmem:s29+$0x0];
	[tilespmem:$0x1FE70] =	vst v0;
	v0 =	vmul.f32 v1, v59  }
0xc0: {  	v45 =	vmul.f32 v31, v15;
	v15 =	vld [tilespmem:s26+$0x0]  }
0xc1: {  	v16 =	vld [tilespmem:s26+$0x80];
	[tilespmem:$0x1FE80] =	vst v0;
	v0 =	vmul.f32 v1, v63  }
0xc2: {  	v17 =	vld [tilespmem:s26+$0x100]  }
0xc3: {  	v8 =	vmul.f32 v49, v56;
	v44 =	vld [tilespmem:s26+$0x180];
	[tilespmem:$0x1FEA0] =	vst v0;
	v0 =	vmul.f32 v1, v30  }
0xc4: {  	[tilespmem:$0x1FD50] =	vst v46;
	s25 =	sor.u32 s3, s25;
	v24 =	vmul.f32 v3, v33;
	v46 =	vmul.f32 v3, v56;
	v56 =	vld [tilespmem:$0x1FF20]  }
0xc5: {  	s31 =	sor.u32 s3, s28;
	v26 =	vld [tilespmem:s25+$0x0];
	[tilespmem:$0x1FEB0] =	vst v0;
	v0 =	vmul.f32 v49, v33;
	v33 =	vmul.f32 v50, v15  }
0xc6: {  	[tilespmem:$0x1FE00] =	vst v27;
	v42 =	vld [tilespmem:s31+$0x100];
	v48 =	vmul.f32 v3, v59  }
0xc7: {  	v27 =	vmul.f32 v50, v17;
	v1 =	vmul.f32 v49, v59;
	v59 =	vmovc v40;
	v40 =	vadd.f32 v33, v29;
	v29 =	vld [tilespmem:$0x1FF10]  }
0xc8: {  	v43 =	vld [tilespmem:s31+$0x180];
	v62 =	vmul.f32 v50, v16  }
0xc9: {  	v27 =	vadd.f32 v27, v56;
	v56 =	vld [tilespmem:$0x1FF30]  }
0xca: {  	[tilespmem:$0x1FD60] =	vst v47  }
0xcb: {  	v28 =	vmul.f32 v50, v44;
	v47 =	vmul.f32 v3, v57;
	[tilespmem:$0x1FCD0] =	vst v2  }
0xcc: {  	v2 =	vmul.f32 v49, v57;
	v57 =	vadd.f32 v62, v29;
	v62 =	vmovc v58;
	v58 =	vmul.f32 v26, v42  }
0xcd: {  	v25 =	vmul.f32 v3, v34;
	v13 =	vld [tilespmem:s31+$0x0]  }
0xce: {  	v28 =	vadd.f32 v28, v56;
	v29 =	vmovc v51;
	v51 =	vmul.f32 v26, v43;
	v27 =	vadd.f32 v58, v27  }
0xcf: {  	v14 =	vld [tilespmem:s31+$0x80]  }
0xd0: {  	v28 =	vadd.f32 v51, v28;
	v25 =	vadd.f32 v25, v27  }
0xd1: {  	v9 =	vmul.f32 v49, v32;
	v38 =	vld [tilespmem:s26+$0x200]  }
0xd2: {  	v39 =	vld [tilespmem:s26+$0x300];
	v35 =	vmul.f32 v26, v13;
	v27 =	vadd.f32 v46, v28;
	v19 =	vadd.f32 v19, v25  }
0xd3: {  	v37 =	vld [tilespmem:s31+$0x200];
	v23 =	vmul.f32 v3, v32;
	v5 =	vmul.f32 v3, v30  }
0xd4: {  	v36 =	vmul.f32 v26, v14;
	v32 =	vld [tilespmem:s31+$0x280];
	v40 =	vadd.f32 v35, v40;
	[tilespmem:$0x1FF20] =	vst v19;
	v19 =	vadd.f32 v20, v27  }
0xd5: {  	[tilespmem:$0x1FEE0] =	vst v4;
	v4 =	vmul.f32 v3, v63;
	v3 =	vmul.f32 v49, v34;
	v34 =	vld [tilespmem:s26+$0x280]  }
0xd6: {  	v23 =	vadd.f32 v23, v40;
	v57 =	vadd.f32 v36, v57;
	[tilespmem:$0x1FF30] =	vst v19;
	v19 =	vld [tilespmem:$0x1FF40]  }
0xd7: {  	v33 =	vld [tilespmem:s26+$0x380]  }
0xd8: {  	v7 =	vadd.f32 v7, v23;
	v24 =	vadd.f32 v24, v57;
	v20 =	vld [tilespmem:$0x1FF50]  }
0xd9: {  	v58 =	vmul.f32 v50, v38  }
0xda: {  	[tilespmem:$0x1FF00] =	vst v7;
	v7 =	vadd.f32 v18, v24  }
0xdb: {  	v56 =	vmovc v52;
	v52 =	vmul.f32 v26, v37;
	v40 =	vmul.f32 v50, v34;
	v19 =	vadd.f32 v58, v19  }
0xdc: {  	v46 =	vmul.f32 v50, v39;
	[tilespmem:$0x1FF10] =	vst v7;
	v7 =	vmul.f32 v50, v33;
	v50 =	vmovc v1;
	v1 =	vmov v0;
	v0 =	vld [tilespmem:$0x1FBE0]  }
0xdd: {  	v51 =	vmul.f32 v26, v32;
	v20 =	vadd.f32 v40, v20;
	v19 =	vadd.f32 v52, v19;
	_ =	sdelay $0x1  }
0xde: {  	v35 =	vld [tilespmem:s31+$0x300];
	v20 =	vadd.f32 v51, v20;
	v19 =	vadd.f32 v47, v19  }
0xdf: {  	v24 =	vld [tilespmem:$0x1FF60]  }
0xe0: {  	v20 =	vadd.f32 v48, v20;
	v48 =	vmovc v41;
	v41 =	vmovc v45;
	v45 =	vmov v6;
	v6 =	vadd.f32 v0, v19;
	v0 =	vld [tilespmem:$0x1FBF0];
	_ =	sdelay $0x2  }
0xe1: {  	v36 =	vld [tilespmem:s31+$0x380]  }
0xe2: {  	v23 =	vmul.f32 v26, v35;
	v25 =	vld [tilespmem:$0x1FF70];
	v24 =	vadd.f32 v46, v24  }
0xe3: {  	[tilespmem:$0x1FF40] =	vst v6;
	v6 =	vadd.f32 v0, v20;
	v0 =	vld [tilespmem:$0x1FC00]  }
0xe4: {  	v23 =	vadd.f32 v23, v24;
	_ =	sdelay $0x1  }
0xe5: {  	v4 =	vadd.f32 v4, v23  }
0xe6: {  	v7 =	vadd.f32 v7, v25;
	v25 =	vmul.f32 v26, v36  }
0xe7: {  	v4 =	vadd.f32 v0, v4;
	v0 =	vld [tilespmem:$0x1FC10]  }
0xe8: {  	v7 =	vadd.f32 v25, v7  }
0xe9: {  	v18 =	vld [tilespmem:s24+$0x80]  }
0xea: {  	v5 =	vadd.f32 v5, v7  }
0xeb: {  	v57 =	vld [tilespmem:s25+$0x80]  }
0xec: {  	[tilespmem:$0x1FF60] =	vst v4;
	v4 =	vadd.f32 v0, v5;
	v0 =	vld [tilespmem:$0x1FC30];
	_ =	sdelay $0x1  }
0xed: {  	v25 =	vmul.f32 v18, v15  }
0xee: {  	[tilespmem:$0x1FF50] =	vst v6;
	v6 =	vmul.f32 v18, v44  }
0xef: {  	v26 =	vmul.f32 v57, v13;
	[tilespmem:$0x1FF70] =	vst v4;
	v4 =	vadd.f32 v25, v60  }
0xf0: {  	v6 =	vadd.f32 v6, v0;
	v0 =	vld [tilespmem:$0x1FC50]  }
0xf1: {  	v4 =	vadd.f32 v26, v4  }
0xf2: {  	v27 =	vmul.f32 v18, v16  }
0xf3: {  	v4 =	vadd.f32 v10, v4  }
0xf4: {  	v24 =	vmul.f32 v57, v14;
	v5 =	vadd.f32 v27, v61  }
0xf5: {  	v60 =	vadd.f32 v0, v4;
	v0 =	vld [tilespmem:$0x1FC60]  }
0xf6: {  	v5 =	vadd.f32 v24, v5  }
0xf7: {  	v7 =	vmul.f32 v18, v17  }
0xf8: {  	v5 =	vadd.f32 v22, v5  }
0xf9: {  	v7 =	vadd.f32 v7, v62;
	v25 =	vmovc v63;
	v63 =	vmov v11;
	v11 =	vmul.f32 v57, v42  }
0xfa: {  	v61 =	vadd.f32 v0, v5;
	v0 =	vld [tilespmem:$0x1FC70]  }
0xfb: {  	v7 =	vadd.f32 v11, v7;
	_ =	sdelay $0x1  }
0xfc: {  	v7 =	vadd.f32 v21, v7  }
0xfd: {  	v19 =	vmul.f32 v57, v43  }
0xfe: {  	v58 =	vadd.f32 v0, v7;
	v0 =	vld [tilespmem:$0x1FC80]  }
0xff: {  	v6 =	vadd.f32 v19, v6;
	_ =	sdelay $0x1  }
0x100: {  	v6 =	vadd.f32 v12, v6;
	_ =	sdelay $0x1  }
0x101: {  	v26 =	vmov v53;
	v53 =	vadd.f32 v0, v6;
	v0 =	vld [tilespmem:$0x1FC90];
	_ =	sdelay $0x2  }
0x102: {  	v10 =	vmul.f32 v18, v34  }
0x103: {  	v19 =	vmul.f32 v18, v38  }
0x104: {  	v7 =	vadd.f32 v10, v0;
	v0 =	vmov v3;
	v3 =	vld [tilespmem:$0x1FCB0]  }
0x105: {  	v20 =	vmul.f32 v57, v37;
	v6 =	vadd.f32 v19, v55;
	_ =	sdelay $0x1  }
0x106: {  	v6 =	vadd.f32 v20, v6;
	_ =	sdelay $0x1  }
0x107: {  	v6 =	vadd.f32 v3, v6;
	v3 =	vld [tilespmem:$0x1FCC0]  }
0x108: {  	v11 =	vmul.f32 v57, v32;
	_ =	sdelay $0x1  }
0x109: {  	v7 =	vadd.f32 v11, v7  }
0x10a: {  	v21 =	vmul.f32 v18, v39  }
0x10b: {  	v7 =	vadd.f32 v3, v7;
	v3 =	vld [tilespmem:$0x1FCD0]  }
0x10c: {  	v4 =	vmul.f32 v18, v33;
	v18 =	vmul.f32 v57, v35;
	v19 =	vadd.f32 v21, v56;
	_ =	sdelay $0x1  }
0x10d: {  	v18 =	vadd.f32 v18, v19;
	_ =	sdelay $0x1  }
0x10e: {  	v22 =	vmov v2;
	v2 =	vmov v9;
	v9 =	vadd.f32 v3, v18;
	v3 =	vld [tilespmem:$0x1FCE0]  }
0x10f: {  	v4 =	vadd.f32 v4, v29;
	v21 =	vmul.f32 v57, v36;
	_ =	sdelay $0x1  }
0x110: {  	v4 =	vadd.f32 v21, v4;
	_ =	sdelay $0x1  }
0x111: {  	v4 =	vadd.f32 v3, v4;
	v3 =	vld [tilespmem:$0x1FCF0];
	_ =	sdelay $0x4  }
0x112: {  	v55 =	vadd.f32 v3, v6;
	v3 =	vld [tilespmem:$0x1FD00];
	_ =	sdelay $0x4  }
0x113: {  	v28 =	vmov v54;
	v54 =	vadd.f32 v3, v7;
	v3 =	vld [tilespmem:$0x1FD10];
	_ =	sdelay $0x4  }
0x114: {  	v52 =	vadd.f32 v3, v9;
	v3 =	vld [tilespmem:$0x1FD20];
	_ =	sdelay $0x2  }
0x115: {  	v5 =	vld [tilespmem:s24+$0x100];
	_ =	sdelay $0x1  }
0x116: {  	v51 =	vadd.f32 v3, v4;
	v3 =	vld [tilespmem:$0x1FD50];
	_ =	sdelay $0x2  }
0x117: {  	v57 =	vmov v8;
	v8 =	vmul.f32 v5, v16  }
0x118: {  	v23 =	vld [tilespmem:s25+$0x100]  }
0x119: {  	v7 =	vadd.f32 v8, v3;
	v3 =	vld [tilespmem:$0x1FD60];
	_ =	sdelay $0x2  }
0x11a: {  	v10 =	vmul.f32 v5, v17;
	_ =	sdelay $0x1  }
0x11b: {  	v8 =	vmul.f32 v23, v42;
	v9 =	vadd.f32 v10, v3;
	_ =	sdelay $0x1  }
0x11c: {  	v8 =	vadd.f32 v8, v9;
	v9 =	vld [tilespmem:$0x1FDA0]  }
0x11d: {  	v3 =	vld [tilespmem:$0x1FD70];
	_ =	sdelay $0x2  }
0x11e: {  	v6 =	vmul.f32 v5, v44  }
0x11f: {  	v8 =	vadd.f32 v9, v8;
	v9 =	vld [tilespmem:$0x1FDB0]  }
0x120: {  	v10 =	vmul.f32 v23, v43;
	v6 =	vadd.f32 v6, v3  }
0x121: {  	v20 =	vmul.f32 v5, v15  }
0x122: {  	v3 =	vld [tilespmem:$0x1FD80];
	v6 =	vadd.f32 v10, v6  }
0x123: {  	v11 =	vmul.f32 v23, v13;
	v4 =	vadd.f32 v20, v59  }
0x124: {  	v6 =	vadd.f32 v9, v6;
	v9 =	vld [tilespmem:$0x1FDC0]  }
0x125: {  	v4 =	vadd.f32 v11, v4;
	_ =	sdelay $0x1  }
0x126: {  	v4 =	vadd.f32 v3, v4;
	v3 =	vld [tilespmem:$0x1FD90]  }
0x127: {  	v19 =	vmul.f32 v23, v14  }
0x128: {  	v40 =	vadd.f32 v9, v4;
	v4 =	vld [tilespmem:$0x1FDD0]  }
0x129: {  	v7 =	vadd.f32 v19, v7;
	_ =	sdelay $0x1  }
0x12a: {  	v3 =	vadd.f32 v3, v7;
	_ =	sdelay $0x1  }
0x12b: {  	v46 =	vadd.f32 v4, v3;
	v4 =	vld [tilespmem:$0x1FDE0];
	_ =	sdelay $0x4  }
0x12c: {  	v47 =	vadd.f32 v4, v8;
	v4 =	vld [tilespmem:$0x1FDF0];
	_ =	sdelay $0x3  }
0x12d: {  	v62 =	vld [tilespmem:$0x1FC20]  }
0x12e: {  	v29 =	vadd.f32 v4, v6;
	v4 =	vld [tilespmem:$0x1FE00]  }
0x12f: {  	v6 =	vld [tilespmem:$0x1FE20]  }
0x130: {  	v24 =	vld [tilespmem:$0x1FC40];
	v18 =	vmul.f32 v5, v38;
	v19 =	vmul.f32 v5, v39  }
0x131: {  	v7 =	vmul.f32 v5, v34;
	v3 =	vmul.f32 v5, v33;
	v5 =	vld [tilespmem:$0x1FE10]  }
0x132: {  	v21 =	vld [tilespmem:$0x1FCA0]  }
0x133: {  	v11 =	vld [tilespmem:s25+$0x180]  }
0x134: {  	v12 =	vmul.f32 v23, v37;
	v4 =	vadd.f32 v18, v4;
	v8 =	vadd.f32 v19, v6;
	v6 =	vld [tilespmem:$0x1FE40]  }
0x135: {  	v59 =	vld [tilespmem:$0x1FD30]  }
0x136: {  	v5 =	vadd.f32 v7, v5;
	v7 =	vmul.f32 v23, v35;
	v4 =	vadd.f32 v12, v4;
	v12 =	vld [tilespmem:$0x1FE70]  }
0x137: {  	v9 =	vld [tilespmem:s24+$0x180]  }
0x138: {  	v8 =	vadd.f32 v7, v8;
	v7 =	vmul.f32 v11, v14;
	v14 =	vld [tilespmem:$0x1FED0]  }
0x139: {  	v3 =	vadd.f32 v3, v6;
	v6 =	vmul.f32 v11, v13;
	v13 =	vld [tilespmem:$0x1FEA0]  }
0x13a: {  	v20 =	vld [tilespmem:$0x1FD40];
	v10 =	vmul.f32 v23, v32  }
0x13b: {  	v4 =	vadd.f32 v12, v4;
	v12 =	vld [tilespmem:$0x1FE80]  }
0x13c: {  	v5 =	vadd.f32 v10, v5;
	v10 =	vmul.f32 v9, v15;
	v15 =	vld [tilespmem:$0x1FE60]  }
0x13d: {  	v27 =	vadd.f32 v14, v4;
	v4 =	vld [tilespmem:$0x1FEE0]  }
0x13e: {  	p0 =	sne.s32 s23, $0xF;
	v18 =	vmul.f32 v23, v36;
	v8 =	vadd.f32 v13, v8;
	v13 =	vld [tilespmem:$0x1FEB0]  }
.Ltmp2:
0x13f: {  	v19 =	vld [tilespmem:$0x1FE30];
	(pc) =	sbr.rel @p0 .LBB2_3-.Ltmp2, $4  }
0x140: {  	v3 =	vadd.f32 v18, v3;
	v18 =	vld [tilespmem:$0x1FE50];
	v5 =	vadd.f32 v12, v5  }
0x141: {  	v12 =	vmul.f32 v9, v16;
	v16 =	vld [tilespmem:$0x1FE90]  }
0x142: {  	v56 =	vadd.f32 v4, v5;
	v5 =	vld [tilespmem:$0x1FEF0]  }
0x143: {  	s23 =	sadd.s32 $0x1, s23;
	v3 =	vadd.f32 v13, v3;
	v13 =	vmul.f32 v9, v17;
	v17 =	vld [tilespmem:$0x1FEC0]  }
0x144: {  	v4 =	vld [tilespmem:$0x1FF90];
	_ =	sdelay $0x4  }
0x145: {  	v3 =	vadd.f32 v4, v3;
	v4 =	vadd.f32 v10, v5;
	v5 =	vmul.f32 v9, v44  }
0x146: {  	v14 =	vmul.f32 v11, v43;
	v10 =	vadd.f32 v12, v15  }
0x147: {  	v23 =	vld [tilespmem:$0x1FFC0];
	v12 =	vadd.f32 v13, v21;
	v13 =	vmul.f32 v11, v42;
	v5 =	vadd.f32 v5, v16  }
0x148: {  	v15 =	vld [tilespmem:$0x1FF00];
	v4 =	vadd.f32 v6, v4;
	v6 =	vadd.f32 v7, v10  }
0x149: {  	v7 =	vadd.f32 v13, v12;
	v5 =	vadd.f32 v14, v5  }
0x14a: {  	v12 =	vmul.f32 v9, v34;
	v16 =	vld [tilespmem:$0x1FF10];
	v2 =	vadd.f32 v2, v4;
	v1 =	vadd.f32 v1, v6  }
0x14b: {  	v10 =	vmul.f32 v11, v37;
	v0 =	vadd.f32 v0, v7;
	v5 =	vadd.f32 v57, v5  }
0x14c: {  	v4 =	vmul.f32 v9, v38;
	v12 =	vadd.f32 v12, v20;
	v6 =	vadd.f32 v24, v1;
	v24 =	vld [tilespmem:$0x1FFD0]  }
0x14d: {  	v1 =	vadd.f32 v59, v0;
	v0 =	vadd.f32 v62, v5;
	v5 =	vperm.xlane v15, v23  }
0x14e: {  	v14 =	vmul.f32 v11, v32;
	v7 =	vadd.f32 v45, v2;
	v2 =	vmul.f32 v9, v39  }
0x14f: {  	v4 =	vadd.f32 v4, v19;
	v13 =	vperm.xlane v16, v23;
	v5 =	vadd.f32 v5, v15  }
0x150: {  	v9 =	vmul.f32 v9, v33;
	v12 =	vadd.f32 v14, v12;
	v14 =	vmul.f32 v49, v25;
	v25 =	vld [tilespmem:$0x1FFE0]  }
0x151: {  	v19 =	vld [tilespmem:$0x1FF20];
	v4 =	vadd.f32 v10, v4;
	v13 =	vadd.f32 v13, v16;
	v10 =	vperm.xlane v5, v24  }
0x152: {  	v9 =	vadd.f32 v9, v18;
	v15 =	vmul.f32 v11, v35;
	v11 =	vmul.f32 v11, v36  }
0x153: {  	v16 =	vperm.xlane v13, v24;
	v5 =	vadd.f32 v10, v5  }
0x154: {  	v20 =	vld [tilespmem:$0x1FF30];
	v2 =	vadd.f32 v2, v17;
	v9 =	vadd.f32 v11, v9;
	v11 =	vmul.f32 v49, v30  }
0x155: {  	v10 =	vadd.f32 v16, v13;
	v13 =	vperm.xlane v5, v25  }
0x156: {  	v2 =	vadd.f32 v15, v2;
	v9 =	vadd.f32 v11, v9;
	v11 =	vperm.xlane v19, v23  }
0x157: {  	v15 =	vperm.xlane v10, v25;
	v5 =	vadd.f32 v13, v5;
	v13 =	vmul.f32 v31, v26;
	v26 =	vld [tilespmem:$0x1FFF0]  }
0x158: {  	v4 =	vadd.f32 v22, v4;
	v11 =	vadd.f32 v11, v19;
	v19 =	vld [tilespmem:$0x1FF40]  }
0x159: {  	v12 =	vadd.f32 v50, v12;
	v10 =	vadd.f32 v15, v10;
	v15 =	vperm.xlane v20, v23  }
0x15a: {  	v21 =	vld [tilespmem:$0x1FF50];
	v14 =	vadd.f32 v14, v2;
	v2 =	vadd.f32 v41, v4  }
0x15b: {  	v4 =	vadd.f32 v48, v12;
	v12 =	vadd.f32 v15, v20;
	v20 =	vld [tilespmem:$0x1FF60]  }
0x15c: {  	v17 =	vperm.xlane v5, v26;
	v18 =	vperm.xlane v10, v26  }
0x15d: {  	v22 =	vld [tilespmem:$0x1FF70];
	v16 =	vmul.f32 v31, v28;
	v15 =	vperm.xlane v19, v23  }
0x15e: {  	v5 =	vadd.f32 v17, v5;
	v10 =	vadd.f32 v18, v10;
	v17 =	vperm.xlane v11, v24  }
0x15f: {  	v15 =	vadd.f32 v15, v19;
	v19 =	vperm.xlane v21, v23;
	v18 =	vperm.xlane v12, v24  }
0x160: {  	v5 =	vsel vm0, v5, v10;
	v10 =	vadd.f32 v17, v11;
	v11 =	vperm.xlane v20, v23  }
0x161: {  	v12 =	vadd.f32 v18, v12;
	v17 =	vperm.xlane v15, v24;
	v18 =	vadd.f32 v19, v21  }
0x162: {  	v19 =	vperm.xlane v10, v25;
	v11 =	vadd.f32 v11, v20;
	v20 =	vperm.xlane v22, v23  }
0x163: {  	v21 =	vperm.xlane v12, v25;
	v15 =	vadd.f32 v17, v15;
	v17 =	vperm.xlane v18, v24  }
0x164: {  	v10 =	vadd.f32 v19, v10;
	v19 =	vperm.xlane v11, v24;
	v20 =	vadd.f32 v20, v22  }
0x165: {  	v12 =	vadd.f32 v21, v12;
	v21 =	vperm.xlane v15, v25;
	v17 =	vadd.f32 v17, v18  }
0x166: {  	v18 =	vperm.xlane v10, v26;
	v11 =	vadd.f32 v19, v11;
	v19 =	vperm.xlane v20, v24  }
0x167: {  	v22 =	vperm.xlane v12, v26;
	v15 =	vadd.f32 v21, v15;
	v21 =	vperm.xlane v17, v25  }
0x168: {  	v10 =	vadd.f32 v18, v10;
	v18 =	vperm.xlane v11, v25;
	v19 =	vadd.f32 v19, v20  }
0x169: {  	v12 =	vadd.f32 v22, v12;
	v20 =	vperm.xlane v15, v26;
	v17 =	vadd.f32 v21, v17  }
0x16a: {  	v5 =	vsel vm1, v5, v10;
	v10 =	vadd.f32 v18, v11;
	v11 =	vperm.xlane v19, v25  }
0x16b: {  	v5 =	vsel vm2, v5, v12;
	v12 =	vadd.f32 v20, v15;
	v15 =	vperm.xlane v17, v26  }
0x16c: {  	v18 =	vperm.xlane v10, v26;
	v11 =	vadd.f32 v11, v19;
	v19 =	vperm.xlane v60, v23  }
0x16d: {  	v5 =	vsel vm3, v5, v12;
	v12 =	vadd.f32 v15, v17;
	v15 =	vperm.xlane v61, v23  }
0x16e: {  	v10 =	vadd.f32 v18, v10;
	v17 =	vperm.xlane v11, v26;
	v18 =	vadd.f32 v19, v60  }
0x16f: {  	v5 =	vsel vm4, v5, v12;
	v12 =	vadd.f32 v15, v61;
	v15 =	vperm.xlane v58, v23  }
0x170: {  	v5 =	vsel vm5, v5, v10;
	v10 =	vadd.f32 v17, v11;
	v11 =	vperm.xlane v18, v24  }
0x171: {  	v19 =	vperm.xlane v53, v23;
	v17 =	vperm.xlane v12, v24;
	v15 =	vadd.f32 v15, v58  }
0x172: {  	v5 =	vsel vm6, v5, v10;
	v10 =	vadd.f32 v11, v18;
	v11 =	vperm.xlane v55, v23  }
0x173: {  	v18 =	vadd.f32 v19, v53;
	v12 =	vadd.f32 v17, v12;
	v17 =	vperm.xlane v15, v24  }
0x174: {  	v20 =	vperm.xlane v54, v23;
	v19 =	vperm.xlane v10, v25;
	v11 =	vadd.f32 v11, v55  }
0x175: {  	v21 =	vperm.xlane v12, v25;
	v15 =	vadd.f32 v17, v15;
	v17 =	vperm.xlane v18, v24  }
0x176: {  	v20 =	vadd.f32 v20, v54;
	v10 =	vadd.f32 v19, v10;
	v19 =	vperm.xlane v11, v24  }
0x177: {  	v12 =	vadd.f32 v21, v12;
	v21 =	vperm.xlane v15, v25;
	v17 =	vadd.f32 v17, v18  }
0x178: {  	v18 =	vperm.xlane v10, v26;
	v11 =	vadd.f32 v19, v11;
	v19 =	vperm.xlane v20, v24  }
0x179: {  	v22 =	vperm.xlane v12, v26;
	v15 =	vadd.f32 v21, v15;
	v21 =	vperm.xlane v17, v25  }
0x17a: {  	v10 =	vadd.f32 v18, v10;
	v18 =	vperm.xlane v11, v25;
	v19 =	vadd.f32 v19, v20  }
0x17b: {  	v12 =	vadd.f32 v22, v12;
	v20 =	vperm.xlane v15, v26;
	v17 =	vadd.f32 v21, v17  }
0x17c: {  	v5 =	vsel vm7, v5, v10;
	v10 =	vadd.f32 v18, v11;
	v11 =	vperm.xlane v19, v25  }
0x17d: {  	v12 =	vsel vm8, v5, v12;
	v15 =	vadd.f32 v20, v15;
	v18 =	vperm.xlane v17, v26  }
0x17e: {  	v20 =	vperm.xlane v10, v26;
	v11 =	vadd.f32 v11, v19;
	v19 =	vperm.xlane v52, v23  }
0x17f: {  	v5 =	vadd.f32 v16, v14;
	v12 =	vsel vm9, v12, v15;
	v14 =	vadd.f32 v18, v17  }
0x180: {  	v10 =	vadd.f32 v20, v10;
	v15 =	vperm.xlane v11, v26;
	v16 =	vadd.f32 v19, v52  }
0x181: {  	v12 =	vsel vm10, v12, v14  }
0x182: {  	v10 =	vsel vm11, v12, v10;
	v11 =	vadd.f32 v15, v11;
	v12 =	vperm.xlane v16, v24  }
0x183: {  	v9 =	vadd.f32 v13, v9;
	v13 =	vperm.xlane v40, v23;
	v14 =	vperm.xlane v46, v23  }
0x184: {  	v10 =	vsel vm12, v10, v11;
	v11 =	vadd.f32 v12, v16;
	v12 =	vperm.xlane v47, v23  }
0x185: {  	v13 =	vadd.f32 v13, v40;
	v15 =	vperm.xlane v29, v23;
	v14 =	vadd.f32 v14, v46  }
0x186: {  	v17 =	vperm.xlane v51, v23;
	v16 =	vperm.xlane v11, v25;
	v12 =	vadd.f32 v12, v47  }
0x187: {  	v18 =	vperm.xlane v13, v24;
	v15 =	vadd.f32 v15, v29;
	v19 =	vperm.xlane v14, v24  }
0x188: {  	v11 =	vadd.f32 v16, v11;
	v16 =	vadd.f32 v17, v51;
	v17 =	vperm.xlane v12, v24  }
0x189: {  	v13 =	vadd.f32 v18, v13;
	v18 =	vperm.xlane v15, v24;
	v14 =	vadd.f32 v19, v14  }
0x18a: {  	v8 =	vadd.f32 v63, v8;
	v20 =	vperm.xlane v16, v24;
	v12 =	vadd.f32 v17, v12  }
0x18b: {  	v15 =	vadd.f32 v18, v15;
	v21 =	vperm.xlane v14, v25;
	v17 =	vperm.xlane v13, v25  }
0x18c: {  	v19 =	vperm.xlane v11, v26;
	v16 =	vadd.f32 v20, v16;
	v18 =	vperm.xlane v12, v25  }
0x18d: {  	v14 =	vadd.f32 v21, v14;
	v13 =	vadd.f32 v17, v13;
	v17 =	vperm.xlane v15, v25  }
0x18e: {  	v11 =	vadd.f32 v19, v11;
	v19 =	vperm.xlane v16, v25;
	v12 =	vadd.f32 v18, v12  }
0x18f: {  	v20 =	vperm.xlane v14, v26;
	v18 =	vperm.xlane v13, v26;
	v15 =	vadd.f32 v17, v15  }
0x190: {  	v10 =	vsel vm13, v10, v11;
	v11 =	vadd.f32 v19, v16;
	v16 =	vperm.xlane v12, v26  }
0x191: {  	v14 =	vadd.f32 v20, v14;
	v13 =	vadd.f32 v18, v13;
	v17 =	vperm.xlane v15, v26  }
0x192: {  	v18 =	vperm.xlane v11, v26;
	v12 =	vadd.f32 v16, v12;
	v16 =	vperm.xlane v27, v23  }
0x193: {  	v13 =	vsel vm0, v13, v14;
	v14 =	vadd.f32 v17, v15;
	v15 =	vperm.xlane v56, v23  }
0x194: {  	v12 =	vsel vm1, v13, v12;
	v13 =	vadd.f32 v16, v27;
	v16 =	vperm.xlane v8, v23  }
0x195: {  	v12 =	vsel vm2, v12, v14;
	v14 =	vadd.f32 v15, v56;
	v15 =	vperm.xlane v3, v23  }
0x196: {  	v17 =	vperm.xlane v13, v24;
	v8 =	vadd.f32 v16, v8;
	v16 =	vperm.xlane v7, v23  }
0x197: {  	v19 =	vperm.xlane v14, v24;
	v3 =	vadd.f32 v15, v3;
	v15 =	vperm.xlane v6, v23  }
0x198: {  	v13 =	vadd.f32 v17, v13;
	v17 =	vperm.xlane v8, v24;
	v7 =	vadd.f32 v16, v7  }
0x199: {  	v14 =	vadd.f32 v19, v14;
	v16 =	vperm.xlane v3, v24;
	v6 =	vadd.f32 v15, v6  }
0x19a: {  	v15 =	vperm.xlane v13, v25;
	v8 =	vadd.f32 v17, v8;
	v17 =	vperm.xlane v7, v24  }
0x19b: {  	v19 =	vperm.xlane v14, v25;
	v3 =	vadd.f32 v16, v3;
	v16 =	vperm.xlane v6, v24  }
0x19c: {  	v13 =	vadd.f32 v15, v13;
	v15 =	vperm.xlane v8, v25;
	v7 =	vadd.f32 v17, v7  }
0x19d: {  	v14 =	vadd.f32 v19, v14;
	v17 =	vperm.xlane v3, v25;
	v6 =	vadd.f32 v16, v6  }
0x19e: {  	v16 =	vperm.xlane v13, v26;
	v8 =	vadd.f32 v15, v8;
	v15 =	vperm.xlane v7, v25  }
0x19f: {  	v19 =	vperm.xlane v14, v26;
	v3 =	vadd.f32 v17, v3;
	v17 =	vperm.xlane v6, v25  }
0x1a0: {  	v13 =	vadd.f32 v16, v13;
	v16 =	vperm.xlane v8, v26;
	v7 =	vadd.f32 v15, v7  }
0x1a1: {  	v14 =	vadd.f32 v19, v14;
	v15 =	vperm.xlane v3, v26;
	v6 =	vadd.f32 v17, v6  }
0x1a2: {  	v12 =	vsel vm3, v12, v13;
	v8 =	vadd.f32 v16, v8;
	v13 =	vperm.xlane v7, v26  }
0x1a3: {  	v12 =	vsel vm4, v12, v14;
	v3 =	vadd.f32 v15, v3;
	v14 =	vperm.xlane v6, v26  }
0x1a4: {  	v8 =	vsel vm5, v12, v8;
	v7 =	vadd.f32 v13, v7;
	v12 =	vperm.xlane v1, v23  }
0x1a5: {  	v3 =	vsel vm6, v8, v3;
	v6 =	vadd.f32 v14, v6;
	v8 =	vperm.xlane v0, v23  }
0x1a6: {  	v3 =	vsel vm7, v3, v7;
	v1 =	vadd.f32 v12, v1;
	v7 =	vperm.xlane v2, v23  }
0x1a7: {  	v3 =	vsel vm8, v3, v6;
	v0 =	vadd.f32 v8, v0;
	v6 =	vperm.xlane v4, v23  }
0x1a8: {  	v8 =	vperm.xlane v1, v24;
	v2 =	vadd.f32 v7, v2;
	v7 =	vperm.xlane v5, v23  }
0x1a9: {  	v12 =	vperm.xlane v0, v24;
	v4 =	vadd.f32 v6, v4;
	v6 =	vperm.xlane v9, v23  }
0x1aa: {  	v1 =	vadd.f32 v8, v1;
	v8 =	vperm.xlane v2, v24;
	v5 =	vadd.f32 v7, v5  }
0x1ab: {  	v0 =	vadd.f32 v12, v0;
	v7 =	vperm.xlane v4, v24;
	v6 =	vadd.f32 v6, v9  }
0x1ac: {  	v9 =	vperm.xlane v1, v25;
	v2 =	vadd.f32 v8, v2;
	v8 =	vperm.xlane v5, v24  }
0x1ad: {  	v12 =	vperm.xlane v0, v25;
	v4 =	vadd.f32 v7, v4;
	v7 =	vperm.xlane v6, v24  }
0x1ae: {  	v1 =	vadd.f32 v9, v1;
	v9 =	vperm.xlane v2, v25;
	v5 =	vadd.f32 v8, v5  }
0x1af: {  	v0 =	vadd.f32 v12, v0;
	v8 =	vperm.xlane v4, v25;
	v6 =	vadd.f32 v7, v6  }
0x1b0: {  	v7 =	vperm.xlane v1, v26;
	v2 =	vadd.f32 v9, v2;
	v9 =	vperm.xlane v5, v25  }
0x1b1: {  	v12 =	vperm.xlane v0, v26;
	v4 =	vadd.f32 v8, v4;
	v8 =	vperm.xlane v6, v25  }
0x1b2: {  	v1 =	vadd.f32 v7, v1;
	v7 =	vperm.xlane v2, v26;
	v5 =	vadd.f32 v9, v5  }
0x1b3: {  	v0 =	vadd.f32 v12, v0;
	v9 =	vperm.xlane v4, v26;
	v6 =	vadd.f32 v8, v6  }
0x1b4: {  	v1 =	vsel vm9, v3, v1;
	v2 =	vadd.f32 v7, v2;
	v3 =	vperm.xlane v5, v26  }
0x1b5: {  	v0 =	vsel vm10, v1, v0;
	v1 =	vadd.f32 v9, v4;
	v4 =	vperm.xlane v6, v26  }
0x1b6: {  	p0 =	seq.s32 s21, $0x1F;
	v7 =	vadd.f32 v18, v11;
	v0 =	vsel vm11, v0, v2;
	v2 =	vadd.f32 v3, v5  }
0x1b7: {  	s23 =	sshll.u32 s21, $0x6;
	s22 =	sshll.u32 @!p0 s21, $0xD;
	v0 =	vsel vm12, v0, v1;
	v1 =	vadd.f32 v4, v6  }
0x1b8: {  	s24 =	sadd.s32 @!p0 s11, s22;
	s22 =	sand.u32 $0x3FFFFFC0, s23;
	v3 =	vsel vm14, v10, v7;
	v0 =	vsel vm13, v0, v2  }
0x1b9: {  	s25 =	simm.s32 @!p0 $0x400;
	s23 =	sshrl.u32 @!p0 s24, $0x3;
	[tilespmem:s22+$0x4000] =	vst v3;
	v0 =	vsel vm14, v0, v1  }
0x1ba: {  	s26 =	simm.s32 @!p0 $0x0;
	s24 =	simm.s32 @!p0 $0x200;
	s23 =	sadd.s32 @!p0 s1, s23;
	[tilespmem:s22+$0x4010] =	vst v0  }
0x1bb: {  	[tilespmem:s26], [sflag:$0x1] =	stream.strided.gather @!p0 [hbm4b:s23+s24], $0x1000, s25, s24, $0x38;
	[tilespmem:$0x4800] =	vst v63  }
0x1bc: {  	s3 =	simm.s32 $0x0;
	s23 =	simm.s32 $0x0  }
0x1bd: {  	s24 =	sand.u32 $0x3FFFFC00, s3;
	_ =	swait.ge [sflag:s17], $0x1000;
	s26 =	sand.u32 $0x40, s23  }
0x1be: {  	s31 =	sadd.s32 $0x2000, s24;
	[sflag:s17] =	ssyncset.done $0x0;
	s25 =	sor.u32 $0x30, s26  }
0x1bf: {  	[sflag:s17] =	ssyncadd.s32 $0xFFFFF000;
	s29 =	sor.u32 s25, s31  }
0x1c0: {  	s28 =	simm.s32 $0x0;
	v16 =	vld [tilespmem:s29+$0x0]  }
0x1c1: {  	s28 =	sand.u32 $0x3FFFFE00, s28;
	v14 =	vld [tilespmem:s29+$0x80]  }
0x1c2: {  	s3 =	sadd.s32 $0x1000, s28;
	v12 =	vld [tilespmem:s29+$0x100]  }
0x1c3: {  	s28 =	sor.u32 s25, s3;
	v10 =	vld [tilespmem:s29+$0x180]  }
0x1c4: {  	v8 =	vld [tilespmem:s28+$0x0]  }
0x1c5: {  	v11 =	vld [tilespmem:s29+$0x200]  }
0x1c6: {  	v20 =	vld [tilespmem:s29+$0x280]  }
0x1c7: {  	v0 =	vld [tilespmem:s29+$0x300]  }
0x1c8: {  	v27 =	vld [tilespmem:s29+$0x380]  }
0x1c9: {  	s30 =	sor.u32 $0x20, s26;
	v19 =	vld [tilespmem:s28+$0x80]  }
0x1ca: {  	s24 =	sor.u32 s30, s3;
	v18 =	vld [tilespmem:s28+$0x100]  }
0x1cb: {  	s29 =	sor.u32 s30, s31;
	v26 =	vld [tilespmem:s24+$0x0]  }
0x1cc: {  	v5 =	vld [tilespmem:s29+$0x0]  }
0x1cd: {  	v22 =	vld [tilespmem:s29+$0x80]  }
0x1ce: {  	v7 =	vld [tilespmem:s29+$0x100]  }
0x1cf: {  	s25 =	sor.u32 $0x10, s26;
	v9 =	vld [tilespmem:s29+$0x180]  }
0x1d0: {  	s30 =	sor.u32 s25, s31;
	v1 =	vld [tilespmem:s29+$0x200]  }
0x1d1: {  	v3 =	vld [tilespmem:s30+$0x0];
	v4 =	vmul.f32 v8, v16  }
0x1d2: {  	s25 =	sor.u32 s25, s3;
	v6 =	vld [tilespmem:s30+$0x80];
	v28 =	vmul.f32 v8, v14;
	v31 =	vmul.f32 v8, v12  }
0x1d3: {  	s31 =	sor.u32 s26, s31;
	v46 =	vld [tilespmem:s25+$0x0];
	v41 =	vmul.f32 v8, v10;
	v42 =	vmul.f32 v8, v11  }
0x1d4: {  	v13 =	vld [tilespmem:s31+$0x0];
	v45 =	vmul.f32 v8, v20;
	v47 =	vmul.f32 v8, v0  }
0x1d5: {  	v15 =	vld [tilespmem:s31+$0x80];
	v48 =	vmul.f32 v8, v27;
	v49 =	vmul.f32 v19, v16  }
0x1d6: {  	s26 =	sor.u32 s26, s3;
	v17 =	vld [tilespmem:s31+$0x100];
	v50 =	vmul.f32 v19, v14;
	v51 =	vmul.f32 v19, v12  }
0x1d7: {  	v53 =	vld [tilespmem:s26+$0x0];
	v52 =	vmul.f32 v19, v10;
	v25 =	vmul.f32 v19, v11  }
0x1d8: {  	v44 =	vld [tilespmem:s31+$0x180];
	v23 =	vmul.f32 v19, v20;
	v24 =	vmul.f32 v19, v0  }
0x1d9: {  	v43 =	vld [tilespmem:s30+$0x100];
	v21 =	vmul.f32 v19, v27;
	v19 =	vmul.f32 v18, v16  }
0x1da: {  	v39 =	vld [tilespmem:s30+$0x180];
	[tilespmem:$0x1FBC0] =	vst v0;
	v0 =	vmul.f32 v18, v14;
	v30 =	vmul.f32 v26, v5  }
0x1db: {  	v32 =	vld [tilespmem:s30+$0x200];
	v40 =	vmul.f32 v26, v22;
	v54 =	vmul.f32 v26, v7  }
0x1dc: {  	v33 =	vld [tilespmem:s30+$0x280];
	v29 =	vmul.f32 v46, v3;
	v8 =	vmul.f32 v53, v13  }
0x1dd: {  	v34 =	vld [tilespmem:s31+$0x200];
	v60 =	vmul.f32 v53, v15;
	v56 =	vmul.f32 v53, v17;
	[tilespmem:$0x1FBD0] =	vst v0;
	v0 =	vimm.f32 $0.0e+00  }
0x1de: {  	v35 =	vld [tilespmem:s31+$0x280];
	v36 =	vmul.f32 v46, v6;
	v57 =	vmul.f32 v53, v44;
	v58 =	vadd.f32 v8, v0  }
0x1df: {  	v38 =	vld [tilespmem:s31+$0x300];
	v59 =	vadd.f32 v60, v0;
	v60 =	vmul.f32 v46, v43;
	v56 =	vadd.f32 v56, v0  }
0x1e0: {  	v37 =	vld [tilespmem:s31+$0x380];
	v61 =	vmul.f32 v46, v39;
	v57 =	vadd.f32 v57, v0;
	v58 =	vadd.f32 v29, v58  }
0x1e1: {  	v62 =	vld [tilespmem:s29+$0x300];
	v55 =	vmul.f32 v26, v9;
	v59 =	vadd.f32 v36, v59;
	v56 =	vadd.f32 v60, v56  }
0x1e2: {  	v2 =	vmul.f32 v26, v1;
	v8 =	vld [tilespmem:s29+$0x280];
	v57 =	vadd.f32 v61, v57;
	v58 =	vadd.f32 v30, v58  }
0x1e3: {  	v63 =	vmul.f32 v46, v32;
	v36 =	vld [tilespmem:s30+$0x300];
	v59 =	vadd.f32 v40, v59;
	v54 =	vadd.f32 v54, v56  }
0x1e4: {  	v61 =	vmul.f32 v53, v34;
	v40 =	vld [tilespmem:s30+$0x380];
	v55 =	vadd.f32 v55, v57;
	v4 =	vadd.f32 v4, v58  }
0x1e5: {  	v30 =	vld [tilespmem:s29+$0x380];
	v56 =	vmul.f32 v53, v35;
	v59 =	vadd.f32 v28, v59;
	v31 =	vadd.f32 v31, v54  }
0x1e6: {  	v28 =	vmul.f32 v53, v38;
	v54 =	vld [tilespmem:s25+$0x80];
	v53 =	vmul.f32 v53, v37;
	v41 =	vadd.f32 v41, v55  }
0x1e7: {  	v60 =	vmul.f32 v46, v33;
	v55 =	vld [tilespmem:s26+$0x80];
	[tilespmem:$0x1FB40] =	vst v31;
	v31 =	vadd.f32 v61, v0;
	v61 =	vadd.f32 v56, v0  }
0x1e8: {  	v57 =	vmul.f32 v26, v8;
	v28 =	vadd.f32 v28, v0;
	v53 =	vadd.f32 v53, v0  }
0x1e9: {  	[tilespmem:$0x1FB30] =	vst v4;
	v4 =	vld [tilespmem:s24+$0x80];
	v31 =	vadd.f32 v63, v31;
	v63 =	vmul.f32 v46, v36;
	v46 =	vmul.f32 v46, v40  }
0x1ea: {  	[tilespmem:$0x1FB50] =	vst v41;
	v56 =	vmul.f32 v26, v62;
	v26 =	vmul.f32 v26, v30;
	v41 =	vadd.f32 v60, v61  }
0x1eb: {  	v58 =	vmul.f32 v54, v3;
	v28 =	vadd.f32 v63, v28;
	v46 =	vadd.f32 v46, v53  }
0x1ec: {  	v61 =	vmul.f32 v55, v13;
	v31 =	vadd.f32 v2, v31;
	v41 =	vadd.f32 v57, v41  }
0x1ed: {  	v57 =	vmul.f32 v54, v6;
	v63 =	vmul.f32 v55, v15;
	v28 =	vadd.f32 v56, v28  }
0x1ee: {  	v53 =	vmul.f32 v4, v5;
	v26 =	vadd.f32 v26, v46;
	v31 =	vadd.f32 v42, v31  }
0x1ef: {  	v41 =	vadd.f32 v45, v41;
	v56 =	vmul.f32 v4, v22;
	v28 =	vadd.f32 v47, v28  }
0x1f0: {  	v45 =	vmul.f32 v4, v1;
	v46 =	vmul.f32 v54, v32;
	[tilespmem:$0x1FB60] =	vst v31;
	v26 =	vadd.f32 v48, v26  }
0x1f1: {  	v31 =	vmul.f32 v55, v17;
	[tilespmem:$0x1FB80] =	vst v28;
	v28 =	vmul.f32 v55, v44  }
0x1f2: {  	v48 =	vmul.f32 v54, v39;
	[tilespmem:$0x1FB90] =	vst v26;
	v26 =	vadd.f32 v61, v0;
	v61 =	vadd.f32 v63, v0  }
0x1f3: {  	v63 =	vmul.f32 v54, v43;
	v31 =	vadd.f32 v31, v0;
	v28 =	vadd.f32 v28, v0  }
0x1f4: {  	[tilespmem:$0x1FB70] =	vst v41;
	v26 =	vadd.f32 v58, v26;
	v41 =	vadd.f32 v57, v61;
	v57 =	vmul.f32 v4, v7  }
0x1f5: {  	v31 =	vadd.f32 v63, v31;
	v61 =	vmul.f32 v55, v34;
	v28 =	vadd.f32 v48, v28  }
0x1f6: {  	v58 =	vmul.f32 v4, v9;
	v26 =	vadd.f32 v53, v26;
	v41 =	vadd.f32 v56, v41  }
0x1f7: {  	v47 =	vmul.f32 v54, v33;
	v31 =	vadd.f32 v57, v31;
	v42 =	vadd.f32 v61, v0  }
0x1f8: {  	v2 =	vmovc v9;
	v63 =	vmul.f32 v55, v37;
	v28 =	vadd.f32 v58, v28;
	v26 =	vadd.f32 v49, v26  }
0x1f9: {  	v9 =	vmovc v1;
	v48 =	vmul.f32 v4, v8;
	v58 =	vadd.f32 v51, v31;
	v31 =	vmul.f32 v55, v38  }
0x1fa: {  	v1 =	vld [tilespmem:s24+$0x100];
	v41 =	vadd.f32 v50, v41;
	v42 =	vadd.f32 v46, v42;
	[tilespmem:$0x1FBA0] =	vst v26;
	v26 =	vmul.f32 v55, v35  }
0x1fb: {  	v53 =	vmul.f32 v54, v36;
	v49 =	vadd.f32 v63, v0;
	v31 =	vadd.f32 v31, v0  }
0x1fc: {  	v52 =	vadd.f32 v52, v28;
	v55 =	vmul.f32 v54, v40;
	v28 =	vmovc v27;
	v27 =	vld [tilespmem:s25+$0x100];
	v26 =	vadd.f32 v26, v0  }
0x1fd: {  	v56 =	vmul.f32 v4, v62;
	v42 =	vadd.f32 v45, v42;
	v31 =	vadd.f32 v53, v31  }
0x1fe: {  	v60 =	vmovc v5;
	v4 =	vmul.f32 v4, v30;
	v49 =	vadd.f32 v55, v49;
	v26 =	vadd.f32 v47, v26;
	v47 =	vld [tilespmem:s26+$0x100]  }
0x1ff: {  	v29 =	vmovc v7;
	v46 =	vmul.f32 v18, v11;
	v50 =	vmul.f32 v1, v60;
	v55 =	vadd.f32 v25, v42  }
0x200: {  	v5 =	vmovc v6;
	v45 =	vmul.f32 v1, v22;
	v31 =	vadd.f32 v56, v31;
	v4 =	vadd.f32 v4, v49  }
0x201: {  	v63 =	vmovc v60;
	v56 =	vmul.f32 v1, v29;
	v26 =	vadd.f32 v48, v26;
	v57 =	vmul.f32 v27, v3  }
0x202: {  	[tilespmem:$0x1FBB0] =	vst v41;
	v41 =	vadd.f32 v21, v4;
	v60 =	vmul.f32 v27, v5;
	v4 =	vmul.f32 v27, v39  }
0x203: {  	v54 =	vadd.f32 v23, v26;
	v61 =	vmul.f32 v47, v13;
	v23 =	vmul.f32 v47, v17  }
0x204: {  	v49 =	vld [tilespmem:s24+$0x180];
	v51 =	vadd.f32 v24, v31;
	v25 =	vmul.f32 v47, v15;
	v24 =	vmul.f32 v47, v44  }
0x205: {  	v26 =	vmul.f32 v27, v43;
	v21 =	vadd.f32 v61, v0;
	v23 =	vadd.f32 v23, v0  }
0x206: {  	v7 =	vmovc v5;
	v31 =	vld [tilespmem:s28+$0x180];
	v5 =	vmul.f32 v18, v20;
	v25 =	vadd.f32 v25, v0;
	v24 =	vadd.f32 v24, v0  }
0x207: {  	v6 =	vmovc v3;
	v61 =	vmul.f32 v18, v28;
	v21 =	vadd.f32 v57, v21;
	v23 =	vadd.f32 v26, v23  }
0x208: {  	v3 =	vmovc v29;
	v0 =	vld [tilespmem:$0x1FBD0];
	v24 =	vadd.f32 v4, v24;
	v26 =	vmul.f32 v1, v2;
	v4 =	vmul.f32 v18, v12  }
0x209: {  	v29 =	vmovc v2;
	v25 =	vadd.f32 v60, v25;
	v57 =	vmul.f32 v18, v10;
	v2 =	vmul.f32 v49, v63  }
0x20a: {  	v63 =	vmul.f32 v49, v22;
	v22 =	vmul.f32 v49, v8;
	v21 =	vadd.f32 v50, v21  }
0x20b: {  	v25 =	vadd.f32 v45, v25;
	v23 =	vadd.f32 v56, v23;
	v56 =	vmul.f32 v31, v20  }
0x20c: {  	v24 =	vadd.f32 v26, v24;
	v20 =	vmul.f32 v1, v62;
	v45 =	vmul.f32 v49, v3  }
0x20d: {  	v26 =	vld [tilespmem:$0x1FBC0];
	v42 =	vadd.f32 v19, v21;
	v48 =	vadd.f32 v0, v25;
	v25 =	vmul.f32 v31, v16  }
0x20e: {  	v50 =	vadd.f32 v4, v23;
	v16 =	vmul.f32 v47, v35;
	v19 =	vmul.f32 v27, v32  }
0x20f: {  	v53 =	vadd.f32 v57, v24;
	v57 =	vmul.f32 v31, v14;
	v23 =	vmul.f32 v31, v12  }
0x210: {  	v4 =	vimm.f32 $0.0e+00;
	v24 =	vmul.f32 v31, v10;
	v10 =	vmul.f32 v47, v37  }
0x211: {  	v12 =	vmul.f32 v47, v38;
	v14 =	vadd.f32 v16, v4;
	v16 =	vmul.f32 v27, v33  }
0x212: {  	v10 =	vadd.f32 v10, v4;
	v60 =	vmul.f32 v18, v26;
	v18 =	vmul.f32 v47, v34  }
0x213: {  	v47 =	vmul.f32 v31, v11;
	v11 =	vadd.f32 v12, v4;
	v12 =	vmul.f32 v27, v36  }
0x214: {  	v14 =	vadd.f32 v16, v14;
	v16 =	vmul.f32 v27, v40;
	v18 =	vadd.f32 v18, v4  }
0x215: {  	v0 =	vmovc v9;
	v21 =	vmul.f32 v1, v30;
	v11 =	vadd.f32 v12, v11;
	v12 =	vmul.f32 v1, v9;
	v9 =	vld [tilespmem:s25+$0x180]  }
0x216: {  	v16 =	vadd.f32 v16, v10;
	v10 =	vld [tilespmem:s26+$0x180];
	v18 =	vadd.f32 v19, v18;
	v19 =	vmul.f32 v1, v8  }
0x217: {  	v1 =	vmul.f32 v49, v29;
	v29 =	vmul.f32 v49, v0  }
0x218: {  	v3 =	vadd.f32 v21, v16;
	v21 =	vimm.f32 $0.0e+00;
	v12 =	vadd.f32 v12, v18  }
0x219: {  	v16 =	vimm.f32 $0.0e+00;
	v18 =	vadd.f32 v19, v14;
	v14 =	vadd.f32 v20, v11  }
0x21a: {  	v19 =	vimm.f32 $0.0e+00;
	v20 =	vimm.f32 $0.0e+00;
	v6 =	vmul.f32 v9, v6  }
0x21b: {  	v7 =	vmul.f32 v9, v7;
	v46 =	vadd.f32 v46, v12;
	v11 =	vmul.f32 v10, v13  }
0x21c: {  	v12 =	vmul.f32 v10, v15;
	v13 =	vmul.f32 v10, v17;
	v27 =	vadd.f32 v5, v18  }
0x21d: {  	s24 =	simm.s32 $0x1;
	v17 =	vimm.f32 $0.0e+00;
	v18 =	vimm.f32 $0.0e+00;
	v15 =	vimm.f32 $0.0e+00  }
.LBB2_5:
0x21e: {  	_ =	sdelay $0x1  }
0x21f: {  	v3 =	vadd.f32 v61, v3;
	_ =	sdelay $0x1  }
0x220: {  	v8 =	vmul.f32 v10, v44;
	v5 =	vadd.f32 v60, v14;
	[tilespmem:$0x1FA60] =	vst v3;
	v3 =	vadd.f32 v11, v4  }
0x221: {  	v13 =	vadd.f32 v13, v21;
	v11 =	vadd.f32 v12, v19;
	v12 =	vmul.f32 v9, v43  }
0x222: {  	v8 =	vadd.f32 v8, v20;
	v3 =	vadd.f32 v6, v3  }
0x223: {  	v14 =	vmul.f32 v9, v39;
	v6 =	vadd.f32 v7, v11;
	v11 =	vadd.f32 v12, v13;
	_ =	sdelay $0x1  }
0x224: {  	v8 =	vadd.f32 v14, v8;
	v0 =	vadd.f32 v45, v11  }
0x225: {  	v2 =	vadd.f32 v2, v3  }
0x226: {  	v13 =	vmul.f32 v10, v34;
	v1 =	vadd.f32 v1, v8;
	v0 =	vadd.f32 v23, v0  }
0x227: {  	v14 =	vmul.f32 v10, v35;
	v3 =	vadd.f32 v63, v6;
	v2 =	vadd.f32 v25, v2  }
0x228: {  	v7 =	vmul.f32 v9, v32;
	[tilespmem:$0x1FA70] =	vst v0;
	v0 =	vadd.f32 v24, v1;
	v1 =	vadd.f32 v13, v17  }
0x229: {  	v12 =	vmul.f32 v9, v33;
	v8 =	vmul.f32 v10, v38;
	[tilespmem:$0x1FB10] =	vst v2;
	v2 =	vadd.f32 v57, v3  }
0x22a: {  	s3 =	sshll.u32 s24, $0x9;
	s23 =	sadd.s32 $0x40, s23;
	v3 =	vmul.f32 v10, v37;
	v10 =	vadd.f32 v14, v18;
	v1 =	vadd.f32 v7, v1  }
0x22b: {  	s29 =	sshll.u32 s24, $0x8;
	s26 =	sand.u32 $0x40, s23;
	s3 =	sand.u32 $0x3FFFFC00, s3;
	v8 =	vadd.f32 v8, v16;
	v13 =	vmul.f32 v9, v36  }
0x22c: {  	s29 =	sand.u32 $0x3FFFFE00, s29;
	s28 =	sadd.s32 $0x2000, s3;
	s30 =	sor.u32 $0x30, s26;
	v7 =	vadd.f32 v12, v10;
	v1 =	vadd.f32 v29, v1  }
0x22d: {  	s29 =	sadd.s32 $0x1000, s29;
	s25 =	sor.u32 s30, s28;
	v9 =	vmul.f32 v9, v40;
	v3 =	vadd.f32 v3, v15;
	v8 =	vadd.f32 v13, v8  }
0x22e: {  	s3 =	sor.u32 s30, s29;
	v6 =	vld [tilespmem:s25+$0x0];
	v10 =	vmul.f32 v49, v62;
	v7 =	vadd.f32 v22, v7;
	v1 =	vadd.f32 v47, v1  }
0x22f: {  	[tilespmem:$0x1F8B0] =	vst v55;
	v17 =	vld [tilespmem:s3+$0x80];
	v13 =	vmul.f32 v31, v26;
	v3 =	vadd.f32 v9, v3  }
0x230: {  	v11 =	vld [tilespmem:s25+$0x80];
	v9 =	vmul.f32 v49, v30;
	v8 =	vadd.f32 v10, v8;
	[tilespmem:$0x1FAF0] =	vst v1;
	v1 =	vadd.f32 v56, v7  }
0x231: {  	[tilespmem:$0x1F8C0] =	vst v54;
	v14 =	vld [tilespmem:s3+$0x0]  }
0x232: {  	v15 =	vld [tilespmem:s25+$0x200];
	v10 =	vmul.f32 v31, v28;
	v3 =	vadd.f32 v9, v3;
	[tilespmem:$0x1FA80] =	vst v1;
	v1 =	vadd.f32 v13, v8  }
0x233: {  	[tilespmem:$0x1FA50] =	vst v2;
	v2 =	vld [tilespmem:s25+$0x100]  }
0x234: {  	v16 =	vld [tilespmem:s25+$0x280];
	[tilespmem:$0x1FAC0] =	vst v1;
	v1 =	vadd.f32 v10, v3;
	v3 =	vmul.f32 v17, v6  }
0x235: {  	[tilespmem:$0x1F980] =	vst v0;
	v0 =	vld [tilespmem:s25+$0x180]  }
0x236: {  	v54 =	vld [tilespmem:s25+$0x300];
	[tilespmem:$0x1F870] =	vst v3;
	v3 =	vmul.f32 v17, v11  }
0x237: {  	[tilespmem:$0x1FA90] =	vst v1;
	v1 =	vmul.f32 v14, v15  }
0x238: {  	v55 =	vld [tilespmem:s25+$0x380];
	[tilespmem:$0x1F880] =	vst v3;
	v3 =	vmul.f32 v17, v2  }
0x239: {  	[tilespmem:$0x1F820] =	vst v1;
	v1 =	vmul.f32 v14, v16  }
0x23a: {  	[tilespmem:$0x1F890] =	vst v3;
	v3 =	vmul.f32 v17, v0  }
0x23b: {  	[tilespmem:$0x1F830] =	vst v1;
	v1 =	vmul.f32 v14, v54  }
0x23c: {  	[tilespmem:$0x1F8A0] =	vst v3;
	v3 =	vmul.f32 v17, v15  }
0x23d: {  	[tilespmem:$0x1F840] =	vst v1;
	v1 =	vmul.f32 v14, v55  }
0x23e: {  	[tilespmem:$0x1F920] =	vst v3;
	v3 =	vmul.f32 v17, v16  }
0x23f: {  	[tilespmem:$0x1F850] =	vst v1;
	v1 =	vld [tilespmem:s3+$0x100]  }
0x240: {  	[tilespmem:$0x1F930] =	vst v3;
	v3 =	vmul.f32 v17, v54;
	_ =	sdelay $0x1  }
0x241: {  	[tilespmem:$0x1F940] =	vst v3;
	v3 =	vmul.f32 v17, v55;
	_ =	sdelay $0x1  }
0x242: {  	s31 =	sor.u32 $0x20, s26;
	[tilespmem:$0x1F950] =	vst v3;
	v3 =	vmul.f32 v1, v6  }
0x243: {  	[tilespmem:$0x1F990] =	vst v53;
	s30 =	sor.u32 s31, s28  }
0x244: {  	v53 =	vld [tilespmem:s30+$0x200];
	[tilespmem:$0x1F9E0] =	vst v3;
	v3 =	vmul.f32 v1, v11  }
0x245: {  	v32 =	vld [tilespmem:s30+$0x0]  }
0x246: {  	v34 =	vld [tilespmem:s30+$0x100];
	[tilespmem:$0x1F9F0] =	vst v3;
	v3 =	vmul.f32 v1, v2  }
0x247: {  	v31 =	vld [tilespmem:s3+$0x180];
	v4 =	vmul.f32 v1, v15  }
0x248: {  	v40 =	vld [tilespmem:s30+$0x80];
	[tilespmem:$0x1FA00] =	vst v3;
	v3 =	vmul.f32 v1, v0  }
0x249: {  	v57 =	vld [tilespmem:s30+$0x180];
	s25 =	sor.u32 s31, s29;
	v7 =	vmul.f32 v1, v54;
	[tilespmem:$0x1FB00] =	vst v4  }
0x24a: {  	v4 =	vmul.f32 v1, v16;
	v1 =	vmul.f32 v1, v55;
	[tilespmem:$0x1FA10] =	vst v3;
	v3 =	vld [tilespmem:s25+$0x0]  }
0x24b: {  	v62 =	vld [tilespmem:s30+$0x300];
	v12 =	vmul.f32 v14, v11  }
0x24c: {  	v18 =	vmul.f32 v14, v2;
	v56 =	vld [tilespmem:s30+$0x280];
	[tilespmem:$0x1F860] =	vst v1;
	v1 =	vmul.f32 v31, v11  }
0x24d: {  	v19 =	vmul.f32 v14, v0;
	v11 =	vmul.f32 v31, v0;
	v0 =	vld [tilespmem:s25+$0x80]  }
0x24e: {  	v30 =	vld [tilespmem:s30+$0x380];
	v61 =	vmul.f32 v31, v2;
	[tilespmem:$0x1F960] =	vst v1;
	v1 =	vmul.f32 v31, v16  }
0x24f: {  	v22 =	vmul.f32 v3, v32;
	v23 =	vmul.f32 v3, v40  }
0x250: {  	[tilespmem:$0x1F970] =	vst v48;
	v24 =	vmul.f32 v3, v34;
	v25 =	vmul.f32 v3, v57  }
0x251: {  	[tilespmem:$0x1FA20] =	vst v46;
	v46 =	vmul.f32 v3, v53;
	v47 =	vmul.f32 v3, v56  }
0x252: {  	[tilespmem:$0x1FB20] =	vst v4;
	v48 =	vmul.f32 v3, v62;
	v2 =	vmul.f32 v0, v53  }
0x253: {  	[tilespmem:$0x1F8D0] =	vst v1;
	v1 =	vld [tilespmem:s25+$0x100];
	v4 =	vmul.f32 v3, v30;
	v20 =	vmul.f32 v0, v32  }
0x254: {  	v21 =	vmul.f32 v0, v40;
	[tilespmem:$0x1F8E0] =	vst v2;
	v2 =	vmul.f32 v0, v56  }
0x255: {  	v3 =	vmul.f32 v0, v34;
	v10 =	vmul.f32 v0, v57  }
0x256: {  	[tilespmem:$0x1F8F0] =	vst v2;
	v2 =	vmul.f32 v0, v62;
	v0 =	vmul.f32 v0, v30;
	_ =	sdelay $0x1  }
0x257: {  	[tilespmem:$0x1F910] =	vst v0;
	v0 =	vmul.f32 v1, v32;
	_ =	sdelay $0x1  }
0x258: {  	[tilespmem:$0x1F9A0] =	vst v0;
	v0 =	vmul.f32 v1, v40;
	_ =	sdelay $0x1  }
0x259: {  	[tilespmem:$0x1F9B0] =	vst v0;
	v0 =	vmul.f32 v1, v34;
	_ =	sdelay $0x1  }
0x25a: {  	[tilespmem:$0x1F9C0] =	vst v0;
	v0 =	vmul.f32 v1, v57;
	_ =	sdelay $0x1  }
0x25b: {  	s31 =	sor.u32 $0x10, s26;
	[tilespmem:$0x1F9D0] =	vst v0;
	v0 =	vmul.f32 v1, v53  }
0x25c: {  	v49 =	vld [tilespmem:s25+$0x180];
	s30 =	sor.u32 s31, s28;
	s25 =	sor.u32 s31, s29;
	s31 =	sor.u32 s26, s28  }
0x25d: {  	s26 =	sor.u32 s26, s29;
	v16 =	vld [tilespmem:s31+$0x80];
	[tilespmem:$0x1FAA0] =	vst v0;
	v0 =	vmul.f32 v1, v56  }
0x25e: {  	[tilespmem:$0x1FA30] =	vst v27;
	v27 =	vld [tilespmem:s26+$0x0]  }
0x25f: {  	v60 =	vmul.f32 v31, v15;
	v15 =	vld [tilespmem:s31+$0x0];
	[tilespmem:$0x1FAB0] =	vst v0;
	v0 =	vmul.f32 v1, v62  }
0x260: {  	v28 =	vld [tilespmem:$0x1FB30]  }
0x261: {  	v43 =	vld [tilespmem:s30+$0x100];
	[tilespmem:$0x1FAD0] =	vst v0;
	v0 =	vmul.f32 v1, v30  }
0x262: {  	[tilespmem:$0x1FA40] =	vst v5;
	v5 =	vld [tilespmem:s25+$0x0]  }
0x263: {  	v17 =	vld [tilespmem:s31+$0x100];
	[tilespmem:$0x1FAE0] =	vst v0;
	v0 =	vmul.f32 v49, v53;
	v53 =	vmul.f32 v27, v16  }
0x264: {  	v44 =	vld [tilespmem:s31+$0x180];
	v1 =	vmul.f32 v49, v57;
	v57 =	vmul.f32 v27, v15  }
0x265: {  	v29 =	vmul.f32 v49, v56;
	v56 =	vmov v41;
	v41 =	vadd.f32 v53, v59;
	v53 =	vld [tilespmem:$0x1FB40]  }
0x266: {  	v28 =	vadd.f32 v57, v28;
	v57 =	vld [tilespmem:$0x1FB50]  }
0x267: {  	v9 =	vmul.f32 v14, v6;
	v39 =	vld [tilespmem:s30+$0x180]  }
0x268: {  	v8 =	vmul.f32 v31, v6;
	v6 =	vmov v50;
	v50 =	vmul.f32 v27, v17  }
0x269: {  	v26 =	vmul.f32 v27, v44  }
0x26a: {  	v59 =	vmov v51;
	v51 =	vmul.f32 v5, v43;
	v50 =	vadd.f32 v50, v53  }
0x26b: {  	v26 =	vadd.f32 v26, v57  }
0x26c: {  	v13 =	vld [tilespmem:s30+$0x0];
	v57 =	vmovc v42;
	v42 =	vmov v52;
	v52 =	vmul.f32 v5, v39;
	v50 =	vadd.f32 v51, v50;
	_ =	sdelay $0x1  }
0x26d: {  	v26 =	vadd.f32 v52, v26;
	v24 =	vadd.f32 v24, v50  }
0x26e: {  	v33 =	vld [tilespmem:s30+$0x280]  }
0x26f: {  	v35 =	vld [tilespmem:s31+$0x280];
	v25 =	vadd.f32 v25, v26;
	v18 =	vadd.f32 v18, v24  }
0x270: {  	v14 =	vld [tilespmem:s30+$0x80];
	v36 =	vmul.f32 v5, v13  }
0x271: {  	[tilespmem:$0x1FB40] =	vst v18;
	v18 =	vadd.f32 v19, v25;
	v19 =	vld [tilespmem:$0x1FB70]  }
0x272: {  	v45 =	vmul.f32 v49, v34;
	v34 =	vld [tilespmem:s31+$0x200];
	v28 =	vadd.f32 v36, v28  }
0x273: {  	[tilespmem:$0x1F900] =	vst v2;
	v2 =	vmul.f32 v49, v32;
	v32 =	vld [tilespmem:s30+$0x200]  }
0x274: {  	v22 =	vadd.f32 v22, v28;
	v28 =	vmul.f32 v27, v35;
	[tilespmem:$0x1FB50] =	vst v18;
	v18 =	vld [tilespmem:$0x1FB60];
	_ =	sdelay $0x1  }
0x275: {  	v51 =	vmul.f32 v5, v33;
	v19 =	vadd.f32 v28, v19  }
0x276: {  	v52 =	vmul.f32 v27, v34  }
0x277: {  	v63 =	vmul.f32 v49, v40;
	v40 =	vmul.f32 v5, v14;
	v19 =	vadd.f32 v51, v19  }
0x278: {  	v53 =	vmul.f32 v5, v32;
	v18 =	vadd.f32 v52, v18  }
0x279: {  	v41 =	vadd.f32 v40, v41;
	v19 =	vadd.f32 v47, v19;
	v47 =	vmovc v60;
	v60 =	vmov v7;
	v7 =	vld [tilespmem:$0x1F820]  }
0x27a: {  	v18 =	vadd.f32 v53, v18  }
0x27b: {  	v38 =	vld [tilespmem:s31+$0x300];
	v23 =	vadd.f32 v23, v41  }
0x27c: {  	v36 =	vld [tilespmem:s30+$0x300];
	v18 =	vadd.f32 v46, v18  }
0x27d: {  	v50 =	vadd.f32 v12, v23;
	v23 =	vld [tilespmem:$0x1FB80]  }
0x27e: {  	v18 =	vadd.f32 v7, v18;
	v7 =	vld [tilespmem:$0x1F830];
	_ =	sdelay $0x1  }
0x27f: {  	v26 =	vmul.f32 v27, v38  }
0x280: {  	v37 =	vld [tilespmem:s31+$0x380]  }
0x281: {  	v40 =	vld [tilespmem:s30+$0x380];
	v9 =	vadd.f32 v9, v22;
	v22 =	vmul.f32 v5, v36;
	v23 =	vadd.f32 v26, v23  }
0x282: {  	[tilespmem:$0x1FB60] =	vst v18;
	v18 =	vadd.f32 v7, v19;
	v7 =	vld [tilespmem:$0x1F840]  }
0x283: {  	v24 =	vld [tilespmem:$0x1FB90];
	v22 =	vadd.f32 v22, v23;
	_ =	sdelay $0x1  }
0x284: {  	v22 =	vadd.f32 v48, v22  }
0x285: {  	[tilespmem:$0x1FB30] =	vst v9;
	v9 =	vmul.f32 v27, v37  }
0x286: {  	v7 =	vadd.f32 v7, v22  }
0x287: {  	v5 =	vmul.f32 v5, v40;
	v9 =	vadd.f32 v9, v24  }
0x288: {  	[tilespmem:$0x1FB80] =	vst v7;
	v7 =	vld [tilespmem:$0x1F850]  }
0x289: {  	v5 =	vadd.f32 v5, v9  }
0x28a: {  	v12 =	vld [tilespmem:s26+$0x80]  }
0x28b: {  	v4 =	vadd.f32 v4, v5  }
0x28c: {  	v41 =	vld [tilespmem:s25+$0x80]  }
0x28d: {  	v4 =	vadd.f32 v7, v4;
	_ =	sdelay $0x1  }
0x28e: {  	v5 =	vmul.f32 v12, v17;
	[tilespmem:$0x1FB90] =	vst v4;
	v4 =	vld [tilespmem:$0x1FBA0];
	_ =	sdelay $0x1  }
0x28f: {  	v25 =	vmov v8;
	v8 =	vmul.f32 v41, v43;
	v5 =	vadd.f32 v5, v58  }
0x290: {  	v23 =	vmul.f32 v12, v15  }
0x291: {  	v5 =	vadd.f32 v8, v5  }
0x292: {  	v24 =	vmul.f32 v41, v13;
	v4 =	vadd.f32 v23, v4  }
0x293: {  	v5 =	vadd.f32 v3, v5;
	v3 =	vld [tilespmem:$0x1F870]  }
0x294: {  	v7 =	vld [tilespmem:$0x1FBB0];
	v4 =	vadd.f32 v24, v4;
	_ =	sdelay $0x1  }
0x295: {  	v4 =	vadd.f32 v20, v4  }
0x296: {  	v27 =	vmul.f32 v12, v16  }
0x297: {  	v3 =	vadd.f32 v3, v4  }
0x298: {  	v9 =	vmul.f32 v41, v14;
	v7 =	vadd.f32 v27, v7  }
0x299: {  	[tilespmem:$0x1FBA0] =	vst v3;
	v3 =	vld [tilespmem:$0x1F880]  }
0x29a: {  	v7 =	vadd.f32 v9, v7;
	_ =	sdelay $0x1  }
0x29b: {  	v7 =	vadd.f32 v21, v7;
	_ =	sdelay $0x1  }
0x29c: {  	v3 =	vadd.f32 v3, v7;
	_ =	sdelay $0x1  }
0x29d: {  	[tilespmem:$0x1FBB0] =	vst v3;
	v3 =	vld [tilespmem:$0x1F890];
	_ =	sdelay $0x1  }
0x29e: {  	[tilespmem:$0x1FB70] =	vst v18;
	v18 =	vmul.f32 v12, v44;
	_ =	sdelay $0x1  }
0x29f: {  	v19 =	vmul.f32 v41, v39;
	v18 =	vadd.f32 v18, v42  }
0x2a0: {  	v58 =	vadd.f32 v3, v5;
	v3 =	vld [tilespmem:$0x1F8A0]  }
0x2a1: {  	v8 =	vadd.f32 v19, v18;
	_ =	sdelay $0x1  }
0x2a2: {  	v8 =	vadd.f32 v10, v8;
	_ =	sdelay $0x1  }
0x2a3: {  	v52 =	vadd.f32 v3, v8;
	v3 =	vld [tilespmem:$0x1F8B0];
	_ =	sdelay $0x2  }
0x2a4: {  	v19 =	vmul.f32 v12, v34  }
0x2a5: {  	v22 =	vmov v29;
	v29 =	vmov v0;
	v0 =	vld [tilespmem:$0x1F8E0]  }
0x2a6: {  	v9 =	vmul.f32 v41, v32;
	v5 =	vadd.f32 v19, v3;
	v3 =	vld [tilespmem:$0x1F8C0];
	_ =	sdelay $0x1  }
0x2a7: {  	v5 =	vadd.f32 v9, v5  }
0x2a8: {  	v20 =	vmul.f32 v12, v35  }
0x2a9: {  	v5 =	vadd.f32 v0, v5;
	v0 =	vld [tilespmem:$0x1F8F0]  }
0x2aa: {  	v18 =	vmul.f32 v41, v33;
	v8 =	vadd.f32 v20, v3;
	_ =	sdelay $0x1  }
0x2ab: {  	v8 =	vadd.f32 v18, v8  }
0x2ac: {  	v10 =	vmul.f32 v12, v38  }
0x2ad: {  	v8 =	vadd.f32 v0, v8;
	v0 =	vld [tilespmem:$0x1F900]  }
0x2ae: {  	v4 =	vmul.f32 v12, v37;
	v12 =	vmul.f32 v41, v36;
	v19 =	vadd.f32 v10, v59;
	_ =	sdelay $0x1  }
0x2af: {  	v12 =	vadd.f32 v12, v19;
	_ =	sdelay $0x1  }
0x2b0: {  	v10 =	vadd.f32 v0, v12;
	v0 =	vld [tilespmem:$0x1F910]  }
0x2b1: {  	v4 =	vadd.f32 v4, v56;
	v20 =	vmul.f32 v41, v40;
	_ =	sdelay $0x1  }
0x2b2: {  	v4 =	vadd.f32 v20, v4;
	_ =	sdelay $0x1  }
0x2b3: {  	v4 =	vadd.f32 v0, v4;
	v0 =	vld [tilespmem:$0x1F920];
	_ =	sdelay $0x4  }
0x2b4: {  	v28 =	vmov v55;
	v55 =	vadd.f32 v0, v5;
	v0 =	vld [tilespmem:$0x1F930];
	_ =	sdelay $0x4  }
0x2b5: {  	v26 =	vmov v54;
	v54 =	vadd.f32 v0, v8;
	v0 =	vld [tilespmem:$0x1F940];
	_ =	sdelay $0x4  }
0x2b6: {  	v51 =	vadd.f32 v0, v10;
	v0 =	vld [tilespmem:$0x1F950];
	_ =	sdelay $0x2  }
0x2b7: {  	v7 =	vld [tilespmem:s26+$0x100];
	_ =	sdelay $0x1  }
0x2b8: {  	v41 =	vadd.f32 v0, v4;
	v0 =	vld [tilespmem:$0x1F970];
	_ =	sdelay $0x2  }
0x2b9: {  	v20 =	vmul.f32 v7, v16;
	_ =	sdelay $0x1  }
0x2ba: {  	v8 =	vadd.f32 v20, v0;
	v0 =	vld [tilespmem:$0x1F990]  }
0x2bb: {  	v21 =	vld [tilespmem:s25+$0x100];
	_ =	sdelay $0x1  }
0x2bc: {  	v5 =	vmul.f32 v7, v44  }
0x2bd: {  	v19 =	vmul.f32 v7, v15  }
0x2be: {  	v5 =	vadd.f32 v5, v0;
	v0 =	vld [tilespmem:$0x1F9A0]  }
0x2bf: {  	v9 =	vmul.f32 v21, v13;
	v4 =	vadd.f32 v19, v57;
	_ =	sdelay $0x1  }
0x2c0: {  	v4 =	vadd.f32 v9, v4;
	_ =	sdelay $0x1  }
0x2c1: {  	v3 =	vadd.f32 v0, v4;
	v0 =	vld [tilespmem:$0x1F9B0]  }
0x2c2: {  	v18 =	vmul.f32 v21, v14;
	_ =	sdelay $0x1  }
0x2c3: {  	v8 =	vadd.f32 v18, v8  }
0x2c4: {  	v24 =	vmov v11;
	v11 =	vmul.f32 v7, v17  }
0x2c5: {  	v4 =	vadd.f32 v0, v8;
	v0 =	vld [tilespmem:$0x1F9C0]  }
0x2c6: {  	v11 =	vadd.f32 v11, v6;
	v10 =	vmul.f32 v21, v43;
	_ =	sdelay $0x1  }
0x2c7: {  	v10 =	vadd.f32 v10, v11;
	_ =	sdelay $0x1  }
0x2c8: {  	v8 =	vadd.f32 v0, v10;
	v0 =	vld [tilespmem:$0x1F9D0]  }
0x2c9: {  	v12 =	vmul.f32 v21, v39;
	_ =	sdelay $0x1  }
0x2ca: {  	v5 =	vadd.f32 v12, v5;
	_ =	sdelay $0x1  }
0x2cb: {  	v5 =	vadd.f32 v0, v5;
	v0 =	vld [tilespmem:$0x1F9E0];
	_ =	sdelay $0x4  }
0x2cc: {  	v42 =	vadd.f32 v0, v3;
	v0 =	vld [tilespmem:$0x1F9F0];
	_ =	sdelay $0x4  }
0x2cd: {  	v48 =	vadd.f32 v0, v4;
	v0 =	vld [tilespmem:$0x1FA00];
	_ =	sdelay $0x4  }
0x2ce: {  	v59 =	vmov v50;
	v50 =	vadd.f32 v0, v8;
	v0 =	vld [tilespmem:$0x1FA10];
	_ =	sdelay $0x4  }
0x2cf: {  	v53 =	vadd.f32 v0, v5;
	v0 =	vld [tilespmem:$0x1FA20];
	_ =	sdelay $0x2  }
0x2d0: {  	v12 =	vmul.f32 v7, v34;
	_ =	sdelay $0x1  }
0x2d1: {  	v4 =	vadd.f32 v12, v0;
	v0 =	vld [tilespmem:$0x1FA30];
	_ =	sdelay $0x2  }
0x2d2: {  	v6 =	vmul.f32 v7, v35;
	_ =	sdelay $0x1  }
0x2d3: {  	v5 =	vadd.f32 v6, v0;
	v0 =	vld [tilespmem:$0x1FAA0]  }
0x2d4: {  	v18 =	vmul.f32 v21, v32;
	_ =	sdelay $0x1  }
0x2d5: {  	v4 =	vadd.f32 v18, v4;
	_ =	sdelay $0x1  }
0x2d6: {  	v4 =	vadd.f32 v0, v4;
	v0 =	vld [tilespmem:$0x1FAB0]  }
0x2d7: {  	v11 =	vmul.f32 v21, v33;
	v6 =	vld [tilespmem:$0x1FA40];
	_ =	sdelay $0x1  }
0x2d8: {  	v5 =	vadd.f32 v11, v5  }
0x2d9: {  	v19 =	vmul.f32 v7, v38;
	v9 =	vld [tilespmem:s25+$0x180]  }
0x2da: {  	v5 =	vadd.f32 v0, v5;
	v0 =	vld [tilespmem:$0x1FAD0]  }
0x2db: {  	v3 =	vmul.f32 v7, v37;
	v7 =	vmul.f32 v21, v36;
	v8 =	vadd.f32 v19, v6;
	v6 =	vld [tilespmem:$0x1FA60];
	_ =	sdelay $0x1  }
0x2dc: {  	v8 =	vadd.f32 v7, v8;
	_ =	sdelay $0x1  }
0x2dd: {  	v7 =	vmul.f32 v9, v14;
	v14 =	vadd.f32 v0, v8;
	v0 =	vld [tilespmem:$0x1FAE0]  }
0x2de: {  	v12 =	vmul.f32 v21, v40;
	v3 =	vadd.f32 v3, v6  }
0x2df: {  	v23 =	vmov v61;
	v61 =	vld [tilespmem:$0x1F860]  }
0x2e0: {  	v56 =	vld [tilespmem:$0x1F8D0];
	v3 =	vadd.f32 v12, v3  }
0x2e1: {  	v57 =	vld [tilespmem:$0x1F960]  }
0x2e2: {  	v3 =	vadd.f32 v0, v3;
	v0 =	vld [tilespmem:$0x1FB00]  }
0x2e3: {  	v10 =	vld [tilespmem:s26+$0x180]  }
0x2e4: {  	v20 =	vld [tilespmem:$0x1F980]  }
0x2e5: {  	v21 =	vld [tilespmem:$0x1FA70]  }
0x2e6: {  	v18 =	vld [tilespmem:$0x1FA80]  }
0x2e7: {  	p1 =	sne.s32 s24, $0xF;
	v46 =	vadd.f32 v0, v4;
	v0 =	vld [tilespmem:$0x1FB20]  }
.Ltmp3:
0x2e8: {  	v11 =	vmul.f32 v10, v15;
	v15 =	vld [tilespmem:$0x1FA90];
	(pc) =	sbr.rel @p1 .LBB2_5-.Ltmp3, $4  }
0x2e9: {  	v19 =	vld [tilespmem:$0x1FA50]  }
0x2ea: {  	v6 =	vmul.f32 v9, v13;
	v13 =	vmul.f32 v10, v17;
	v17 =	vld [tilespmem:$0x1FAF0]  }
0x2eb: {  	v12 =	vmul.f32 v10, v16;
	v16 =	vld [tilespmem:$0x1FAC0]  }
0x2ec: {  	s24 =	sadd.s32 $0x1, s24;
	v4 =	vld [tilespmem:$0x1FB10];
	v27 =	vadd.f32 v0, v5  }
0x2ed: {  	v3 =	vadd.f32 v61, v3;
	v5 =	vmul.f32 v10, v44  }
0x2ee: {  	v0 =	vadd.f32 v13, v21;
	v61 =	vadd.f32 v12, v19;
	v19 =	vmul.f32 v9, v43  }
0x2ef: {  	v8 =	vadd.f32 v60, v14;
	v5 =	vadd.f32 v5, v20;
	v20 =	vmul.f32 v9, v39  }
0x2f0: {  	v44 =	vmul.f32 v10, v35;
	v7 =	vadd.f32 v7, v61;
	v21 =	vadd.f32 v19, v0  }
0x2f1: {  	v35 =	vmul.f32 v49, v30;
	v4 =	vadd.f32 v11, v4;
	v5 =	vadd.f32 v20, v5  }
0x2f2: {  	v43 =	vmul.f32 v10, v34;
	v39 =	vadd.f32 v63, v7;
	v0 =	vadd.f32 v45, v21  }
0x2f3: {  	v45 =	vmul.f32 v10, v38;
	v4 =	vadd.f32 v6, v4;
	v5 =	vadd.f32 v1, v5  }
0x2f4: {  	v60 =	vld [tilespmem:$0x1FB30];
	v19 =	vmul.f32 v9, v36;
	v6 =	vadd.f32 v57, v39;
	v1 =	vadd.f32 v23, v0  }
0x2f5: {  	v57 =	vmul.f32 v10, v37;
	v23 =	vld [tilespmem:$0x1FFC0];
	v11 =	vadd.f32 v45, v16;
	v2 =	vadd.f32 v2, v4  }
0x2f6: {  	v20 =	vmul.f32 v9, v40;
	v39 =	vld [tilespmem:$0x1FB40];
	v0 =	vadd.f32 v24, v5;
	v4 =	vadd.f32 v44, v18  }
0x2f7: {  	v18 =	vmul.f32 v9, v33;
	v10 =	vadd.f32 v57, v15;
	v11 =	vadd.f32 v19, v11  }
0x2f8: {  	v34 =	vmul.f32 v49, v62;
	v7 =	vadd.f32 v25, v2;
	v2 =	vadd.f32 v43, v17  }
0x2f9: {  	v63 =	vmul.f32 v9, v32;
	v24 =	vld [tilespmem:$0x1FFD0];
	v4 =	vadd.f32 v18, v4;
	v9 =	vadd.f32 v20, v10  }
0x2fa: {  	v25 =	vld [tilespmem:$0x1FFE0];
	v10 =	vadd.f32 v34, v11;
	v61 =	vperm.xlane v60, v23;
	v21 =	vperm.xlane v59, v23  }
0x2fb: {  	v2 =	vadd.f32 v63, v2;
	v4 =	vadd.f32 v22, v4;
	v40 =	vperm.xlane v39, v23;
	v63 =	vld [tilespmem:$0x1FB70]  }
0x2fc: {  	v15 =	vmul.f32 v31, v28;
	v5 =	vadd.f32 v61, v60;
	v33 =	vadd.f32 v21, v59;
	v60 =	vld [tilespmem:$0x1FB60]  }
0x2fd: {  	v43 =	vmul.f32 v31, v26;
	v2 =	vadd.f32 v29, v2;
	v13 =	vadd.f32 v40, v39;
	v29 =	vld [tilespmem:$0x1FB80]  }
0x2fe: {  	v9 =	vadd.f32 v35, v9;
	v4 =	vadd.f32 v56, v4;
	v32 =	vperm.xlane v5, v24  }
0x2ff: {  	v36 =	vperm.xlane v33, v24;
	v2 =	vadd.f32 v47, v2;
	v47 =	vld [tilespmem:$0x1FB50];
	v57 =	vperm.xlane v13, v24  }
0x300: {  	v9 =	vadd.f32 v15, v9;
	v28 =	vperm.xlane v63, v23;
	v5 =	vadd.f32 v32, v5  }
0x301: {  	v38 =	vadd.f32 v36, v33;
	v12 =	vadd.f32 v57, v13;
	v61 =	vperm.xlane v60, v23  }
0x302: {  	v26 =	vld [tilespmem:$0x1FFF0];
	v30 =	vperm.xlane v29, v23;
	v13 =	vadd.f32 v28, v63;
	v37 =	vperm.xlane v5, v25  }
0x303: {  	v28 =	vld [tilespmem:$0x1FBB0];
	v44 =	vperm.xlane v38, v25;
	v31 =	vperm.xlane v12, v25;
	v16 =	vadd.f32 v61, v60  }
0x304: {  	v49 =	vperm.xlane v47, v23;
	v19 =	vadd.f32 v30, v29;
	v11 =	vadd.f32 v37, v5  }
0x305: {  	v34 =	vperm.xlane v13, v24;
	v5 =	vadd.f32 v43, v10;
	v56 =	vadd.f32 v44, v38  }
0x306: {  	v60 =	vld [tilespmem:$0x1FBA0];
	v33 =	vadd.f32 v31, v12;
	v32 =	vperm.xlane v16, v24;
	v36 =	vperm.xlane v19, v24  }
0x307: {  	v38 =	vld [tilespmem:$0x1FB90];
	v59 =	vadd.f32 v49, v47;
	v45 =	vperm.xlane v11, v26;
	v62 =	vperm.xlane v56, v26  }
0x308: {  	v12 =	vadd.f32 v34, v13;
	v37 =	vperm.xlane v33, v26;
	v29 =	vperm.xlane v28, v23  }
0x309: {  	v18 =	vperm.xlane v59, v24;
	v16 =	vadd.f32 v32, v16;
	v40 =	vadd.f32 v36, v19  }
0x30a: {  	v44 =	vperm.xlane v12, v25;
	v11 =	vadd.f32 v45, v11;
	v10 =	vadd.f32 v62, v56  }
0x30b: {  	v61 =	vperm.xlane v60, v23;
	v32 =	vadd.f32 v29, v28;
	v29 =	vperm.xlane v50, v23  }
0x30c: {  	v14 =	vadd.f32 v18, v59;
	v39 =	vperm.xlane v38, v23;
	v43 =	vperm.xlane v16, v25  }
0x30d: {  	v47 =	vperm.xlane v40, v25;
	v49 =	vadd.f32 v44, v12;
	v10 =	vsel vm0, v11, v10  }
0x30e: {  	v11 =	vadd.f32 v37, v33;
	v33 =	vperm.xlane v58, v23;
	v36 =	vperm.xlane v32, v24  }
0x30f: {  	v37 =	vperm.xlane v55, v23;
	v35 =	vperm.xlane v14, v25;
	v13 =	vadd.f32 v39, v38  }
0x310: {  	v16 =	vadd.f32 v43, v16;
	v17 =	vadd.f32 v47, v40;
	v59 =	vperm.xlane v49, v26  }
0x311: {  	v43 =	vperm.xlane v54, v23;
	v10 =	vsel vm1, v10, v11;
	v19 =	vadd.f32 v37, v55  }
0x312: {  	v14 =	vadd.f32 v35, v14;
	v56 =	vperm.xlane v13, v24;
	v57 =	vperm.xlane v16, v26  }
0x313: {  	v63 =	vperm.xlane v17, v26;
	v11 =	vadd.f32 v59, v49;
	v20 =	vadd.f32 v43, v54  }
0x314: {  	v35 =	vperm.xlane v52, v23;
	v12 =	vadd.f32 v56, v13;
	v62 =	vadd.f32 v57, v16  }
0x315: {  	v45 =	vperm.xlane v14, v26;
	v13 =	vadd.f32 v61, v60;
	v22 =	vadd.f32 v63, v17  }
0x316: {  	v16 =	vadd.f32 v33, v58;
	v54 =	vperm.xlane v20, v24;
	v17 =	vperm.xlane v51, v23  }
0x317: {  	v14 =	vadd.f32 v45, v14;
	v21 =	vperm.xlane v12, v25;
	v31 =	vperm.xlane v13, v24  }
0x318: {  	v39 =	vperm.xlane v16, v24;
	v45 =	vperm.xlane v19, v24;
	v58 =	vadd.f32 v54, v20  }
0x319: {  	v54 =	vperm.xlane v8, v23;
	v30 =	vadd.f32 v21, v12;
	v12 =	vadd.f32 v31, v13  }
0x31a: {  	v10 =	vsel vm2, v10, v14;
	v13 =	vadd.f32 v35, v52;
	v14 =	vadd.f32 v36, v32  }
0x31b: {  	v16 =	vadd.f32 v39, v16;
	v18 =	vadd.f32 v45, v19;
	v19 =	vperm.xlane v58, v25  }
0x31c: {  	v21 =	vperm.xlane v42, v23;
	v31 =	vperm.xlane v41, v23;
	v8 =	vadd.f32 v54, v8  }
0x31d: {  	v10 =	vsel vm3, v10, v62;
	v34 =	vperm.xlane v30, v26;
	v38 =	vperm.xlane v12, v25  }
0x31e: {  	v10 =	vsel vm4, v10, v11;
	v40 =	vperm.xlane v13, v24;
	v44 =	vperm.xlane v14, v25  }
0x31f: {  	v49 =	vperm.xlane v16, v25;
	v56 =	vperm.xlane v18, v25;
	v63 =	vadd.f32 v19, v58  }
0x320: {  	v10 =	vsel vm5, v10, v22;
	v12 =	vadd.f32 v38, v12;
	v13 =	vadd.f32 v40, v13  }
0x321: {  	v22 =	vperm.xlane v48, v23;
	v14 =	vadd.f32 v44, v14;
	v16 =	vadd.f32 v49, v16  }
0x322: {  	v18 =	vadd.f32 v56, v18;
	v20 =	vperm.xlane v63, v26;
	v56 =	vperm.xlane v3, v23  }
0x323: {  	v11 =	vadd.f32 v34, v30;
	v47 =	vperm.xlane v12, v26;
	v52 =	vperm.xlane v13, v25  }
0x324: {  	v15 =	vadd.f32 v22, v48;
	v55 =	vperm.xlane v14, v26;
	v59 =	vperm.xlane v16, v26  }
0x325: {  	v62 =	vperm.xlane v18, v26;
	v3 =	vadd.f32 v56, v3;
	v12 =	vadd.f32 v47, v12  }
0x326: {  	v30 =	vperm.xlane v53, v23;
	v57 =	vadd.f32 v52, v13;
	v14 =	vadd.f32 v55, v14  }
0x327: {  	v10 =	vsel vm6, v10, v11;
	v61 =	vadd.f32 v59, v16;
	v19 =	vadd.f32 v62, v18  }
0x328: {  	v33 =	vperm.xlane v15, v24;
	v13 =	vadd.f32 v17, v51;
	v16 =	vadd.f32 v29, v50  }
0x329: {  	v17 =	vadd.f32 v30, v53;
	v47 =	vperm.xlane v46, v23;
	v52 =	vperm.xlane v27, v23  }
0x32a: {  	v59 =	vperm.xlane v6, v23;
	v62 =	vperm.xlane v3, v24;
	v15 =	vadd.f32 v33, v15  }
0x32b: {  	v10 =	vsel vm7, v10, v12;
	v60 =	vperm.xlane v57, v26;
	v28 =	vperm.xlane v13, v24  }
0x32c: {  	v35 =	vperm.xlane v16, v24;
	v50 =	vadd.f32 v47, v46;
	v55 =	vadd.f32 v52, v27  }
0x32d: {  	v36 =	vperm.xlane v17, v24;
	v6 =	vadd.f32 v59, v6;
	v3 =	vadd.f32 v62, v3  }
0x32e: {  	v10 =	vsel vm8, v10, v14;
	v14 =	vadd.f32 v21, v42;
	v39 =	vperm.xlane v15, v25  }
0x32f: {  	v11 =	vadd.f32 v60, v57;
	v10 =	vsel vm9, v10, v61;
	v12 =	vadd.f32 v28, v13  }
0x330: {  	v13 =	vadd.f32 v31, v41;
	v53 =	vperm.xlane v50, v24;
	v57 =	vperm.xlane v7, v23  }
0x331: {  	v16 =	vadd.f32 v35, v16;
	v58 =	vperm.xlane v55, v24;
	v61 =	vperm.xlane v8, v24  }
0x332: {  	v17 =	vadd.f32 v36, v17;
	v22 =	vperm.xlane v6, v24;
	v28 =	vperm.xlane v3, v25  }
0x333: {  	v35 =	vperm.xlane v1, v23;
	v32 =	vperm.xlane v14, v24;
	v15 =	vadd.f32 v39, v15  }
0x334: {  	v39 =	vperm.xlane v2, v23;
	v10 =	vsel vm10, v10, v11;
	v11 =	vadd.f32 v20, v63  }
0x335: {  	v34 =	vperm.xlane v12, v25;
	v37 =	vperm.xlane v13, v24;
	v14 =	vadd.f32 v32, v14  }
0x336: {  	v41 =	vperm.xlane v16, v25;
	v7 =	vadd.f32 v57, v7;
	v8 =	vadd.f32 v61, v8  }
0x337: {  	v6 =	vadd.f32 v22, v6;
	v3 =	vadd.f32 v28, v3;
	v38 =	vperm.xlane v14, v25  }
0x338: {  	v42 =	vperm.xlane v17, v25;
	v1 =	vadd.f32 v35, v1;
	v2 =	vadd.f32 v39, v2  }
0x339: {  	v10 =	vsel vm11, v10, v19;
	v12 =	vadd.f32 v34, v12;
	v14 =	vadd.f32 v38, v14  }
0x33a: {  	v21 =	vperm.xlane v15, v26;
	v13 =	vadd.f32 v37, v13;
	v16 =	vadd.f32 v41, v16  }
0x33b: {  	v17 =	vadd.f32 v42, v17;
	v63 =	vperm.xlane v7, v24;
	v44 =	vperm.xlane v14, v26  }
0x33c: {  	v10 =	vsel vm12, v10, v11;
	v27 =	vperm.xlane v8, v25;
	v45 =	vperm.xlane v16, v26  }
0x33d: {  	v31 =	vperm.xlane v6, v25;
	v15 =	vadd.f32 v21, v15;
	v14 =	vadd.f32 v44, v14  }
0x33e: {  	v33 =	vperm.xlane v3, v26;
	v37 =	vperm.xlane v0, v23;
	v49 =	vadd.f32 v45, v16  }
0x33f: {  	v41 =	vperm.xlane v5, v23;
	v42 =	vperm.xlane v9, v23;
	v14 =	vsel vm0, v14, v15  }
0x340: {  	v40 =	vperm.xlane v12, v26;
	v11 =	vsel vm1, v14, v49;
	v14 =	vadd.f32 v53, v50  }
0x341: {  	v43 =	vperm.xlane v13, v25;
	v7 =	vadd.f32 v63, v7;
	v15 =	vadd.f32 v58, v55  }
0x342: {  	v8 =	vadd.f32 v27, v8;
	v6 =	vadd.f32 v31, v6;
	v60 =	vperm.xlane v14, v25  }
0x343: {  	v3 =	vadd.f32 v33, v3;
	v0 =	vadd.f32 v37, v0;
	v21 =	vperm.xlane v15, v25  }
0x344: {  	v48 =	vperm.xlane v17, v26;
	v5 =	vadd.f32 v41, v5;
	v14 =	vadd.f32 v60, v14  }
0x345: {  	v38 =	vperm.xlane v1, v24;
	v12 =	vadd.f32 v40, v12;
	v15 =	vadd.f32 v21, v15  }
0x346: {  	v13 =	vadd.f32 v43, v13;
	v29 =	vperm.xlane v7, v25;
	v19 =	vperm.xlane v14, v26  }
0x347: {  	v51 =	vadd.f32 v48, v17;
	v32 =	vperm.xlane v8, v26;
	v30 =	vperm.xlane v15, v26  }
0x348: {  	v36 =	vperm.xlane v6, v26;
	v7 =	vadd.f32 v29, v7;
	v14 =	vadd.f32 v19, v14  }
0x349: {  	v40 =	vperm.xlane v4, v23;
	v11 =	vsel vm2, v11, v51;
	v15 =	vadd.f32 v30, v15  }
0x34a: {  	v8 =	vadd.f32 v32, v8;
	v34 =	vperm.xlane v7, v26;
	v11 =	vsel vm3, v11, v14  }
0x34b: {  	v46 =	vperm.xlane v5, v24;
	v1 =	vadd.f32 v38, v1;
	v11 =	vsel vm4, v11, v15  }
0x34c: {  	v4 =	vadd.f32 v40, v4;
	v7 =	vadd.f32 v34, v7;
	v8 =	vsel vm5, v11, v8  }
0x34d: {  	v6 =	vadd.f32 v36, v6;
	v3 =	vsel vm6, v8, v3;
	v8 =	vperm.xlane v0, v24  }
0x34e: {  	v44 =	vperm.xlane v2, v24;
	v45 =	vperm.xlane v4, v24;
	v3 =	vsel vm7, v3, v7  }
0x34f: {  	v3 =	vsel vm8, v3, v6;
	v0 =	vadd.f32 v8, v0;
	v6 =	vadd.f32 v42, v9  }
0x350: {  	v5 =	vadd.f32 v46, v5;
	v43 =	vperm.xlane v1, v25;
	v2 =	vadd.f32 v44, v2  }
0x351: {  	v4 =	vadd.f32 v45, v4;
	v47 =	vperm.xlane v0, v25;
	v48 =	vperm.xlane v6, v24  }
0x352: {  	v56 =	vperm.xlane v13, v26;
	v1 =	vadd.f32 v43, v1;
	v49 =	vperm.xlane v2, v25  }
0x353: {  	v50 =	vperm.xlane v4, v25;
	v0 =	vadd.f32 v47, v0;
	v6 =	vadd.f32 v48, v6  }
0x354: {  	v51 =	vperm.xlane v5, v25;
	v2 =	vadd.f32 v49, v2;
	v11 =	vperm.xlane v1, v26  }
0x355: {  	v4 =	vadd.f32 v50, v4;
	v9 =	vperm.xlane v0, v26;
	v52 =	vperm.xlane v6, v25  }
0x356: {  	v53 =	vadd.f32 v51, v5;
	v54 =	vperm.xlane v2, v26;
	v1 =	vadd.f32 v11, v1  }
0x357: {  	v55 =	vperm.xlane v4, v26;
	v0 =	vadd.f32 v9, v0;
	v6 =	vadd.f32 v52, v6  }
0x358: {  	v57 =	vperm.xlane v53, v26;
	v2 =	vadd.f32 v54, v2;
	v1 =	vsel vm9, v3, v1  }
0x359: {  	v58 =	vadd.f32 v55, v4;
	v0 =	vsel vm10, v1, v0;
	v59 =	vperm.xlane v6, v26  }
.Ltmp4:
0x35a: {  	v60 =	vadd.f32 v56, v13;
	v61 =	vadd.f32 v57, v53;
	v0 =	vsel vm11, v0, v2;
	(pc) =	sbr.rel @p0 .LBB2_8-.Ltmp4, $4  }
0x35b: {  	v62 =	vsel vm13, v10, v12;
	v0 =	vsel vm12, v0, v58;
	v63 =	vadd.f32 v59, v6  }
0x35c: {  	v3 =	vsel vm14, v62, v60;
	v0 =	vsel vm13, v0, v61  }
0x35d: {  	[tilespmem:s22+$0x4020] =	vst v3;
	v0 =	vsel vm14, v0, v63  }
0x35e: {  	[tilespmem:s22+$0x4030] =	vst v0  }
.Ltmp5:
0x35f: {  	s3 =	sshll.u32 s21, $0xD;
	(pc) =	sbr.rel .LBB2_2-.Ltmp5, $4  }
0x360: {  	s3 =	sadd.s32 s11, s3  }
0x361: {  	s3 =	sshrl.u32 s3, $0x3  }
0x362: {  	s21 =	sadd.s32 $0x1, s21;
	s3 =	sadd.s32 s3, s6  }
0x363: {  	[tilespmem:s16], [sflag:$0x2] =	stream.strided.gather [hbm4b:s3+s14], $0x1000, s15, s14, $0x38;
	[tilespmem:$0x4800] =	vst v63  }
.LBB2_9:
0x364: {  	_ =	sfence.sel $0x180000  }
0x365: {  	[bflag:$0x0] =	sbarrier.arrive $0xFFFF  }
0x366: {  	_ =	strace $0x90000047  }
0x367: {  	[bflag:$0x2] =	sbarrier.arrive $0xFFFF  }
0x368: {  	p0 =	sne.s32 s0, $0x0;
	s0 =	rddreg [dreg:$0x3]  }
0x369: {  	s0 =	sadd.s32 @!p0 $0x100000, s0  }
0x36a: {  	[sflag:s0] =	ssyncadd.tile.s32 @!p0 $0x1;
	_ =	shalt  }
.Lfunc_end2:
_tile_overlayer_lowered:
.L_overlay_start_2:
0x36b: {  	(tag) =	ssettag $0x2  }
0x36c: {  	s0 =	rddreg [dreg:$0x0];
	s2 =	stileid.u32  }
0x36d: {  	s1 =	rddreg [dreg:$0x1];
	p0 =	sne.s32 s2, $0x0  }
0x36e: {  	s3 =	rddreg [dreg:$0x2];
	[bflag:$0x3] =	sbarrier.arrive $0xFFFF;
	s2 =	simm.s32 @!p0 $0x1C03  }
0x36f: {  	[timem:s3], [sflag:s2] =	dma.local @!p0 [hbm:s0], s1  }
0x370: {  	s0 =	simm.s32 @!p0 $0x3  }
0x371: {  	_ =	swait.ge @!p0 [sflag:s0], s1  }
0x372: {  	s1 =	ssub.s32 @!p0 $0x0, s1;
	[sflag:s0] =	ssyncset.done @!p0 $0x0  }
0x373: {  	[sflag:s0] =	ssyncadd.s32 @!p0 s1  }
0x374: {  	[bflag:$0x3] =	sbarrier.arrive $0xFFFF  }
0x375: {  	_ =	shalt  }

</sc_bundles>
